<compile_context>
chip_gen: v7x
topology: tpu7x:2x2x1
jax: 0.10.2.dev20260603
libtpu: 0.0.44.dev20260713+nightly
codegen_flags: <defaults>
</compile_context>

<pallas_src>
import functools

import jax
import jax.numpy as jnp
from jax import lax
from jax.experimental import pallas as pl
from jax.experimental.pallas import tpu as pltpu
from jax.experimental.pallas import tpu_sc as plsc

N = 10000
E = 320000
D = 128
DOUT = 40
D2 = 64
NPAD = 10240
NC = 2
NS = 16
CHUNK = 80
ROWS_PER_TILE = NPAD // NS

_MESH = dict(core_axis_name="c", subcore_axis_name="s")


def _sc_degrees(edges64):
    nblk = E // (NC * NS * CHUNK)

    @functools.partial(
        pl.kernel,
        out_type=jax.ShapeDtypeStruct((NC * NPAD,), jnp.float32),
        mesh=plsc.VectorSubcoreMesh(**_MESH),
        scratch_types=[
            pltpu.VMEM((2, nblk, CHUNK), jnp.int32),
            pltpu.VMEM((CHUNK,), jnp.float32),
            pltpu.VMEM((ROWS_PER_TILE,), jnp.float32),
            pltpu.SemaphoreType.DMA,
            pltpu.VMEM_SHARED((NPAD,), jnp.float32),
        ],
    )
    def deg_kernel(edges_hbm, out_hbm, idx_all, ones_v, zero_v, ssem, deg_s):
        c = lax.axis_index("c")
        s = lax.axis_index("s")
        w = c * NS + s

        def fill_zero(i, carry):
            zero_v[pl.ds(i * 16, 16)] = jnp.zeros((16,), jnp.float32)
            return carry

        lax.fori_loop(0, ROWS_PER_TILE // 16, fill_zero, 0)

        def fill_one(i, carry):
            ones_v[pl.ds(i * 16, 16)] = jnp.ones((16,), jnp.float32)
            return carry

        lax.fori_loop(0, CHUNK // 16, fill_one, 0)

        pltpu.sync_copy(edges_hbm.at[2 * w], idx_all.at[0])
        pltpu.sync_copy(edges_hbm.at[2 * w + 1], idx_all.at[1])
        pltpu.sync_copy(zero_v, deg_s.at[pl.ds(s * ROWS_PER_TILE, ROWS_PER_TILE)])
        plsc.subcore_barrier()

        for h in range(2):
            def step(j, carry):
                pltpu.async_copy(ones_v, deg_s.at[idx_all.at[h, j]], ssem, add=True)
                return carry

            lax.fori_loop(0, nblk, step, 0)

        def drain(j, carry):
            pltpu.make_async_copy(ones_v, deg_s.at[idx_all.at[0, 0]], ssem).wait()
            return carry

        lax.fori_loop(0, 2 * nblk, drain, 0)
        plsc.subcore_barrier()
        pltpu.sync_copy(
            deg_s.at[pl.ds(s * ROWS_PER_TILE, ROWS_PER_TILE)],
            out_hbm.at[pl.ds(c * NPAD + s * ROWS_PER_TILE, ROWS_PER_TILE)],
        )

    return deg_kernel(edges64)


def _sc_scatter(edges64, feat, dfeat):
    e_per_core = E // NC
    ept = e_per_core // NS
    csz = CHUNK
    NB = 3 if dfeat > 64 else 4
    nchunk = ept // csz
    NI = NB + 2
    ZR = 16

    @functools.partial(
        pl.kernel,
        out_type=jax.ShapeDtypeStruct((NC * NPAD, dfeat), jnp.float32),
        mesh=plsc.VectorSubcoreMesh(**_MESH),
        compiler_params=pltpu.CompilerParams(
            use_tc_tiling_on_sc=(dfeat % 128 == 0)
        ),
        scratch_types=[
            pltpu.VMEM((NI, csz), jnp.int32),
            pltpu.VMEM((NI, csz), jnp.int32),
            pltpu.VMEM((NB, csz, dfeat), jnp.float32),
            pltpu.VMEM((ZR, dfeat), jnp.float32),
            pltpu.SemaphoreType.DMA,
            pltpu.SemaphoreType.DMA,
            pltpu.SemaphoreType.DMA,
            pltpu.VMEM_SHARED((NPAD, dfeat), jnp.float32),
        ],
    )
    def scat_kernel(edges_hbm, feat_hbm, out_hbm, sidx, didx,
                    rows, zrows, isem, gsem, ssem, agg_s):
        c = lax.axis_index("c")
        s = lax.axis_index("s")
        wid = c * NS + s
        vpr = dfeat // 16

        def fill_zero(k, carry):
            zrows[k // vpr, pl.ds((k % vpr) * 16, 16)] = jnp.zeros((16,), jnp.float32)
            return carry

        lax.fori_loop(0, ZR * vpr, fill_zero, 0)

        def zero_chunk(k, carry):
            pltpu.sync_copy(
                zrows, agg_s.at[pl.ds(s * ROWS_PER_TILE + k * ZR, ZR)]
            )
            return carry

        lax.fori_loop(0, ROWS_PER_TILE // ZR, zero_chunk, 0)
        plsc.subcore_barrier()

        def load_idx(j, slot):
            pltpu.async_copy(edges_hbm.at[wid, j], sidx.at[slot], isem)
            pltpu.async_copy(edges_hbm.at[NC * NS + wid, j], didx.at[slot], isem)

        def wait_idx():
            pltpu.make_async_copy(edges_hbm.at[0, 0], sidx.at[0], isem).wait()
            pltpu.make_async_copy(edges_hbm.at[0, 0], didx.at[0], isem).wait()

        def gath(b, slot):
            pltpu.async_copy(feat_hbm.at[sidx.at[slot]], rows.at[b], gsem)

        def wait_gath():
            pltpu.make_async_copy(
                feat_hbm.at[sidx.at[0]], rows.at[0], gsem
            ).wait()

        def scat(b, slot):
            pltpu.async_copy(rows.at[b], agg_s.at[didx.at[slot]], ssem, add=True)

        def wait_scat():
            pltpu.make_async_copy(
                rows.at[0], agg_s.at[didx.at[0]], ssem
            ).wait()

        n = nchunk
        for j in range(NI):
            load_idx(j, j)
        for j in range(NB - 1):
            wait_idx()
            gath(j, j)
        wait_gath()
        scat(0, 0)
        wait_idx()
        gath((NB - 1) % NB, (NB - 1) % NI)
        wait_gath()
        scat(1 % NB, 1 % NI)

        def step(k, carry):
            wait_scat()
            load_idx(k + NI - 2, lax.rem(k + NI - 2, NI))
            wait_idx()
            gath(lax.rem(k + NB - 2, NB), lax.rem(k + NB - 2, NI))
            wait_gath()
            scat(lax.rem(k, NB), lax.rem(k, NI))
            return carry

        lax.fori_loop(2, n - NI + 2, step, 0)

        for k in range(n - NI + 2, n - NB + 2):
            wait_scat()
            wait_idx()
            gath((k + NB - 2) % NB, (k + NB - 2) % NI)
            wait_gath()
            scat(k % NB, k % NI)
        for k in range(n - NB + 2, n):
            wait_scat()
            wait_gath()
            scat(k % NB, k % NI)
        wait_scat()
        wait_scat()

        plsc.subcore_barrier()
        pltpu.sync_copy(
            agg_s.at[pl.ds(s * ROWS_PER_TILE, ROWS_PER_TILE)],
            out_hbm.at[pl.ds(c * NPAD + s * ROWS_PER_TILE, ROWS_PER_TILE)],
        )

    return scat_kernel(edges64, feat)


_TCR = 2000


def _norm_body(x_ref, do_ref, di_ref, xs_ref, ns_ref, nd_ref):
    ns = lax.rsqrt(do_ref[...] + 1.0)
    nd = lax.rsqrt(di_ref[...] + 1.0)
    xs_ref[...] = x_ref[...] * ns
    ns_ref[...] = ns
    nd_ref[...] = nd


def _tc_norm(x, do_col, di_col):
    row = lambda i: (i, 0)
    return pl.pallas_call(
        _norm_body,
        grid=(N // _TCR,),
        in_specs=[
            pl.BlockSpec((_TCR, D), row),
            pl.BlockSpec((_TCR, 1), row),
            pl.BlockSpec((_TCR, 1), row),
        ],
        out_specs=[
            pl.BlockSpec((_TCR, D), row),
            pl.BlockSpec((_TCR, 1), row),
            pl.BlockSpec((_TCR, 1), row),
        ],
        out_shape=[
            jax.ShapeDtypeStruct((N, D), jnp.float32),
            jax.ShapeDtypeStruct((N, 1), jnp.float32),
            jax.ShapeDtypeStruct((N, 1), jnp.float32),
        ],
    )(x, do_col, di_col)


def _mm_body(a0_ref, a1_ref, xs_ref, nd_ref, ns_ref, w1_ref, b1_ref, w2_ref, g2_ref):
    a = (a0_ref[...] + a1_ref[...] + xs_ref[...]) * nd_ref[...]
    h1 = (
        jnp.dot(a, w1_ref[...], preferred_element_type=jnp.float32,
                precision=lax.Precision.HIGHEST)
        + b1_ref[...]
    )
    g2_ref[...] = jnp.dot(
        h1 * ns_ref[...], w2_ref[...], preferred_element_type=jnp.float32,
        precision=lax.Precision.HIGHEST,
    )


def _tc_matmuls(a0, a1, xs, nd_col, ns_col, W1, b1r, W2p):
    row = lambda i: (i, 0)
    full = lambda i: (0, 0)
    return pl.pallas_call(
        _mm_body,
        grid=(N // _TCR,),
        in_specs=[
            pl.BlockSpec((_TCR, D), row),
            pl.BlockSpec((_TCR, D), row),
            pl.BlockSpec((_TCR, D), row),
            pl.BlockSpec((_TCR, 1), row),
            pl.BlockSpec((_TCR, 1), row),
            pl.BlockSpec((D, D), full),
            pl.BlockSpec((1, D), full),
            pl.BlockSpec((D, D2), full),
        ],
        out_specs=pl.BlockSpec((_TCR, D2), row),
        out_shape=jax.ShapeDtypeStruct((N, D2), jnp.float32),
    )(a0, a1, xs, nd_col, ns_col, W1, b1r, W2p)


def _final_body(a0_ref, a1_ref, g2_ref, nd_ref, b2_ref, out_ref):
    out_ref[...] = (
        (a0_ref[...] + a1_ref[...] + g2_ref[...]) * nd_ref[...] + b2_ref[...]
    )


_TCP = 1000


def _tc_final(a0p, a1p, g2p, ndp, b2p):
    row = lambda i: (i, 0)
    full = lambda i: (0, 0)
    return pl.pallas_call(
        _final_body,
        grid=(N // 2 // _TCP,),
        in_specs=[
            pl.BlockSpec((_TCP, 2 * D2), row),
            pl.BlockSpec((_TCP, 2 * D2), row),
            pl.BlockSpec((_TCP, 2 * D2), row),
            pl.BlockSpec((_TCP, 2 * D2), row),
            pl.BlockSpec((1, 2 * D2), full),
        ],
        out_specs=pl.BlockSpec((_TCP, 2 * D2), row),
        out_shape=jax.ShapeDtypeStruct((N // 2, 2 * D2), jnp.float32),
    )(a0p, a1p, g2p, ndp, b2p)


def kernel(x, edge_index, W1, b1, W2, b2):
    nblk = E // (NC * NS * CHUNK)
    edges64 = edge_index.reshape(2 * NC * NS, nblk, CHUNK)

    deg = _sc_degrees(edges64)
    do_col = deg[:N, None]
    di_col = deg[NPAD:NPAD + N, None]

    xs, ns_col, nd_col = _tc_norm(x, do_col, di_col)

    agg = _sc_scatter(edges64, xs, D)
    g2 = _tc_matmuls(
        agg[:N], agg[NPAD:NPAD + N], xs, nd_col, ns_col,
        W1, b1[None, :], jnp.pad(W2, ((0, 0), (0, D2 - DOUT))),
    )

    agg2 = _sc_scatter(edges64, g2, D2)
    a2p = agg2.reshape(NC, NPAD // 2, 2 * D2)
    g2p = g2.reshape(N // 2, 2 * D2)
    ndp = jnp.broadcast_to(
        nd_col.reshape(N // 2, 2, 1), (N // 2, 2, D2)
    ).reshape(N // 2, 2 * D2)
    b2p = jnp.tile(jnp.pad(b2, (0, D2 - DOUT)), 2)[None, :]
    outp = _tc_final(a2p[0, : N // 2], a2p[1, : N // 2], g2p, ndp, b2p)
    return outp.reshape(N, D2)[:, :DOUT]

# --- scband reference (transcript-rebuilt; emitter-appended) ---
"""Pipeline reference for scband-multi-gnn-13572096656213 (READ-ONLY COPY).

The authoritative reference and input builder live on the scoring server;
editing this copy changes nothing except your own understanding.
"""

import jax, jax.numpy as jnp
import numpy as np

N = 10000
E = 320000
D_IN = 128
D_HID = 128
D_OUT = 40


def setup_inputs(seed: int = 0) -> dict:
    key = jax.random.key(seed)
    k1, k2, k3, k4, k5, k6 = jax.random.split(key, 6)
    x = jax.random.normal(k1, (N, D_IN), dtype=jnp.float32)
    edge_index = jax.random.randint(k2, (2, E), 0, N, dtype=jnp.int32)
    # GraphConv layer 1: in_dim=128 -> hid_dim=128 ; layer 2: hid_dim=128 -> out_dim=40
    W1 = jax.random.normal(k3, (D_IN, D_HID), dtype=jnp.float32) * (1.0 / np.sqrt(D_IN))
    b1 = jnp.zeros((D_HID,), dtype=jnp.float32)
    W2 = jax.random.normal(k4, (D_HID, D_OUT), dtype=jnp.float32) * (1.0 / np.sqrt(D_HID))
    b2 = jnp.zeros((D_OUT,), dtype=jnp.float32)
    return {"x": x, "edge_index": edge_index, "W1": W1, "b1": b1, "W2": W2, "b2": b2}


def reference(x, edge_index, W1, b1, W2, b2):
    # MultiGNN with conv=GraphConv: self_loop=True -> dgl.add_self_loop(g)
    n = x.shape[0]
    loops = jnp.arange(n, dtype=edge_index.dtype)
    src = jnp.concatenate([edge_index[0], loops])
    dst = jnp.concatenate([edge_index[1], loops])
    # DGL GraphConv norm='both': h * out_deg^-1/2 -> scatter-add to dst -> * in_deg^-1/2 -> W, b
    deg_out = jnp.zeros((n,), jnp.float32).at[src].add(1.0)
    deg_in = jnp.zeros((n,), jnp.float32).at[dst].add(1.0)
    norm_src = jnp.where(deg_out > 0, jax.lax.rsqrt(jnp.maximum(deg_out, 1e-12)), 0.0)
    norm_dst = jnp.where(deg_in > 0, jax.lax.rsqrt(jnp.maximum(deg_in, 1e-12)), 0.0)

    def gcn_layer(h, W, b):
        h = h * norm_src[:, None]
        msgs = jnp.take(h, src, axis=0)
        agg = jnp.zeros((n, h.shape[1]), h.dtype).at[dst].add(msgs)
        agg = agg * norm_dst[:, None]
        return agg @ W + b

    h = gcn_layer(x, W1, b1)  # no activation in MultiGNN between convs (conv_arg={})
    h = gcn_layer(h, W2, b2)
    return h

if __name__ == "__main__":
    import jax
    _d = setup_inputs()
    print(jax.jit(kernel)(*tuple(_d.values())))

</pallas_src>

<mosaic_0001>
#map = affine_map<(d0, d1) -> (0, 0, 0)>
#map1 = affine_map<(d0, d1) -> (0, 0)>
module attributes {stable_mosaic.version = 14 : i64} {
  func.func @scat_kernel(%arg0: i32, %arg1: i32, %arg2: memref<64x125x80xi32, #tpu.memory_space<hbm>>, %arg3: memref<10000x128xf32, #tpu.memory_space<hbm>>, %arg4: memref<20480x128xf32, #tpu.memory_space<hbm>>, %arg5: memref<5x80xi32, #tpu.memory_space<vmem>>, %arg6: memref<5x80xi32, #tpu.memory_space<vmem>>, %arg7: memref<3x80x128xf32, #tpu.memory_space<vmem>>, %arg8: memref<16x128xf32, #tpu.memory_space<vmem>>, %arg9: memref<!tpu.dma_semaphore, #tpu.memory_space<semaphore_mem>>, %arg10: memref<!tpu.dma_semaphore, #tpu.memory_space<semaphore_mem>>, %arg11: memref<!tpu.dma_semaphore, #tpu.memory_space<semaphore_mem>>, %arg12: memref<10240x128xf32, #tpu.memory_space<vmem_shared>>) attributes {dimension_semantics = [#tpu.dimension_semantics<core_parallel>, #tpu.dimension_semantics<subcore_parallel>], iteration_bounds = array<i64: 2, 16>, scalar_prefetch = 0 : i64, scratch_operands = 8 : i64, tpu.core_type = #tpu.core_type<sc_vector_subcore>, window_params = [{transform_indices = #map}, {transform_indices = #map1}, {transform_indices = #map1}]} {
    %mul3A = arith.constant 16 : i32
    %mul3A_0 = arith.muli %arg0, %mul3A : i32
    %add3A = arith.addi %mul3A_0, %arg1 : i32
    %scan3A = arith.constant 0 : i32
    %scan3A_1 = arith.constant 0 : i32
    %scan3A_2 = arith.constant 128 : i32
    %scan3A_3 = arith.addi %scan3A_1, %scan3A_2 : i32
    %scan3A_4 = arith.constant 1 : i32
    scf.for %scan3A_564 = %scan3A_1 to %scan3A_3 step %scan3A_4  : i32 {
      %broadcast_in_dim3A = arith.constant 0.000000e+00 : f32
      %broadcast_in_dim3A_565 = vector.broadcast %broadcast_in_dim3A : f32 to vector<16xf32>
      %jit3A = arith.constant 8 : i32
      %div3A = arith.divsi %scan3A_564, %jit3A : i32
      %sign3A = arith.constant 0 : i32
      %sign3A_566 = arith.cmpi sgt, %scan3A_564, %sign3A : i32
      %sign3A_567 = arith.extui %sign3A_566 : i1 to i32
      %sign3A_568 = arith.constant 0 : i32
      %sign3A_569 = arith.cmpi slt, %scan3A_564, %sign3A_568 : i32
      %sign3A_570 = arith.extui %sign3A_569 : i1 to i32
      %sign3A_571 = arith.subi %sign3A_567, %sign3A_570 : i32
      %sign3A_572 = arith.constant 0 : i32
      %sign3A_573 = arith.cmpi sgt, %jit3A, %sign3A_572 : i32
      %sign3A_574 = arith.extui %sign3A_573 : i1 to i32
      %sign3A_575 = arith.constant 0 : i32
      %sign3A_576 = arith.cmpi slt, %jit3A, %sign3A_575 : i32
      %sign3A_577 = arith.extui %sign3A_576 : i1 to i32
      %sign3A_578 = arith.subi %sign3A_574, %sign3A_577 : i32
      %ne3A = arith.cmpi ne, %sign3A_571, %sign3A_578 : i32
      %rem3A = arith.remsi %scan3A_564, %jit3A : i32
      %ne3A_579 = arith.constant 0 : i32
      %ne3A_580 = arith.cmpi ne, %rem3A, %ne3A_579 : i32
      %and3A = arith.andi %ne3A, %ne3A_580 : i1
      %sub3A = arith.constant 1 : i32
      %sub3A_581 = arith.subi %div3A, %sub3A : i32
      %select_n3A = arith.select %and3A, %sub3A_581, %div3A : i32
      %jit3A_582 = arith.constant 8 : i32
      %eq3A = arith.constant 0 : i32
      %eq3A_583 = arith.cmpi eq, %jit3A_582, %eq3A : i32
      %jit3A_584 = arith.constant 1 : i32
      %select_n3A_585 = arith.select %eq3A_583, %jit3A_584, %jit3A_582 : i32
      %rem3A_586 = arith.remsi %scan3A_564, %select_n3A_585 : i32
      %ne3A_587 = arith.constant 0 : i32
      %ne3A_588 = arith.cmpi ne, %rem3A_586, %ne3A_587 : i32
      %lt3A = arith.constant 0 : i32
      %lt3A_589 = arith.cmpi slt, %rem3A_586, %lt3A : i32
      %lt3A_590 = arith.constant 0 : i32
      %lt3A_591 = arith.cmpi slt, %select_n3A_585, %lt3A_590 : i32
      %ne3A_592 = arith.xori %lt3A_589, %lt3A_591 : i1
      %and3A_593 = arith.andi %ne3A_592, %ne3A_588 : i1
      %add3A_594 = arith.addi %rem3A_586, %select_n3A_585 : i32
      %select_n3A_595 = arith.select %and3A_593, %add3A_594, %rem3A_586 : i32
      %mul3A_596 = arith.constant 16 : i32
      %mul3A_597 = arith.muli %select_n3A_595, %mul3A_596 : i32
      %swap3A = arith.index_cast %select_n3A : i32 to index
      %swap3A_598 = arith.index_cast %mul3A_597 : i32 to index
      %swap3A_599 = tpu.vector_load %arg8[%swap3A, %swap3A_598] {strides = array<i32>} : memref<16x128xf32, #tpu.memory_space<vmem>>, vector<1x16xf32>,
      %swap3A_600 = vector.shape_cast %swap3A_599 : vector<1x16xf32> to vector<16xf32>
      %swap3A_601 = vector.shape_cast %broadcast_in_dim3A_565 : vector<16xf32> to vector<1x16xf32>
      tpu.vector_store %arg8[%swap3A, %swap3A_598], %swap3A_601 {strides = array<i32>} : memref<16x128xf32, #tpu.memory_space<vmem>>, vector<1x16xf32>,
    }
    %scan3A_5 = arith.constant 128 : i32
    %scan3A_6 = arith.constant 0 : i32
    %scan3A_7 = arith.constant 0 : i32
    %scan3A_8 = arith.constant 40 : i32
    %scan3A_9 = arith.addi %scan3A_7, %scan3A_8 : i32
    %scan3A_10 = arith.constant 1 : i32
    scf.for %scan3A_564 = %scan3A_7 to %scan3A_9 step %scan3A_10  : i32 {
      %mul3A_565 = arith.constant 640 : i32
      %mul3A_566 = arith.muli %arg1, %mul3A_565 : i32
      %mul3A_567 = arith.constant 16 : i32
      %mul3A_568 = arith.muli %scan3A_564, %mul3A_567 : i32
      %add3A_569 = arith.addi %mul3A_566, %mul3A_568 : i32
      "tpu.region"() ({
        %run_scoped3A = tpu.sem_alloc : memref<!tpu.dma_semaphore, #tpu.memory_space<semaphore_mem>>
        %dma_start3A_570 = arith.constant 0 : i32
        %dma_start3A_571 = tpu.memref_slice %arg12[%add3A_569, %dma_start3A_570] : memref<10240x128xf32, #tpu.memory_space<vmem_shared>> -> memref<16x128xf32, #tpu.memory_space<vmem_shared>>
        %dma_start3A_572 = arith.constant 0 : i32
        %dma_start3A_573 = tpu.memref_slice %arg12[%add3A_569, %dma_start3A_572] : memref<10240x128xf32, #tpu.memory_space<vmem_shared>> -> memref<16x128xf32, #tpu.memory_space<vmem_shared>>
        tpu.enqueue_dma source(%arg8 : memref<16x128xf32, #tpu.memory_space<vmem>>) target(%dma_start3A_573 : memref<16x128xf32, #tpu.memory_space<vmem_shared>>) target_semaphore(%run_scoped3A : memref<!tpu.dma_semaphore, #tpu.memory_space<semaphore_mem>>)
        %dma_wait3A_574 = arith.constant 0 : i32
        %dma_wait3A_575 = tpu.memref_slice %arg12[%add3A_569, %dma_wait3A_574] : memref<10240x128xf32, #tpu.memory_space<vmem_shared>> -> memref<16x128xf32, #tpu.memory_space<vmem_shared>>
        %dma_wait3A_576 = arith.constant 0 : i32
        %dma_wait3A_577 = tpu.memref_slice %arg12[%add3A_569, %dma_wait3A_576] : memref<10240x128xf32, #tpu.memory_space<vmem_shared>> -> memref<16x128xf32, #tpu.memory_space<vmem_shared>>
        tpu.wait_dma2 semaphore(%run_scoped3A : memref<!tpu.dma_semaphore, #tpu.memory_space<semaphore_mem>>) src(%arg8 : memref<16x128xf32, #tpu.memory_space<vmem>>) dst(%dma_wait3A_577 : memref<16x128xf32, #tpu.memory_space<vmem_shared>>)
        tpu.yield
      }) : () -> ()
    }
    %scan3A_11 = arith.constant 40 : i32
    %barrier3A = arith.constant 0 : index
    tpu.barrier barrier_id(%barrier3A)
    %dma_start3A = arith.constant 0 : i32
    %dma_start3A_12 = arith.constant 0 : i32
    %dma_start3A_13 = arith.constant 0 : i32
    %dma_start3A_14 = tpu.memref_slice %arg5[%dma_start3A_12, %dma_start3A_13] : memref<5x80xi32, #tpu.memory_space<vmem>> -> memref<1x80xi32, #tpu.memory_space<vmem>>
    %dma_start3A_15 = tpu.memref_squeeze %dma_start3A_14 : memref<1x80xi32, #tpu.memory_space<vmem>> -> memref<80xi32, #tpu.memory_space<vmem>>
    %dma_start3A_16 = arith.constant 0 : i32
    %dma_start3A_17 = tpu.memref_slice %arg2[%add3A, %dma_start3A, %dma_start3A_16] : memref<64x125x80xi32, #tpu.memory_space<hbm>> -> memref<1x1x80xi32, #tpu.memory_space<hbm>>
    %dma_start3A_18 = tpu.memref_squeeze %dma_start3A_17 : memref<1x1x80xi32, #tpu.memory_space<hbm>> -> memref<80xi32, #tpu.memory_space<hbm>>
    %dma_start3A_19 = arith.constant 0 : i32
    %dma_start3A_20 = tpu.memref_slice %arg5[%dma_start3A_12, %dma_start3A_19] : memref<5x80xi32, #tpu.memory_space<vmem>> -> memref<1x80xi32, #tpu.memory_space<vmem>>
    %dma_start3A_21 = tpu.memref_squeeze %dma_start3A_20 : memref<1x80xi32, #tpu.memory_space<vmem>> -> memref<80xi32, #tpu.memory_space<vmem>>
    %dma_start3A_22 = arith.constant 0 : i32
    %dma_start3A_23 = tpu.memref_slice %arg2[%add3A, %dma_start3A, %dma_start3A_22] : memref<64x125x80xi32, #tpu.memory_space<hbm>> -> memref<1x1x80xi32, #tpu.memory_space<hbm>>
    %dma_start3A_24 = tpu.memref_squeeze %dma_start3A_23 : memref<1x1x80xi32, #tpu.memory_space<hbm>> -> memref<80xi32, #tpu.memory_space<hbm>>
    tpu.enqueue_dma source(%dma_start3A_24 : memref<80xi32, #tpu.memory_space<hbm>>) target(%dma_start3A_21 : memref<80xi32, #tpu.memory_space<vmem>>) target_semaphore(%arg9 : memref<!tpu.dma_semaphore, #tpu.memory_space<semaphore_mem>>)
    %add3A_25 = arith.constant 32 : i32
    %add3A_26 = arith.addi %add3A_25, %add3A : i32
    %dma_start3A_27 = arith.constant 0 : i32
    %dma_start3A_28 = arith.constant 0 : i32
    %dma_start3A_29 = arith.constant 0 : i32
    %dma_start3A_30 = tpu.memref_slice %arg6[%dma_start3A_28, %dma_start3A_29] : memref<5x80xi32, #tpu.memory_space<vmem>> -> memref<1x80xi32, #tpu.memory_space<vmem>>
    %dma_start3A_31 = tpu.memref_squeeze %dma_start3A_30 : memref<1x80xi32, #tpu.memory_space<vmem>> -> memref<80xi32, #tpu.memory_space<vmem>>
    %dma_start3A_32 = arith.constant 0 : i32
    %dma_start3A_33 = tpu.memref_slice %arg2[%add3A_26, %dma_start3A_27, %dma_start3A_32] : memref<64x125x80xi32, #tpu.memory_space<hbm>> -> memref<1x1x80xi32, #tpu.memory_space<hbm>>
    %dma_start3A_34 = tpu.memref_squeeze %dma_start3A_33 : memref<1x1x80xi32, #tpu.memory_space<hbm>> -> memref<80xi32, #tpu.memory_space<hbm>>
    %dma_start3A_35 = arith.constant 0 : i32
    %dma_start3A_36 = tpu.memref_slice %arg6[%dma_start3A_28, %dma_start3A_35] : memref<5x80xi32, #tpu.memory_space<vmem>> -> memref<1x80xi32, #tpu.memory_space<vmem>>
    %dma_start3A_37 = tpu.memref_squeeze %dma_start3A_36 : memref<1x80xi32, #tpu.memory_space<vmem>> -> memref<80xi32, #tpu.memory_space<vmem>>
    %dma_start3A_38 = arith.constant 0 : i32
    %dma_start3A_39 = tpu.memref_slice %arg2[%add3A_26, %dma_start3A_27, %dma_start3A_38] : memref<64x125x80xi32, #tpu.memory_space<hbm>> -> memref<1x1x80xi32, #tpu.memory_space<hbm>>
    %dma_start3A_40 = tpu.memref_squeeze %dma_start3A_39 : memref<1x1x80xi32, #tpu.memory_space<hbm>> -> memref<80xi32, #tpu.memory_space<hbm>>
    tpu.enqueue_dma source(%dma_start3A_40 : memref<80xi32, #tpu.memory_space<hbm>>) target(%dma_start3A_37 : memref<80xi32, #tpu.memory_space<vmem>>) target_semaphore(%arg9 : memref<!tpu.dma_semaphore, #tpu.memory_space<semaphore_mem>>)
    %dma_start3A_41 = arith.constant 1 : i32
    %dma_start3A_42 = arith.constant 1 : i32
    %dma_start3A_43 = arith.constant 0 : i32
    %dma_start3A_44 = tpu.memref_slice %arg5[%dma_start3A_42, %dma_start3A_43] : memref<5x80xi32, #tpu.memory_space<vmem>> -> memref<1x80xi32, #tpu.memory_space<vmem>>
    %dma_start3A_45 = tpu.memref_squeeze %dma_start3A_44 : memref<1x80xi32, #tpu.memory_space<vmem>> -> memref<80xi32, #tpu.memory_space<vmem>>
    %dma_start3A_46 = arith.constant 0 : i32
    %dma_start3A_47 = tpu.memref_slice %arg2[%add3A, %dma_start3A_41, %dma_start3A_46] : memref<64x125x80xi32, #tpu.memory_space<hbm>> -> memref<1x1x80xi32, #tpu.memory_space<hbm>>
    %dma_start3A_48 = tpu.memref_squeeze %dma_start3A_47 : memref<1x1x80xi32, #tpu.memory_space<hbm>> -> memref<80xi32, #tpu.memory_space<hbm>>
    %dma_start3A_49 = arith.constant 0 : i32
    %dma_start3A_50 = tpu.memref_slice %arg5[%dma_start3A_42, %dma_start3A_49] : memref<5x80xi32, #tpu.memory_space<vmem>> -> memref<1x80xi32, #tpu.memory_space<vmem>>
    %dma_start3A_51 = tpu.memref_squeeze %dma_start3A_50 : memref<1x80xi32, #tpu.memory_space<vmem>> -> memref<80xi32, #tpu.memory_space<vmem>>
    %dma_start3A_52 = arith.constant 0 : i32
    %dma_start3A_53 = tpu.memref_slice %arg2[%add3A, %dma_start3A_41, %dma_start3A_52] : memref<64x125x80xi32, #tpu.memory_space<hbm>> -> memref<1x1x80xi32, #tpu.memory_space<hbm>>
    %dma_start3A_54 = tpu.memref_squeeze %dma_start3A_53 : memref<1x1x80xi32, #tpu.memory_space<hbm>> -> memref<80xi32, #tpu.memory_space<hbm>>
    tpu.enqueue_dma source(%dma_start3A_54 : memref<80xi32, #tpu.memory_space<hbm>>) target(%dma_start3A_51 : memref<80xi32, #tpu.memory_space<vmem>>) target_semaphore(%arg9 : memref<!tpu.dma_semaphore, #tpu.memory_space<semaphore_mem>>)
    %add3A_55 = arith.constant 32 : i32
    %add3A_56 = arith.addi %add3A_55, %add3A : i32
    %dma_start3A_57 = arith.constant 1 : i32
    %dma_start3A_58 = arith.constant 1 : i32
    %dma_start3A_59 = arith.constant 0 : i32
    %dma_start3A_60 = tpu.memref_slice %arg6[%dma_start3A_58, %dma_start3A_59] : memref<5x80xi32, #tpu.memory_space<vmem>> -> memref<1x80xi32, #tpu.memory_space<vmem>>
    %dma_start3A_61 = tpu.memref_squeeze %dma_start3A_60 : memref<1x80xi32, #tpu.memory_space<vmem>> -> memref<80xi32, #tpu.memory_space<vmem>>
    %dma_start3A_62 = arith.constant 0 : i32
    %dma_start3A_63 = tpu.memref_slice %arg2[%add3A_56, %dma_start3A_57, %dma_start3A_62] : memref<64x125x80xi32, #tpu.memory_space<hbm>> -> memref<1x1x80xi32, #tpu.memory_space<hbm>>
    %dma_start3A_64 = tpu.memref_squeeze %dma_start3A_63 : memref<1x1x80xi32, #tpu.memory_space<hbm>> -> memref<80xi32, #tpu.memory_space<hbm>>
    %dma_start3A_65 = arith.constant 0 : i32
    %dma_start3A_66 = tpu.memref_slice %arg6[%dma_start3A_58, %dma_start3A_65] : memref<5x80xi32, #tpu.memory_space<vmem>> -> memref<1x80xi32, #tpu.memory_space<vmem>>
    %dma_start3A_67 = tpu.memref_squeeze %dma_start3A_66 : memref<1x80xi32, #tpu.memory_space<vmem>> -> memref<80xi32, #tpu.memory_space<vmem>>
    %dma_start3A_68 = arith.constant 0 : i32
    %dma_start3A_69 = tpu.memref_slice %arg2[%add3A_56, %dma_start3A_57, %dma_start3A_68] : memref<64x125x80xi32, #tpu.memory_space<hbm>> -> memref<1x1x80xi32, #tpu.memory_space<hbm>>
    %dma_start3A_70 = tpu.memref_squeeze %dma_start3A_69 : memref<1x1x80xi32, #tpu.memory_space<hbm>> -> memref<80xi32, #tpu.memory_space<hbm>>
    tpu.enqueue_dma source(%dma_start3A_70 : memref<80xi32, #tpu.memory_space<hbm>>) target(%dma_start3A_67 : memref<80xi32, #tpu.memory_space<vmem>>) target_semaphore(%arg9 : memref<!tpu.dma_semaphore, #tpu.memory_space<semaphore_mem>>)
    %dma_start3A_71 = arith.constant 2 : i32
    %dma_start3A_72 = arith.constant 2 : i32
    %dma_start3A_73 = arith.constant 0 : i32
    %dma_start3A_74 = tpu.memref_slice %arg5[%dma_start3A_72, %dma_start3A_73] : memref<5x80xi32, #tpu.memory_space<vmem>> -> memref<1x80xi32, #tpu.memory_space<vmem>>
    %dma_start3A_75 = tpu.memref_squeeze %dma_start3A_74 : memref<1x80xi32, #tpu.memory_space<vmem>> -> memref<80xi32, #tpu.memory_space<vmem>>
    %dma_start3A_76 = arith.constant 0 : i32
    %dma_start3A_77 = tpu.memref_slice %arg2[%add3A, %dma_start3A_71, %dma_start3A_76] : memref<64x125x80xi32, #tpu.memory_space<hbm>> -> memref<1x1x80xi32, #tpu.memory_space<hbm>>
    %dma_start3A_78 = tpu.memref_squeeze %dma_start3A_77 : memref<1x1x80xi32, #tpu.memory_space<hbm>> -> memref<80xi32, #tpu.memory_space<hbm>>
    %dma_start3A_79 = arith.constant 0 : i32
    %dma_start3A_80 = tpu.memref_slice %arg5[%dma_start3A_72, %dma_start3A_79] : memref<5x80xi32, #tpu.memory_space<vmem>> -> memref<1x80xi32, #tpu.memory_space<vmem>>
    %dma_start3A_81 = tpu.memref_squeeze %dma_start3A_80 : memref<1x80xi32, #tpu.memory_space<vmem>> -> memref<80xi32, #tpu.memory_space<vmem>>
    %dma_start3A_82 = arith.constant 0 : i32
    %dma_start3A_83 = tpu.memref_slice %arg2[%add3A, %dma_start3A_71, %dma_start3A_82] : memref<64x125x80xi32, #tpu.memory_space<hbm>> -> memref<1x1x80xi32, #tpu.memory_space<hbm>>
    %dma_start3A_84 = tpu.memref_squeeze %dma_start3A_83 : memref<1x1x80xi32, #tpu.memory_space<hbm>> -> memref<80xi32, #tpu.memory_space<hbm>>
    tpu.enqueue_dma source(%dma_start3A_84 : memref<80xi32, #tpu.memory_space<hbm>>) target(%dma_start3A_81 : memref<80xi32, #tpu.memory_space<vmem>>) target_semaphore(%arg9 : memref<!tpu.dma_semaphore, #tpu.memory_space<semaphore_mem>>)
    %add3A_85 = arith.constant 32 : i32
    %add3A_86 = arith.addi %add3A_85, %add3A : i32
    %dma_start3A_87 = arith.constant 2 : i32
    %dma_start3A_88 = arith.constant 2 : i32
    %dma_start3A_89 = arith.constant 0 : i32
    %dma_start3A_90 = tpu.memref_slice %arg6[%dma_start3A_88, %dma_start3A_89] : memref<5x80xi32, #tpu.memory_space<vmem>> -> memref<1x80xi32, #tpu.memory_space<vmem>>
    %dma_start3A_91 = tpu.memref_squeeze %dma_start3A_90 : memref<1x80xi32, #tpu.memory_space<vmem>> -> memref<80xi32, #tpu.memory_space<vmem>>
    %dma_start3A_92 = arith.constant 0 : i32
    %dma_start3A_93 = tpu.memref_slice %arg2[%add3A_86, %dma_start3A_87, %dma_start3A_92] : memref<64x125x80xi32, #tpu.memory_space<hbm>> -> memref<1x1x80xi32, #tpu.memory_space<hbm>>
    %dma_start3A_94 = tpu.memref_squeeze %dma_start3A_93 : memref<1x1x80xi32, #tpu.memory_space<hbm>> -> memref<80xi32, #tpu.memory_space<hbm>>
    %dma_start3A_95 = arith.constant 0 : i32
    %dma_start3A_96 = tpu.memref_slice %arg6[%dma_start3A_88, %dma_start3A_95] : memref<5x80xi32, #tpu.memory_space<vmem>> -> memref<1x80xi32, #tpu.memory_space<vmem>>
    %dma_start3A_97 = tpu.memref_squeeze %dma_start3A_96 : memref<1x80xi32, #tpu.memory_space<vmem>> -> memref<80xi32, #tpu.memory_space<vmem>>
    %dma_start3A_98 = arith.constant 0 : i32
    %dma_start3A_99 = tpu.memref_slice %arg2[%add3A_86, %dma_start3A_87, %dma_start3A_98] : memref<64x125x80xi32, #tpu.memory_space<hbm>> -> memref<1x1x80xi32, #tpu.memory_space<hbm>>
    %dma_start3A_100 = tpu.memref_squeeze %dma_start3A_99 : memref<1x1x80xi32, #tpu.memory_space<hbm>> -> memref<80xi32, #tpu.memory_space<hbm>>
    tpu.enqueue_dma source(%dma_start3A_100 : memref<80xi32, #tpu.memory_space<hbm>>) target(%dma_start3A_97 : memref<80xi32, #tpu.memory_space<vmem>>) target_semaphore(%arg9 : memref<!tpu.dma_semaphore, #tpu.memory_space<semaphore_mem>>)
    %dma_start3A_101 = arith.constant 3 : i32
    %dma_start3A_102 = arith.constant 3 : i32
    %dma_start3A_103 = arith.constant 0 : i32
    %dma_start3A_104 = tpu.memref_slice %arg5[%dma_start3A_102, %dma_start3A_103] : memref<5x80xi32, #tpu.memory_space<vmem>> -> memref<1x80xi32, #tpu.memory_space<vmem>>
    %dma_start3A_105 = tpu.memref_squeeze %dma_start3A_104 : memref<1x80xi32, #tpu.memory_space<vmem>> -> memref<80xi32, #tpu.memory_space<vmem>>
    %dma_start3A_106 = arith.constant 0 : i32
    %dma_start3A_107 = tpu.memref_slice %arg2[%add3A, %dma_start3A_101, %dma_start3A_106] : memref<64x125x80xi32, #tpu.memory_space<hbm>> -> memref<1x1x80xi32, #tpu.memory_space<hbm>>
    %dma_start3A_108 = tpu.memref_squeeze %dma_start3A_107 : memref<1x1x80xi32, #tpu.memory_space<hbm>> -> memref<80xi32, #tpu.memory_space<hbm>>
    %dma_start3A_109 = arith.constant 0 : i32
    %dma_start3A_110 = tpu.memref_slice %arg5[%dma_start3A_102, %dma_start3A_109] : memref<5x80xi32, #tpu.memory_space<vmem>> -> memref<1x80xi32, #tpu.memory_space<vmem>>
    %dma_start3A_111 = tpu.memref_squeeze %dma_start3A_110 : memref<1x80xi32, #tpu.memory_space<vmem>> -> memref<80xi32, #tpu.memory_space<vmem>>
    %dma_start3A_112 = arith.constant 0 : i32
    %dma_start3A_113 = tpu.memref_slice %arg2[%add3A, %dma_start3A_101, %dma_start3A_112] : memref<64x125x80xi32, #tpu.memory_space<hbm>> -> memref<1x1x80xi32, #tpu.memory_space<hbm>>
    %dma_start3A_114 = tpu.memref_squeeze %dma_start3A_113 : memref<1x1x80xi32, #tpu.memory_space<hbm>> -> memref<80xi32, #tpu.memory_space<hbm>>
    tpu.enqueue_dma source(%dma_start3A_114 : memref<80xi32, #tpu.memory_space<hbm>>) target(%dma_start3A_111 : memref<80xi32, #tpu.memory_space<vmem>>) target_semaphore(%arg9 : memref<!tpu.dma_semaphore, #tpu.memory_space<semaphore_mem>>)
    %add3A_115 = arith.constant 32 : i32
    %add3A_116 = arith.addi %add3A_115, %add3A : i32
    %dma_start3A_117 = arith.constant 3 : i32
    %dma_start3A_118 = arith.constant 3 : i32
    %dma_start3A_119 = arith.constant 0 : i32
    %dma_start3A_120 = tpu.memref_slice %arg6[%dma_start3A_118, %dma_start3A_119] : memref<5x80xi32, #tpu.memory_space<vmem>> -> memref<1x80xi32, #tpu.memory_space<vmem>>
    %dma_start3A_121 = tpu.memref_squeeze %dma_start3A_120 : memref<1x80xi32, #tpu.memory_space<vmem>> -> memref<80xi32, #tpu.memory_space<vmem>>
    %dma_start3A_122 = arith.constant 0 : i32
    %dma_start3A_123 = tpu.memref_slice %arg2[%add3A_116, %dma_start3A_117, %dma_start3A_122] : memref<64x125x80xi32, #tpu.memory_space<hbm>> -> memref<1x1x80xi32, #tpu.memory_space<hbm>>
    %dma_start3A_124 = tpu.memref_squeeze %dma_start3A_123 : memref<1x1x80xi32, #tpu.memory_space<hbm>> -> memref<80xi32, #tpu.memory_space<hbm>>
    %dma_start3A_125 = arith.constant 0 : i32
    %dma_start3A_126 = tpu.memref_slice %arg6[%dma_start3A_118, %dma_start3A_125] : memref<5x80xi32, #tpu.memory_space<vmem>> -> memref<1x80xi32, #tpu.memory_space<vmem>>
    %dma_start3A_127 = tpu.memref_squeeze %dma_start3A_126 : memref<1x80xi32, #tpu.memory_space<vmem>> -> memref<80xi32, #tpu.memory_space<vmem>>
    %dma_start3A_128 = arith.constant 0 : i32
    %dma_start3A_129 = tpu.memref_slice %arg2[%add3A_116, %dma_start3A_117, %dma_start3A_128] : memref<64x125x80xi32, #tpu.memory_space<hbm>> -> memref<1x1x80xi32, #tpu.memory_space<hbm>>
    %dma_start3A_130 = tpu.memref_squeeze %dma_start3A_129 : memref<1x1x80xi32, #tpu.memory_space<hbm>> -> memref<80xi32, #tpu.memory_space<hbm>>
    tpu.enqueue_dma source(%dma_start3A_130 : memref<80xi32, #tpu.memory_space<hbm>>) target(%dma_start3A_127 : memref<80xi32, #tpu.memory_space<vmem>>) target_semaphore(%arg9 : memref<!tpu.dma_semaphore, #tpu.memory_space<semaphore_mem>>)
    %dma_start3A_131 = arith.constant 4 : i32
    %dma_start3A_132 = arith.constant 4 : i32
    %dma_start3A_133 = arith.constant 0 : i32
    %dma_start3A_134 = tpu.memref_slice %arg5[%dma_start3A_132, %dma_start3A_133] : memref<5x80xi32, #tpu.memory_space<vmem>> -> memref<1x80xi32, #tpu.memory_space<vmem>>
    %dma_start3A_135 = tpu.memref_squeeze %dma_start3A_134 : memref<1x80xi32, #tpu.memory_space<vmem>> -> memref<80xi32, #tpu.memory_space<vmem>>
    %dma_start3A_136 = arith.constant 0 : i32
    %dma_start3A_137 = tpu.memref_slice %arg2[%add3A, %dma_start3A_131, %dma_start3A_136] : memref<64x125x80xi32, #tpu.memory_space<hbm>> -> memref<1x1x80xi32, #tpu.memory_space<hbm>>
    %dma_start3A_138 = tpu.memref_squeeze %dma_start3A_137 : memref<1x1x80xi32, #tpu.memory_space<hbm>> -> memref<80xi32, #tpu.memory_space<hbm>>
    %dma_start3A_139 = arith.constant 0 : i32
    %dma_start3A_140 = tpu.memref_slice %arg5[%dma_start3A_132, %dma_start3A_139] : memref<5x80xi32, #tpu.memory_space<vmem>> -> memref<1x80xi32, #tpu.memory_space<vmem>>
    %dma_start3A_141 = tpu.memref_squeeze %dma_start3A_140 : memref<1x80xi32, #tpu.memory_space<vmem>> -> memref<80xi32, #tpu.memory_space<vmem>>
    %dma_start3A_142 = arith.constant 0 : i32
    %dma_start3A_143 = tpu.memref_slice %arg2[%add3A, %dma_start3A_131, %dma_start3A_142] : memref<64x125x80xi32, #tpu.memory_space<hbm>> -> memref<1x1x80xi32, #tpu.memory_space<hbm>>
    %dma_start3A_144 = tpu.memref_squeeze %dma_start3A_143 : memref<1x1x80xi32, #tpu.memory_space<hbm>> -> memref<80xi32, #tpu.memory_space<hbm>>
    tpu.enqueue_dma source(%dma_start3A_144 : memref<80xi32, #tpu.memory_space<hbm>>) target(%dma_start3A_141 : memref<80xi32, #tpu.memory_space<vmem>>) target_semaphore(%arg9 : memref<!tpu.dma_semaphore, #tpu.memory_space<semaphore_mem>>)
    %add3A_145 = arith.constant 32 : i32
    %add3A_146 = arith.addi %add3A_145, %add3A : i32
    %dma_start3A_147 = arith.constant 4 : i32
    %dma_start3A_148 = arith.constant 4 : i32
    %dma_start3A_149 = arith.constant 0 : i32
    %dma_start3A_150 = tpu.memref_slice %arg6[%dma_start3A_148, %dma_start3A_149] : memref<5x80xi32, #tpu.memory_space<vmem>> -> memref<1x80xi32, #tpu.memory_space<vmem>>
    %dma_start3A_151 = tpu.memref_squeeze %dma_start3A_150 : memref<1x80xi32, #tpu.memory_space<vmem>> -> memref<80xi32, #tpu.memory_space<vmem>>
    %dma_start3A_152 = arith.constant 0 : i32
    %dma_start3A_153 = tpu.memref_slice %arg2[%add3A_146, %dma_start3A_147, %dma_start3A_152] : memref<64x125x80xi32, #tpu.memory_space<hbm>> -> memref<1x1x80xi32, #tpu.memory_space<hbm>>
    %dma_start3A_154 = tpu.memref_squeeze %dma_start3A_153 : memref<1x1x80xi32, #tpu.memory_space<hbm>> -> memref<80xi32, #tpu.memory_space<hbm>>
    %dma_start3A_155 = arith.constant 0 : i32
    %dma_start3A_156 = tpu.memref_slice %arg6[%dma_start3A_148, %dma_start3A_155] : memref<5x80xi32, #tpu.memory_space<vmem>> -> memref<1x80xi32, #tpu.memory_space<vmem>>
    %dma_start3A_157 = tpu.memref_squeeze %dma_start3A_156 : memref<1x80xi32, #tpu.memory_space<vmem>> -> memref<80xi32, #tpu.memory_space<vmem>>
    %dma_start3A_158 = arith.constant 0 : i32
    %dma_start3A_159 = tpu.memref_slice %arg2[%add3A_146, %dma_start3A_147, %dma_start3A_158] : memref<64x125x80xi32, #tpu.memory_space<hbm>> -> memref<1x1x80xi32, #tpu.memory_space<hbm>>
    %dma_start3A_160 = tpu.memref_squeeze %dma_start3A_159 : memref<1x1x80xi32, #tpu.memory_space<hbm>> -> memref<80xi32, #tpu.memory_space<hbm>>
    tpu.enqueue_dma source(%dma_start3A_160 : memref<80xi32, #tpu.memory_space<hbm>>) target(%dma_start3A_157 : memref<80xi32, #tpu.memory_space<vmem>>) target_semaphore(%arg9 : memref<!tpu.dma_semaphore, #tpu.memory_space<semaphore_mem>>)
    %dma_wait3A = arith.constant 0 : i32
    %dma_wait3A_161 = arith.constant 0 : i32
    %dma_wait3A_162 = arith.constant 0 : i32
    %dma_wait3A_163 = arith.constant 0 : i32
    %dma_wait3A_164 = tpu.memref_slice %arg5[%dma_wait3A_162, %dma_wait3A_163] : memref<5x80xi32, #tpu.memory_space<vmem>> -> memref<1x80xi32, #tpu.memory_space<vmem>>
    %dma_wait3A_165 = tpu.memref_squeeze %dma_wait3A_164 : memref<1x80xi32, #tpu.memory_space<vmem>> -> memref<80xi32, #tpu.memory_space<vmem>>
    %dma_wait3A_166 = arith.constant 0 : i32
    %dma_wait3A_167 = tpu.memref_slice %arg2[%dma_wait3A, %dma_wait3A_161, %dma_wait3A_166] : memref<64x125x80xi32, #tpu.memory_space<hbm>> -> memref<1x1x80xi32, #tpu.memory_space<hbm>>
    %dma_wait3A_168 = tpu.memref_squeeze %dma_wait3A_167 : memref<1x1x80xi32, #tpu.memory_space<hbm>> -> memref<80xi32, #tpu.memory_space<hbm>>
    %dma_wait3A_169 = arith.constant 0 : i32
    %dma_wait3A_170 = tpu.memref_slice %arg5[%dma_wait3A_162, %dma_wait3A_169] : memref<5x80xi32, #tpu.memory_space<vmem>> -> memref<1x80xi32, #tpu.memory_space<vmem>>
    %dma_wait3A_171 = tpu.memref_squeeze %dma_wait3A_170 : memref<1x80xi32, #tpu.memory_space<vmem>> -> memref<80xi32, #tpu.memory_space<vmem>>
    %dma_wait3A_172 = arith.constant 0 : i32
    %dma_wait3A_173 = tpu.memref_slice %arg2[%dma_wait3A, %dma_wait3A_161, %dma_wait3A_172] : memref<64x125x80xi32, #tpu.memory_space<hbm>> -> memref<1x1x80xi32, #tpu.memory_space<hbm>>
    %dma_wait3A_174 = tpu.memref_squeeze %dma_wait3A_173 : memref<1x1x80xi32, #tpu.memory_space<hbm>> -> memref<80xi32, #tpu.memory_space<hbm>>
    tpu.wait_dma2 semaphore(%arg9 : memref<!tpu.dma_semaphore, #tpu.memory_space<semaphore_mem>>) src(%dma_wait3A_174 : memref<80xi32, #tpu.memory_space<hbm>>) dst(%dma_wait3A_171 : memref<80xi32, #tpu.memory_space<vmem>>)
    %dma_wait3A_175 = arith.constant 0 : i32
    %dma_wait3A_176 = arith.constant 0 : i32
    %dma_wait3A_177 = arith.constant 0 : i32
    %dma_wait3A_178 = arith.constant 0 : i32
    %dma_wait3A_179 = tpu.memref_slice %arg6[%dma_wait3A_177, %dma_wait3A_178] : memref<5x80xi32, #tpu.memory_space<vmem>> -> memref<1x80xi32, #tpu.memory_space<vmem>>
    %dma_wait3A_180 = tpu.memref_squeeze %dma_wait3A_179 : memref<1x80xi32, #tpu.memory_space<vmem>> -> memref<80xi32, #tpu.memory_space<vmem>>
    %dma_wait3A_181 = arith.constant 0 : i32
    %dma_wait3A_182 = tpu.memref_slice %arg2[%dma_wait3A_175, %dma_wait3A_176, %dma_wait3A_181] : memref<64x125x80xi32, #tpu.memory_space<hbm>> -> memref<1x1x80xi32, #tpu.memory_space<hbm>>
    %dma_wait3A_183 = tpu.memref_squeeze %dma_wait3A_182 : memref<1x1x80xi32, #tpu.memory_space<hbm>> -> memref<80xi32, #tpu.memory_space<hbm>>
    %dma_wait3A_184 = arith.constant 0 : i32
    %dma_wait3A_185 = tpu.memref_slice %arg6[%dma_wait3A_177, %dma_wait3A_184] : memref<5x80xi32, #tpu.memory_space<vmem>> -> memref<1x80xi32, #tpu.memory_space<vmem>>
    %dma_wait3A_186 = tpu.memref_squeeze %dma_wait3A_185 : memref<1x80xi32, #tpu.memory_space<vmem>> -> memref<80xi32, #tpu.memory_space<vmem>>
    %dma_wait3A_187 = arith.constant 0 : i32
    %dma_wait3A_188 = tpu.memref_slice %arg2[%dma_wait3A_175, %dma_wait3A_176, %dma_wait3A_187] : memref<64x125x80xi32, #tpu.memory_space<hbm>> -> memref<1x1x80xi32, #tpu.memory_space<hbm>>
    %dma_wait3A_189 = tpu.memref_squeeze %dma_wait3A_188 : memref<1x1x80xi32, #tpu.memory_space<hbm>> -> memref<80xi32, #tpu.memory_space<hbm>>
    tpu.wait_dma2 semaphore(%arg9 : memref<!tpu.dma_semaphore, #tpu.memory_space<semaphore_mem>>) src(%dma_wait3A_189 : memref<80xi32, #tpu.memory_space<hbm>>) dst(%dma_wait3A_186 : memref<80xi32, #tpu.memory_space<vmem>>)
    %dma_start3A_190 = arith.constant 0 : i32
    %dma_start3A_191 = arith.constant 0 : i32
    %dma_start3A_192 = arith.constant 0 : i32
    %dma_start3A_193 = arith.constant 0 : i32
    %dma_start3A_194 = tpu.memref_slice %arg7[%dma_start3A_191, %dma_start3A_192, %dma_start3A_193] : memref<3x80x128xf32, #tpu.memory_space<vmem>> -> memref<1x80x128xf32, #tpu.memory_space<vmem>>
    %dma_start3A_195 = tpu.memref_squeeze %dma_start3A_194 : memref<1x80x128xf32, #tpu.memory_space<vmem>> -> memref<80x128xf32, #tpu.memory_space<vmem>>
    %dma_start3A_196 = arith.constant 0 : i32
    %dma_start3A_197 = tpu.memref_slice %arg5[%dma_start3A_190, %dma_start3A_196] : memref<5x80xi32, #tpu.memory_space<vmem>> -> memref<1x80xi32, #tpu.memory_space<vmem>>
    %dma_start3A_198 = tpu.memref_squeeze %dma_start3A_197 : memref<1x80xi32, #tpu.memory_space<vmem>> -> memref<80xi32, #tpu.memory_space<vmem>>
    %dma_start3A_199 = arith.constant 0 : i32
    %dma_start3A_200 = arith.constant 0 : i32
    %dma_start3A_201 = tpu.memref_slice %arg3[%dma_start3A_199, %dma_start3A_200] : memref<10000x128xf32, #tpu.memory_space<hbm>> -> memref<10000x128xf32, #tpu.memory_space<hbm>>
    tpu.enqueue_indirect_dma source(%dma_start3A_201 : memref<10000x128xf32, #tpu.memory_space<hbm>>) target(%dma_start3A_195 : memref<80x128xf32, #tpu.memory_space<vmem>>) offsets(%dma_start3A_198 : memref<80xi32, #tpu.memory_space<vmem>>) semaphore(%arg10 : memref<!tpu.dma_semaphore, #tpu.memory_space<semaphore_mem>>)
    %dma_wait3A_202 = arith.constant 0 : i32
    %dma_wait3A_203 = arith.constant 0 : i32
    %dma_wait3A_204 = arith.constant 0 : i32
    %dma_wait3A_205 = arith.constant 0 : i32
    %dma_wait3A_206 = tpu.memref_slice %arg5[%dma_wait3A_204, %dma_wait3A_205] : memref<5x80xi32, #tpu.memory_space<vmem>> -> memref<1x80xi32, #tpu.memory_space<vmem>>
    %dma_wait3A_207 = tpu.memref_squeeze %dma_wait3A_206 : memref<1x80xi32, #tpu.memory_space<vmem>> -> memref<80xi32, #tpu.memory_space<vmem>>
    %dma_wait3A_208 = arith.constant 0 : i32
    %dma_wait3A_209 = tpu.memref_slice %arg2[%dma_wait3A_202, %dma_wait3A_203, %dma_wait3A_208] : memref<64x125x80xi32, #tpu.memory_space<hbm>> -> memref<1x1x80xi32, #tpu.memory_space<hbm>>
    %dma_wait3A_210 = tpu.memref_squeeze %dma_wait3A_209 : memref<1x1x80xi32, #tpu.memory_space<hbm>> -> memref<80xi32, #tpu.memory_space<hbm>>
    %dma_wait3A_211 = arith.constant 0 : i32
    %dma_wait3A_212 = tpu.memref_slice %arg5[%dma_wait3A_204, %dma_wait3A_211] : memref<5x80xi32, #tpu.memory_space<vmem>> -> memref<1x80xi32, #tpu.memory_space<vmem>>
    %dma_wait3A_213 = tpu.memref_squeeze %dma_wait3A_212 : memref<1x80xi32, #tpu.memory_space<vmem>> -> memref<80xi32, #tpu.memory_space<vmem>>
    %dma_wait3A_214 = arith.constant 0 : i32
    %dma_wait3A_215 = tpu.memref_slice %arg2[%dma_wait3A_202, %dma_wait3A_203, %dma_wait3A_214] : memref<64x125x80xi32, #tpu.memory_space<hbm>> -> memref<1x1x80xi32, #tpu.memory_space<hbm>>
    %dma_wait3A_216 = tpu.memref_squeeze %dma_wait3A_215 : memref<1x1x80xi32, #tpu.memory_space<hbm>> -> memref<80xi32, #tpu.memory_space<hbm>>
    tpu.wait_dma2 semaphore(%arg9 : memref<!tpu.dma_semaphore, #tpu.memory_space<semaphore_mem>>) src(%dma_wait3A_216 : memref<80xi32, #tpu.memory_space<hbm>>) dst(%dma_wait3A_213 : memref<80xi32, #tpu.memory_space<vmem>>)
    %dma_wait3A_217 = arith.constant 0 : i32
    %dma_wait3A_218 = arith.constant 0 : i32
    %dma_wait3A_219 = arith.constant 0 : i32
    %dma_wait3A_220 = arith.constant 0 : i32
    %dma_wait3A_221 = tpu.memref_slice %arg6[%dma_wait3A_219, %dma_wait3A_220] : memref<5x80xi32, #tpu.memory_space<vmem>> -> memref<1x80xi32, #tpu.memory_space<vmem>>
    %dma_wait3A_222 = tpu.memref_squeeze %dma_wait3A_221 : memref<1x80xi32, #tpu.memory_space<vmem>> -> memref<80xi32, #tpu.memory_space<vmem>>
    %dma_wait3A_223 = arith.constant 0 : i32
    %dma_wait3A_224 = tpu.memref_slice %arg2[%dma_wait3A_217, %dma_wait3A_218, %dma_wait3A_223] : memref<64x125x80xi32, #tpu.memory_space<hbm>> -> memref<1x1x80xi32, #tpu.memory_space<hbm>>
    %dma_wait3A_225 = tpu.memref_squeeze %dma_wait3A_224 : memref<1x1x80xi32, #tpu.memory_space<hbm>> -> memref<80xi32, #tpu.memory_space<hbm>>
    %dma_wait3A_226 = arith.constant 0 : i32
    %dma_wait3A_227 = tpu.memref_slice %arg6[%dma_wait3A_219, %dma_wait3A_226] : memref<5x80xi32, #tpu.memory_space<vmem>> -> memref<1x80xi32, #tpu.memory_space<vmem>>
    %dma_wait3A_228 = tpu.memref_squeeze %dma_wait3A_227 : memref<1x80xi32, #tpu.memory_space<vmem>> -> memref<80xi32, #tpu.memory_space<vmem>>
    %dma_wait3A_229 = arith.constant 0 : i32
    %dma_wait3A_230 = tpu.memref_slice %arg2[%dma_wait3A_217, %dma_wait3A_218, %dma_wait3A_229] : memref<64x125x80xi32, #tpu.memory_space<hbm>> -> memref<1x1x80xi32, #tpu.memory_space<hbm>>
    %dma_wait3A_231 = tpu.memref_squeeze %dma_wait3A_230 : memref<1x1x80xi32, #tpu.memory_space<hbm>> -> memref<80xi32, #tpu.memory_space<hbm>>
    tpu.wait_dma2 semaphore(%arg9 : memref<!tpu.dma_semaphore, #tpu.memory_space<semaphore_mem>>) src(%dma_wait3A_231 : memref<80xi32, #tpu.memory_space<hbm>>) dst(%dma_wait3A_228 : memref<80xi32, #tpu.memory_space<vmem>>)
    %dma_start3A_232 = arith.constant 1 : i32
    %dma_start3A_233 = arith.constant 1 : i32
    %dma_start3A_234 = arith.constant 0 : i32
    %dma_start3A_235 = arith.constant 0 : i32
    %dma_start3A_236 = tpu.memref_slice %arg7[%dma_start3A_233, %dma_start3A_234, %dma_start3A_235] : memref<3x80x128xf32, #tpu.memory_space<vmem>> -> memref<1x80x128xf32, #tpu.memory_space<vmem>>
    %dma_start3A_237 = tpu.memref_squeeze %dma_start3A_236 : memref<1x80x128xf32, #tpu.memory_space<vmem>> -> memref<80x128xf32, #tpu.memory_space<vmem>>
    %dma_start3A_238 = arith.constant 0 : i32
    %dma_start3A_239 = tpu.memref_slice %arg5[%dma_start3A_232, %dma_start3A_238] : memref<5x80xi32, #tpu.memory_space<vmem>> -> memref<1x80xi32, #tpu.memory_space<vmem>>
    %dma_start3A_240 = tpu.memref_squeeze %dma_start3A_239 : memref<1x80xi32, #tpu.memory_space<vmem>> -> memref<80xi32, #tpu.memory_space<vmem>>
    %dma_start3A_241 = arith.constant 0 : i32
    %dma_start3A_242 = arith.constant 0 : i32
    %dma_start3A_243 = tpu.memref_slice %arg3[%dma_start3A_241, %dma_start3A_242] : memref<10000x128xf32, #tpu.memory_space<hbm>> -> memref<10000x128xf32, #tpu.memory_space<hbm>>
    tpu.enqueue_indirect_dma source(%dma_start3A_243 : memref<10000x128xf32, #tpu.memory_space<hbm>>) target(%dma_start3A_237 : memref<80x128xf32, #tpu.memory_space<vmem>>) offsets(%dma_start3A_240 : memref<80xi32, #tpu.memory_space<vmem>>) semaphore(%arg10 : memref<!tpu.dma_semaphore, #tpu.memory_space<semaphore_mem>>)
    %dma_wait3A_244 = arith.constant 0 : i32
    %dma_wait3A_245 = arith.constant 0 : i32
    %dma_wait3A_246 = arith.constant 0 : i32
    %dma_wait3A_247 = arith.constant 0 : i32
    %dma_wait3A_248 = tpu.memref_slice %arg7[%dma_wait3A_245, %dma_wait3A_246, %dma_wait3A_247] : memref<3x80x128xf32, #tpu.memory_space<vmem>> -> memref<1x80x128xf32, #tpu.memory_space<vmem>>
    %dma_wait3A_249 = tpu.memref_squeeze %dma_wait3A_248 : memref<1x80x128xf32, #tpu.memory_space<vmem>> -> memref<80x128xf32, #tpu.memory_space<vmem>>
    %dma_wait3A_250 = arith.constant 0 : i32
    %dma_wait3A_251 = tpu.memref_slice %arg5[%dma_wait3A_244, %dma_wait3A_250] : memref<5x80xi32, #tpu.memory_space<vmem>> -> memref<1x80xi32, #tpu.memory_space<vmem>>
    %dma_wait3A_252 = tpu.memref_squeeze %dma_wait3A_251 : memref<1x80xi32, #tpu.memory_space<vmem>> -> memref<80xi32, #tpu.memory_space<vmem>>
    %dma_wait3A_253 = arith.constant 0 : i32
    %dma_wait3A_254 = arith.constant 0 : i32
    %dma_wait3A_255 = tpu.memref_slice %arg3[%dma_wait3A_253, %dma_wait3A_254] : memref<10000x128xf32, #tpu.memory_space<hbm>> -> memref<10000x128xf32, #tpu.memory_space<hbm>>
    tpu.wait_indirect_dma semaphore(%arg10 : memref<!tpu.dma_semaphore, #tpu.memory_space<semaphore_mem>>) src(%dma_wait3A_255 : memref<10000x128xf32, #tpu.memory_space<hbm>>) dst(%dma_wait3A_249 : memref<80x128xf32, #tpu.memory_space<vmem>>)
    %dma_start3A_256 = arith.constant 0 : i32
    %dma_start3A_257 = arith.constant 0 : i32
    %dma_start3A_258 = arith.constant 0 : i32
    %dma_start3A_259 = arith.constant 0 : i32
    %dma_start3A_260 = tpu.memref_slice %arg7[%dma_start3A_256, %dma_start3A_258, %dma_start3A_259] : memref<3x80x128xf32, #tpu.memory_space<vmem>> -> memref<1x80x128xf32, #tpu.memory_space<vmem>>
    %dma_start3A_261 = tpu.memref_squeeze %dma_start3A_260 : memref<1x80x128xf32, #tpu.memory_space<vmem>> -> memref<80x128xf32, #tpu.memory_space<vmem>>
    %dma_start3A_262 = arith.constant 0 : i32
    %dma_start3A_263 = tpu.memref_slice %arg6[%dma_start3A_257, %dma_start3A_262] : memref<5x80xi32, #tpu.memory_space<vmem>> -> memref<1x80xi32, #tpu.memory_space<vmem>>
    %dma_start3A_264 = tpu.memref_squeeze %dma_start3A_263 : memref<1x80xi32, #tpu.memory_space<vmem>> -> memref<80xi32, #tpu.memory_space<vmem>>
    %dma_start3A_265 = arith.constant 0 : i32
    %dma_start3A_266 = arith.constant 0 : i32
    %dma_start3A_267 = tpu.memref_slice %arg12[%dma_start3A_265, %dma_start3A_266] : memref<10240x128xf32, #tpu.memory_space<vmem_shared>> -> memref<10240x128xf32, #tpu.memory_space<vmem_shared>>
    tpu.enqueue_indirect_dma source(%dma_start3A_261 : memref<80x128xf32, #tpu.memory_space<vmem>>) target(%dma_start3A_267 : memref<10240x128xf32, #tpu.memory_space<vmem_shared>>) offsets(%dma_start3A_264 : memref<80xi32, #tpu.memory_space<vmem>>) semaphore(%arg11 : memref<!tpu.dma_semaphore, #tpu.memory_space<semaphore_mem>>) {add = true}
    %dma_wait3A_268 = arith.constant 0 : i32
    %dma_wait3A_269 = arith.constant 0 : i32
    %dma_wait3A_270 = arith.constant 0 : i32
    %dma_wait3A_271 = arith.constant 0 : i32
    %dma_wait3A_272 = tpu.memref_slice %arg5[%dma_wait3A_270, %dma_wait3A_271] : memref<5x80xi32, #tpu.memory_space<vmem>> -> memref<1x80xi32, #tpu.memory_space<vmem>>
    %dma_wait3A_273 = tpu.memref_squeeze %dma_wait3A_272 : memref<1x80xi32, #tpu.memory_space<vmem>> -> memref<80xi32, #tpu.memory_space<vmem>>
    %dma_wait3A_274 = arith.constant 0 : i32
    %dma_wait3A_275 = tpu.memref_slice %arg2[%dma_wait3A_268, %dma_wait3A_269, %dma_wait3A_274] : memref<64x125x80xi32, #tpu.memory_space<hbm>> -> memref<1x1x80xi32, #tpu.memory_space<hbm>>
    %dma_wait3A_276 = tpu.memref_squeeze %dma_wait3A_275 : memref<1x1x80xi32, #tpu.memory_space<hbm>> -> memref<80xi32, #tpu.memory_space<hbm>>
    %dma_wait3A_277 = arith.constant 0 : i32
    %dma_wait3A_278 = tpu.memref_slice %arg5[%dma_wait3A_270, %dma_wait3A_277] : memref<5x80xi32, #tpu.memory_space<vmem>> -> memref<1x80xi32, #tpu.memory_space<vmem>>
    %dma_wait3A_279 = tpu.memref_squeeze %dma_wait3A_278 : memref<1x80xi32, #tpu.memory_space<vmem>> -> memref<80xi32, #tpu.memory_space<vmem>>
    %dma_wait3A_280 = arith.constant 0 : i32
    %dma_wait3A_281 = tpu.memref_slice %arg2[%dma_wait3A_268, %dma_wait3A_269, %dma_wait3A_280] : memref<64x125x80xi32, #tpu.memory_space<hbm>> -> memref<1x1x80xi32, #tpu.memory_space<hbm>>
    %dma_wait3A_282 = tpu.memref_squeeze %dma_wait3A_281 : memref<1x1x80xi32, #tpu.memory_space<hbm>> -> memref<80xi32, #tpu.memory_space<hbm>>
    tpu.wait_dma2 semaphore(%arg9 : memref<!tpu.dma_semaphore, #tpu.memory_space<semaphore_mem>>) src(%dma_wait3A_282 : memref<80xi32, #tpu.memory_space<hbm>>) dst(%dma_wait3A_279 : memref<80xi32, #tpu.memory_space<vmem>>)
    %dma_wait3A_283 = arith.constant 0 : i32
    %dma_wait3A_284 = arith.constant 0 : i32
    %dma_wait3A_285 = arith.constant 0 : i32
    %dma_wait3A_286 = arith.constant 0 : i32
    %dma_wait3A_287 = tpu.memref_slice %arg6[%dma_wait3A_285, %dma_wait3A_286] : memref<5x80xi32, #tpu.memory_space<vmem>> -> memref<1x80xi32, #tpu.memory_space<vmem>>
    %dma_wait3A_288 = tpu.memref_squeeze %dma_wait3A_287 : memref<1x80xi32, #tpu.memory_space<vmem>> -> memref<80xi32, #tpu.memory_space<vmem>>
    %dma_wait3A_289 = arith.constant 0 : i32
    %dma_wait3A_290 = tpu.memref_slice %arg2[%dma_wait3A_283, %dma_wait3A_284, %dma_wait3A_289] : memref<64x125x80xi32, #tpu.memory_space<hbm>> -> memref<1x1x80xi32, #tpu.memory_space<hbm>>
    %dma_wait3A_291 = tpu.memref_squeeze %dma_wait3A_290 : memref<1x1x80xi32, #tpu.memory_space<hbm>> -> memref<80xi32, #tpu.memory_space<hbm>>
    %dma_wait3A_292 = arith.constant 0 : i32
    %dma_wait3A_293 = tpu.memref_slice %arg6[%dma_wait3A_285, %dma_wait3A_292] : memref<5x80xi32, #tpu.memory_space<vmem>> -> memref<1x80xi32, #tpu.memory_space<vmem>>
    %dma_wait3A_294 = tpu.memref_squeeze %dma_wait3A_293 : memref<1x80xi32, #tpu.memory_space<vmem>> -> memref<80xi32, #tpu.memory_space<vmem>>
    %dma_wait3A_295 = arith.constant 0 : i32
    %dma_wait3A_296 = tpu.memref_slice %arg2[%dma_wait3A_283, %dma_wait3A_284, %dma_wait3A_295] : memref<64x125x80xi32, #tpu.memory_space<hbm>> -> memref<1x1x80xi32, #tpu.memory_space<hbm>>
    %dma_wait3A_297 = tpu.memref_squeeze %dma_wait3A_296 : memref<1x1x80xi32, #tpu.memory_space<hbm>> -> memref<80xi32, #tpu.memory_space<hbm>>
    tpu.wait_dma2 semaphore(%arg9 : memref<!tpu.dma_semaphore, #tpu.memory_space<semaphore_mem>>) src(%dma_wait3A_297 : memref<80xi32, #tpu.memory_space<hbm>>) dst(%dma_wait3A_294 : memref<80xi32, #tpu.memory_space<vmem>>)
    %dma_start3A_298 = arith.constant 2 : i32
    %dma_start3A_299 = arith.constant 2 : i32
    %dma_start3A_300 = arith.constant 0 : i32
    %dma_start3A_301 = arith.constant 0 : i32
    %dma_start3A_302 = tpu.memref_slice %arg7[%dma_start3A_299, %dma_start3A_300, %dma_start3A_301] : memref<3x80x128xf32, #tpu.memory_space<vmem>> -> memref<1x80x128xf32, #tpu.memory_space<vmem>>
    %dma_start3A_303 = tpu.memref_squeeze %dma_start3A_302 : memref<1x80x128xf32, #tpu.memory_space<vmem>> -> memref<80x128xf32, #tpu.memory_space<vmem>>
    %dma_start3A_304 = arith.constant 0 : i32
    %dma_start3A_305 = tpu.memref_slice %arg5[%dma_start3A_298, %dma_start3A_304] : memref<5x80xi32, #tpu.memory_space<vmem>> -> memref<1x80xi32, #tpu.memory_space<vmem>>
    %dma_start3A_306 = tpu.memref_squeeze %dma_start3A_305 : memref<1x80xi32, #tpu.memory_space<vmem>> -> memref<80xi32, #tpu.memory_space<vmem>>
    %dma_start3A_307 = arith.constant 0 : i32
    %dma_start3A_308 = arith.constant 0 : i32
    %dma_start3A_309 = tpu.memref_slice %arg3[%dma_start3A_307, %dma_start3A_308] : memref<10000x128xf32, #tpu.memory_space<hbm>> -> memref<10000x128xf32, #tpu.memory_space<hbm>>
    tpu.enqueue_indirect_dma source(%dma_start3A_309 : memref<10000x128xf32, #tpu.memory_space<hbm>>) target(%dma_start3A_303 : memref<80x128xf32, #tpu.memory_space<vmem>>) offsets(%dma_start3A_306 : memref<80xi32, #tpu.memory_space<vmem>>) semaphore(%arg10 : memref<!tpu.dma_semaphore, #tpu.memory_space<semaphore_mem>>)
    %dma_wait3A_310 = arith.constant 0 : i32
    %dma_wait3A_311 = arith.constant 0 : i32
    %dma_wait3A_312 = arith.constant 0 : i32
    %dma_wait3A_313 = arith.constant 0 : i32
    %dma_wait3A_314 = tpu.memref_slice %arg7[%dma_wait3A_311, %dma_wait3A_312, %dma_wait3A_313] : memref<3x80x128xf32, #tpu.memory_space<vmem>> -> memref<1x80x128xf32, #tpu.memory_space<vmem>>
    %dma_wait3A_315 = tpu.memref_squeeze %dma_wait3A_314 : memref<1x80x128xf32, #tpu.memory_space<vmem>> -> memref<80x128xf32, #tpu.memory_space<vmem>>
    %dma_wait3A_316 = arith.constant 0 : i32
    %dma_wait3A_317 = tpu.memref_slice %arg5[%dma_wait3A_310, %dma_wait3A_316] : memref<5x80xi32, #tpu.memory_space<vmem>> -> memref<1x80xi32, #tpu.memory_space<vmem>>
    %dma_wait3A_318 = tpu.memref_squeeze %dma_wait3A_317 : memref<1x80xi32, #tpu.memory_space<vmem>> -> memref<80xi32, #tpu.memory_space<vmem>>
    %dma_wait3A_319 = arith.constant 0 : i32
    %dma_wait3A_320 = arith.constant 0 : i32
    %dma_wait3A_321 = tpu.memref_slice %arg3[%dma_wait3A_319, %dma_wait3A_320] : memref<10000x128xf32, #tpu.memory_space<hbm>> -> memref<10000x128xf32, #tpu.memory_space<hbm>>
    tpu.wait_indirect_dma semaphore(%arg10 : memref<!tpu.dma_semaphore, #tpu.memory_space<semaphore_mem>>) src(%dma_wait3A_321 : memref<10000x128xf32, #tpu.memory_space<hbm>>) dst(%dma_wait3A_315 : memref<80x128xf32, #tpu.memory_space<vmem>>)
    %dma_start3A_322 = arith.constant 1 : i32
    %dma_start3A_323 = arith.constant 1 : i32
    %dma_start3A_324 = arith.constant 0 : i32
    %dma_start3A_325 = arith.constant 0 : i32
    %dma_start3A_326 = tpu.memref_slice %arg7[%dma_start3A_322, %dma_start3A_324, %dma_start3A_325] : memref<3x80x128xf32, #tpu.memory_space<vmem>> -> memref<1x80x128xf32, #tpu.memory_space<vmem>>
    %dma_start3A_327 = tpu.memref_squeeze %dma_start3A_326 : memref<1x80x128xf32, #tpu.memory_space<vmem>> -> memref<80x128xf32, #tpu.memory_space<vmem>>
    %dma_start3A_328 = arith.constant 0 : i32
    %dma_start3A_329 = tpu.memref_slice %arg6[%dma_start3A_323, %dma_start3A_328] : memref<5x80xi32, #tpu.memory_space<vmem>> -> memref<1x80xi32, #tpu.memory_space<vmem>>
    %dma_start3A_330 = tpu.memref_squeeze %dma_start3A_329 : memref<1x80xi32, #tpu.memory_space<vmem>> -> memref<80xi32, #tpu.memory_space<vmem>>
    %dma_start3A_331 = arith.constant 0 : i32
    %dma_start3A_332 = arith.constant 0 : i32
    %dma_start3A_333 = tpu.memref_slice %arg12[%dma_start3A_331, %dma_start3A_332] : memref<10240x128xf32, #tpu.memory_space<vmem_shared>> -> memref<10240x128xf32, #tpu.memory_space<vmem_shared>>
    tpu.enqueue_indirect_dma source(%dma_start3A_327 : memref<80x128xf32, #tpu.memory_space<vmem>>) target(%dma_start3A_333 : memref<10240x128xf32, #tpu.memory_space<vmem_shared>>) offsets(%dma_start3A_330 : memref<80xi32, #tpu.memory_space<vmem>>) semaphore(%arg11 : memref<!tpu.dma_semaphore, #tpu.memory_space<semaphore_mem>>) {add = true}
    %scan3A_334 = arith.constant 0 : i32
    %scan3A_335 = arith.constant 2 : i32
    %scan3A_336 = arith.constant 120 : i32
    %scan3A_337 = arith.addi %scan3A_335, %scan3A_336 : i32
    %scan3A_338 = arith.constant 1 : i32
    scf.for %scan3A_564 = %scan3A_335 to %scan3A_337 step %scan3A_338  : i32 {
      %dma_wait3A_565 = arith.constant 0 : i32
      %dma_wait3A_566 = arith.constant 0 : i32
      %dma_wait3A_567 = arith.constant 0 : i32
      %dma_wait3A_568 = arith.constant 0 : i32
      %dma_wait3A_569 = tpu.memref_slice %arg7[%dma_wait3A_565, %dma_wait3A_567, %dma_wait3A_568] : memref<3x80x128xf32, #tpu.memory_space<vmem>> -> memref<1x80x128xf32, #tpu.memory_space<vmem>>
      %dma_wait3A_570 = tpu.memref_squeeze %dma_wait3A_569 : memref<1x80x128xf32, #tpu.memory_space<vmem>> -> memref<80x128xf32, #tpu.memory_space<vmem>>
      %dma_wait3A_571 = arith.constant 0 : i32
      %dma_wait3A_572 = tpu.memref_slice %arg6[%dma_wait3A_566, %dma_wait3A_571] : memref<5x80xi32, #tpu.memory_space<vmem>> -> memref<1x80xi32, #tpu.memory_space<vmem>>
      %dma_wait3A_573 = tpu.memref_squeeze %dma_wait3A_572 : memref<1x80xi32, #tpu.memory_space<vmem>> -> memref<80xi32, #tpu.memory_space<vmem>>
      %dma_wait3A_574 = arith.constant 0 : i32
      %dma_wait3A_575 = arith.constant 0 : i32
      %dma_wait3A_576 = tpu.memref_slice %arg12[%dma_wait3A_574, %dma_wait3A_575] : memref<10240x128xf32, #tpu.memory_space<vmem_shared>> -> memref<10240x128xf32, #tpu.memory_space<vmem_shared>>
      tpu.wait_indirect_dma semaphore(%arg11 : memref<!tpu.dma_semaphore, #tpu.memory_space<semaphore_mem>>) src(%dma_wait3A_570 : memref<80x128xf32, #tpu.memory_space<vmem>>) dst(%dma_wait3A_576 : memref<10240x128xf32, #tpu.memory_space<vmem_shared>>)
      %add3A_577 = arith.constant 5 : i32
      %add3A_578 = arith.addi %scan3A_564, %add3A_577 : i32
      %sub3A = arith.constant 2 : i32
      %sub3A_579 = arith.subi %add3A_578, %sub3A : i32
      %add3A_580 = arith.constant 5 : i32
      %add3A_581 = arith.addi %scan3A_564, %add3A_580 : i32
      %sub3A_582 = arith.constant 2 : i32
      %sub3A_583 = arith.subi %add3A_581, %sub3A_582 : i32
      %rem3A = arith.constant 5 : i32
      %rem3A_584 = arith.remsi %sub3A_583, %rem3A : i32
      %dma_start3A_585 = arith.constant 0 : i32
      %dma_start3A_586 = tpu.memref_slice %arg5[%rem3A_584, %dma_start3A_585] : memref<5x80xi32, #tpu.memory_space<vmem>> -> memref<1x80xi32, #tpu.memory_space<vmem>>
      %dma_start3A_587 = tpu.memref_squeeze %dma_start3A_586 : memref<1x80xi32, #tpu.memory_space<vmem>> -> memref<80xi32, #tpu.memory_space<vmem>>
      %dma_start3A_588 = arith.constant 0 : i32
      %dma_start3A_589 = tpu.memref_slice %arg2[%add3A, %sub3A_579, %dma_start3A_588] : memref<64x125x80xi32, #tpu.memory_space<hbm>> -> memref<1x1x80xi32, #tpu.memory_space<hbm>>
      %dma_start3A_590 = tpu.memref_squeeze %dma_start3A_589 : memref<1x1x80xi32, #tpu.memory_space<hbm>> -> memref<80xi32, #tpu.memory_space<hbm>>
      %dma_start3A_591 = arith.constant 0 : i32
      %dma_start3A_592 = tpu.memref_slice %arg5[%rem3A_584, %dma_start3A_591] : memref<5x80xi32, #tpu.memory_space<vmem>> -> memref<1x80xi32, #tpu.memory_space<vmem>>
      %dma_start3A_593 = tpu.memref_squeeze %dma_start3A_592 : memref<1x80xi32, #tpu.memory_space<vmem>> -> memref<80xi32, #tpu.memory_space<vmem>>
      %dma_start3A_594 = arith.constant 0 : i32
      %dma_start3A_595 = tpu.memref_slice %arg2[%add3A, %sub3A_579, %dma_start3A_594] : memref<64x125x80xi32, #tpu.memory_space<hbm>> -> memref<1x1x80xi32, #tpu.memory_space<hbm>>
      %dma_start3A_596 = tpu.memref_squeeze %dma_start3A_595 : memref<1x1x80xi32, #tpu.memory_space<hbm>> -> memref<80xi32, #tpu.memory_space<hbm>>
      tpu.enqueue_dma source(%dma_start3A_596 : memref<80xi32, #tpu.memory_space<hbm>>) target(%dma_start3A_593 : memref<80xi32, #tpu.memory_space<vmem>>) target_semaphore(%arg9 : memref<!tpu.dma_semaphore, #tpu.memory_space<semaphore_mem>>)
      %add3A_597 = arith.constant 32 : i32
      %add3A_598 = arith.addi %add3A_597, %add3A : i32
      %dma_start3A_599 = arith.constant 0 : i32
      %dma_start3A_600 = tpu.memref_slice %arg6[%rem3A_584, %dma_start3A_599] : memref<5x80xi32, #tpu.memory_space<vmem>> -> memref<1x80xi32, #tpu.memory_space<vmem>>
      %dma_start3A_601 = tpu.memref_squeeze %dma_start3A_600 : memref<1x80xi32, #tpu.memory_space<vmem>> -> memref<80xi32, #tpu.memory_space<vmem>>
      %dma_start3A_602 = arith.constant 0 : i32
      %dma_start3A_603 = tpu.memref_slice %arg2[%add3A_598, %sub3A_579, %dma_start3A_602] : memref<64x125x80xi32, #tpu.memory_space<hbm>> -> memref<1x1x80xi32, #tpu.memory_space<hbm>>
      %dma_start3A_604 = tpu.memref_squeeze %dma_start3A_603 : memref<1x1x80xi32, #tpu.memory_space<hbm>> -> memref<80xi32, #tpu.memory_space<hbm>>
      %dma_start3A_605 = arith.constant 0 : i32
      %dma_start3A_606 = tpu.memref_slice %arg6[%rem3A_584, %dma_start3A_605] : memref<5x80xi32, #tpu.memory_space<vmem>> -> memref<1x80xi32, #tpu.memory_space<vmem>>
      %dma_start3A_607 = tpu.memref_squeeze %dma_start3A_606 : memref<1x80xi32, #tpu.memory_space<vmem>> -> memref<80xi32, #tpu.memory_space<vmem>>
      %dma_start3A_608 = arith.constant 0 : i32
      %dma_start3A_609 = tpu.memref_slice %arg2[%add3A_598, %sub3A_579, %dma_start3A_608] : memref<64x125x80xi32, #tpu.memory_space<hbm>> -> memref<1x1x80xi32, #tpu.memory_space<hbm>>
      %dma_start3A_610 = tpu.memref_squeeze %dma_start3A_609 : memref<1x1x80xi32, #tpu.memory_space<hbm>> -> memref<80xi32, #tpu.memory_space<hbm>>
      tpu.enqueue_dma source(%dma_start3A_610 : memref<80xi32, #tpu.memory_space<hbm>>) target(%dma_start3A_607 : memref<80xi32, #tpu.memory_space<vmem>>) target_semaphore(%arg9 : memref<!tpu.dma_semaphore, #tpu.memory_space<semaphore_mem>>)
      %dma_wait3A_611 = arith.constant 0 : i32
      %dma_wait3A_612 = arith.constant 0 : i32
      %dma_wait3A_613 = arith.constant 0 : i32
      %dma_wait3A_614 = arith.constant 0 : i32
      %dma_wait3A_615 = tpu.memref_slice %arg5[%dma_wait3A_613, %dma_wait3A_614] : memref<5x80xi32, #tpu.memory_space<vmem>> -> memref<1x80xi32, #tpu.memory_space<vmem>>
      %dma_wait3A_616 = tpu.memref_squeeze %dma_wait3A_615 : memref<1x80xi32, #tpu.memory_space<vmem>> -> memref<80xi32, #tpu.memory_space<vmem>>
      %dma_wait3A_617 = arith.constant 0 : i32
      %dma_wait3A_618 = tpu.memref_slice %arg2[%dma_wait3A_611, %dma_wait3A_612, %dma_wait3A_617] : memref<64x125x80xi32, #tpu.memory_space<hbm>> -> memref<1x1x80xi32, #tpu.memory_space<hbm>>
      %dma_wait3A_619 = tpu.memref_squeeze %dma_wait3A_618 : memref<1x1x80xi32, #tpu.memory_space<hbm>> -> memref<80xi32, #tpu.memory_space<hbm>>
      %dma_wait3A_620 = arith.constant 0 : i32
      %dma_wait3A_621 = tpu.memref_slice %arg5[%dma_wait3A_613, %dma_wait3A_620] : memref<5x80xi32, #tpu.memory_space<vmem>> -> memref<1x80xi32, #tpu.memory_space<vmem>>
      %dma_wait3A_622 = tpu.memref_squeeze %dma_wait3A_621 : memref<1x80xi32, #tpu.memory_space<vmem>> -> memref<80xi32, #tpu.memory_space<vmem>>
      %dma_wait3A_623 = arith.constant 0 : i32
      %dma_wait3A_624 = tpu.memref_slice %arg2[%dma_wait3A_611, %dma_wait3A_612, %dma_wait3A_623] : memref<64x125x80xi32, #tpu.memory_space<hbm>> -> memref<1x1x80xi32, #tpu.memory_space<hbm>>
      %dma_wait3A_625 = tpu.memref_squeeze %dma_wait3A_624 : memref<1x1x80xi32, #tpu.memory_space<hbm>> -> memref<80xi32, #tpu.memory_space<hbm>>
      tpu.wait_dma2 semaphore(%arg9 : memref<!tpu.dma_semaphore, #tpu.memory_space<semaphore_mem>>) src(%dma_wait3A_625 : memref<80xi32, #tpu.memory_space<hbm>>) dst(%dma_wait3A_622 : memref<80xi32, #tpu.memory_space<vmem>>)
      %dma_wait3A_626 = arith.constant 0 : i32
      %dma_wait3A_627 = arith.constant 0 : i32
      %dma_wait3A_628 = arith.constant 0 : i32
      %dma_wait3A_629 = arith.constant 0 : i32
      %dma_wait3A_630 = tpu.memref_slice %arg6[%dma_wait3A_628, %dma_wait3A_629] : memref<5x80xi32, #tpu.memory_space<vmem>> -> memref<1x80xi32, #tpu.memory_space<vmem>>
      %dma_wait3A_631 = tpu.memref_squeeze %dma_wait3A_630 : memref<1x80xi32, #tpu.memory_space<vmem>> -> memref<80xi32, #tpu.memory_space<vmem>>
      %dma_wait3A_632 = arith.constant 0 : i32
      %dma_wait3A_633 = tpu.memref_slice %arg2[%dma_wait3A_626, %dma_wait3A_627, %dma_wait3A_632] : memref<64x125x80xi32, #tpu.memory_space<hbm>> -> memref<1x1x80xi32, #tpu.memory_space<hbm>>
      %dma_wait3A_634 = tpu.memref_squeeze %dma_wait3A_633 : memref<1x1x80xi32, #tpu.memory_space<hbm>> -> memref<80xi32, #tpu.memory_space<hbm>>
      %dma_wait3A_635 = arith.constant 0 : i32
      %dma_wait3A_636 = tpu.memref_slice %arg6[%dma_wait3A_628, %dma_wait3A_635] : memref<5x80xi32, #tpu.memory_space<vmem>> -> memref<1x80xi32, #tpu.memory_space<vmem>>
      %dma_wait3A_637 = tpu.memref_squeeze %dma_wait3A_636 : memref<1x80xi32, #tpu.memory_space<vmem>> -> memref<80xi32, #tpu.memory_space<vmem>>
      %dma_wait3A_638 = arith.constant 0 : i32
      %dma_wait3A_639 = tpu.memref_slice %arg2[%dma_wait3A_626, %dma_wait3A_627, %dma_wait3A_638] : memref<64x125x80xi32, #tpu.memory_space<hbm>> -> memref<1x1x80xi32, #tpu.memory_space<hbm>>
      %dma_wait3A_640 = tpu.memref_squeeze %dma_wait3A_639 : memref<1x1x80xi32, #tpu.memory_space<hbm>> -> memref<80xi32, #tpu.memory_space<hbm>>
      tpu.wait_dma2 semaphore(%arg9 : memref<!tpu.dma_semaphore, #tpu.memory_space<semaphore_mem>>) src(%dma_wait3A_640 : memref<80xi32, #tpu.memory_space<hbm>>) dst(%dma_wait3A_637 : memref<80xi32, #tpu.memory_space<vmem>>)
      %add3A_641 = arith.constant 3 : i32
      %add3A_642 = arith.addi %scan3A_564, %add3A_641 : i32
      %sub3A_643 = arith.constant 2 : i32
      %sub3A_644 = arith.subi %add3A_642, %sub3A_643 : i32
      %rem3A_645 = arith.constant 3 : i32
      %rem3A_646 = arith.remsi %sub3A_644, %rem3A_645 : i32
      %add3A_647 = arith.constant 3 : i32
      %add3A_648 = arith.addi %scan3A_564, %add3A_647 : i32
      %sub3A_649 = arith.constant 2 : i32
      %sub3A_650 = arith.subi %add3A_648, %sub3A_649 : i32
      %rem3A_651 = arith.constant 5 : i32
      %rem3A_652 = arith.remsi %sub3A_650, %rem3A_651 : i32
      %dma_start3A_653 = arith.constant 0 : i32
      %dma_start3A_654 = arith.constant 0 : i32
      %dma_start3A_655 = tpu.memref_slice %arg7[%rem3A_646, %dma_start3A_653, %dma_start3A_654] : memref<3x80x128xf32, #tpu.memory_space<vmem>> -> memref<1x80x128xf32, #tpu.memory_space<vmem>>
      %dma_start3A_656 = tpu.memref_squeeze %dma_start3A_655 : memref<1x80x128xf32, #tpu.memory_space<vmem>> -> memref<80x128xf32, #tpu.memory_space<vmem>>
      %dma_start3A_657 = arith.constant 0 : i32
      %dma_start3A_658 = tpu.memref_slice %arg5[%rem3A_652, %dma_start3A_657] : memref<5x80xi32, #tpu.memory_space<vmem>> -> memref<1x80xi32, #tpu.memory_space<vmem>>
      %dma_start3A_659 = tpu.memref_squeeze %dma_start3A_658 : memref<1x80xi32, #tpu.memory_space<vmem>> -> memref<80xi32, #tpu.memory_space<vmem>>
      %dma_start3A_660 = arith.constant 0 : i32
      %dma_start3A_661 = arith.constant 0 : i32
      %dma_start3A_662 = tpu.memref_slice %arg3[%dma_start3A_660, %dma_start3A_661] : memref<10000x128xf32, #tpu.memory_space<hbm>> -> memref<10000x128xf32, #tpu.memory_space<hbm>>
      tpu.enqueue_indirect_dma source(%dma_start3A_662 : memref<10000x128xf32, #tpu.memory_space<hbm>>) target(%dma_start3A_656 : memref<80x128xf32, #tpu.memory_space<vmem>>) offsets(%dma_start3A_659 : memref<80xi32, #tpu.memory_space<vmem>>) semaphore(%arg10 : memref<!tpu.dma_semaphore, #tpu.memory_space<semaphore_mem>>)
      %dma_wait3A_663 = arith.constant 0 : i32
      %dma_wait3A_664 = arith.constant 0 : i32
      %dma_wait3A_665 = arith.constant 0 : i32
      %dma_wait3A_666 = arith.constant 0 : i32
      %dma_wait3A_667 = tpu.memref_slice %arg7[%dma_wait3A_664, %dma_wait3A_665, %dma_wait3A_666] : memref<3x80x128xf32, #tpu.memory_space<vmem>> -> memref<1x80x128xf32, #tpu.memory_space<vmem>>
      %dma_wait3A_668 = tpu.memref_squeeze %dma_wait3A_667 : memref<1x80x128xf32, #tpu.memory_space<vmem>> -> memref<80x128xf32, #tpu.memory_space<vmem>>
      %dma_wait3A_669 = arith.constant 0 : i32
      %dma_wait3A_670 = tpu.memref_slice %arg5[%dma_wait3A_663, %dma_wait3A_669] : memref<5x80xi32, #tpu.memory_space<vmem>> -> memref<1x80xi32, #tpu.memory_space<vmem>>
      %dma_wait3A_671 = tpu.memref_squeeze %dma_wait3A_670 : memref<1x80xi32, #tpu.memory_space<vmem>> -> memref<80xi32, #tpu.memory_space<vmem>>
      %dma_wait3A_672 = arith.constant 0 : i32
      %dma_wait3A_673 = arith.constant 0 : i32
      %dma_wait3A_674 = tpu.memref_slice %arg3[%dma_wait3A_672, %dma_wait3A_673] : memref<10000x128xf32, #tpu.memory_space<hbm>> -> memref<10000x128xf32, #tpu.memory_space<hbm>>
      tpu.wait_indirect_dma semaphore(%arg10 : memref<!tpu.dma_semaphore, #tpu.memory_space<semaphore_mem>>) src(%dma_wait3A_674 : memref<10000x128xf32, #tpu.memory_space<hbm>>) dst(%dma_wait3A_668 : memref<80x128xf32, #tpu.memory_space<vmem>>)
      %rem3A_675 = arith.constant 3 : i32
      %rem3A_676 = arith.remsi %scan3A_564, %rem3A_675 : i32
      %rem3A_677 = arith.constant 5 : i32
      %rem3A_678 = arith.remsi %scan3A_564, %rem3A_677 : i32
      %dma_start3A_679 = arith.constant 0 : i32
      %dma_start3A_680 = arith.constant 0 : i32
      %dma_start3A_681 = tpu.memref_slice %arg7[%rem3A_676, %dma_start3A_679, %dma_start3A_680] : memref<3x80x128xf32, #tpu.memory_space<vmem>> -> memref<1x80x128xf32, #tpu.memory_space<vmem>>
      %dma_start3A_682 = tpu.memref_squeeze %dma_start3A_681 : memref<1x80x128xf32, #tpu.memory_space<vmem>> -> memref<80x128xf32, #tpu.memory_space<vmem>>
      %dma_start3A_683 = arith.constant 0 : i32
      %dma_start3A_684 = tpu.memref_slice %arg6[%rem3A_678, %dma_start3A_683] : memref<5x80xi32, #tpu.memory_space<vmem>> -> memref<1x80xi32, #tpu.memory_space<vmem>>
      %dma_start3A_685 = tpu.memref_squeeze %dma_start3A_684 : memref<1x80xi32, #tpu.memory_space<vmem>> -> memref<80xi32, #tpu.memory_space<vmem>>
      %dma_start3A_686 = arith.constant 0 : i32
      %dma_start3A_687 = arith.constant 0 : i32
      %dma_start3A_688 = tpu.memref_slice %arg12[%dma_start3A_686, %dma_start3A_687] : memref<10240x128xf32, #tpu.memory_space<vmem_shared>> -> memref<10240x128xf32, #tpu.memory_space<vmem_shared>>
      tpu.enqueue_indirect_dma source(%dma_start3A_682 : memref<80x128xf32, #tpu.memory_space<vmem>>) target(%dma_start3A_688 : memref<10240x128xf32, #tpu.memory_space<vmem_shared>>) offsets(%dma_start3A_685 : memref<80xi32, #tpu.memory_space<vmem>>) semaphore(%arg11 : memref<!tpu.dma_semaphore, #tpu.memory_space<semaphore_mem>>) {add = true}
    }
    %scan3A_339 = arith.constant 120 : i32
    %dma_wait3A_340 = arith.constant 0 : i32
    %dma_wait3A_341 = arith.constant 0 : i32
    %dma_wait3A_342 = arith.constant 0 : i32
    %dma_wait3A_343 = arith.constant 0 : i32
    %dma_wait3A_344 = tpu.memref_slice %arg7[%dma_wait3A_340, %dma_wait3A_342, %dma_wait3A_343] : memref<3x80x128xf32, #tpu.memory_space<vmem>> -> memref<1x80x128xf32, #tpu.memory_space<vmem>>
    %dma_wait3A_345 = tpu.memref_squeeze %dma_wait3A_344 : memref<1x80x128xf32, #tpu.memory_space<vmem>> -> memref<80x128xf32, #tpu.memory_space<vmem>>
    %dma_wait3A_346 = arith.constant 0 : i32
    %dma_wait3A_347 = tpu.memref_slice %arg6[%dma_wait3A_341, %dma_wait3A_346] : memref<5x80xi32, #tpu.memory_space<vmem>> -> memref<1x80xi32, #tpu.memory_space<vmem>>
    %dma_wait3A_348 = tpu.memref_squeeze %dma_wait3A_347 : memref<1x80xi32, #tpu.memory_space<vmem>> -> memref<80xi32, #tpu.memory_space<vmem>>
    %dma_wait3A_349 = arith.constant 0 : i32
    %dma_wait3A_350 = arith.constant 0 : i32
    %dma_wait3A_351 = tpu.memref_slice %arg12[%dma_wait3A_349, %dma_wait3A_350] : memref<10240x128xf32, #tpu.memory_space<vmem_shared>> -> memref<10240x128xf32, #tpu.memory_space<vmem_shared>>
    tpu.wait_indirect_dma semaphore(%arg11 : memref<!tpu.dma_semaphore, #tpu.memory_space<semaphore_mem>>) src(%dma_wait3A_345 : memref<80x128xf32, #tpu.memory_space<vmem>>) dst(%dma_wait3A_351 : memref<10240x128xf32, #tpu.memory_space<vmem_shared>>)
    %dma_wait3A_352 = arith.constant 0 : i32
    %dma_wait3A_353 = arith.constant 0 : i32
    %dma_wait3A_354 = arith.constant 0 : i32
    %dma_wait3A_355 = arith.constant 0 : i32
    %dma_wait3A_356 = tpu.memref_slice %arg5[%dma_wait3A_354, %dma_wait3A_355] : memref<5x80xi32, #tpu.memory_space<vmem>> -> memref<1x80xi32, #tpu.memory_space<vmem>>
    %dma_wait3A_357 = tpu.memref_squeeze %dma_wait3A_356 : memref<1x80xi32, #tpu.memory_space<vmem>> -> memref<80xi32, #tpu.memory_space<vmem>>
    %dma_wait3A_358 = arith.constant 0 : i32
    %dma_wait3A_359 = tpu.memref_slice %arg2[%dma_wait3A_352, %dma_wait3A_353, %dma_wait3A_358] : memref<64x125x80xi32, #tpu.memory_space<hbm>> -> memref<1x1x80xi32, #tpu.memory_space<hbm>>
    %dma_wait3A_360 = tpu.memref_squeeze %dma_wait3A_359 : memref<1x1x80xi32, #tpu.memory_space<hbm>> -> memref<80xi32, #tpu.memory_space<hbm>>
    %dma_wait3A_361 = arith.constant 0 : i32
    %dma_wait3A_362 = tpu.memref_slice %arg5[%dma_wait3A_354, %dma_wait3A_361] : memref<5x80xi32, #tpu.memory_space<vmem>> -> memref<1x80xi32, #tpu.memory_space<vmem>>
    %dma_wait3A_363 = tpu.memref_squeeze %dma_wait3A_362 : memref<1x80xi32, #tpu.memory_space<vmem>> -> memref<80xi32, #tpu.memory_space<vmem>>
    %dma_wait3A_364 = arith.constant 0 : i32
    %dma_wait3A_365 = tpu.memref_slice %arg2[%dma_wait3A_352, %dma_wait3A_353, %dma_wait3A_364] : memref<64x125x80xi32, #tpu.memory_space<hbm>> -> memref<1x1x80xi32, #tpu.memory_space<hbm>>
    %dma_wait3A_366 = tpu.memref_squeeze %dma_wait3A_365 : memref<1x1x80xi32, #tpu.memory_space<hbm>> -> memref<80xi32, #tpu.memory_space<hbm>>
    tpu.wait_dma2 semaphore(%arg9 : memref<!tpu.dma_semaphore, #tpu.memory_space<semaphore_mem>>) src(%dma_wait3A_366 : memref<80xi32, #tpu.memory_space<hbm>>) dst(%dma_wait3A_363 : memref<80xi32, #tpu.memory_space<vmem>>)
    %dma_wait3A_367 = arith.constant 0 : i32
    %dma_wait3A_368 = arith.constant 0 : i32
    %dma_wait3A_369 = arith.constant 0 : i32
    %dma_wait3A_370 = arith.constant 0 : i32
    %dma_wait3A_371 = tpu.memref_slice %arg6[%dma_wait3A_369, %dma_wait3A_370] : memref<5x80xi32, #tpu.memory_space<vmem>> -> memref<1x80xi32, #tpu.memory_space<vmem>>
    %dma_wait3A_372 = tpu.memref_squeeze %dma_wait3A_371 : memref<1x80xi32, #tpu.memory_space<vmem>> -> memref<80xi32, #tpu.memory_space<vmem>>
    %dma_wait3A_373 = arith.constant 0 : i32
    %dma_wait3A_374 = tpu.memref_slice %arg2[%dma_wait3A_367, %dma_wait3A_368, %dma_wait3A_373] : memref<64x125x80xi32, #tpu.memory_space<hbm>> -> memref<1x1x80xi32, #tpu.memory_space<hbm>>
    %dma_wait3A_375 = tpu.memref_squeeze %dma_wait3A_374 : memref<1x1x80xi32, #tpu.memory_space<hbm>> -> memref<80xi32, #tpu.memory_space<hbm>>
    %dma_wait3A_376 = arith.constant 0 : i32
    %dma_wait3A_377 = tpu.memref_slice %arg6[%dma_wait3A_369, %dma_wait3A_376] : memref<5x80xi32, #tpu.memory_space<vmem>> -> memref<1x80xi32, #tpu.memory_space<vmem>>
    %dma_wait3A_378 = tpu.memref_squeeze %dma_wait3A_377 : memref<1x80xi32, #tpu.memory_space<vmem>> -> memref<80xi32, #tpu.memory_space<vmem>>
    %dma_wait3A_379 = arith.constant 0 : i32
    %dma_wait3A_380 = tpu.memref_slice %arg2[%dma_wait3A_367, %dma_wait3A_368, %dma_wait3A_379] : memref<64x125x80xi32, #tpu.memory_space<hbm>> -> memref<1x1x80xi32, #tpu.memory_space<hbm>>
    %dma_wait3A_381 = tpu.memref_squeeze %dma_wait3A_380 : memref<1x1x80xi32, #tpu.memory_space<hbm>> -> memref<80xi32, #tpu.memory_space<hbm>>
    tpu.wait_dma2 semaphore(%arg9 : memref<!tpu.dma_semaphore, #tpu.memory_space<semaphore_mem>>) src(%dma_wait3A_381 : memref<80xi32, #tpu.memory_space<hbm>>) dst(%dma_wait3A_378 : memref<80xi32, #tpu.memory_space<vmem>>)
    %dma_start3A_382 = arith.constant 3 : i32
    %dma_start3A_383 = arith.constant 0 : i32
    %dma_start3A_384 = arith.constant 0 : i32
    %dma_start3A_385 = arith.constant 0 : i32
    %dma_start3A_386 = tpu.memref_slice %arg7[%dma_start3A_383, %dma_start3A_384, %dma_start3A_385] : memref<3x80x128xf32, #tpu.memory_space<vmem>> -> memref<1x80x128xf32, #tpu.memory_space<vmem>>
    %dma_start3A_387 = tpu.memref_squeeze %dma_start3A_386 : memref<1x80x128xf32, #tpu.memory_space<vmem>> -> memref<80x128xf32, #tpu.memory_space<vmem>>
    %dma_start3A_388 = arith.constant 0 : i32
    %dma_start3A_389 = tpu.memref_slice %arg5[%dma_start3A_382, %dma_start3A_388] : memref<5x80xi32, #tpu.memory_space<vmem>> -> memref<1x80xi32, #tpu.memory_space<vmem>>
    %dma_start3A_390 = tpu.memref_squeeze %dma_start3A_389 : memref<1x80xi32, #tpu.memory_space<vmem>> -> memref<80xi32, #tpu.memory_space<vmem>>
    %dma_start3A_391 = arith.constant 0 : i32
    %dma_start3A_392 = arith.constant 0 : i32
    %dma_start3A_393 = tpu.memref_slice %arg3[%dma_start3A_391, %dma_start3A_392] : memref<10000x128xf32, #tpu.memory_space<hbm>> -> memref<10000x128xf32, #tpu.memory_space<hbm>>
    tpu.enqueue_indirect_dma source(%dma_start3A_393 : memref<10000x128xf32, #tpu.memory_space<hbm>>) target(%dma_start3A_387 : memref<80x128xf32, #tpu.memory_space<vmem>>) offsets(%dma_start3A_390 : memref<80xi32, #tpu.memory_space<vmem>>) semaphore(%arg10 : memref<!tpu.dma_semaphore, #tpu.memory_space<semaphore_mem>>)
    %dma_wait3A_394 = arith.constant 0 : i32
    %dma_wait3A_395 = arith.constant 0 : i32
    %dma_wait3A_396 = arith.constant 0 : i32
    %dma_wait3A_397 = arith.constant 0 : i32
    %dma_wait3A_398 = tpu.memref_slice %arg7[%dma_wait3A_395, %dma_wait3A_396, %dma_wait3A_397] : memref<3x80x128xf32, #tpu.memory_space<vmem>> -> memref<1x80x128xf32, #tpu.memory_space<vmem>>
    %dma_wait3A_399 = tpu.memref_squeeze %dma_wait3A_398 : memref<1x80x128xf32, #tpu.memory_space<vmem>> -> memref<80x128xf32, #tpu.memory_space<vmem>>
    %dma_wait3A_400 = arith.constant 0 : i32
    %dma_wait3A_401 = tpu.memref_slice %arg5[%dma_wait3A_394, %dma_wait3A_400] : memref<5x80xi32, #tpu.memory_space<vmem>> -> memref<1x80xi32, #tpu.memory_space<vmem>>
    %dma_wait3A_402 = tpu.memref_squeeze %dma_wait3A_401 : memref<1x80xi32, #tpu.memory_space<vmem>> -> memref<80xi32, #tpu.memory_space<vmem>>
    %dma_wait3A_403 = arith.constant 0 : i32
    %dma_wait3A_404 = arith.constant 0 : i32
    %dma_wait3A_405 = tpu.memref_slice %arg3[%dma_wait3A_403, %dma_wait3A_404] : memref<10000x128xf32, #tpu.memory_space<hbm>> -> memref<10000x128xf32, #tpu.memory_space<hbm>>
    tpu.wait_indirect_dma semaphore(%arg10 : memref<!tpu.dma_semaphore, #tpu.memory_space<semaphore_mem>>) src(%dma_wait3A_405 : memref<10000x128xf32, #tpu.memory_space<hbm>>) dst(%dma_wait3A_399 : memref<80x128xf32, #tpu.memory_space<vmem>>)
    %dma_start3A_406 = arith.constant 2 : i32
    %dma_start3A_407 = arith.constant 2 : i32
    %dma_start3A_408 = arith.constant 0 : i32
    %dma_start3A_409 = arith.constant 0 : i32
    %dma_start3A_410 = tpu.memref_slice %arg7[%dma_start3A_406, %dma_start3A_408, %dma_start3A_409] : memref<3x80x128xf32, #tpu.memory_space<vmem>> -> memref<1x80x128xf32, #tpu.memory_space<vmem>>
    %dma_start3A_411 = tpu.memref_squeeze %dma_start3A_410 : memref<1x80x128xf32, #tpu.memory_space<vmem>> -> memref<80x128xf32, #tpu.memory_space<vmem>>
    %dma_start3A_412 = arith.constant 0 : i32
    %dma_start3A_413 = tpu.memref_slice %arg6[%dma_start3A_407, %dma_start3A_412] : memref<5x80xi32, #tpu.memory_space<vmem>> -> memref<1x80xi32, #tpu.memory_space<vmem>>
    %dma_start3A_414 = tpu.memref_squeeze %dma_start3A_413 : memref<1x80xi32, #tpu.memory_space<vmem>> -> memref<80xi32, #tpu.memory_space<vmem>>
    %dma_start3A_415 = arith.constant 0 : i32
    %dma_start3A_416 = arith.constant 0 : i32
    %dma_start3A_417 = tpu.memref_slice %arg12[%dma_start3A_415, %dma_start3A_416] : memref<10240x128xf32, #tpu.memory_space<vmem_shared>> -> memref<10240x128xf32, #tpu.memory_space<vmem_shared>>
    tpu.enqueue_indirect_dma source(%dma_start3A_411 : memref<80x128xf32, #tpu.memory_space<vmem>>) target(%dma_start3A_417 : memref<10240x128xf32, #tpu.memory_space<vmem_shared>>) offsets(%dma_start3A_414 : memref<80xi32, #tpu.memory_space<vmem>>) semaphore(%arg11 : memref<!tpu.dma_semaphore, #tpu.memory_space<semaphore_mem>>) {add = true}
    %dma_wait3A_418 = arith.constant 0 : i32
    %dma_wait3A_419 = arith.constant 0 : i32
    %dma_wait3A_420 = arith.constant 0 : i32
    %dma_wait3A_421 = arith.constant 0 : i32
    %dma_wait3A_422 = tpu.memref_slice %arg7[%dma_wait3A_418, %dma_wait3A_420, %dma_wait3A_421] : memref<3x80x128xf32, #tpu.memory_space<vmem>> -> memref<1x80x128xf32, #tpu.memory_space<vmem>>
    %dma_wait3A_423 = tpu.memref_squeeze %dma_wait3A_422 : memref<1x80x128xf32, #tpu.memory_space<vmem>> -> memref<80x128xf32, #tpu.memory_space<vmem>>
    %dma_wait3A_424 = arith.constant 0 : i32
    %dma_wait3A_425 = tpu.memref_slice %arg6[%dma_wait3A_419, %dma_wait3A_424] : memref<5x80xi32, #tpu.memory_space<vmem>> -> memref<1x80xi32, #tpu.memory_space<vmem>>
    %dma_wait3A_426 = tpu.memref_squeeze %dma_wait3A_425 : memref<1x80xi32, #tpu.memory_space<vmem>> -> memref<80xi32, #tpu.memory_space<vmem>>
    %dma_wait3A_427 = arith.constant 0 : i32
    %dma_wait3A_428 = arith.constant 0 : i32
    %dma_wait3A_429 = tpu.memref_slice %arg12[%dma_wait3A_427, %dma_wait3A_428] : memref<10240x128xf32, #tpu.memory_space<vmem_shared>> -> memref<10240x128xf32, #tpu.memory_space<vmem_shared>>
    tpu.wait_indirect_dma semaphore(%arg11 : memref<!tpu.dma_semaphore, #tpu.memory_space<semaphore_mem>>) src(%dma_wait3A_423 : memref<80x128xf32, #tpu.memory_space<vmem>>) dst(%dma_wait3A_429 : memref<10240x128xf32, #tpu.memory_space<vmem_shared>>)
    %dma_wait3A_430 = arith.constant 0 : i32
    %dma_wait3A_431 = arith.constant 0 : i32
    %dma_wait3A_432 = arith.constant 0 : i32
    %dma_wait3A_433 = arith.constant 0 : i32
    %dma_wait3A_434 = tpu.memref_slice %arg5[%dma_wait3A_432, %dma_wait3A_433] : memref<5x80xi32, #tpu.memory_space<vmem>> -> memref<1x80xi32, #tpu.memory_space<vmem>>
    %dma_wait3A_435 = tpu.memref_squeeze %dma_wait3A_434 : memref<1x80xi32, #tpu.memory_space<vmem>> -> memref<80xi32, #tpu.memory_space<vmem>>
    %dma_wait3A_436 = arith.constant 0 : i32
    %dma_wait3A_437 = tpu.memref_slice %arg2[%dma_wait3A_430, %dma_wait3A_431, %dma_wait3A_436] : memref<64x125x80xi32, #tpu.memory_space<hbm>> -> memref<1x1x80xi32, #tpu.memory_space<hbm>>
    %dma_wait3A_438 = tpu.memref_squeeze %dma_wait3A_437 : memref<1x1x80xi32, #tpu.memory_space<hbm>> -> memref<80xi32, #tpu.memory_space<hbm>>
    %dma_wait3A_439 = arith.constant 0 : i32
    %dma_wait3A_440 = tpu.memref_slice %arg5[%dma_wait3A_432, %dma_wait3A_439] : memref<5x80xi32, #tpu.memory_space<vmem>> -> memref<1x80xi32, #tpu.memory_space<vmem>>
    %dma_wait3A_441 = tpu.memref_squeeze %dma_wait3A_440 : memref<1x80xi32, #tpu.memory_space<vmem>> -> memref<80xi32, #tpu.memory_space<vmem>>
    %dma_wait3A_442 = arith.constant 0 : i32
    %dma_wait3A_443 = tpu.memref_slice %arg2[%dma_wait3A_430, %dma_wait3A_431, %dma_wait3A_442] : memref<64x125x80xi32, #tpu.memory_space<hbm>> -> memref<1x1x80xi32, #tpu.memory_space<hbm>>
    %dma_wait3A_444 = tpu.memref_squeeze %dma_wait3A_443 : memref<1x1x80xi32, #tpu.memory_space<hbm>> -> memref<80xi32, #tpu.memory_space<hbm>>
    tpu.wait_dma2 semaphore(%arg9 : memref<!tpu.dma_semaphore, #tpu.memory_space<semaphore_mem>>) src(%dma_wait3A_444 : memref<80xi32, #tpu.memory_space<hbm>>) dst(%dma_wait3A_441 : memref<80xi32, #tpu.memory_space<vmem>>)
    %dma_wait3A_445 = arith.constant 0 : i32
    %dma_wait3A_446 = arith.constant 0 : i32
    %dma_wait3A_447 = arith.constant 0 : i32
    %dma_wait3A_448 = arith.constant 0 : i32
    %dma_wait3A_449 = tpu.memref_slice %arg6[%dma_wait3A_447, %dma_wait3A_448] : memref<5x80xi32, #tpu.memory_space<vmem>> -> memref<1x80xi32, #tpu.memory_space<vmem>>
    %dma_wait3A_450 = tpu.memref_squeeze %dma_wait3A_449 : memref<1x80xi32, #tpu.memory_space<vmem>> -> memref<80xi32, #tpu.memory_space<vmem>>
    %dma_wait3A_451 = arith.constant 0 : i32
    %dma_wait3A_452 = tpu.memref_slice %arg2[%dma_wait3A_445, %dma_wait3A_446, %dma_wait3A_451] : memref<64x125x80xi32, #tpu.memory_space<hbm>> -> memref<1x1x80xi32, #tpu.memory_space<hbm>>
    %dma_wait3A_453 = tpu.memref_squeeze %dma_wait3A_452 : memref<1x1x80xi32, #tpu.memory_space<hbm>> -> memref<80xi32, #tpu.memory_space<hbm>>
    %dma_wait3A_454 = arith.constant 0 : i32
    %dma_wait3A_455 = tpu.memref_slice %arg6[%dma_wait3A_447, %dma_wait3A_454] : memref<5x80xi32, #tpu.memory_space<vmem>> -> memref<1x80xi32, #tpu.memory_space<vmem>>
    %dma_wait3A_456 = tpu.memref_squeeze %dma_wait3A_455 : memref<1x80xi32, #tpu.memory_space<vmem>> -> memref<80xi32, #tpu.memory_space<vmem>>
    %dma_wait3A_457 = arith.constant 0 : i32
    %dma_wait3A_458 = tpu.memref_slice %arg2[%dma_wait3A_445, %dma_wait3A_446, %dma_wait3A_457] : memref<64x125x80xi32, #tpu.memory_space<hbm>> -> memref<1x1x80xi32, #tpu.memory_space<hbm>>
    %dma_wait3A_459 = tpu.memref_squeeze %dma_wait3A_458 : memref<1x1x80xi32, #tpu.memory_space<hbm>> -> memref<80xi32, #tpu.memory_space<hbm>>
    tpu.wait_dma2 semaphore(%arg9 : memref<!tpu.dma_semaphore, #tpu.memory_space<semaphore_mem>>) src(%dma_wait3A_459 : memref<80xi32, #tpu.memory_space<hbm>>) dst(%dma_wait3A_456 : memref<80xi32, #tpu.memory_space<vmem>>)
    %dma_start3A_460 = arith.constant 4 : i32
    %dma_start3A_461 = arith.constant 1 : i32
    %dma_start3A_462 = arith.constant 0 : i32
    %dma_start3A_463 = arith.constant 0 : i32
    %dma_start3A_464 = tpu.memref_slice %arg7[%dma_start3A_461, %dma_start3A_462, %dma_start3A_463] : memref<3x80x128xf32, #tpu.memory_space<vmem>> -> memref<1x80x128xf32, #tpu.memory_space<vmem>>
    %dma_start3A_465 = tpu.memref_squeeze %dma_start3A_464 : memref<1x80x128xf32, #tpu.memory_space<vmem>> -> memref<80x128xf32, #tpu.memory_space<vmem>>
    %dma_start3A_466 = arith.constant 0 : i32
    %dma_start3A_467 = tpu.memref_slice %arg5[%dma_start3A_460, %dma_start3A_466] : memref<5x80xi32, #tpu.memory_space<vmem>> -> memref<1x80xi32, #tpu.memory_space<vmem>>
    %dma_start3A_468 = tpu.memref_squeeze %dma_start3A_467 : memref<1x80xi32, #tpu.memory_space<vmem>> -> memref<80xi32, #tpu.memory_space<vmem>>
    %dma_start3A_469 = arith.constant 0 : i32
    %dma_start3A_470 = arith.constant 0 : i32
    %dma_start3A_471 = tpu.memref_slice %arg3[%dma_start3A_469, %dma_start3A_470] : memref<10000x128xf32, #tpu.memory_space<hbm>> -> memref<10000x128xf32, #tpu.memory_space<hbm>>
    tpu.enqueue_indirect_dma source(%dma_start3A_471 : memref<10000x128xf32, #tpu.memory_space<hbm>>) target(%dma_start3A_465 : memref<80x128xf32, #tpu.memory_space<vmem>>) offsets(%dma_start3A_468 : memref<80xi32, #tpu.memory_space<vmem>>) semaphore(%arg10 : memref<!tpu.dma_semaphore, #tpu.memory_space<semaphore_mem>>)
    %dma_wait3A_472 = arith.constant 0 : i32
    %dma_wait3A_473 = arith.constant 0 : i32
    %dma_wait3A_474 = arith.constant 0 : i32
    %dma_wait3A_475 = arith.constant 0 : i32
    %dma_wait3A_476 = tpu.memref_slice %arg7[%dma_wait3A_473, %dma_wait3A_474, %dma_wait3A_475] : memref<3x80x128xf32, #tpu.memory_space<vmem>> -> memref<1x80x128xf32, #tpu.memory_space<vmem>>
    %dma_wait3A_477 = tpu.memref_squeeze %dma_wait3A_476 : memref<1x80x128xf32, #tpu.memory_space<vmem>> -> memref<80x128xf32, #tpu.memory_space<vmem>>
    %dma_wait3A_478 = arith.constant 0 : i32
    %dma_wait3A_479 = tpu.memref_slice %arg5[%dma_wait3A_472, %dma_wait3A_478] : memref<5x80xi32, #tpu.memory_space<vmem>> -> memref<1x80xi32, #tpu.memory_space<vmem>>
    %dma_wait3A_480 = tpu.memref_squeeze %dma_wait3A_479 : memref<1x80xi32, #tpu.memory_space<vmem>> -> memref<80xi32, #tpu.memory_space<vmem>>
    %dma_wait3A_481 = arith.constant 0 : i32
    %dma_wait3A_482 = arith.constant 0 : i32
    %dma_wait3A_483 = tpu.memref_slice %arg3[%dma_wait3A_481, %dma_wait3A_482] : memref<10000x128xf32, #tpu.memory_space<hbm>> -> memref<10000x128xf32, #tpu.memory_space<hbm>>
    tpu.wait_indirect_dma semaphore(%arg10 : memref<!tpu.dma_semaphore, #tpu.memory_space<semaphore_mem>>) src(%dma_wait3A_483 : memref<10000x128xf32, #tpu.memory_space<hbm>>) dst(%dma_wait3A_477 : memref<80x128xf32, #tpu.memory_space<vmem>>)
    %dma_start3A_484 = arith.constant 0 : i32
    %dma_start3A_485 = arith.constant 3 : i32
    %dma_start3A_486 = arith.constant 0 : i32
    %dma_start3A_487 = arith.constant 0 : i32
    %dma_start3A_488 = tpu.memref_slice %arg7[%dma_start3A_484, %dma_start3A_486, %dma_start3A_487] : memref<3x80x128xf32, #tpu.memory_space<vmem>> -> memref<1x80x128xf32, #tpu.memory_space<vmem>>
    %dma_start3A_489 = tpu.memref_squeeze %dma_start3A_488 : memref<1x80x128xf32, #tpu.memory_space<vmem>> -> memref<80x128xf32, #tpu.memory_space<vmem>>
    %dma_start3A_490 = arith.constant 0 : i32
    %dma_start3A_491 = tpu.memref_slice %arg6[%dma_start3A_485, %dma_start3A_490] : memref<5x80xi32, #tpu.memory_space<vmem>> -> memref<1x80xi32, #tpu.memory_space<vmem>>
    %dma_start3A_492 = tpu.memref_squeeze %dma_start3A_491 : memref<1x80xi32, #tpu.memory_space<vmem>> -> memref<80xi32, #tpu.memory_space<vmem>>
    %dma_start3A_493 = arith.constant 0 : i32
    %dma_start3A_494 = arith.constant 0 : i32
    %dma_start3A_495 = tpu.memref_slice %arg12[%dma_start3A_493, %dma_start3A_494] : memref<10240x128xf32, #tpu.memory_space<vmem_shared>> -> memref<10240x128xf32, #tpu.memory_space<vmem_shared>>
    tpu.enqueue_indirect_dma source(%dma_start3A_489 : memref<80x128xf32, #tpu.memory_space<vmem>>) target(%dma_start3A_495 : memref<10240x128xf32, #tpu.memory_space<vmem_shared>>) offsets(%dma_start3A_492 : memref<80xi32, #tpu.memory_space<vmem>>) semaphore(%arg11 : memref<!tpu.dma_semaphore, #tpu.memory_space<semaphore_mem>>) {add = true}
    %dma_wait3A_496 = arith.constant 0 : i32
    %dma_wait3A_497 = arith.constant 0 : i32
    %dma_wait3A_498 = arith.constant 0 : i32
    %dma_wait3A_499 = arith.constant 0 : i32
    %dma_wait3A_500 = tpu.memref_slice %arg7[%dma_wait3A_496, %dma_wait3A_498, %dma_wait3A_499] : memref<3x80x128xf32, #tpu.memory_space<vmem>> -> memref<1x80x128xf32, #tpu.memory_space<vmem>>
    %dma_wait3A_501 = tpu.memref_squeeze %dma_wait3A_500 : memref<1x80x128xf32, #tpu.memory_space<vmem>> -> memref<80x128xf32, #tpu.memory_space<vmem>>
    %dma_wait3A_502 = arith.constant 0 : i32
    %dma_wait3A_503 = tpu.memref_slice %arg6[%dma_wait3A_497, %dma_wait3A_502] : memref<5x80xi32, #tpu.memory_space<vmem>> -> memref<1x80xi32, #tpu.memory_space<vmem>>
    %dma_wait3A_504 = tpu.memref_squeeze %dma_wait3A_503 : memref<1x80xi32, #tpu.memory_space<vmem>> -> memref<80xi32, #tpu.memory_space<vmem>>
    %dma_wait3A_505 = arith.constant 0 : i32
    %dma_wait3A_506 = arith.constant 0 : i32
    %dma_wait3A_507 = tpu.memref_slice %arg12[%dma_wait3A_505, %dma_wait3A_506] : memref<10240x128xf32, #tpu.memory_space<vmem_shared>> -> memref<10240x128xf32, #tpu.memory_space<vmem_shared>>
    tpu.wait_indirect_dma semaphore(%arg11 : memref<!tpu.dma_semaphore, #tpu.memory_space<semaphore_mem>>) src(%dma_wait3A_501 : memref<80x128xf32, #tpu.memory_space<vmem>>) dst(%dma_wait3A_507 : memref<10240x128xf32, #tpu.memory_space<vmem_shared>>)
    %dma_wait3A_508 = arith.constant 0 : i32
    %dma_wait3A_509 = arith.constant 0 : i32
    %dma_wait3A_510 = arith.constant 0 : i32
    %dma_wait3A_511 = arith.constant 0 : i32
    %dma_wait3A_512 = tpu.memref_slice %arg7[%dma_wait3A_509, %dma_wait3A_510, %dma_wait3A_511] : memref<3x80x128xf32, #tpu.memory_space<vmem>> -> memref<1x80x128xf32, #tpu.memory_space<vmem>>
    %dma_wait3A_513 = tpu.memref_squeeze %dma_wait3A_512 : memref<1x80x128xf32, #tpu.memory_space<vmem>> -> memref<80x128xf32, #tpu.memory_space<vmem>>
    %dma_wait3A_514 = arith.constant 0 : i32
    %dma_wait3A_515 = tpu.memref_slice %arg5[%dma_wait3A_508, %dma_wait3A_514] : memref<5x80xi32, #tpu.memory_space<vmem>> -> memref<1x80xi32, #tpu.memory_space<vmem>>
    %dma_wait3A_516 = tpu.memref_squeeze %dma_wait3A_515 : memref<1x80xi32, #tpu.memory_space<vmem>> -> memref<80xi32, #tpu.memory_space<vmem>>
    %dma_wait3A_517 = arith.constant 0 : i32
    %dma_wait3A_518 = arith.constant 0 : i32
    %dma_wait3A_519 = tpu.memref_slice %arg3[%dma_wait3A_517, %dma_wait3A_518] : memref<10000x128xf32, #tpu.memory_space<hbm>> -> memref<10000x128xf32, #tpu.memory_space<hbm>>
    tpu.wait_indirect_dma semaphore(%arg10 : memref<!tpu.dma_semaphore, #tpu.memory_space<semaphore_mem>>) src(%dma_wait3A_519 : memref<10000x128xf32, #tpu.memory_space<hbm>>) dst(%dma_wait3A_513 : memref<80x128xf32, #tpu.memory_space<vmem>>)
    %dma_start3A_520 = arith.constant 1 : i32
    %dma_start3A_521 = arith.constant 4 : i32
    %dma_start3A_522 = arith.constant 0 : i32
    %dma_start3A_523 = arith.constant 0 : i32
    %dma_start3A_524 = tpu.memref_slice %arg7[%dma_start3A_520, %dma_start3A_522, %dma_start3A_523] : memref<3x80x128xf32, #tpu.memory_space<vmem>> -> memref<1x80x128xf32, #tpu.memory_space<vmem>>
    %dma_start3A_525 = tpu.memref_squeeze %dma_start3A_524 : memref<1x80x128xf32, #tpu.memory_space<vmem>> -> memref<80x128xf32, #tpu.memory_space<vmem>>
    %dma_start3A_526 = arith.constant 0 : i32
    %dma_start3A_527 = tpu.memref_slice %arg6[%dma_start3A_521, %dma_start3A_526] : memref<5x80xi32, #tpu.memory_space<vmem>> -> memref<1x80xi32, #tpu.memory_space<vmem>>
    %dma_start3A_528 = tpu.memref_squeeze %dma_start3A_527 : memref<1x80xi32, #tpu.memory_space<vmem>> -> memref<80xi32, #tpu.memory_space<vmem>>
    %dma_start3A_529 = arith.constant 0 : i32
    %dma_start3A_530 = arith.constant 0 : i32
    %dma_start3A_531 = tpu.memref_slice %arg12[%dma_start3A_529, %dma_start3A_530] : memref<10240x128xf32, #tpu.memory_space<vmem_shared>> -> memref<10240x128xf32, #tpu.memory_space<vmem_shared>>
    tpu.enqueue_indirect_dma source(%dma_start3A_525 : memref<80x128xf32, #tpu.memory_space<vmem>>) target(%dma_start3A_531 : memref<10240x128xf32, #tpu.memory_space<vmem_shared>>) offsets(%dma_start3A_528 : memref<80xi32, #tpu.memory_space<vmem>>) semaphore(%arg11 : memref<!tpu.dma_semaphore, #tpu.memory_space<semaphore_mem>>) {add = true}
    %dma_wait3A_532 = arith.constant 0 : i32
    %dma_wait3A_533 = arith.constant 0 : i32
    %dma_wait3A_534 = arith.constant 0 : i32
    %dma_wait3A_535 = arith.constant 0 : i32
    %dma_wait3A_536 = tpu.memref_slice %arg7[%dma_wait3A_532, %dma_wait3A_534, %dma_wait3A_535] : memref<3x80x128xf32, #tpu.memory_space<vmem>> -> memref<1x80x128xf32, #tpu.memory_space<vmem>>
    %dma_wait3A_537 = tpu.memref_squeeze %dma_wait3A_536 : memref<1x80x128xf32, #tpu.memory_space<vmem>> -> memref<80x128xf32, #tpu.memory_space<vmem>>
    %dma_wait3A_538 = arith.constant 0 : i32
    %dma_wait3A_539 = tpu.memref_slice %arg6[%dma_wait3A_533, %dma_wait3A_538] : memref<5x80xi32, #tpu.memory_space<vmem>> -> memref<1x80xi32, #tpu.memory_space<vmem>>
    %dma_wait3A_540 = tpu.memref_squeeze %dma_wait3A_539 : memref<1x80xi32, #tpu.memory_space<vmem>> -> memref<80xi32, #tpu.memory_space<vmem>>
    %dma_wait3A_541 = arith.constant 0 : i32
    %dma_wait3A_542 = arith.constant 0 : i32
    %dma_wait3A_543 = tpu.memref_slice %arg12[%dma_wait3A_541, %dma_wait3A_542] : memref<10240x128xf32, #tpu.memory_space<vmem_shared>> -> memref<10240x128xf32, #tpu.memory_space<vmem_shared>>
    tpu.wait_indirect_dma semaphore(%arg11 : memref<!tpu.dma_semaphore, #tpu.memory_space<semaphore_mem>>) src(%dma_wait3A_537 : memref<80x128xf32, #tpu.memory_space<vmem>>) dst(%dma_wait3A_543 : memref<10240x128xf32, #tpu.memory_space<vmem_shared>>)
    %dma_wait3A_544 = arith.constant 0 : i32
    %dma_wait3A_545 = arith.constant 0 : i32
    %dma_wait3A_546 = arith.constant 0 : i32
    %dma_wait3A_547 = arith.constant 0 : i32
    %dma_wait3A_548 = tpu.memref_slice %arg7[%dma_wait3A_544, %dma_wait3A_546, %dma_wait3A_547] : memref<3x80x128xf32, #tpu.memory_space<vmem>> -> memref<1x80x128xf32, #tpu.memory_space<vmem>>
    %dma_wait3A_549 = tpu.memref_squeeze %dma_wait3A_548 : memref<1x80x128xf32, #tpu.memory_space<vmem>> -> memref<80x128xf32, #tpu.memory_space<vmem>>
    %dma_wait3A_550 = arith.constant 0 : i32
    %dma_wait3A_551 = tpu.memref_slice %arg6[%dma_wait3A_545, %dma_wait3A_550] : memref<5x80xi32, #tpu.memory_space<vmem>> -> memref<1x80xi32, #tpu.memory_space<vmem>>
    %dma_wait3A_552 = tpu.memref_squeeze %dma_wait3A_551 : memref<1x80xi32, #tpu.memory_space<vmem>> -> memref<80xi32, #tpu.memory_space<vmem>>
    %dma_wait3A_553 = arith.constant 0 : i32
    %dma_wait3A_554 = arith.constant 0 : i32
    %dma_wait3A_555 = tpu.memref_slice %arg12[%dma_wait3A_553, %dma_wait3A_554] : memref<10240x128xf32, #tpu.memory_space<vmem_shared>> -> memref<10240x128xf32, #tpu.memory_space<vmem_shared>>
    tpu.wait_indirect_dma semaphore(%arg11 : memref<!tpu.dma_semaphore, #tpu.memory_space<semaphore_mem>>) src(%dma_wait3A_549 : memref<80x128xf32, #tpu.memory_space<vmem>>) dst(%dma_wait3A_555 : memref<10240x128xf32, #tpu.memory_space<vmem_shared>>)
    %barrier3A_556 = arith.constant 0 : index
    tpu.barrier barrier_id(%barrier3A_556)
    %mul3A_557 = arith.constant 640 : i32
    %mul3A_558 = arith.muli %arg1, %mul3A_557 : i32
    %mul3A_559 = arith.constant 10240 : i32
    %mul3A_560 = arith.muli %arg0, %mul3A_559 : i32
    %mul3A_561 = arith.constant 640 : i32
    %mul3A_562 = arith.muli %arg1, %mul3A_561 : i32
    %add3A_563 = arith.addi %mul3A_560, %mul3A_562 : i32
    "tpu.region"() ({
      %run_scoped3A = tpu.sem_alloc : memref<!tpu.dma_semaphore, #tpu.memory_space<semaphore_mem>>
      %dma_start3A_564 = arith.constant 0 : i32
      %dma_start3A_565 = tpu.memref_slice %arg4[%add3A_563, %dma_start3A_564] : memref<20480x128xf32, #tpu.memory_space<hbm>> -> memref<640x128xf32, #tpu.memory_space<hbm>>
      %dma_start3A_566 = arith.constant 0 : i32
      %dma_start3A_567 = tpu.memref_slice %arg12[%mul3A_558, %dma_start3A_566] : memref<10240x128xf32, #tpu.memory_space<vmem_shared>> -> memref<640x128xf32, #tpu.memory_space<vmem_shared>>
      tpu.enqueue_dma source(%dma_start3A_567 : memref<640x128xf32, #tpu.memory_space<vmem_shared>>) target(%dma_start3A_565 : memref<640x128xf32, #tpu.memory_space<hbm>>) target_semaphore(%run_scoped3A : memref<!tpu.dma_semaphore, #tpu.memory_space<semaphore_mem>>)
      %dma_wait3A_568 = arith.constant 0 : i32
      %dma_wait3A_569 = tpu.memref_slice %arg4[%add3A_563, %dma_wait3A_568] : memref<20480x128xf32, #tpu.memory_space<hbm>> -> memref<640x128xf32, #tpu.memory_space<hbm>>
      %dma_wait3A_570 = arith.constant 0 : i32
      %dma_wait3A_571 = tpu.memref_slice %arg12[%mul3A_558, %dma_wait3A_570] : memref<10240x128xf32, #tpu.memory_space<vmem_shared>> -> memref<640x128xf32, #tpu.memory_space<vmem_shared>>
      tpu.wait_dma2 semaphore(%run_scoped3A : memref<!tpu.dma_semaphore, #tpu.memory_space<semaphore_mem>>) src(%dma_wait3A_571 : memref<640x128xf32, #tpu.memory_space<vmem_shared>>) dst(%dma_wait3A_569 : memref<640x128xf32, #tpu.memory_space<hbm>>)
      tpu.yield
    }) : () -> ()
    return
  }
}

#map = affine_map<(d0, d1) -> (0, 0, 0)>
#map1 = affine_map<(d0, d1) -> (0)>
module attributes {stable_mosaic.version = 14 : i64} {
  func.func @deg_kernel(%arg0: i32, %arg1: i32, %arg2: memref<64x125x80xi32, #tpu.memory_space<hbm>>, %arg3: memref<20480xf32, #tpu.memory_space<hbm>>, %arg4: memref<2x125x80xi32, #tpu.memory_space<vmem>>, %arg5: memref<80xf32, #tpu.memory_space<vmem>>, %arg6: memref<640xf32, #tpu.memory_space<vmem>>, %arg7: memref<!tpu.dma_semaphore, #tpu.memory_space<semaphore_mem>>, %arg8: memref<10240xf32, #tpu.memory_space<vmem_shared>>) attributes {dimension_semantics = [#tpu.dimension_semantics<core_parallel>, #tpu.dimension_semantics<subcore_parallel>], iteration_bounds = array<i64: 2, 16>, scalar_prefetch = 0 : i64, scratch_operands = 5 : i64, tpu.core_type = #tpu.core_type<sc_vector_subcore>, window_params = [{transform_indices = #map}, {transform_indices = #map1}]} {
    %mul3A = arith.constant 16 : i32
    %mul3A_0 = arith.muli %arg0, %mul3A : i32
    %add3A = arith.addi %mul3A_0, %arg1 : i32
    %scan3A = arith.constant 0 : i32
    %scan3A_1 = arith.constant 0 : i32
    %scan3A_2 = arith.constant 40 : i32
    %scan3A_3 = arith.addi %scan3A_1, %scan3A_2 : i32
    %scan3A_4 = arith.constant 1 : i32
    scf.for %scan3A_47 = %scan3A_1 to %scan3A_3 step %scan3A_4  : i32 {
      %broadcast_in_dim3A = arith.constant 0.000000e+00 : f32
      %broadcast_in_dim3A_48 = vector.broadcast %broadcast_in_dim3A : f32 to vector<16xf32>
      %mul3A_49 = arith.constant 16 : i32
      %mul3A_50 = arith.muli %scan3A_47, %mul3A_49 : i32
      %swap3A = arith.index_cast %mul3A_50 : i32 to index
      %swap3A_51 = tpu.vector_load %arg6[%swap3A] {strides = array<i32>} : memref<640xf32, #tpu.memory_space<vmem>>, vector<16xf32>,
      %swap3A_52 = vector.shape_cast %swap3A_51 : vector<16xf32> to vector<16xf32>
      %swap3A_53 = vector.shape_cast %broadcast_in_dim3A_48 : vector<16xf32> to vector<16xf32>
      tpu.vector_store %arg6[%swap3A], %swap3A_53 {strides = array<i32>} : memref<640xf32, #tpu.memory_space<vmem>>, vector<16xf32>,
    }
    %scan3A_5 = arith.constant 40 : i32
    %scan3A_6 = arith.constant 0 : i32
    %scan3A_7 = arith.constant 0 : i32
    %scan3A_8 = arith.constant 5 : i32
    %scan3A_9 = arith.addi %scan3A_7, %scan3A_8 : i32
    %scan3A_10 = arith.constant 1 : i32
    scf.for %scan3A_47 = %scan3A_7 to %scan3A_9 step %scan3A_10  : i32 {
      %broadcast_in_dim3A = arith.constant 1.000000e+00 : f32
      %broadcast_in_dim3A_48 = vector.broadcast %broadcast_in_dim3A : f32 to vector<16xf32>
      %mul3A_49 = arith.constant 16 : i32
      %mul3A_50 = arith.muli %scan3A_47, %mul3A_49 : i32
      %swap3A = arith.index_cast %mul3A_50 : i32 to index
      %swap3A_51 = tpu.vector_load %arg5[%swap3A] {strides = array<i32>} : memref<80xf32, #tpu.memory_space<vmem>>, vector<16xf32>,
      %swap3A_52 = vector.shape_cast %swap3A_51 : vector<16xf32> to vector<16xf32>
      %swap3A_53 = vector.shape_cast %broadcast_in_dim3A_48 : vector<16xf32> to vector<16xf32>
      tpu.vector_store %arg5[%swap3A], %swap3A_53 {strides = array<i32>} : memref<80xf32, #tpu.memory_space<vmem>>, vector<16xf32>,
    }
    %scan3A_11 = arith.constant 5 : i32
    %mul3A_12 = arith.constant 2 : i32
    %mul3A_13 = arith.muli %mul3A_12, %add3A : i32
    %run_scoped3A = arith.constant 0 : i32
    "tpu.region"() ({
      %run_scoped3A_47 = tpu.sem_alloc : memref<!tpu.dma_semaphore, #tpu.memory_space<semaphore_mem>>
      %dma_start3A = arith.constant 0 : i32
      %dma_start3A_48 = arith.constant 0 : i32
      %dma_start3A_49 = tpu.memref_slice %arg4[%run_scoped3A, %dma_start3A, %dma_start3A_48] : memref<2x125x80xi32, #tpu.memory_space<vmem>> -> memref<1x125x80xi32, #tpu.memory_space<vmem>>
      %dma_start3A_50 = tpu.memref_squeeze %dma_start3A_49 : memref<1x125x80xi32, #tpu.memory_space<vmem>> -> memref<125x80xi32, #tpu.memory_space<vmem>>
      %dma_start3A_51 = arith.constant 0 : i32
      %dma_start3A_52 = arith.constant 0 : i32
      %dma_start3A_53 = tpu.memref_slice %arg2[%mul3A_13, %dma_start3A_51, %dma_start3A_52] : memref<64x125x80xi32, #tpu.memory_space<hbm>> -> memref<1x125x80xi32, #tpu.memory_space<hbm>>
      %dma_start3A_54 = tpu.memref_squeeze %dma_start3A_53 : memref<1x125x80xi32, #tpu.memory_space<hbm>> -> memref<125x80xi32, #tpu.memory_space<hbm>>
      %dma_start3A_55 = arith.constant 0 : i32
      %dma_start3A_56 = arith.constant 0 : i32
      %dma_start3A_57 = tpu.memref_slice %arg4[%run_scoped3A, %dma_start3A_55, %dma_start3A_56] : memref<2x125x80xi32, #tpu.memory_space<vmem>> -> memref<1x125x80xi32, #tpu.memory_space<vmem>>
      %dma_start3A_58 = tpu.memref_squeeze %dma_start3A_57 : memref<1x125x80xi32, #tpu.memory_space<vmem>> -> memref<125x80xi32, #tpu.memory_space<vmem>>
      %dma_start3A_59 = arith.constant 0 : i32
      %dma_start3A_60 = arith.constant 0 : i32
      %dma_start3A_61 = tpu.memref_slice %arg2[%mul3A_13, %dma_start3A_59, %dma_start3A_60] : memref<64x125x80xi32, #tpu.memory_space<hbm>> -> memref<1x125x80xi32, #tpu.memory_space<hbm>>
      %dma_start3A_62 = tpu.memref_squeeze %dma_start3A_61 : memref<1x125x80xi32, #tpu.memory_space<hbm>> -> memref<125x80xi32, #tpu.memory_space<hbm>>
      tpu.enqueue_dma source(%dma_start3A_62 : memref<125x80xi32, #tpu.memory_space<hbm>>) target(%dma_start3A_58 : memref<125x80xi32, #tpu.memory_space<vmem>>) target_semaphore(%run_scoped3A_47 : memref<!tpu.dma_semaphore, #tpu.memory_space<semaphore_mem>>)
      %dma_wait3A = arith.constant 0 : i32
      %dma_wait3A_63 = arith.constant 0 : i32
      %dma_wait3A_64 = tpu.memref_slice %arg4[%run_scoped3A, %dma_wait3A, %dma_wait3A_63] : memref<2x125x80xi32, #tpu.memory_space<vmem>> -> memref<1x125x80xi32, #tpu.memory_space<vmem>>
      %dma_wait3A_65 = tpu.memref_squeeze %dma_wait3A_64 : memref<1x125x80xi32, #tpu.memory_space<vmem>> -> memref<125x80xi32, #tpu.memory_space<vmem>>
      %dma_wait3A_66 = arith.constant 0 : i32
      %dma_wait3A_67 = arith.constant 0 : i32
      %dma_wait3A_68 = tpu.memref_slice %arg2[%mul3A_13, %dma_wait3A_66, %dma_wait3A_67] : memref<64x125x80xi32, #tpu.memory_space<hbm>> -> memref<1x125x80xi32, #tpu.memory_space<hbm>>
      %dma_wait3A_69 = tpu.memref_squeeze %dma_wait3A_68 : memref<1x125x80xi32, #tpu.memory_space<hbm>> -> memref<125x80xi32, #tpu.memory_space<hbm>>
      %dma_wait3A_70 = arith.constant 0 : i32
      %dma_wait3A_71 = arith.constant 0 : i32
      %dma_wait3A_72 = tpu.memref_slice %arg4[%run_scoped3A, %dma_wait3A_70, %dma_wait3A_71] : memref<2x125x80xi32, #tpu.memory_space<vmem>> -> memref<1x125x80xi32, #tpu.memory_space<vmem>>
      %dma_wait3A_73 = tpu.memref_squeeze %dma_wait3A_72 : memref<1x125x80xi32, #tpu.memory_space<vmem>> -> memref<125x80xi32, #tpu.memory_space<vmem>>
      %dma_wait3A_74 = arith.constant 0 : i32
      %dma_wait3A_75 = arith.constant 0 : i32
      %dma_wait3A_76 = tpu.memref_slice %arg2[%mul3A_13, %dma_wait3A_74, %dma_wait3A_75] : memref<64x125x80xi32, #tpu.memory_space<hbm>> -> memref<1x125x80xi32, #tpu.memory_space<hbm>>
      %dma_wait3A_77 = tpu.memref_squeeze %dma_wait3A_76 : memref<1x125x80xi32, #tpu.memory_space<hbm>> -> memref<125x80xi32, #tpu.memory_space<hbm>>
      tpu.wait_dma2 semaphore(%run_scoped3A_47 : memref<!tpu.dma_semaphore, #tpu.memory_space<semaphore_mem>>) src(%dma_wait3A_77 : memref<125x80xi32, #tpu.memory_space<hbm>>) dst(%dma_wait3A_73 : memref<125x80xi32, #tpu.memory_space<vmem>>)
      tpu.yield
    }) : () -> ()
    %mul3A_14 = arith.constant 2 : i32
    %mul3A_15 = arith.muli %mul3A_14, %add3A : i32
    %add3A_16 = arith.constant 1 : i32
    %add3A_17 = arith.addi %mul3A_15, %add3A_16 : i32
    %run_scoped3A_18 = arith.constant 1 : i32
    "tpu.region"() ({
      %run_scoped3A_47 = tpu.sem_alloc : memref<!tpu.dma_semaphore, #tpu.memory_space<semaphore_mem>>
      %dma_start3A = arith.constant 0 : i32
      %dma_start3A_48 = arith.constant 0 : i32
      %dma_start3A_49 = tpu.memref_slice %arg4[%run_scoped3A_18, %dma_start3A, %dma_start3A_48] : memref<2x125x80xi32, #tpu.memory_space<vmem>> -> memref<1x125x80xi32, #tpu.memory_space<vmem>>
      %dma_start3A_50 = tpu.memref_squeeze %dma_start3A_49 : memref<1x125x80xi32, #tpu.memory_space<vmem>> -> memref<125x80xi32, #tpu.memory_space<vmem>>
      %dma_start3A_51 = arith.constant 0 : i32
      %dma_start3A_52 = arith.constant 0 : i32
      %dma_start3A_53 = tpu.memref_slice %arg2[%add3A_17, %dma_start3A_51, %dma_start3A_52] : memref<64x125x80xi32, #tpu.memory_space<hbm>> -> memref<1x125x80xi32, #tpu.memory_space<hbm>>
      %dma_start3A_54 = tpu.memref_squeeze %dma_start3A_53 : memref<1x125x80xi32, #tpu.memory_space<hbm>> -> memref<125x80xi32, #tpu.memory_space<hbm>>
      %dma_start3A_55 = arith.constant 0 : i32
      %dma_start3A_56 = arith.constant 0 : i32
      %dma_start3A_57 = tpu.memref_slice %arg4[%run_scoped3A_18, %dma_start3A_55, %dma_start3A_56] : memref<2x125x80xi32, #tpu.memory_space<vmem>> -> memref<1x125x80xi32, #tpu.memory_space<vmem>>
      %dma_start3A_58 = tpu.memref_squeeze %dma_start3A_57 : memref<1x125x80xi32, #tpu.memory_space<vmem>> -> memref<125x80xi32, #tpu.memory_space<vmem>>
      %dma_start3A_59 = arith.constant 0 : i32
      %dma_start3A_60 = arith.constant 0 : i32
      %dma_start3A_61 = tpu.memref_slice %arg2[%add3A_17, %dma_start3A_59, %dma_start3A_60] : memref<64x125x80xi32, #tpu.memory_space<hbm>> -> memref<1x125x80xi32, #tpu.memory_space<hbm>>
      %dma_start3A_62 = tpu.memref_squeeze %dma_start3A_61 : memref<1x125x80xi32, #tpu.memory_space<hbm>> -> memref<125x80xi32, #tpu.memory_space<hbm>>
      tpu.enqueue_dma source(%dma_start3A_62 : memref<125x80xi32, #tpu.memory_space<hbm>>) target(%dma_start3A_58 : memref<125x80xi32, #tpu.memory_space<vmem>>) target_semaphore(%run_scoped3A_47 : memref<!tpu.dma_semaphore, #tpu.memory_space<semaphore_mem>>)
      %dma_wait3A = arith.constant 0 : i32
      %dma_wait3A_63 = arith.constant 0 : i32
      %dma_wait3A_64 = tpu.memref_slice %arg4[%run_scoped3A_18, %dma_wait3A, %dma_wait3A_63] : memref<2x125x80xi32, #tpu.memory_space<vmem>> -> memref<1x125x80xi32, #tpu.memory_space<vmem>>
      %dma_wait3A_65 = tpu.memref_squeeze %dma_wait3A_64 : memref<1x125x80xi32, #tpu.memory_space<vmem>> -> memref<125x80xi32, #tpu.memory_space<vmem>>
      %dma_wait3A_66 = arith.constant 0 : i32
      %dma_wait3A_67 = arith.constant 0 : i32
      %dma_wait3A_68 = tpu.memref_slice %arg2[%add3A_17, %dma_wait3A_66, %dma_wait3A_67] : memref<64x125x80xi32, #tpu.memory_space<hbm>> -> memref<1x125x80xi32, #tpu.memory_space<hbm>>
      %dma_wait3A_69 = tpu.memref_squeeze %dma_wait3A_68 : memref<1x125x80xi32, #tpu.memory_space<hbm>> -> memref<125x80xi32, #tpu.memory_space<hbm>>
      %dma_wait3A_70 = arith.constant 0 : i32
      %dma_wait3A_71 = arith.constant 0 : i32
      %dma_wait3A_72 = tpu.memref_slice %arg4[%run_scoped3A_18, %dma_wait3A_70, %dma_wait3A_71] : memref<2x125x80xi32, #tpu.memory_space<vmem>> -> memref<1x125x80xi32, #tpu.memory_space<vmem>>
      %dma_wait3A_73 = tpu.memref_squeeze %dma_wait3A_72 : memref<1x125x80xi32, #tpu.memory_space<vmem>> -> memref<125x80xi32, #tpu.memory_space<vmem>>
      %dma_wait3A_74 = arith.constant 0 : i32
      %dma_wait3A_75 = arith.constant 0 : i32
      %dma_wait3A_76 = tpu.memref_slice %arg2[%add3A_17, %dma_wait3A_74, %dma_wait3A_75] : memref<64x125x80xi32, #tpu.memory_space<hbm>> -> memref<1x125x80xi32, #tpu.memory_space<hbm>>
      %dma_wait3A_77 = tpu.memref_squeeze %dma_wait3A_76 : memref<1x125x80xi32, #tpu.memory_space<hbm>> -> memref<125x80xi32, #tpu.memory_space<hbm>>
      tpu.wait_dma2 semaphore(%run_scoped3A_47 : memref<!tpu.dma_semaphore, #tpu.memory_space<semaphore_mem>>) src(%dma_wait3A_77 : memref<125x80xi32, #tpu.memory_space<hbm>>) dst(%dma_wait3A_73 : memref<125x80xi32, #tpu.memory_space<vmem>>)
      tpu.yield
    }) : () -> ()
    %mul3A_19 = arith.constant 640 : i32
    %mul3A_20 = arith.muli %arg1, %mul3A_19 : i32
    "tpu.region"() ({
      %run_scoped3A_47 = tpu.sem_alloc : memref<!tpu.dma_semaphore, #tpu.memory_space<semaphore_mem>>
      %dma_start3A = tpu.memref_slice %arg8[%mul3A_20] : memref<10240xf32, #tpu.memory_space<vmem_shared>> -> memref<640xf32, #tpu.memory_space<vmem_shared>>
      %dma_start3A_48 = tpu.memref_slice %arg8[%mul3A_20] : memref<10240xf32, #tpu.memory_space<vmem_shared>> -> memref<640xf32, #tpu.memory_space<vmem_shared>>
      tpu.enqueue_dma source(%arg6 : memref<640xf32, #tpu.memory_space<vmem>>) target(%dma_start3A_48 : memref<640xf32, #tpu.memory_space<vmem_shared>>) target_semaphore(%run_scoped3A_47 : memref<!tpu.dma_semaphore, #tpu.memory_space<semaphore_mem>>)
      %dma_wait3A = tpu.memref_slice %arg8[%mul3A_20] : memref<10240xf32, #tpu.memory_space<vmem_shared>> -> memref<640xf32, #tpu.memory_space<vmem_shared>>
      %dma_wait3A_49 = tpu.memref_slice %arg8[%mul3A_20] : memref<10240xf32, #tpu.memory_space<vmem_shared>> -> memref<640xf32, #tpu.memory_space<vmem_shared>>
      tpu.wait_dma2 semaphore(%run_scoped3A_47 : memref<!tpu.dma_semaphore, #tpu.memory_space<semaphore_mem>>) src(%arg6 : memref<640xf32, #tpu.memory_space<vmem>>) dst(%dma_wait3A_49 : memref<640xf32, #tpu.memory_space<vmem_shared>>)
      tpu.yield
    }) : () -> ()
    %barrier3A = arith.constant 0 : index
    tpu.barrier barrier_id(%barrier3A)
    %scan3A_21 = arith.constant 0 : i32
    %scan3A_22 = arith.constant 0 : i32
    %scan3A_23 = arith.constant 125 : i32
    %scan3A_24 = arith.addi %scan3A_22, %scan3A_23 : i32
    %scan3A_25 = arith.constant 1 : i32
    scf.for %scan3A_47 = %scan3A_22 to %scan3A_24 step %scan3A_25  : i32 {
      %dma_start3A = arith.constant 0 : i32
      %dma_start3A_48 = arith.constant 0 : i32
      %dma_start3A_49 = tpu.memref_slice %arg4[%dma_start3A, %scan3A_47, %dma_start3A_48] : memref<2x125x80xi32, #tpu.memory_space<vmem>> -> memref<1x1x80xi32, #tpu.memory_space<vmem>>
      %dma_start3A_50 = tpu.memref_squeeze %dma_start3A_49 : memref<1x1x80xi32, #tpu.memory_space<vmem>> -> memref<80xi32, #tpu.memory_space<vmem>>
      %dma_start3A_51 = arith.constant 0 : i32
      %dma_start3A_52 = tpu.memref_slice %arg8[%dma_start3A_51] : memref<10240xf32, #tpu.memory_space<vmem_shared>> -> memref<10240xf32, #tpu.memory_space<vmem_shared>>
      tpu.enqueue_indirect_dma source(%arg5 : memref<80xf32, #tpu.memory_space<vmem>>) target(%dma_start3A_52 : memref<10240xf32, #tpu.memory_space<vmem_shared>>) offsets(%dma_start3A_50 : memref<80xi32, #tpu.memory_space<vmem>>) semaphore(%arg7 : memref<!tpu.dma_semaphore, #tpu.memory_space<semaphore_mem>>) {add = true}
    }
    %scan3A_26 = arith.constant 125 : i32
    %scan3A_27 = arith.constant 0 : i32
    %scan3A_28 = arith.constant 0 : i32
    %scan3A_29 = arith.constant 125 : i32
    %scan3A_30 = arith.addi %scan3A_28, %scan3A_29 : i32
    %scan3A_31 = arith.constant 1 : i32
    scf.for %scan3A_47 = %scan3A_28 to %scan3A_30 step %scan3A_31  : i32 {
      %dma_start3A = arith.constant 1 : i32
      %dma_start3A_48 = arith.constant 0 : i32
      %dma_start3A_49 = tpu.memref_slice %arg4[%dma_start3A, %scan3A_47, %dma_start3A_48] : memref<2x125x80xi32, #tpu.memory_space<vmem>> -> memref<1x1x80xi32, #tpu.memory_space<vmem>>
      %dma_start3A_50 = tpu.memref_squeeze %dma_start3A_49 : memref<1x1x80xi32, #tpu.memory_space<vmem>> -> memref<80xi32, #tpu.memory_space<vmem>>
      %dma_start3A_51 = arith.constant 0 : i32
      %dma_start3A_52 = tpu.memref_slice %arg8[%dma_start3A_51] : memref<10240xf32, #tpu.memory_space<vmem_shared>> -> memref<10240xf32, #tpu.memory_space<vmem_shared>>
      tpu.enqueue_indirect_dma source(%arg5 : memref<80xf32, #tpu.memory_space<vmem>>) target(%dma_start3A_52 : memref<10240xf32, #tpu.memory_space<vmem_shared>>) offsets(%dma_start3A_50 : memref<80xi32, #tpu.memory_space<vmem>>) semaphore(%arg7 : memref<!tpu.dma_semaphore, #tpu.memory_space<semaphore_mem>>) {add = true}
    }
    %scan3A_32 = arith.constant 125 : i32
    %scan3A_33 = arith.constant 0 : i32
    %scan3A_34 = arith.constant 0 : i32
    %scan3A_35 = arith.constant 250 : i32
    %scan3A_36 = arith.addi %scan3A_34, %scan3A_35 : i32
    %scan3A_37 = arith.constant 1 : i32
    scf.for %scan3A_47 = %scan3A_34 to %scan3A_36 step %scan3A_37  : i32 {
      %dma_wait3A = arith.constant 0 : i32
      %dma_wait3A_48 = arith.constant 0 : i32
      %dma_wait3A_49 = arith.constant 0 : i32
      %dma_wait3A_50 = tpu.memref_slice %arg4[%dma_wait3A, %dma_wait3A_48, %dma_wait3A_49] : memref<2x125x80xi32, #tpu.memory_space<vmem>> -> memref<1x1x80xi32, #tpu.memory_space<vmem>>
      %dma_wait3A_51 = tpu.memref_squeeze %dma_wait3A_50 : memref<1x1x80xi32, #tpu.memory_space<vmem>> -> memref<80xi32, #tpu.memory_space<vmem>>
      %dma_wait3A_52 = arith.constant 0 : i32
      %dma_wait3A_53 = tpu.memref_slice %arg8[%dma_wait3A_52] : memref<10240xf32, #tpu.memory_space<vmem_shared>> -> memref<10240xf32, #tpu.memory_space<vmem_shared>>
      tpu.wait_indirect_dma semaphore(%arg7 : memref<!tpu.dma_semaphore, #tpu.memory_space<semaphore_mem>>) src(%arg5 : memref<80xf32, #tpu.memory_space<vmem>>) dst(%dma_wait3A_53 : memref<10240xf32, #tpu.memory_space<vmem_shared>>)
    }
    %scan3A_38 = arith.constant 250 : i32
    %barrier3A_39 = arith.constant 0 : index
    tpu.barrier barrier_id(%barrier3A_39)
    %mul3A_40 = arith.constant 640 : i32
    %mul3A_41 = arith.muli %arg1, %mul3A_40 : i32
    %mul3A_42 = arith.constant 10240 : i32
    %mul3A_43 = arith.muli %arg0, %mul3A_42 : i32
    %mul3A_44 = arith.constant 640 : i32
    %mul3A_45 = arith.muli %arg1, %mul3A_44 : i32
    %add3A_46 = arith.addi %mul3A_43, %mul3A_45 : i32
    "tpu.region"() ({
      %run_scoped3A_47 = tpu.sem_alloc : memref<!tpu.dma_semaphore, #tpu.memory_space<semaphore_mem>>
      %dma_start3A = tpu.memref_slice %arg3[%add3A_46] : memref<20480xf32, #tpu.memory_space<hbm>> -> memref<640xf32, #tpu.memory_space<hbm>>
      %dma_start3A_48 = tpu.memref_slice %arg8[%mul3A_41] : memref<10240xf32, #tpu.memory_space<vmem_shared>> -> memref<640xf32, #tpu.memory_space<vmem_shared>>
      tpu.enqueue_dma source(%dma_start3A_48 : memref<640xf32, #tpu.memory_space<vmem_shared>>) target(%dma_start3A : memref<640xf32, #tpu.memory_space<hbm>>) target_semaphore(%run_scoped3A_47 : memref<!tpu.dma_semaphore, #tpu.memory_space<semaphore_mem>>)
      %dma_wait3A = tpu.memref_slice %arg3[%add3A_46] : memref<20480xf32, #tpu.memory_space<hbm>> -> memref<640xf32, #tpu.memory_space<hbm>>
      %dma_wait3A_49 = tpu.memref_slice %arg8[%mul3A_41] : memref<10240xf32, #tpu.memory_space<vmem_shared>> -> memref<640xf32, #tpu.memory_space<vmem_shared>>
      tpu.wait_dma2 semaphore(%run_scoped3A_47 : memref<!tpu.dma_semaphore, #tpu.memory_space<semaphore_mem>>) src(%dma_wait3A_49 : memref<640xf32, #tpu.memory_space<vmem_shared>>) dst(%dma_wait3A : memref<640xf32, #tpu.memory_space<hbm>>)
      tpu.yield
    }) : () -> ()
    return
  }
}

#map = affine_map<(d0, d1) -> (0, 0, 0)>
#map1 = affine_map<(d0, d1) -> (0, 0)>
module attributes {stable_mosaic.version = 14 : i64} {
  func.func @scat_kernel(%arg0: i32, %arg1: i32, %arg2: memref<64x125x80xi32, #tpu.memory_space<hbm>>, %arg3: memref<10000x64xf32, #tpu.memory_space<hbm>>, %arg4: memref<20480x64xf32, #tpu.memory_space<hbm>>, %arg5: memref<6x80xi32, #tpu.memory_space<vmem>>, %arg6: memref<6x80xi32, #tpu.memory_space<vmem>>, %arg7: memref<4x80x64xf32, #tpu.memory_space<vmem>>, %arg8: memref<16x64xf32, #tpu.memory_space<vmem>>, %arg9: memref<!tpu.dma_semaphore, #tpu.memory_space<semaphore_mem>>, %arg10: memref<!tpu.dma_semaphore, #tpu.memory_space<semaphore_mem>>, %arg11: memref<!tpu.dma_semaphore, #tpu.memory_space<semaphore_mem>>, %arg12: memref<10240x64xf32, #tpu.memory_space<vmem_shared>>) attributes {dimension_semantics = [#tpu.dimension_semantics<core_parallel>, #tpu.dimension_semantics<subcore_parallel>], iteration_bounds = array<i64: 2, 16>, scalar_prefetch = 0 : i64, scratch_operands = 8 : i64, tpu.core_type = #tpu.core_type<sc_vector_subcore>, window_params = [{transform_indices = #map}, {transform_indices = #map1}, {transform_indices = #map1}]} {
    %mul3A = arith.constant 16 : i32
    %mul3A_0 = arith.muli %arg0, %mul3A : i32
    %add3A = arith.addi %mul3A_0, %arg1 : i32
    %scan3A = arith.constant 0 : i32
    %scan3A_1 = arith.constant 0 : i32
    %scan3A_2 = arith.constant 64 : i32
    %scan3A_3 = arith.addi %scan3A_1, %scan3A_2 : i32
    %scan3A_4 = arith.constant 1 : i32
    scf.for %scan3A_672 = %scan3A_1 to %scan3A_3 step %scan3A_4  : i32 {
      %broadcast_in_dim3A = arith.constant 0.000000e+00 : f32
      %broadcast_in_dim3A_673 = vector.broadcast %broadcast_in_dim3A : f32 to vector<16xf32>
      %jit3A = arith.constant 4 : i32
      %div3A = arith.divsi %scan3A_672, %jit3A : i32
      %sign3A = arith.constant 0 : i32
      %sign3A_674 = arith.cmpi sgt, %scan3A_672, %sign3A : i32
      %sign3A_675 = arith.extui %sign3A_674 : i1 to i32
      %sign3A_676 = arith.constant 0 : i32
      %sign3A_677 = arith.cmpi slt, %scan3A_672, %sign3A_676 : i32
      %sign3A_678 = arith.extui %sign3A_677 : i1 to i32
      %sign3A_679 = arith.subi %sign3A_675, %sign3A_678 : i32
      %sign3A_680 = arith.constant 0 : i32
      %sign3A_681 = arith.cmpi sgt, %jit3A, %sign3A_680 : i32
      %sign3A_682 = arith.extui %sign3A_681 : i1 to i32
      %sign3A_683 = arith.constant 0 : i32
      %sign3A_684 = arith.cmpi slt, %jit3A, %sign3A_683 : i32
      %sign3A_685 = arith.extui %sign3A_684 : i1 to i32
      %sign3A_686 = arith.subi %sign3A_682, %sign3A_685 : i32
      %ne3A = arith.cmpi ne, %sign3A_679, %sign3A_686 : i32
      %rem3A = arith.remsi %scan3A_672, %jit3A : i32
      %ne3A_687 = arith.constant 0 : i32
      %ne3A_688 = arith.cmpi ne, %rem3A, %ne3A_687 : i32
      %and3A = arith.andi %ne3A, %ne3A_688 : i1
      %sub3A = arith.constant 1 : i32
      %sub3A_689 = arith.subi %div3A, %sub3A : i32
      %select_n3A = arith.select %and3A, %sub3A_689, %div3A : i32
      %jit3A_690 = arith.constant 4 : i32
      %eq3A = arith.constant 0 : i32
      %eq3A_691 = arith.cmpi eq, %jit3A_690, %eq3A : i32
      %jit3A_692 = arith.constant 1 : i32
      %select_n3A_693 = arith.select %eq3A_691, %jit3A_692, %jit3A_690 : i32
      %rem3A_694 = arith.remsi %scan3A_672, %select_n3A_693 : i32
      %ne3A_695 = arith.constant 0 : i32
      %ne3A_696 = arith.cmpi ne, %rem3A_694, %ne3A_695 : i32
      %lt3A = arith.constant 0 : i32
      %lt3A_697 = arith.cmpi slt, %rem3A_694, %lt3A : i32
      %lt3A_698 = arith.constant 0 : i32
      %lt3A_699 = arith.cmpi slt, %select_n3A_693, %lt3A_698 : i32
      %ne3A_700 = arith.xori %lt3A_697, %lt3A_699 : i1
      %and3A_701 = arith.andi %ne3A_700, %ne3A_696 : i1
      %add3A_702 = arith.addi %rem3A_694, %select_n3A_693 : i32
      %select_n3A_703 = arith.select %and3A_701, %add3A_702, %rem3A_694 : i32
      %mul3A_704 = arith.constant 16 : i32
      %mul3A_705 = arith.muli %select_n3A_703, %mul3A_704 : i32
      %swap3A = arith.index_cast %select_n3A : i32 to index
      %swap3A_706 = arith.index_cast %mul3A_705 : i32 to index
      %swap3A_707 = tpu.vector_load %arg8[%swap3A, %swap3A_706] {strides = array<i32>} : memref<16x64xf32, #tpu.memory_space<vmem>>, vector<1x16xf32>,
      %swap3A_708 = vector.shape_cast %swap3A_707 : vector<1x16xf32> to vector<16xf32>
      %swap3A_709 = vector.shape_cast %broadcast_in_dim3A_673 : vector<16xf32> to vector<1x16xf32>
      tpu.vector_store %arg8[%swap3A, %swap3A_706], %swap3A_709 {strides = array<i32>} : memref<16x64xf32, #tpu.memory_space<vmem>>, vector<1x16xf32>,
    }
    %scan3A_5 = arith.constant 64 : i32
    %scan3A_6 = arith.constant 0 : i32
    %scan3A_7 = arith.constant 0 : i32
    %scan3A_8 = arith.constant 40 : i32
    %scan3A_9 = arith.addi %scan3A_7, %scan3A_8 : i32
    %scan3A_10 = arith.constant 1 : i32
    scf.for %scan3A_672 = %scan3A_7 to %scan3A_9 step %scan3A_10  : i32 {
      %mul3A_673 = arith.constant 640 : i32
      %mul3A_674 = arith.muli %arg1, %mul3A_673 : i32
      %mul3A_675 = arith.constant 16 : i32
      %mul3A_676 = arith.muli %scan3A_672, %mul3A_675 : i32
      %add3A_677 = arith.addi %mul3A_674, %mul3A_676 : i32
      "tpu.region"() ({
        %run_scoped3A = tpu.sem_alloc : memref<!tpu.dma_semaphore, #tpu.memory_space<semaphore_mem>>
        %dma_start3A_678 = arith.constant 0 : i32
        %dma_start3A_679 = tpu.memref_slice %arg12[%add3A_677, %dma_start3A_678] : memref<10240x64xf32, #tpu.memory_space<vmem_shared>> -> memref<16x64xf32, #tpu.memory_space<vmem_shared>>
        %dma_start3A_680 = arith.constant 0 : i32
        %dma_start3A_681 = tpu.memref_slice %arg12[%add3A_677, %dma_start3A_680] : memref<10240x64xf32, #tpu.memory_space<vmem_shared>> -> memref<16x64xf32, #tpu.memory_space<vmem_shared>>
        tpu.enqueue_dma source(%arg8 : memref<16x64xf32, #tpu.memory_space<vmem>>) target(%dma_start3A_681 : memref<16x64xf32, #tpu.memory_space<vmem_shared>>) target_semaphore(%run_scoped3A : memref<!tpu.dma_semaphore, #tpu.memory_space<semaphore_mem>>)
        %dma_wait3A_682 = arith.constant 0 : i32
        %dma_wait3A_683 = tpu.memref_slice %arg12[%add3A_677, %dma_wait3A_682] : memref<10240x64xf32, #tpu.memory_space<vmem_shared>> -> memref<16x64xf32, #tpu.memory_space<vmem_shared>>
        %dma_wait3A_684 = arith.constant 0 : i32
        %dma_wait3A_685 = tpu.memref_slice %arg12[%add3A_677, %dma_wait3A_684] : memref<10240x64xf32, #tpu.memory_space<vmem_shared>> -> memref<16x64xf32, #tpu.memory_space<vmem_shared>>
        tpu.wait_dma2 semaphore(%run_scoped3A : memref<!tpu.dma_semaphore, #tpu.memory_space<semaphore_mem>>) src(%arg8 : memref<16x64xf32, #tpu.memory_space<vmem>>) dst(%dma_wait3A_685 : memref<16x64xf32, #tpu.memory_space<vmem_shared>>)
        tpu.yield
      }) : () -> ()
    }
    %scan3A_11 = arith.constant 40 : i32
    %barrier3A = arith.constant 0 : index
    tpu.barrier barrier_id(%barrier3A)
    %dma_start3A = arith.constant 0 : i32
    %dma_start3A_12 = arith.constant 0 : i32
    %dma_start3A_13 = arith.constant 0 : i32
    %dma_start3A_14 = tpu.memref_slice %arg5[%dma_start3A_12, %dma_start3A_13] : memref<6x80xi32, #tpu.memory_space<vmem>> -> memref<1x80xi32, #tpu.memory_space<vmem>>
    %dma_start3A_15 = tpu.memref_squeeze %dma_start3A_14 : memref<1x80xi32, #tpu.memory_space<vmem>> -> memref<80xi32, #tpu.memory_space<vmem>>
    %dma_start3A_16 = arith.constant 0 : i32
    %dma_start3A_17 = tpu.memref_slice %arg2[%add3A, %dma_start3A, %dma_start3A_16] : memref<64x125x80xi32, #tpu.memory_space<hbm>> -> memref<1x1x80xi32, #tpu.memory_space<hbm>>
    %dma_start3A_18 = tpu.memref_squeeze %dma_start3A_17 : memref<1x1x80xi32, #tpu.memory_space<hbm>> -> memref<80xi32, #tpu.memory_space<hbm>>
    %dma_start3A_19 = arith.constant 0 : i32
    %dma_start3A_20 = tpu.memref_slice %arg5[%dma_start3A_12, %dma_start3A_19] : memref<6x80xi32, #tpu.memory_space<vmem>> -> memref<1x80xi32, #tpu.memory_space<vmem>>
    %dma_start3A_21 = tpu.memref_squeeze %dma_start3A_20 : memref<1x80xi32, #tpu.memory_space<vmem>> -> memref<80xi32, #tpu.memory_space<vmem>>
    %dma_start3A_22 = arith.constant 0 : i32
    %dma_start3A_23 = tpu.memref_slice %arg2[%add3A, %dma_start3A, %dma_start3A_22] : memref<64x125x80xi32, #tpu.memory_space<hbm>> -> memref<1x1x80xi32, #tpu.memory_space<hbm>>
    %dma_start3A_24 = tpu.memref_squeeze %dma_start3A_23 : memref<1x1x80xi32, #tpu.memory_space<hbm>> -> memref<80xi32, #tpu.memory_space<hbm>>
    tpu.enqueue_dma source(%dma_start3A_24 : memref<80xi32, #tpu.memory_space<hbm>>) target(%dma_start3A_21 : memref<80xi32, #tpu.memory_space<vmem>>) target_semaphore(%arg9 : memref<!tpu.dma_semaphore, #tpu.memory_space<semaphore_mem>>)
    %add3A_25 = arith.constant 32 : i32
    %add3A_26 = arith.addi %add3A_25, %add3A : i32
    %dma_start3A_27 = arith.constant 0 : i32
    %dma_start3A_28 = arith.constant 0 : i32
    %dma_start3A_29 = arith.constant 0 : i32
    %dma_start3A_30 = tpu.memref_slice %arg6[%dma_start3A_28, %dma_start3A_29] : memref<6x80xi32, #tpu.memory_space<vmem>> -> memref<1x80xi32, #tpu.memory_space<vmem>>
    %dma_start3A_31 = tpu.memref_squeeze %dma_start3A_30 : memref<1x80xi32, #tpu.memory_space<vmem>> -> memref<80xi32, #tpu.memory_space<vmem>>
    %dma_start3A_32 = arith.constant 0 : i32
    %dma_start3A_33 = tpu.memref_slice %arg2[%add3A_26, %dma_start3A_27, %dma_start3A_32] : memref<64x125x80xi32, #tpu.memory_space<hbm>> -> memref<1x1x80xi32, #tpu.memory_space<hbm>>
    %dma_start3A_34 = tpu.memref_squeeze %dma_start3A_33 : memref<1x1x80xi32, #tpu.memory_space<hbm>> -> memref<80xi32, #tpu.memory_space<hbm>>
    %dma_start3A_35 = arith.constant 0 : i32
    %dma_start3A_36 = tpu.memref_slice %arg6[%dma_start3A_28, %dma_start3A_35] : memref<6x80xi32, #tpu.memory_space<vmem>> -> memref<1x80xi32, #tpu.memory_space<vmem>>
    %dma_start3A_37 = tpu.memref_squeeze %dma_start3A_36 : memref<1x80xi32, #tpu.memory_space<vmem>> -> memref<80xi32, #tpu.memory_space<vmem>>
    %dma_start3A_38 = arith.constant 0 : i32
    %dma_start3A_39 = tpu.memref_slice %arg2[%add3A_26, %dma_start3A_27, %dma_start3A_38] : memref<64x125x80xi32, #tpu.memory_space<hbm>> -> memref<1x1x80xi32, #tpu.memory_space<hbm>>
    %dma_start3A_40 = tpu.memref_squeeze %dma_start3A_39 : memref<1x1x80xi32, #tpu.memory_space<hbm>> -> memref<80xi32, #tpu.memory_space<hbm>>
    tpu.enqueue_dma source(%dma_start3A_40 : memref<80xi32, #tpu.memory_space<hbm>>) target(%dma_start3A_37 : memref<80xi32, #tpu.memory_space<vmem>>) target_semaphore(%arg9 : memref<!tpu.dma_semaphore, #tpu.memory_space<semaphore_mem>>)
    %dma_start3A_41 = arith.constant 1 : i32
    %dma_start3A_42 = arith.constant 1 : i32
    %dma_start3A_43 = arith.constant 0 : i32
    %dma_start3A_44 = tpu.memref_slice %arg5[%dma_start3A_42, %dma_start3A_43] : memref<6x80xi32, #tpu.memory_space<vmem>> -> memref<1x80xi32, #tpu.memory_space<vmem>>
    %dma_start3A_45 = tpu.memref_squeeze %dma_start3A_44 : memref<1x80xi32, #tpu.memory_space<vmem>> -> memref<80xi32, #tpu.memory_space<vmem>>
    %dma_start3A_46 = arith.constant 0 : i32
    %dma_start3A_47 = tpu.memref_slice %arg2[%add3A, %dma_start3A_41, %dma_start3A_46] : memref<64x125x80xi32, #tpu.memory_space<hbm>> -> memref<1x1x80xi32, #tpu.memory_space<hbm>>
    %dma_start3A_48 = tpu.memref_squeeze %dma_start3A_47 : memref<1x1x80xi32, #tpu.memory_space<hbm>> -> memref<80xi32, #tpu.memory_space<hbm>>
    %dma_start3A_49 = arith.constant 0 : i32
    %dma_start3A_50 = tpu.memref_slice %arg5[%dma_start3A_42, %dma_start3A_49] : memref<6x80xi32, #tpu.memory_space<vmem>> -> memref<1x80xi32, #tpu.memory_space<vmem>>
    %dma_start3A_51 = tpu.memref_squeeze %dma_start3A_50 : memref<1x80xi32, #tpu.memory_space<vmem>> -> memref<80xi32, #tpu.memory_space<vmem>>
    %dma_start3A_52 = arith.constant 0 : i32
    %dma_start3A_53 = tpu.memref_slice %arg2[%add3A, %dma_start3A_41, %dma_start3A_52] : memref<64x125x80xi32, #tpu.memory_space<hbm>> -> memref<1x1x80xi32, #tpu.memory_space<hbm>>
    %dma_start3A_54 = tpu.memref_squeeze %dma_start3A_53 : memref<1x1x80xi32, #tpu.memory_space<hbm>> -> memref<80xi32, #tpu.memory_space<hbm>>
    tpu.enqueue_dma source(%dma_start3A_54 : memref<80xi32, #tpu.memory_space<hbm>>) target(%dma_start3A_51 : memref<80xi32, #tpu.memory_space<vmem>>) target_semaphore(%arg9 : memref<!tpu.dma_semaphore, #tpu.memory_space<semaphore_mem>>)
    %add3A_55 = arith.constant 32 : i32
    %add3A_56 = arith.addi %add3A_55, %add3A : i32
    %dma_start3A_57 = arith.constant 1 : i32
    %dma_start3A_58 = arith.constant 1 : i32
    %dma_start3A_59 = arith.constant 0 : i32
    %dma_start3A_60 = tpu.memref_slice %arg6[%dma_start3A_58, %dma_start3A_59] : memref<6x80xi32, #tpu.memory_space<vmem>> -> memref<1x80xi32, #tpu.memory_space<vmem>>
    %dma_start3A_61 = tpu.memref_squeeze %dma_start3A_60 : memref<1x80xi32, #tpu.memory_space<vmem>> -> memref<80xi32, #tpu.memory_space<vmem>>
    %dma_start3A_62 = arith.constant 0 : i32
    %dma_start3A_63 = tpu.memref_slice %arg2[%add3A_56, %dma_start3A_57, %dma_start3A_62] : memref<64x125x80xi32, #tpu.memory_space<hbm>> -> memref<1x1x80xi32, #tpu.memory_space<hbm>>
    %dma_start3A_64 = tpu.memref_squeeze %dma_start3A_63 : memref<1x1x80xi32, #tpu.memory_space<hbm>> -> memref<80xi32, #tpu.memory_space<hbm>>
    %dma_start3A_65 = arith.constant 0 : i32
    %dma_start3A_66 = tpu.memref_slice %arg6[%dma_start3A_58, %dma_start3A_65] : memref<6x80xi32, #tpu.memory_space<vmem>> -> memref<1x80xi32, #tpu.memory_space<vmem>>
    %dma_start3A_67 = tpu.memref_squeeze %dma_start3A_66 : memref<1x80xi32, #tpu.memory_space<vmem>> -> memref<80xi32, #tpu.memory_space<vmem>>
    %dma_start3A_68 = arith.constant 0 : i32
    %dma_start3A_69 = tpu.memref_slice %arg2[%add3A_56, %dma_start3A_57, %dma_start3A_68] : memref<64x125x80xi32, #tpu.memory_space<hbm>> -> memref<1x1x80xi32, #tpu.memory_space<hbm>>
    %dma_start3A_70 = tpu.memref_squeeze %dma_start3A_69 : memref<1x1x80xi32, #tpu.memory_space<hbm>> -> memref<80xi32, #tpu.memory_space<hbm>>
    tpu.enqueue_dma source(%dma_start3A_70 : memref<80xi32, #tpu.memory_space<hbm>>) target(%dma_start3A_67 : memref<80xi32, #tpu.memory_space<vmem>>) target_semaphore(%arg9 : memref<!tpu.dma_semaphore, #tpu.memory_space<semaphore_mem>>)
    %dma_start3A_71 = arith.constant 2 : i32
    %dma_start3A_72 = arith.constant 2 : i32
    %dma_start3A_73 = arith.constant 0 : i32
    %dma_start3A_74 = tpu.memref_slice %arg5[%dma_start3A_72, %dma_start3A_73] : memref<6x80xi32, #tpu.memory_space<vmem>> -> memref<1x80xi32, #tpu.memory_space<vmem>>
    %dma_start3A_75 = tpu.memref_squeeze %dma_start3A_74 : memref<1x80xi32, #tpu.memory_space<vmem>> -> memref<80xi32, #tpu.memory_space<vmem>>
    %dma_start3A_76 = arith.constant 0 : i32
    %dma_start3A_77 = tpu.memref_slice %arg2[%add3A, %dma_start3A_71, %dma_start3A_76] : memref<64x125x80xi32, #tpu.memory_space<hbm>> -> memref<1x1x80xi32, #tpu.memory_space<hbm>>
    %dma_start3A_78 = tpu.memref_squeeze %dma_start3A_77 : memref<1x1x80xi32, #tpu.memory_space<hbm>> -> memref<80xi32, #tpu.memory_space<hbm>>
    %dma_start3A_79 = arith.constant 0 : i32
    %dma_start3A_80 = tpu.memref_slice %arg5[%dma_start3A_72, %dma_start3A_79] : memref<6x80xi32, #tpu.memory_space<vmem>> -> memref<1x80xi32, #tpu.memory_space<vmem>>
    %dma_start3A_81 = tpu.memref_squeeze %dma_start3A_80 : memref<1x80xi32, #tpu.memory_space<vmem>> -> memref<80xi32, #tpu.memory_space<vmem>>
    %dma_start3A_82 = arith.constant 0 : i32
    %dma_start3A_83 = tpu.memref_slice %arg2[%add3A, %dma_start3A_71, %dma_start3A_82] : memref<64x125x80xi32, #tpu.memory_space<hbm>> -> memref<1x1x80xi32, #tpu.memory_space<hbm>>
    %dma_start3A_84 = tpu.memref_squeeze %dma_start3A_83 : memref<1x1x80xi32, #tpu.memory_space<hbm>> -> memref<80xi32, #tpu.memory_space<hbm>>
    tpu.enqueue_dma source(%dma_start3A_84 : memref<80xi32, #tpu.memory_space<hbm>>) target(%dma_start3A_81 : memref<80xi32, #tpu.memory_space<vmem>>) target_semaphore(%arg9 : memref<!tpu.dma_semaphore, #tpu.memory_space<semaphore_mem>>)
    %add3A_85 = arith.constant 32 : i32
    %add3A_86 = arith.addi %add3A_85, %add3A : i32
    %dma_start3A_87 = arith.constant 2 : i32
    %dma_start3A_88 = arith.constant 2 : i32
    %dma_start3A_89 = arith.constant 0 : i32
    %dma_start3A_90 = tpu.memref_slice %arg6[%dma_start3A_88, %dma_start3A_89] : memref<6x80xi32, #tpu.memory_space<vmem>> -> memref<1x80xi32, #tpu.memory_space<vmem>>
    %dma_start3A_91 = tpu.memref_squeeze %dma_start3A_90 : memref<1x80xi32, #tpu.memory_space<vmem>> -> memref<80xi32, #tpu.memory_space<vmem>>
    %dma_start3A_92 = arith.constant 0 : i32
    %dma_start3A_93 = tpu.memref_slice %arg2[%add3A_86, %dma_start3A_87, %dma_start3A_92] : memref<64x125x80xi32, #tpu.memory_space<hbm>> -> memref<1x1x80xi32, #tpu.memory_space<hbm>>
    %dma_start3A_94 = tpu.memref_squeeze %dma_start3A_93 : memref<1x1x80xi32, #tpu.memory_space<hbm>> -> memref<80xi32, #tpu.memory_space<hbm>>
    %dma_start3A_95 = arith.constant 0 : i32
    %dma_start3A_96 = tpu.memref_slice %arg6[%dma_start3A_88, %dma_start3A_95] : memref<6x80xi32, #tpu.memory_space<vmem>> -> memref<1x80xi32, #tpu.memory_space<vmem>>
    %dma_start3A_97 = tpu.memref_squeeze %dma_start3A_96 : memref<1x80xi32, #tpu.memory_space<vmem>> -> memref<80xi32, #tpu.memory_space<vmem>>
    %dma_start3A_98 = arith.constant 0 : i32
    %dma_start3A_99 = tpu.memref_slice %arg2[%add3A_86, %dma_start3A_87, %dma_start3A_98] : memref<64x125x80xi32, #tpu.memory_space<hbm>> -> memref<1x1x80xi32, #tpu.memory_space<hbm>>
    %dma_start3A_100 = tpu.memref_squeeze %dma_start3A_99 : memref<1x1x80xi32, #tpu.memory_space<hbm>> -> memref<80xi32, #tpu.memory_space<hbm>>
    tpu.enqueue_dma source(%dma_start3A_100 : memref<80xi32, #tpu.memory_space<hbm>>) target(%dma_start3A_97 : memref<80xi32, #tpu.memory_space<vmem>>) target_semaphore(%arg9 : memref<!tpu.dma_semaphore, #tpu.memory_space<semaphore_mem>>)
    %dma_start3A_101 = arith.constant 3 : i32
    %dma_start3A_102 = arith.constant 3 : i32
    %dma_start3A_103 = arith.constant 0 : i32
    %dma_start3A_104 = tpu.memref_slice %arg5[%dma_start3A_102, %dma_start3A_103] : memref<6x80xi32, #tpu.memory_space<vmem>> -> memref<1x80xi32, #tpu.memory_space<vmem>>
    %dma_start3A_105 = tpu.memref_squeeze %dma_start3A_104 : memref<1x80xi32, #tpu.memory_space<vmem>> -> memref<80xi32, #tpu.memory_space<vmem>>
    %dma_start3A_106 = arith.constant 0 : i32
    %dma_start3A_107 = tpu.memref_slice %arg2[%add3A, %dma_start3A_101, %dma_start3A_106] : memref<64x125x80xi32, #tpu.memory_space<hbm>> -> memref<1x1x80xi32, #tpu.memory_space<hbm>>
    %dma_start3A_108 = tpu.memref_squeeze %dma_start3A_107 : memref<1x1x80xi32, #tpu.memory_space<hbm>> -> memref<80xi32, #tpu.memory_space<hbm>>
    %dma_start3A_109 = arith.constant 0 : i32
    %dma_start3A_110 = tpu.memref_slice %arg5[%dma_start3A_102, %dma_start3A_109] : memref<6x80xi32, #tpu.memory_space<vmem>> -> memref<1x80xi32, #tpu.memory_space<vmem>>
    %dma_start3A_111 = tpu.memref_squeeze %dma_start3A_110 : memref<1x80xi32, #tpu.memory_space<vmem>> -> memref<80xi32, #tpu.memory_space<vmem>>
    %dma_start3A_112 = arith.constant 0 : i32
    %dma_start3A_113 = tpu.memref_slice %arg2[%add3A, %dma_start3A_101, %dma_start3A_112] : memref<64x125x80xi32, #tpu.memory_space<hbm>> -> memref<1x1x80xi32, #tpu.memory_space<hbm>>
    %dma_start3A_114 = tpu.memref_squeeze %dma_start3A_113 : memref<1x1x80xi32, #tpu.memory_space<hbm>> -> memref<80xi32, #tpu.memory_space<hbm>>
    tpu.enqueue_dma source(%dma_start3A_114 : memref<80xi32, #tpu.memory_space<hbm>>) target(%dma_start3A_111 : memref<80xi32, #tpu.memory_space<vmem>>) target_semaphore(%arg9 : memref<!tpu.dma_semaphore, #tpu.memory_space<semaphore_mem>>)
    %add3A_115 = arith.constant 32 : i32
    %add3A_116 = arith.addi %add3A_115, %add3A : i32
    %dma_start3A_117 = arith.constant 3 : i32
    %dma_start3A_118 = arith.constant 3 : i32
    %dma_start3A_119 = arith.constant 0 : i32
    %dma_start3A_120 = tpu.memref_slice %arg6[%dma_start3A_118, %dma_start3A_119] : memref<6x80xi32, #tpu.memory_space<vmem>> -> memref<1x80xi32, #tpu.memory_space<vmem>>
    %dma_start3A_121 = tpu.memref_squeeze %dma_start3A_120 : memref<1x80xi32, #tpu.memory_space<vmem>> -> memref<80xi32, #tpu.memory_space<vmem>>
    %dma_start3A_122 = arith.constant 0 : i32
    %dma_start3A_123 = tpu.memref_slice %arg2[%add3A_116, %dma_start3A_117, %dma_start3A_122] : memref<64x125x80xi32, #tpu.memory_space<hbm>> -> memref<1x1x80xi32, #tpu.memory_space<hbm>>
    %dma_start3A_124 = tpu.memref_squeeze %dma_start3A_123 : memref<1x1x80xi32, #tpu.memory_space<hbm>> -> memref<80xi32, #tpu.memory_space<hbm>>
    %dma_start3A_125 = arith.constant 0 : i32
    %dma_start3A_126 = tpu.memref_slice %arg6[%dma_start3A_118, %dma_start3A_125] : memref<6x80xi32, #tpu.memory_space<vmem>> -> memref<1x80xi32, #tpu.memory_space<vmem>>
    %dma_start3A_127 = tpu.memref_squeeze %dma_start3A_126 : memref<1x80xi32, #tpu.memory_space<vmem>> -> memref<80xi32, #tpu.memory_space<vmem>>
    %dma_start3A_128 = arith.constant 0 : i32
    %dma_start3A_129 = tpu.memref_slice %arg2[%add3A_116, %dma_start3A_117, %dma_start3A_128] : memref<64x125x80xi32, #tpu.memory_space<hbm>> -> memref<1x1x80xi32, #tpu.memory_space<hbm>>
    %dma_start3A_130 = tpu.memref_squeeze %dma_start3A_129 : memref<1x1x80xi32, #tpu.memory_space<hbm>> -> memref<80xi32, #tpu.memory_space<hbm>>
    tpu.enqueue_dma source(%dma_start3A_130 : memref<80xi32, #tpu.memory_space<hbm>>) target(%dma_start3A_127 : memref<80xi32, #tpu.memory_space<vmem>>) target_semaphore(%arg9 : memref<!tpu.dma_semaphore, #tpu.memory_space<semaphore_mem>>)
    %dma_start3A_131 = arith.constant 4 : i32
    %dma_start3A_132 = arith.constant 4 : i32
    %dma_start3A_133 = arith.constant 0 : i32
    %dma_start3A_134 = tpu.memref_slice %arg5[%dma_start3A_132, %dma_start3A_133] : memref<6x80xi32, #tpu.memory_space<vmem>> -> memref<1x80xi32, #tpu.memory_space<vmem>>
    %dma_start3A_135 = tpu.memref_squeeze %dma_start3A_134 : memref<1x80xi32, #tpu.memory_space<vmem>> -> memref<80xi32, #tpu.memory_space<vmem>>
    %dma_start3A_136 = arith.constant 0 : i32
    %dma_start3A_137 = tpu.memref_slice %arg2[%add3A, %dma_start3A_131, %dma_start3A_136] : memref<64x125x80xi32, #tpu.memory_space<hbm>> -> memref<1x1x80xi32, #tpu.memory_space<hbm>>
    %dma_start3A_138 = tpu.memref_squeeze %dma_start3A_137 : memref<1x1x80xi32, #tpu.memory_space<hbm>> -> memref<80xi32, #tpu.memory_space<hbm>>
    %dma_start3A_139 = arith.constant 0 : i32
    %dma_start3A_140 = tpu.memref_slice %arg5[%dma_start3A_132, %dma_start3A_139] : memref<6x80xi32, #tpu.memory_space<vmem>> -> memref<1x80xi32, #tpu.memory_space<vmem>>
    %dma_start3A_141 = tpu.memref_squeeze %dma_start3A_140 : memref<1x80xi32, #tpu.memory_space<vmem>> -> memref<80xi32, #tpu.memory_space<vmem>>
    %dma_start3A_142 = arith.constant 0 : i32
    %dma_start3A_143 = tpu.memref_slice %arg2[%add3A, %dma_start3A_131, %dma_start3A_142] : memref<64x125x80xi32, #tpu.memory_space<hbm>> -> memref<1x1x80xi32, #tpu.memory_space<hbm>>
    %dma_start3A_144 = tpu.memref_squeeze %dma_start3A_143 : memref<1x1x80xi32, #tpu.memory_space<hbm>> -> memref<80xi32, #tpu.memory_space<hbm>>
    tpu.enqueue_dma source(%dma_start3A_144 : memref<80xi32, #tpu.memory_space<hbm>>) target(%dma_start3A_141 : memref<80xi32, #tpu.memory_space<vmem>>) target_semaphore(%arg9 : memref<!tpu.dma_semaphore, #tpu.memory_space<semaphore_mem>>)
    %add3A_145 = arith.constant 32 : i32
    %add3A_146 = arith.addi %add3A_145, %add3A : i32
    %dma_start3A_147 = arith.constant 4 : i32
    %dma_start3A_148 = arith.constant 4 : i32
    %dma_start3A_149 = arith.constant 0 : i32
    %dma_start3A_150 = tpu.memref_slice %arg6[%dma_start3A_148, %dma_start3A_149] : memref<6x80xi32, #tpu.memory_space<vmem>> -> memref<1x80xi32, #tpu.memory_space<vmem>>
    %dma_start3A_151 = tpu.memref_squeeze %dma_start3A_150 : memref<1x80xi32, #tpu.memory_space<vmem>> -> memref<80xi32, #tpu.memory_space<vmem>>
    %dma_start3A_152 = arith.constant 0 : i32
    %dma_start3A_153 = tpu.memref_slice %arg2[%add3A_146, %dma_start3A_147, %dma_start3A_152] : memref<64x125x80xi32, #tpu.memory_space<hbm>> -> memref<1x1x80xi32, #tpu.memory_space<hbm>>
    %dma_start3A_154 = tpu.memref_squeeze %dma_start3A_153 : memref<1x1x80xi32, #tpu.memory_space<hbm>> -> memref<80xi32, #tpu.memory_space<hbm>>
    %dma_start3A_155 = arith.constant 0 : i32
    %dma_start3A_156 = tpu.memref_slice %arg6[%dma_start3A_148, %dma_start3A_155] : memref<6x80xi32, #tpu.memory_space<vmem>> -> memref<1x80xi32, #tpu.memory_space<vmem>>
    %dma_start3A_157 = tpu.memref_squeeze %dma_start3A_156 : memref<1x80xi32, #tpu.memory_space<vmem>> -> memref<80xi32, #tpu.memory_space<vmem>>
    %dma_start3A_158 = arith.constant 0 : i32
    %dma_start3A_159 = tpu.memref_slice %arg2[%add3A_146, %dma_start3A_147, %dma_start3A_158] : memref<64x125x80xi32, #tpu.memory_space<hbm>> -> memref<1x1x80xi32, #tpu.memory_space<hbm>>
    %dma_start3A_160 = tpu.memref_squeeze %dma_start3A_159 : memref<1x1x80xi32, #tpu.memory_space<hbm>> -> memref<80xi32, #tpu.memory_space<hbm>>
    tpu.enqueue_dma source(%dma_start3A_160 : memref<80xi32, #tpu.memory_space<hbm>>) target(%dma_start3A_157 : memref<80xi32, #tpu.memory_space<vmem>>) target_semaphore(%arg9 : memref<!tpu.dma_semaphore, #tpu.memory_space<semaphore_mem>>)
    %dma_start3A_161 = arith.constant 5 : i32
    %dma_start3A_162 = arith.constant 5 : i32
    %dma_start3A_163 = arith.constant 0 : i32
    %dma_start3A_164 = tpu.memref_slice %arg5[%dma_start3A_162, %dma_start3A_163] : memref<6x80xi32, #tpu.memory_space<vmem>> -> memref<1x80xi32, #tpu.memory_space<vmem>>
    %dma_start3A_165 = tpu.memref_squeeze %dma_start3A_164 : memref<1x80xi32, #tpu.memory_space<vmem>> -> memref<80xi32, #tpu.memory_space<vmem>>
    %dma_start3A_166 = arith.constant 0 : i32
    %dma_start3A_167 = tpu.memref_slice %arg2[%add3A, %dma_start3A_161, %dma_start3A_166] : memref<64x125x80xi32, #tpu.memory_space<hbm>> -> memref<1x1x80xi32, #tpu.memory_space<hbm>>
    %dma_start3A_168 = tpu.memref_squeeze %dma_start3A_167 : memref<1x1x80xi32, #tpu.memory_space<hbm>> -> memref<80xi32, #tpu.memory_space<hbm>>
    %dma_start3A_169 = arith.constant 0 : i32
    %dma_start3A_170 = tpu.memref_slice %arg5[%dma_start3A_162, %dma_start3A_169] : memref<6x80xi32, #tpu.memory_space<vmem>> -> memref<1x80xi32, #tpu.memory_space<vmem>>
    %dma_start3A_171 = tpu.memref_squeeze %dma_start3A_170 : memref<1x80xi32, #tpu.memory_space<vmem>> -> memref<80xi32, #tpu.memory_space<vmem>>
    %dma_start3A_172 = arith.constant 0 : i32
    %dma_start3A_173 = tpu.memref_slice %arg2[%add3A, %dma_start3A_161, %dma_start3A_172] : memref<64x125x80xi32, #tpu.memory_space<hbm>> -> memref<1x1x80xi32, #tpu.memory_space<hbm>>
    %dma_start3A_174 = tpu.memref_squeeze %dma_start3A_173 : memref<1x1x80xi32, #tpu.memory_space<hbm>> -> memref<80xi32, #tpu.memory_space<hbm>>
    tpu.enqueue_dma source(%dma_start3A_174 : memref<80xi32, #tpu.memory_space<hbm>>) target(%dma_start3A_171 : memref<80xi32, #tpu.memory_space<vmem>>) target_semaphore(%arg9 : memref<!tpu.dma_semaphore, #tpu.memory_space<semaphore_mem>>)
    %add3A_175 = arith.constant 32 : i32
    %add3A_176 = arith.addi %add3A_175, %add3A : i32
    %dma_start3A_177 = arith.constant 5 : i32
    %dma_start3A_178 = arith.constant 5 : i32
    %dma_start3A_179 = arith.constant 0 : i32
    %dma_start3A_180 = tpu.memref_slice %arg6[%dma_start3A_178, %dma_start3A_179] : memref<6x80xi32, #tpu.memory_space<vmem>> -> memref<1x80xi32, #tpu.memory_space<vmem>>
    %dma_start3A_181 = tpu.memref_squeeze %dma_start3A_180 : memref<1x80xi32, #tpu.memory_space<vmem>> -> memref<80xi32, #tpu.memory_space<vmem>>
    %dma_start3A_182 = arith.constant 0 : i32
    %dma_start3A_183 = tpu.memref_slice %arg2[%add3A_176, %dma_start3A_177, %dma_start3A_182] : memref<64x125x80xi32, #tpu.memory_space<hbm>> -> memref<1x1x80xi32, #tpu.memory_space<hbm>>
    %dma_start3A_184 = tpu.memref_squeeze %dma_start3A_183 : memref<1x1x80xi32, #tpu.memory_space<hbm>> -> memref<80xi32, #tpu.memory_space<hbm>>
    %dma_start3A_185 = arith.constant 0 : i32
    %dma_start3A_186 = tpu.memref_slice %arg6[%dma_start3A_178, %dma_start3A_185] : memref<6x80xi32, #tpu.memory_space<vmem>> -> memref<1x80xi32, #tpu.memory_space<vmem>>
    %dma_start3A_187 = tpu.memref_squeeze %dma_start3A_186 : memref<1x80xi32, #tpu.memory_space<vmem>> -> memref<80xi32, #tpu.memory_space<vmem>>
    %dma_start3A_188 = arith.constant 0 : i32
    %dma_start3A_189 = tpu.memref_slice %arg2[%add3A_176, %dma_start3A_177, %dma_start3A_188] : memref<64x125x80xi32, #tpu.memory_space<hbm>> -> memref<1x1x80xi32, #tpu.memory_space<hbm>>
    %dma_start3A_190 = tpu.memref_squeeze %dma_start3A_189 : memref<1x1x80xi32, #tpu.memory_space<hbm>> -> memref<80xi32, #tpu.memory_space<hbm>>
    tpu.enqueue_dma source(%dma_start3A_190 : memref<80xi32, #tpu.memory_space<hbm>>) target(%dma_start3A_187 : memref<80xi32, #tpu.memory_space<vmem>>) target_semaphore(%arg9 : memref<!tpu.dma_semaphore, #tpu.memory_space<semaphore_mem>>)
    %dma_wait3A = arith.constant 0 : i32
    %dma_wait3A_191 = arith.constant 0 : i32
    %dma_wait3A_192 = arith.constant 0 : i32
    %dma_wait3A_193 = arith.constant 0 : i32
    %dma_wait3A_194 = tpu.memref_slice %arg5[%dma_wait3A_192, %dma_wait3A_193] : memref<6x80xi32, #tpu.memory_space<vmem>> -> memref<1x80xi32, #tpu.memory_space<vmem>>
    %dma_wait3A_195 = tpu.memref_squeeze %dma_wait3A_194 : memref<1x80xi32, #tpu.memory_space<vmem>> -> memref<80xi32, #tpu.memory_space<vmem>>
    %dma_wait3A_196 = arith.constant 0 : i32
    %dma_wait3A_197 = tpu.memref_slice %arg2[%dma_wait3A, %dma_wait3A_191, %dma_wait3A_196] : memref<64x125x80xi32, #tpu.memory_space<hbm>> -> memref<1x1x80xi32, #tpu.memory_space<hbm>>
    %dma_wait3A_198 = tpu.memref_squeeze %dma_wait3A_197 : memref<1x1x80xi32, #tpu.memory_space<hbm>> -> memref<80xi32, #tpu.memory_space<hbm>>
    %dma_wait3A_199 = arith.constant 0 : i32
    %dma_wait3A_200 = tpu.memref_slice %arg5[%dma_wait3A_192, %dma_wait3A_199] : memref<6x80xi32, #tpu.memory_space<vmem>> -> memref<1x80xi32, #tpu.memory_space<vmem>>
    %dma_wait3A_201 = tpu.memref_squeeze %dma_wait3A_200 : memref<1x80xi32, #tpu.memory_space<vmem>> -> memref<80xi32, #tpu.memory_space<vmem>>
    %dma_wait3A_202 = arith.constant 0 : i32
    %dma_wait3A_203 = tpu.memref_slice %arg2[%dma_wait3A, %dma_wait3A_191, %dma_wait3A_202] : memref<64x125x80xi32, #tpu.memory_space<hbm>> -> memref<1x1x80xi32, #tpu.memory_space<hbm>>
    %dma_wait3A_204 = tpu.memref_squeeze %dma_wait3A_203 : memref<1x1x80xi32, #tpu.memory_space<hbm>> -> memref<80xi32, #tpu.memory_space<hbm>>
    tpu.wait_dma2 semaphore(%arg9 : memref<!tpu.dma_semaphore, #tpu.memory_space<semaphore_mem>>) src(%dma_wait3A_204 : memref<80xi32, #tpu.memory_space<hbm>>) dst(%dma_wait3A_201 : memref<80xi32, #tpu.memory_space<vmem>>)
    %dma_wait3A_205 = arith.constant 0 : i32
    %dma_wait3A_206 = arith.constant 0 : i32
    %dma_wait3A_207 = arith.constant 0 : i32
    %dma_wait3A_208 = arith.constant 0 : i32
    %dma_wait3A_209 = tpu.memref_slice %arg6[%dma_wait3A_207, %dma_wait3A_208] : memref<6x80xi32, #tpu.memory_space<vmem>> -> memref<1x80xi32, #tpu.memory_space<vmem>>
    %dma_wait3A_210 = tpu.memref_squeeze %dma_wait3A_209 : memref<1x80xi32, #tpu.memory_space<vmem>> -> memref<80xi32, #tpu.memory_space<vmem>>
    %dma_wait3A_211 = arith.constant 0 : i32
    %dma_wait3A_212 = tpu.memref_slice %arg2[%dma_wait3A_205, %dma_wait3A_206, %dma_wait3A_211] : memref<64x125x80xi32, #tpu.memory_space<hbm>> -> memref<1x1x80xi32, #tpu.memory_space<hbm>>
    %dma_wait3A_213 = tpu.memref_squeeze %dma_wait3A_212 : memref<1x1x80xi32, #tpu.memory_space<hbm>> -> memref<80xi32, #tpu.memory_space<hbm>>
    %dma_wait3A_214 = arith.constant 0 : i32
    %dma_wait3A_215 = tpu.memref_slice %arg6[%dma_wait3A_207, %dma_wait3A_214] : memref<6x80xi32, #tpu.memory_space<vmem>> -> memref<1x80xi32, #tpu.memory_space<vmem>>
    %dma_wait3A_216 = tpu.memref_squeeze %dma_wait3A_215 : memref<1x80xi32, #tpu.memory_space<vmem>> -> memref<80xi32, #tpu.memory_space<vmem>>
    %dma_wait3A_217 = arith.constant 0 : i32
    %dma_wait3A_218 = tpu.memref_slice %arg2[%dma_wait3A_205, %dma_wait3A_206, %dma_wait3A_217] : memref<64x125x80xi32, #tpu.memory_space<hbm>> -> memref<1x1x80xi32, #tpu.memory_space<hbm>>
    %dma_wait3A_219 = tpu.memref_squeeze %dma_wait3A_218 : memref<1x1x80xi32, #tpu.memory_space<hbm>> -> memref<80xi32, #tpu.memory_space<hbm>>
    tpu.wait_dma2 semaphore(%arg9 : memref<!tpu.dma_semaphore, #tpu.memory_space<semaphore_mem>>) src(%dma_wait3A_219 : memref<80xi32, #tpu.memory_space<hbm>>) dst(%dma_wait3A_216 : memref<80xi32, #tpu.memory_space<vmem>>)
    %dma_start3A_220 = arith.constant 0 : i32
    %dma_start3A_221 = arith.constant 0 : i32
    %dma_start3A_222 = arith.constant 0 : i32
    %dma_start3A_223 = arith.constant 0 : i32
    %dma_start3A_224 = tpu.memref_slice %arg7[%dma_start3A_221, %dma_start3A_222, %dma_start3A_223] : memref<4x80x64xf32, #tpu.memory_space<vmem>> -> memref<1x80x64xf32, #tpu.memory_space<vmem>>
    %dma_start3A_225 = tpu.memref_squeeze %dma_start3A_224 : memref<1x80x64xf32, #tpu.memory_space<vmem>> -> memref<80x64xf32, #tpu.memory_space<vmem>>
    %dma_start3A_226 = arith.constant 0 : i32
    %dma_start3A_227 = tpu.memref_slice %arg5[%dma_start3A_220, %dma_start3A_226] : memref<6x80xi32, #tpu.memory_space<vmem>> -> memref<1x80xi32, #tpu.memory_space<vmem>>
    %dma_start3A_228 = tpu.memref_squeeze %dma_start3A_227 : memref<1x80xi32, #tpu.memory_space<vmem>> -> memref<80xi32, #tpu.memory_space<vmem>>
    %dma_start3A_229 = arith.constant 0 : i32
    %dma_start3A_230 = arith.constant 0 : i32
    %dma_start3A_231 = tpu.memref_slice %arg3[%dma_start3A_229, %dma_start3A_230] : memref<10000x64xf32, #tpu.memory_space<hbm>> -> memref<10000x64xf32, #tpu.memory_space<hbm>>
    tpu.enqueue_indirect_dma source(%dma_start3A_231 : memref<10000x64xf32, #tpu.memory_space<hbm>>) target(%dma_start3A_225 : memref<80x64xf32, #tpu.memory_space<vmem>>) offsets(%dma_start3A_228 : memref<80xi32, #tpu.memory_space<vmem>>) semaphore(%arg10 : memref<!tpu.dma_semaphore, #tpu.memory_space<semaphore_mem>>)
    %dma_wait3A_232 = arith.constant 0 : i32
    %dma_wait3A_233 = arith.constant 0 : i32
    %dma_wait3A_234 = arith.constant 0 : i32
    %dma_wait3A_235 = arith.constant 0 : i32
    %dma_wait3A_236 = tpu.memref_slice %arg5[%dma_wait3A_234, %dma_wait3A_235] : memref<6x80xi32, #tpu.memory_space<vmem>> -> memref<1x80xi32, #tpu.memory_space<vmem>>
    %dma_wait3A_237 = tpu.memref_squeeze %dma_wait3A_236 : memref<1x80xi32, #tpu.memory_space<vmem>> -> memref<80xi32, #tpu.memory_space<vmem>>
    %dma_wait3A_238 = arith.constant 0 : i32
    %dma_wait3A_239 = tpu.memref_slice %arg2[%dma_wait3A_232, %dma_wait3A_233, %dma_wait3A_238] : memref<64x125x80xi32, #tpu.memory_space<hbm>> -> memref<1x1x80xi32, #tpu.memory_space<hbm>>
    %dma_wait3A_240 = tpu.memref_squeeze %dma_wait3A_239 : memref<1x1x80xi32, #tpu.memory_space<hbm>> -> memref<80xi32, #tpu.memory_space<hbm>>
    %dma_wait3A_241 = arith.constant 0 : i32
    %dma_wait3A_242 = tpu.memref_slice %arg5[%dma_wait3A_234, %dma_wait3A_241] : memref<6x80xi32, #tpu.memory_space<vmem>> -> memref<1x80xi32, #tpu.memory_space<vmem>>
    %dma_wait3A_243 = tpu.memref_squeeze %dma_wait3A_242 : memref<1x80xi32, #tpu.memory_space<vmem>> -> memref<80xi32, #tpu.memory_space<vmem>>
    %dma_wait3A_244 = arith.constant 0 : i32
    %dma_wait3A_245 = tpu.memref_slice %arg2[%dma_wait3A_232, %dma_wait3A_233, %dma_wait3A_244] : memref<64x125x80xi32, #tpu.memory_space<hbm>> -> memref<1x1x80xi32, #tpu.memory_space<hbm>>
    %dma_wait3A_246 = tpu.memref_squeeze %dma_wait3A_245 : memref<1x1x80xi32, #tpu.memory_space<hbm>> -> memref<80xi32, #tpu.memory_space<hbm>>
    tpu.wait_dma2 semaphore(%arg9 : memref<!tpu.dma_semaphore, #tpu.memory_space<semaphore_mem>>) src(%dma_wait3A_246 : memref<80xi32, #tpu.memory_space<hbm>>) dst(%dma_wait3A_243 : memref<80xi32, #tpu.memory_space<vmem>>)
    %dma_wait3A_247 = arith.constant 0 : i32
    %dma_wait3A_248 = arith.constant 0 : i32
    %dma_wait3A_249 = arith.constant 0 : i32
    %dma_wait3A_250 = arith.constant 0 : i32
    %dma_wait3A_251 = tpu.memref_slice %arg6[%dma_wait3A_249, %dma_wait3A_250] : memref<6x80xi32, #tpu.memory_space<vmem>> -> memref<1x80xi32, #tpu.memory_space<vmem>>
    %dma_wait3A_252 = tpu.memref_squeeze %dma_wait3A_251 : memref<1x80xi32, #tpu.memory_space<vmem>> -> memref<80xi32, #tpu.memory_space<vmem>>
    %dma_wait3A_253 = arith.constant 0 : i32
    %dma_wait3A_254 = tpu.memref_slice %arg2[%dma_wait3A_247, %dma_wait3A_248, %dma_wait3A_253] : memref<64x125x80xi32, #tpu.memory_space<hbm>> -> memref<1x1x80xi32, #tpu.memory_space<hbm>>
    %dma_wait3A_255 = tpu.memref_squeeze %dma_wait3A_254 : memref<1x1x80xi32, #tpu.memory_space<hbm>> -> memref<80xi32, #tpu.memory_space<hbm>>
    %dma_wait3A_256 = arith.constant 0 : i32
    %dma_wait3A_257 = tpu.memref_slice %arg6[%dma_wait3A_249, %dma_wait3A_256] : memref<6x80xi32, #tpu.memory_space<vmem>> -> memref<1x80xi32, #tpu.memory_space<vmem>>
    %dma_wait3A_258 = tpu.memref_squeeze %dma_wait3A_257 : memref<1x80xi32, #tpu.memory_space<vmem>> -> memref<80xi32, #tpu.memory_space<vmem>>
    %dma_wait3A_259 = arith.constant 0 : i32
    %dma_wait3A_260 = tpu.memref_slice %arg2[%dma_wait3A_247, %dma_wait3A_248, %dma_wait3A_259] : memref<64x125x80xi32, #tpu.memory_space<hbm>> -> memref<1x1x80xi32, #tpu.memory_space<hbm>>
    %dma_wait3A_261 = tpu.memref_squeeze %dma_wait3A_260 : memref<1x1x80xi32, #tpu.memory_space<hbm>> -> memref<80xi32, #tpu.memory_space<hbm>>
    tpu.wait_dma2 semaphore(%arg9 : memref<!tpu.dma_semaphore, #tpu.memory_space<semaphore_mem>>) src(%dma_wait3A_261 : memref<80xi32, #tpu.memory_space<hbm>>) dst(%dma_wait3A_258 : memref<80xi32, #tpu.memory_space<vmem>>)
    %dma_start3A_262 = arith.constant 1 : i32
    %dma_start3A_263 = arith.constant 1 : i32
    %dma_start3A_264 = arith.constant 0 : i32
    %dma_start3A_265 = arith.constant 0 : i32
    %dma_start3A_266 = tpu.memref_slice %arg7[%dma_start3A_263, %dma_start3A_264, %dma_start3A_265] : memref<4x80x64xf32, #tpu.memory_space<vmem>> -> memref<1x80x64xf32, #tpu.memory_space<vmem>>
    %dma_start3A_267 = tpu.memref_squeeze %dma_start3A_266 : memref<1x80x64xf32, #tpu.memory_space<vmem>> -> memref<80x64xf32, #tpu.memory_space<vmem>>
    %dma_start3A_268 = arith.constant 0 : i32
    %dma_start3A_269 = tpu.memref_slice %arg5[%dma_start3A_262, %dma_start3A_268] : memref<6x80xi32, #tpu.memory_space<vmem>> -> memref<1x80xi32, #tpu.memory_space<vmem>>
    %dma_start3A_270 = tpu.memref_squeeze %dma_start3A_269 : memref<1x80xi32, #tpu.memory_space<vmem>> -> memref<80xi32, #tpu.memory_space<vmem>>
    %dma_start3A_271 = arith.constant 0 : i32
    %dma_start3A_272 = arith.constant 0 : i32
    %dma_start3A_273 = tpu.memref_slice %arg3[%dma_start3A_271, %dma_start3A_272] : memref<10000x64xf32, #tpu.memory_space<hbm>> -> memref<10000x64xf32, #tpu.memory_space<hbm>>
    tpu.enqueue_indirect_dma source(%dma_start3A_273 : memref<10000x64xf32, #tpu.memory_space<hbm>>) target(%dma_start3A_267 : memref<80x64xf32, #tpu.memory_space<vmem>>) offsets(%dma_start3A_270 : memref<80xi32, #tpu.memory_space<vmem>>) semaphore(%arg10 : memref<!tpu.dma_semaphore, #tpu.memory_space<semaphore_mem>>)
    %dma_wait3A_274 = arith.constant 0 : i32
    %dma_wait3A_275 = arith.constant 0 : i32
    %dma_wait3A_276 = arith.constant 0 : i32
    %dma_wait3A_277 = arith.constant 0 : i32
    %dma_wait3A_278 = tpu.memref_slice %arg5[%dma_wait3A_276, %dma_wait3A_277] : memref<6x80xi32, #tpu.memory_space<vmem>> -> memref<1x80xi32, #tpu.memory_space<vmem>>
    %dma_wait3A_279 = tpu.memref_squeeze %dma_wait3A_278 : memref<1x80xi32, #tpu.memory_space<vmem>> -> memref<80xi32, #tpu.memory_space<vmem>>
    %dma_wait3A_280 = arith.constant 0 : i32
    %dma_wait3A_281 = tpu.memref_slice %arg2[%dma_wait3A_274, %dma_wait3A_275, %dma_wait3A_280] : memref<64x125x80xi32, #tpu.memory_space<hbm>> -> memref<1x1x80xi32, #tpu.memory_space<hbm>>
    %dma_wait3A_282 = tpu.memref_squeeze %dma_wait3A_281 : memref<1x1x80xi32, #tpu.memory_space<hbm>> -> memref<80xi32, #tpu.memory_space<hbm>>
    %dma_wait3A_283 = arith.constant 0 : i32
    %dma_wait3A_284 = tpu.memref_slice %arg5[%dma_wait3A_276, %dma_wait3A_283] : memref<6x80xi32, #tpu.memory_space<vmem>> -> memref<1x80xi32, #tpu.memory_space<vmem>>
    %dma_wait3A_285 = tpu.memref_squeeze %dma_wait3A_284 : memref<1x80xi32, #tpu.memory_space<vmem>> -> memref<80xi32, #tpu.memory_space<vmem>>
    %dma_wait3A_286 = arith.constant 0 : i32
    %dma_wait3A_287 = tpu.memref_slice %arg2[%dma_wait3A_274, %dma_wait3A_275, %dma_wait3A_286] : memref<64x125x80xi32, #tpu.memory_space<hbm>> -> memref<1x1x80xi32, #tpu.memory_space<hbm>>
    %dma_wait3A_288 = tpu.memref_squeeze %dma_wait3A_287 : memref<1x1x80xi32, #tpu.memory_space<hbm>> -> memref<80xi32, #tpu.memory_space<hbm>>
    tpu.wait_dma2 semaphore(%arg9 : memref<!tpu.dma_semaphore, #tpu.memory_space<semaphore_mem>>) src(%dma_wait3A_288 : memref<80xi32, #tpu.memory_space<hbm>>) dst(%dma_wait3A_285 : memref<80xi32, #tpu.memory_space<vmem>>)
    %dma_wait3A_289 = arith.constant 0 : i32
    %dma_wait3A_290 = arith.constant 0 : i32
    %dma_wait3A_291 = arith.constant 0 : i32
    %dma_wait3A_292 = arith.constant 0 : i32
    %dma_wait3A_293 = tpu.memref_slice %arg6[%dma_wait3A_291, %dma_wait3A_292] : memref<6x80xi32, #tpu.memory_space<vmem>> -> memref<1x80xi32, #tpu.memory_space<vmem>>
    %dma_wait3A_294 = tpu.memref_squeeze %dma_wait3A_293 : memref<1x80xi32, #tpu.memory_space<vmem>> -> memref<80xi32, #tpu.memory_space<vmem>>
    %dma_wait3A_295 = arith.constant 0 : i32
    %dma_wait3A_296 = tpu.memref_slice %arg2[%dma_wait3A_289, %dma_wait3A_290, %dma_wait3A_295] : memref<64x125x80xi32, #tpu.memory_space<hbm>> -> memref<1x1x80xi32, #tpu.memory_space<hbm>>
    %dma_wait3A_297 = tpu.memref_squeeze %dma_wait3A_296 : memref<1x1x80xi32, #tpu.memory_space<hbm>> -> memref<80xi32, #tpu.memory_space<hbm>>
    %dma_wait3A_298 = arith.constant 0 : i32
    %dma_wait3A_299 = tpu.memref_slice %arg6[%dma_wait3A_291, %dma_wait3A_298] : memref<6x80xi32, #tpu.memory_space<vmem>> -> memref<1x80xi32, #tpu.memory_space<vmem>>
    %dma_wait3A_300 = tpu.memref_squeeze %dma_wait3A_299 : memref<1x80xi32, #tpu.memory_space<vmem>> -> memref<80xi32, #tpu.memory_space<vmem>>
    %dma_wait3A_301 = arith.constant 0 : i32
    %dma_wait3A_302 = tpu.memref_slice %arg2[%dma_wait3A_289, %dma_wait3A_290, %dma_wait3A_301] : memref<64x125x80xi32, #tpu.memory_space<hbm>> -> memref<1x1x80xi32, #tpu.memory_space<hbm>>
    %dma_wait3A_303 = tpu.memref_squeeze %dma_wait3A_302 : memref<1x1x80xi32, #tpu.memory_space<hbm>> -> memref<80xi32, #tpu.memory_space<hbm>>
    tpu.wait_dma2 semaphore(%arg9 : memref<!tpu.dma_semaphore, #tpu.memory_space<semaphore_mem>>) src(%dma_wait3A_303 : memref<80xi32, #tpu.memory_space<hbm>>) dst(%dma_wait3A_300 : memref<80xi32, #tpu.memory_space<vmem>>)
    %dma_start3A_304 = arith.constant 2 : i32
    %dma_start3A_305 = arith.constant 2 : i32
    %dma_start3A_306 = arith.constant 0 : i32
    %dma_start3A_307 = arith.constant 0 : i32
    %dma_start3A_308 = tpu.memref_slice %arg7[%dma_start3A_305, %dma_start3A_306, %dma_start3A_307] : memref<4x80x64xf32, #tpu.memory_space<vmem>> -> memref<1x80x64xf32, #tpu.memory_space<vmem>>
    %dma_start3A_309 = tpu.memref_squeeze %dma_start3A_308 : memref<1x80x64xf32, #tpu.memory_space<vmem>> -> memref<80x64xf32, #tpu.memory_space<vmem>>
    %dma_start3A_310 = arith.constant 0 : i32
    %dma_start3A_311 = tpu.memref_slice %arg5[%dma_start3A_304, %dma_start3A_310] : memref<6x80xi32, #tpu.memory_space<vmem>> -> memref<1x80xi32, #tpu.memory_space<vmem>>
    %dma_start3A_312 = tpu.memref_squeeze %dma_start3A_311 : memref<1x80xi32, #tpu.memory_space<vmem>> -> memref<80xi32, #tpu.memory_space<vmem>>
    %dma_start3A_313 = arith.constant 0 : i32
    %dma_start3A_314 = arith.constant 0 : i32
    %dma_start3A_315 = tpu.memref_slice %arg3[%dma_start3A_313, %dma_start3A_314] : memref<10000x64xf32, #tpu.memory_space<hbm>> -> memref<10000x64xf32, #tpu.memory_space<hbm>>
    tpu.enqueue_indirect_dma source(%dma_start3A_315 : memref<10000x64xf32, #tpu.memory_space<hbm>>) target(%dma_start3A_309 : memref<80x64xf32, #tpu.memory_space<vmem>>) offsets(%dma_start3A_312 : memref<80xi32, #tpu.memory_space<vmem>>) semaphore(%arg10 : memref<!tpu.dma_semaphore, #tpu.memory_space<semaphore_mem>>)
    %dma_wait3A_316 = arith.constant 0 : i32
    %dma_wait3A_317 = arith.constant 0 : i32
    %dma_wait3A_318 = arith.constant 0 : i32
    %dma_wait3A_319 = arith.constant 0 : i32
    %dma_wait3A_320 = tpu.memref_slice %arg7[%dma_wait3A_317, %dma_wait3A_318, %dma_wait3A_319] : memref<4x80x64xf32, #tpu.memory_space<vmem>> -> memref<1x80x64xf32, #tpu.memory_space<vmem>>
    %dma_wait3A_321 = tpu.memref_squeeze %dma_wait3A_320 : memref<1x80x64xf32, #tpu.memory_space<vmem>> -> memref<80x64xf32, #tpu.memory_space<vmem>>
    %dma_wait3A_322 = arith.constant 0 : i32
    %dma_wait3A_323 = tpu.memref_slice %arg5[%dma_wait3A_316, %dma_wait3A_322] : memref<6x80xi32, #tpu.memory_space<vmem>> -> memref<1x80xi32, #tpu.memory_space<vmem>>
    %dma_wait3A_324 = tpu.memref_squeeze %dma_wait3A_323 : memref<1x80xi32, #tpu.memory_space<vmem>> -> memref<80xi32, #tpu.memory_space<vmem>>
    %dma_wait3A_325 = arith.constant 0 : i32
    %dma_wait3A_326 = arith.constant 0 : i32
    %dma_wait3A_327 = tpu.memref_slice %arg3[%dma_wait3A_325, %dma_wait3A_326] : memref<10000x64xf32, #tpu.memory_space<hbm>> -> memref<10000x64xf32, #tpu.memory_space<hbm>>
    tpu.wait_indirect_dma semaphore(%arg10 : memref<!tpu.dma_semaphore, #tpu.memory_space<semaphore_mem>>) src(%dma_wait3A_327 : memref<10000x64xf32, #tpu.memory_space<hbm>>) dst(%dma_wait3A_321 : memref<80x64xf32, #tpu.memory_space<vmem>>)
    %dma_start3A_328 = arith.constant 0 : i32
    %dma_start3A_329 = arith.constant 0 : i32
    %dma_start3A_330 = arith.constant 0 : i32
    %dma_start3A_331 = arith.constant 0 : i32
    %dma_start3A_332 = tpu.memref_slice %arg7[%dma_start3A_328, %dma_start3A_330, %dma_start3A_331] : memref<4x80x64xf32, #tpu.memory_space<vmem>> -> memref<1x80x64xf32, #tpu.memory_space<vmem>>
    %dma_start3A_333 = tpu.memref_squeeze %dma_start3A_332 : memref<1x80x64xf32, #tpu.memory_space<vmem>> -> memref<80x64xf32, #tpu.memory_space<vmem>>
    %dma_start3A_334 = arith.constant 0 : i32
    %dma_start3A_335 = tpu.memref_slice %arg6[%dma_start3A_329, %dma_start3A_334] : memref<6x80xi32, #tpu.memory_space<vmem>> -> memref<1x80xi32, #tpu.memory_space<vmem>>
    %dma_start3A_336 = tpu.memref_squeeze %dma_start3A_335 : memref<1x80xi32, #tpu.memory_space<vmem>> -> memref<80xi32, #tpu.memory_space<vmem>>
    %dma_start3A_337 = arith.constant 0 : i32
    %dma_start3A_338 = arith.constant 0 : i32
    %dma_start3A_339 = tpu.memref_slice %arg12[%dma_start3A_337, %dma_start3A_338] : memref<10240x64xf32, #tpu.memory_space<vmem_shared>> -> memref<10240x64xf32, #tpu.memory_space<vmem_shared>>
    tpu.enqueue_indirect_dma source(%dma_start3A_333 : memref<80x64xf32, #tpu.memory_space<vmem>>) target(%dma_start3A_339 : memref<10240x64xf32, #tpu.memory_space<vmem_shared>>) offsets(%dma_start3A_336 : memref<80xi32, #tpu.memory_space<vmem>>) semaphore(%arg11 : memref<!tpu.dma_semaphore, #tpu.memory_space<semaphore_mem>>) {add = true}
    %dma_wait3A_340 = arith.constant 0 : i32
    %dma_wait3A_341 = arith.constant 0 : i32
    %dma_wait3A_342 = arith.constant 0 : i32
    %dma_wait3A_343 = arith.constant 0 : i32
    %dma_wait3A_344 = tpu.memref_slice %arg5[%dma_wait3A_342, %dma_wait3A_343] : memref<6x80xi32, #tpu.memory_space<vmem>> -> memref<1x80xi32, #tpu.memory_space<vmem>>
    %dma_wait3A_345 = tpu.memref_squeeze %dma_wait3A_344 : memref<1x80xi32, #tpu.memory_space<vmem>> -> memref<80xi32, #tpu.memory_space<vmem>>
    %dma_wait3A_346 = arith.constant 0 : i32
    %dma_wait3A_347 = tpu.memref_slice %arg2[%dma_wait3A_340, %dma_wait3A_341, %dma_wait3A_346] : memref<64x125x80xi32, #tpu.memory_space<hbm>> -> memref<1x1x80xi32, #tpu.memory_space<hbm>>
    %dma_wait3A_348 = tpu.memref_squeeze %dma_wait3A_347 : memref<1x1x80xi32, #tpu.memory_space<hbm>> -> memref<80xi32, #tpu.memory_space<hbm>>
    %dma_wait3A_349 = arith.constant 0 : i32
    %dma_wait3A_350 = tpu.memref_slice %arg5[%dma_wait3A_342, %dma_wait3A_349] : memref<6x80xi32, #tpu.memory_space<vmem>> -> memref<1x80xi32, #tpu.memory_space<vmem>>
    %dma_wait3A_351 = tpu.memref_squeeze %dma_wait3A_350 : memref<1x80xi32, #tpu.memory_space<vmem>> -> memref<80xi32, #tpu.memory_space<vmem>>
    %dma_wait3A_352 = arith.constant 0 : i32
    %dma_wait3A_353 = tpu.memref_slice %arg2[%dma_wait3A_340, %dma_wait3A_341, %dma_wait3A_352] : memref<64x125x80xi32, #tpu.memory_space<hbm>> -> memref<1x1x80xi32, #tpu.memory_space<hbm>>
    %dma_wait3A_354 = tpu.memref_squeeze %dma_wait3A_353 : memref<1x1x80xi32, #tpu.memory_space<hbm>> -> memref<80xi32, #tpu.memory_space<hbm>>
    tpu.wait_dma2 semaphore(%arg9 : memref<!tpu.dma_semaphore, #tpu.memory_space<semaphore_mem>>) src(%dma_wait3A_354 : memref<80xi32, #tpu.memory_space<hbm>>) dst(%dma_wait3A_351 : memref<80xi32, #tpu.memory_space<vmem>>)
    %dma_wait3A_355 = arith.constant 0 : i32
    %dma_wait3A_356 = arith.constant 0 : i32
    %dma_wait3A_357 = arith.constant 0 : i32
    %dma_wait3A_358 = arith.constant 0 : i32
    %dma_wait3A_359 = tpu.memref_slice %arg6[%dma_wait3A_357, %dma_wait3A_358] : memref<6x80xi32, #tpu.memory_space<vmem>> -> memref<1x80xi32, #tpu.memory_space<vmem>>
    %dma_wait3A_360 = tpu.memref_squeeze %dma_wait3A_359 : memref<1x80xi32, #tpu.memory_space<vmem>> -> memref<80xi32, #tpu.memory_space<vmem>>
    %dma_wait3A_361 = arith.constant 0 : i32
    %dma_wait3A_362 = tpu.memref_slice %arg2[%dma_wait3A_355, %dma_wait3A_356, %dma_wait3A_361] : memref<64x125x80xi32, #tpu.memory_space<hbm>> -> memref<1x1x80xi32, #tpu.memory_space<hbm>>
    %dma_wait3A_363 = tpu.memref_squeeze %dma_wait3A_362 : memref<1x1x80xi32, #tpu.memory_space<hbm>> -> memref<80xi32, #tpu.memory_space<hbm>>
    %dma_wait3A_364 = arith.constant 0 : i32
    %dma_wait3A_365 = tpu.memref_slice %arg6[%dma_wait3A_357, %dma_wait3A_364] : memref<6x80xi32, #tpu.memory_space<vmem>> -> memref<1x80xi32, #tpu.memory_space<vmem>>
    %dma_wait3A_366 = tpu.memref_squeeze %dma_wait3A_365 : memref<1x80xi32, #tpu.memory_space<vmem>> -> memref<80xi32, #tpu.memory_space<vmem>>
    %dma_wait3A_367 = arith.constant 0 : i32
    %dma_wait3A_368 = tpu.memref_slice %arg2[%dma_wait3A_355, %dma_wait3A_356, %dma_wait3A_367] : memref<64x125x80xi32, #tpu.memory_space<hbm>> -> memref<1x1x80xi32, #tpu.memory_space<hbm>>
    %dma_wait3A_369 = tpu.memref_squeeze %dma_wait3A_368 : memref<1x1x80xi32, #tpu.memory_space<hbm>> -> memref<80xi32, #tpu.memory_space<hbm>>
    tpu.wait_dma2 semaphore(%arg9 : memref<!tpu.dma_semaphore, #tpu.memory_space<semaphore_mem>>) src(%dma_wait3A_369 : memref<80xi32, #tpu.memory_space<hbm>>) dst(%dma_wait3A_366 : memref<80xi32, #tpu.memory_space<vmem>>)
    %dma_start3A_370 = arith.constant 3 : i32
    %dma_start3A_371 = arith.constant 3 : i32
    %dma_start3A_372 = arith.constant 0 : i32
    %dma_start3A_373 = arith.constant 0 : i32
    %dma_start3A_374 = tpu.memref_slice %arg7[%dma_start3A_371, %dma_start3A_372, %dma_start3A_373] : memref<4x80x64xf32, #tpu.memory_space<vmem>> -> memref<1x80x64xf32, #tpu.memory_space<vmem>>
    %dma_start3A_375 = tpu.memref_squeeze %dma_start3A_374 : memref<1x80x64xf32, #tpu.memory_space<vmem>> -> memref<80x64xf32, #tpu.memory_space<vmem>>
    %dma_start3A_376 = arith.constant 0 : i32
    %dma_start3A_377 = tpu.memref_slice %arg5[%dma_start3A_370, %dma_start3A_376] : memref<6x80xi32, #tpu.memory_space<vmem>> -> memref<1x80xi32, #tpu.memory_space<vmem>>
    %dma_start3A_378 = tpu.memref_squeeze %dma_start3A_377 : memref<1x80xi32, #tpu.memory_space<vmem>> -> memref<80xi32, #tpu.memory_space<vmem>>
    %dma_start3A_379 = arith.constant 0 : i32
    %dma_start3A_380 = arith.constant 0 : i32
    %dma_start3A_381 = tpu.memref_slice %arg3[%dma_start3A_379, %dma_start3A_380] : memref<10000x64xf32, #tpu.memory_space<hbm>> -> memref<10000x64xf32, #tpu.memory_space<hbm>>
    tpu.enqueue_indirect_dma source(%dma_start3A_381 : memref<10000x64xf32, #tpu.memory_space<hbm>>) target(%dma_start3A_375 : memref<80x64xf32, #tpu.memory_space<vmem>>) offsets(%dma_start3A_378 : memref<80xi32, #tpu.memory_space<vmem>>) semaphore(%arg10 : memref<!tpu.dma_semaphore, #tpu.memory_space<semaphore_mem>>)
    %dma_wait3A_382 = arith.constant 0 : i32
    %dma_wait3A_383 = arith.constant 0 : i32
    %dma_wait3A_384 = arith.constant 0 : i32
    %dma_wait3A_385 = arith.constant 0 : i32
    %dma_wait3A_386 = tpu.memref_slice %arg7[%dma_wait3A_383, %dma_wait3A_384, %dma_wait3A_385] : memref<4x80x64xf32, #tpu.memory_space<vmem>> -> memref<1x80x64xf32, #tpu.memory_space<vmem>>
    %dma_wait3A_387 = tpu.memref_squeeze %dma_wait3A_386 : memref<1x80x64xf32, #tpu.memory_space<vmem>> -> memref<80x64xf32, #tpu.memory_space<vmem>>
    %dma_wait3A_388 = arith.constant 0 : i32
    %dma_wait3A_389 = tpu.memref_slice %arg5[%dma_wait3A_382, %dma_wait3A_388] : memref<6x80xi32, #tpu.memory_space<vmem>> -> memref<1x80xi32, #tpu.memory_space<vmem>>
    %dma_wait3A_390 = tpu.memref_squeeze %dma_wait3A_389 : memref<1x80xi32, #tpu.memory_space<vmem>> -> memref<80xi32, #tpu.memory_space<vmem>>
    %dma_wait3A_391 = arith.constant 0 : i32
    %dma_wait3A_392 = arith.constant 0 : i32
    %dma_wait3A_393 = tpu.memref_slice %arg3[%dma_wait3A_391, %dma_wait3A_392] : memref<10000x64xf32, #tpu.memory_space<hbm>> -> memref<10000x64xf32, #tpu.memory_space<hbm>>
    tpu.wait_indirect_dma semaphore(%arg10 : memref<!tpu.dma_semaphore, #tpu.memory_space<semaphore_mem>>) src(%dma_wait3A_393 : memref<10000x64xf32, #tpu.memory_space<hbm>>) dst(%dma_wait3A_387 : memref<80x64xf32, #tpu.memory_space<vmem>>)
    %dma_start3A_394 = arith.constant 1 : i32
    %dma_start3A_395 = arith.constant 1 : i32
    %dma_start3A_396 = arith.constant 0 : i32
    %dma_start3A_397 = arith.constant 0 : i32
    %dma_start3A_398 = tpu.memref_slice %arg7[%dma_start3A_394, %dma_start3A_396, %dma_start3A_397] : memref<4x80x64xf32, #tpu.memory_space<vmem>> -> memref<1x80x64xf32, #tpu.memory_space<vmem>>
    %dma_start3A_399 = tpu.memref_squeeze %dma_start3A_398 : memref<1x80x64xf32, #tpu.memory_space<vmem>> -> memref<80x64xf32, #tpu.memory_space<vmem>>
    %dma_start3A_400 = arith.constant 0 : i32
    %dma_start3A_401 = tpu.memref_slice %arg6[%dma_start3A_395, %dma_start3A_400] : memref<6x80xi32, #tpu.memory_space<vmem>> -> memref<1x80xi32, #tpu.memory_space<vmem>>
    %dma_start3A_402 = tpu.memref_squeeze %dma_start3A_401 : memref<1x80xi32, #tpu.memory_space<vmem>> -> memref<80xi32, #tpu.memory_space<vmem>>
    %dma_start3A_403 = arith.constant 0 : i32
    %dma_start3A_404 = arith.constant 0 : i32
    %dma_start3A_405 = tpu.memref_slice %arg12[%dma_start3A_403, %dma_start3A_404] : memref<10240x64xf32, #tpu.memory_space<vmem_shared>> -> memref<10240x64xf32, #tpu.memory_space<vmem_shared>>
    tpu.enqueue_indirect_dma source(%dma_start3A_399 : memref<80x64xf32, #tpu.memory_space<vmem>>) target(%dma_start3A_405 : memref<10240x64xf32, #tpu.memory_space<vmem_shared>>) offsets(%dma_start3A_402 : memref<80xi32, #tpu.memory_space<vmem>>) semaphore(%arg11 : memref<!tpu.dma_semaphore, #tpu.memory_space<semaphore_mem>>) {add = true}
    %scan3A_406 = arith.constant 0 : i32
    %scan3A_407 = arith.constant 2 : i32
    %scan3A_408 = arith.constant 119 : i32
    %scan3A_409 = arith.addi %scan3A_407, %scan3A_408 : i32
    %scan3A_410 = arith.constant 1 : i32
    scf.for %scan3A_672 = %scan3A_407 to %scan3A_409 step %scan3A_410  : i32 {
      %dma_wait3A_673 = arith.constant 0 : i32
      %dma_wait3A_674 = arith.constant 0 : i32
      %dma_wait3A_675 = arith.constant 0 : i32
      %dma_wait3A_676 = arith.constant 0 : i32
      %dma_wait3A_677 = tpu.memref_slice %arg7[%dma_wait3A_673, %dma_wait3A_675, %dma_wait3A_676] : memref<4x80x64xf32, #tpu.memory_space<vmem>> -> memref<1x80x64xf32, #tpu.memory_space<vmem>>
      %dma_wait3A_678 = tpu.memref_squeeze %dma_wait3A_677 : memref<1x80x64xf32, #tpu.memory_space<vmem>> -> memref<80x64xf32, #tpu.memory_space<vmem>>
      %dma_wait3A_679 = arith.constant 0 : i32
      %dma_wait3A_680 = tpu.memref_slice %arg6[%dma_wait3A_674, %dma_wait3A_679] : memref<6x80xi32, #tpu.memory_space<vmem>> -> memref<1x80xi32, #tpu.memory_space<vmem>>
      %dma_wait3A_681 = tpu.memref_squeeze %dma_wait3A_680 : memref<1x80xi32, #tpu.memory_space<vmem>> -> memref<80xi32, #tpu.memory_space<vmem>>
      %dma_wait3A_682 = arith.constant 0 : i32
      %dma_wait3A_683 = arith.constant 0 : i32
      %dma_wait3A_684 = tpu.memref_slice %arg12[%dma_wait3A_682, %dma_wait3A_683] : memref<10240x64xf32, #tpu.memory_space<vmem_shared>> -> memref<10240x64xf32, #tpu.memory_space<vmem_shared>>
      tpu.wait_indirect_dma semaphore(%arg11 : memref<!tpu.dma_semaphore, #tpu.memory_space<semaphore_mem>>) src(%dma_wait3A_678 : memref<80x64xf32, #tpu.memory_space<vmem>>) dst(%dma_wait3A_684 : memref<10240x64xf32, #tpu.memory_space<vmem_shared>>)
      %add3A_685 = arith.constant 6 : i32
      %add3A_686 = arith.addi %scan3A_672, %add3A_685 : i32
      %sub3A = arith.constant 2 : i32
      %sub3A_687 = arith.subi %add3A_686, %sub3A : i32
      %add3A_688 = arith.constant 6 : i32
      %add3A_689 = arith.addi %scan3A_672, %add3A_688 : i32
      %sub3A_690 = arith.constant 2 : i32
      %sub3A_691 = arith.subi %add3A_689, %sub3A_690 : i32
      %rem3A = arith.constant 6 : i32
      %rem3A_692 = arith.remsi %sub3A_691, %rem3A : i32
      %dma_start3A_693 = arith.constant 0 : i32
      %dma_start3A_694 = tpu.memref_slice %arg5[%rem3A_692, %dma_start3A_693] : memref<6x80xi32, #tpu.memory_space<vmem>> -> memref<1x80xi32, #tpu.memory_space<vmem>>
      %dma_start3A_695 = tpu.memref_squeeze %dma_start3A_694 : memref<1x80xi32, #tpu.memory_space<vmem>> -> memref<80xi32, #tpu.memory_space<vmem>>
      %dma_start3A_696 = arith.constant 0 : i32
      %dma_start3A_697 = tpu.memref_slice %arg2[%add3A, %sub3A_687, %dma_start3A_696] : memref<64x125x80xi32, #tpu.memory_space<hbm>> -> memref<1x1x80xi32, #tpu.memory_space<hbm>>
      %dma_start3A_698 = tpu.memref_squeeze %dma_start3A_697 : memref<1x1x80xi32, #tpu.memory_space<hbm>> -> memref<80xi32, #tpu.memory_space<hbm>>
      %dma_start3A_699 = arith.constant 0 : i32
      %dma_start3A_700 = tpu.memref_slice %arg5[%rem3A_692, %dma_start3A_699] : memref<6x80xi32, #tpu.memory_space<vmem>> -> memref<1x80xi32, #tpu.memory_space<vmem>>
      %dma_start3A_701 = tpu.memref_squeeze %dma_start3A_700 : memref<1x80xi32, #tpu.memory_space<vmem>> -> memref<80xi32, #tpu.memory_space<vmem>>
      %dma_start3A_702 = arith.constant 0 : i32
      %dma_start3A_703 = tpu.memref_slice %arg2[%add3A, %sub3A_687, %dma_start3A_702] : memref<64x125x80xi32, #tpu.memory_space<hbm>> -> memref<1x1x80xi32, #tpu.memory_space<hbm>>
      %dma_start3A_704 = tpu.memref_squeeze %dma_start3A_703 : memref<1x1x80xi32, #tpu.memory_space<hbm>> -> memref<80xi32, #tpu.memory_space<hbm>>
      tpu.enqueue_dma source(%dma_start3A_704 : memref<80xi32, #tpu.memory_space<hbm>>) target(%dma_start3A_701 : memref<80xi32, #tpu.memory_space<vmem>>) target_semaphore(%arg9 : memref<!tpu.dma_semaphore, #tpu.memory_space<semaphore_mem>>)
      %add3A_705 = arith.constant 32 : i32
      %add3A_706 = arith.addi %add3A_705, %add3A : i32
      %dma_start3A_707 = arith.constant 0 : i32
      %dma_start3A_708 = tpu.memref_slice %arg6[%rem3A_692, %dma_start3A_707] : memref<6x80xi32, #tpu.memory_space<vmem>> -> memref<1x80xi32, #tpu.memory_space<vmem>>
      %dma_start3A_709 = tpu.memref_squeeze %dma_start3A_708 : memref<1x80xi32, #tpu.memory_space<vmem>> -> memref<80xi32, #tpu.memory_space<vmem>>
      %dma_start3A_710 = arith.constant 0 : i32
      %dma_start3A_711 = tpu.memref_slice %arg2[%add3A_706, %sub3A_687, %dma_start3A_710] : memref<64x125x80xi32, #tpu.memory_space<hbm>> -> memref<1x1x80xi32, #tpu.memory_space<hbm>>
      %dma_start3A_712 = tpu.memref_squeeze %dma_start3A_711 : memref<1x1x80xi32, #tpu.memory_space<hbm>> -> memref<80xi32, #tpu.memory_space<hbm>>
      %dma_start3A_713 = arith.constant 0 : i32
      %dma_start3A_714 = tpu.memref_slice %arg6[%rem3A_692, %dma_start3A_713] : memref<6x80xi32, #tpu.memory_space<vmem>> -> memref<1x80xi32, #tpu.memory_space<vmem>>
      %dma_start3A_715 = tpu.memref_squeeze %dma_start3A_714 : memref<1x80xi32, #tpu.memory_space<vmem>> -> memref<80xi32, #tpu.memory_space<vmem>>
      %dma_start3A_716 = arith.constant 0 : i32
      %dma_start3A_717 = tpu.memref_slice %arg2[%add3A_706, %sub3A_687, %dma_start3A_716] : memref<64x125x80xi32, #tpu.memory_space<hbm>> -> memref<1x1x80xi32, #tpu.memory_space<hbm>>
      %dma_start3A_718 = tpu.memref_squeeze %dma_start3A_717 : memref<1x1x80xi32, #tpu.memory_space<hbm>> -> memref<80xi32, #tpu.memory_space<hbm>>
      tpu.enqueue_dma source(%dma_start3A_718 : memref<80xi32, #tpu.memory_space<hbm>>) target(%dma_start3A_715 : memref<80xi32, #tpu.memory_space<vmem>>) target_semaphore(%arg9 : memref<!tpu.dma_semaphore, #tpu.memory_space<semaphore_mem>>)
      %dma_wait3A_719 = arith.constant 0 : i32
      %dma_wait3A_720 = arith.constant 0 : i32
      %dma_wait3A_721 = arith.constant 0 : i32
      %dma_wait3A_722 = arith.constant 0 : i32
      %dma_wait3A_723 = tpu.memref_slice %arg5[%dma_wait3A_721, %dma_wait3A_722] : memref<6x80xi32, #tpu.memory_space<vmem>> -> memref<1x80xi32, #tpu.memory_space<vmem>>
      %dma_wait3A_724 = tpu.memref_squeeze %dma_wait3A_723 : memref<1x80xi32, #tpu.memory_space<vmem>> -> memref<80xi32, #tpu.memory_space<vmem>>
      %dma_wait3A_725 = arith.constant 0 : i32
      %dma_wait3A_726 = tpu.memref_slice %arg2[%dma_wait3A_719, %dma_wait3A_720, %dma_wait3A_725] : memref<64x125x80xi32, #tpu.memory_space<hbm>> -> memref<1x1x80xi32, #tpu.memory_space<hbm>>
      %dma_wait3A_727 = tpu.memref_squeeze %dma_wait3A_726 : memref<1x1x80xi32, #tpu.memory_space<hbm>> -> memref<80xi32, #tpu.memory_space<hbm>>
      %dma_wait3A_728 = arith.constant 0 : i32
      %dma_wait3A_729 = tpu.memref_slice %arg5[%dma_wait3A_721, %dma_wait3A_728] : memref<6x80xi32, #tpu.memory_space<vmem>> -> memref<1x80xi32, #tpu.memory_space<vmem>>
      %dma_wait3A_730 = tpu.memref_squeeze %dma_wait3A_729 : memref<1x80xi32, #tpu.memory_space<vmem>> -> memref<80xi32, #tpu.memory_space<vmem>>
      %dma_wait3A_731 = arith.constant 0 : i32
      %dma_wait3A_732 = tpu.memref_slice %arg2[%dma_wait3A_719, %dma_wait3A_720, %dma_wait3A_731] : memref<64x125x80xi32, #tpu.memory_space<hbm>> -> memref<1x1x80xi32, #tpu.memory_space<hbm>>
      %dma_wait3A_733 = tpu.memref_squeeze %dma_wait3A_732 : memref<1x1x80xi32, #tpu.memory_space<hbm>> -> memref<80xi32, #tpu.memory_space<hbm>>
      tpu.wait_dma2 semaphore(%arg9 : memref<!tpu.dma_semaphore, #tpu.memory_space<semaphore_mem>>) src(%dma_wait3A_733 : memref<80xi32, #tpu.memory_space<hbm>>) dst(%dma_wait3A_730 : memref<80xi32, #tpu.memory_space<vmem>>)
      %dma_wait3A_734 = arith.constant 0 : i32
      %dma_wait3A_735 = arith.constant 0 : i32
      %dma_wait3A_736 = arith.constant 0 : i32
      %dma_wait3A_737 = arith.constant 0 : i32
      %dma_wait3A_738 = tpu.memref_slice %arg6[%dma_wait3A_736, %dma_wait3A_737] : memref<6x80xi32, #tpu.memory_space<vmem>> -> memref<1x80xi32, #tpu.memory_space<vmem>>
      %dma_wait3A_739 = tpu.memref_squeeze %dma_wait3A_738 : memref<1x80xi32, #tpu.memory_space<vmem>> -> memref<80xi32, #tpu.memory_space<vmem>>
      %dma_wait3A_740 = arith.constant 0 : i32
      %dma_wait3A_741 = tpu.memref_slice %arg2[%dma_wait3A_734, %dma_wait3A_735, %dma_wait3A_740] : memref<64x125x80xi32, #tpu.memory_space<hbm>> -> memref<1x1x80xi32, #tpu.memory_space<hbm>>
      %dma_wait3A_742 = tpu.memref_squeeze %dma_wait3A_741 : memref<1x1x80xi32, #tpu.memory_space<hbm>> -> memref<80xi32, #tpu.memory_space<hbm>>
      %dma_wait3A_743 = arith.constant 0 : i32
      %dma_wait3A_744 = tpu.memref_slice %arg6[%dma_wait3A_736, %dma_wait3A_743] : memref<6x80xi32, #tpu.memory_space<vmem>> -> memref<1x80xi32, #tpu.memory_space<vmem>>
      %dma_wait3A_745 = tpu.memref_squeeze %dma_wait3A_744 : memref<1x80xi32, #tpu.memory_space<vmem>> -> memref<80xi32, #tpu.memory_space<vmem>>
      %dma_wait3A_746 = arith.constant 0 : i32
      %dma_wait3A_747 = tpu.memref_slice %arg2[%dma_wait3A_734, %dma_wait3A_735, %dma_wait3A_746] : memref<64x125x80xi32, #tpu.memory_space<hbm>> -> memref<1x1x80xi32, #tpu.memory_space<hbm>>
      %dma_wait3A_748 = tpu.memref_squeeze %dma_wait3A_747 : memref<1x1x80xi32, #tpu.memory_space<hbm>> -> memref<80xi32, #tpu.memory_space<hbm>>
      tpu.wait_dma2 semaphore(%arg9 : memref<!tpu.dma_semaphore, #tpu.memory_space<semaphore_mem>>) src(%dma_wait3A_748 : memref<80xi32, #tpu.memory_space<hbm>>) dst(%dma_wait3A_745 : memref<80xi32, #tpu.memory_space<vmem>>)
      %add3A_749 = arith.constant 4 : i32
      %add3A_750 = arith.addi %scan3A_672, %add3A_749 : i32
      %sub3A_751 = arith.constant 2 : i32
      %sub3A_752 = arith.subi %add3A_750, %sub3A_751 : i32
      %rem3A_753 = arith.constant 4 : i32
      %rem3A_754 = arith.remsi %sub3A_752, %rem3A_753 : i32
      %add3A_755 = arith.constant 4 : i32
      %add3A_756 = arith.addi %scan3A_672, %add3A_755 : i32
      %sub3A_757 = arith.constant 2 : i32
      %sub3A_758 = arith.subi %add3A_756, %sub3A_757 : i32
      %rem3A_759 = arith.constant 6 : i32
      %rem3A_760 = arith.remsi %sub3A_758, %rem3A_759 : i32
      %dma_start3A_761 = arith.constant 0 : i32
      %dma_start3A_762 = arith.constant 0 : i32
      %dma_start3A_763 = tpu.memref_slice %arg7[%rem3A_754, %dma_start3A_761, %dma_start3A_762] : memref<4x80x64xf32, #tpu.memory_space<vmem>> -> memref<1x80x64xf32, #tpu.memory_space<vmem>>
      %dma_start3A_764 = tpu.memref_squeeze %dma_start3A_763 : memref<1x80x64xf32, #tpu.memory_space<vmem>> -> memref<80x64xf32, #tpu.memory_space<vmem>>
      %dma_start3A_765 = arith.constant 0 : i32
      %dma_start3A_766 = tpu.memref_slice %arg5[%rem3A_760, %dma_start3A_765] : memref<6x80xi32, #tpu.memory_space<vmem>> -> memref<1x80xi32, #tpu.memory_space<vmem>>
      %dma_start3A_767 = tpu.memref_squeeze %dma_start3A_766 : memref<1x80xi32, #tpu.memory_space<vmem>> -> memref<80xi32, #tpu.memory_space<vmem>>
      %dma_start3A_768 = arith.constant 0 : i32
      %dma_start3A_769 = arith.constant 0 : i32
      %dma_start3A_770 = tpu.memref_slice %arg3[%dma_start3A_768, %dma_start3A_769] : memref<10000x64xf32, #tpu.memory_space<hbm>> -> memref<10000x64xf32, #tpu.memory_space<hbm>>
      tpu.enqueue_indirect_dma source(%dma_start3A_770 : memref<10000x64xf32, #tpu.memory_space<hbm>>) target(%dma_start3A_764 : memref<80x64xf32, #tpu.memory_space<vmem>>) offsets(%dma_start3A_767 : memref<80xi32, #tpu.memory_space<vmem>>) semaphore(%arg10 : memref<!tpu.dma_semaphore, #tpu.memory_space<semaphore_mem>>)
      %dma_wait3A_771 = arith.constant 0 : i32
      %dma_wait3A_772 = arith.constant 0 : i32
      %dma_wait3A_773 = arith.constant 0 : i32
      %dma_wait3A_774 = arith.constant 0 : i32
      %dma_wait3A_775 = tpu.memref_slice %arg7[%dma_wait3A_772, %dma_wait3A_773, %dma_wait3A_774] : memref<4x80x64xf32, #tpu.memory_space<vmem>> -> memref<1x80x64xf32, #tpu.memory_space<vmem>>
      %dma_wait3A_776 = tpu.memref_squeeze %dma_wait3A_775 : memref<1x80x64xf32, #tpu.memory_space<vmem>> -> memref<80x64xf32, #tpu.memory_space<vmem>>
      %dma_wait3A_777 = arith.constant 0 : i32
      %dma_wait3A_778 = tpu.memref_slice %arg5[%dma_wait3A_771, %dma_wait3A_777] : memref<6x80xi32, #tpu.memory_space<vmem>> -> memref<1x80xi32, #tpu.memory_space<vmem>>
      %dma_wait3A_779 = tpu.memref_squeeze %dma_wait3A_778 : memref<1x80xi32, #tpu.memory_space<vmem>> -> memref<80xi32, #tpu.memory_space<vmem>>
      %dma_wait3A_780 = arith.constant 0 : i32
      %dma_wait3A_781 = arith.constant 0 : i32
      %dma_wait3A_782 = tpu.memref_slice %arg3[%dma_wait3A_780, %dma_wait3A_781] : memref<10000x64xf32, #tpu.memory_space<hbm>> -> memref<10000x64xf32, #tpu.memory_space<hbm>>
      tpu.wait_indirect_dma semaphore(%arg10 : memref<!tpu.dma_semaphore, #tpu.memory_space<semaphore_mem>>) src(%dma_wait3A_782 : memref<10000x64xf32, #tpu.memory_space<hbm>>) dst(%dma_wait3A_776 : memref<80x64xf32, #tpu.memory_space<vmem>>)
      %rem3A_783 = arith.constant 4 : i32
      %rem3A_784 = arith.remsi %scan3A_672, %rem3A_783 : i32
      %rem3A_785 = arith.constant 6 : i32
      %rem3A_786 = arith.remsi %scan3A_672, %rem3A_785 : i32
      %dma_start3A_787 = arith.constant 0 : i32
      %dma_start3A_788 = arith.constant 0 : i32
      %dma_start3A_789 = tpu.memref_slice %arg7[%rem3A_784, %dma_start3A_787, %dma_start3A_788] : memref<4x80x64xf32, #tpu.memory_space<vmem>> -> memref<1x80x64xf32, #tpu.memory_space<vmem>>
      %dma_start3A_790 = tpu.memref_squeeze %dma_start3A_789 : memref<1x80x64xf32, #tpu.memory_space<vmem>> -> memref<80x64xf32, #tpu.memory_space<vmem>>
      %dma_start3A_791 = arith.constant 0 : i32
      %dma_start3A_792 = tpu.memref_slice %arg6[%rem3A_786, %dma_start3A_791] : memref<6x80xi32, #tpu.memory_space<vmem>> -> memref<1x80xi32, #tpu.memory_space<vmem>>
      %dma_start3A_793 = tpu.memref_squeeze %dma_start3A_792 : memref<1x80xi32, #tpu.memory_space<vmem>> -> memref<80xi32, #tpu.memory_space<vmem>>
      %dma_start3A_794 = arith.constant 0 : i32
      %dma_start3A_795 = arith.constant 0 : i32
      %dma_start3A_796 = tpu.memref_slice %arg12[%dma_start3A_794, %dma_start3A_795] : memref<10240x64xf32, #tpu.memory_space<vmem_shared>> -> memref<10240x64xf32, #tpu.memory_space<vmem_shared>>
      tpu.enqueue_indirect_dma source(%dma_start3A_790 : memref<80x64xf32, #tpu.memory_space<vmem>>) target(%dma_start3A_796 : memref<10240x64xf32, #tpu.memory_space<vmem_shared>>) offsets(%dma_start3A_793 : memref<80xi32, #tpu.memory_space<vmem>>) semaphore(%arg11 : memref<!tpu.dma_semaphore, #tpu.memory_space<semaphore_mem>>) {add = true}
    }
    %scan3A_411 = arith.constant 119 : i32
    %dma_wait3A_412 = arith.constant 0 : i32
    %dma_wait3A_413 = arith.constant 0 : i32
    %dma_wait3A_414 = arith.constant 0 : i32
    %dma_wait3A_415 = arith.constant 0 : i32
    %dma_wait3A_416 = tpu.memref_slice %arg7[%dma_wait3A_412, %dma_wait3A_414, %dma_wait3A_415] : memref<4x80x64xf32, #tpu.memory_space<vmem>> -> memref<1x80x64xf32, #tpu.memory_space<vmem>>
    %dma_wait3A_417 = tpu.memref_squeeze %dma_wait3A_416 : memref<1x80x64xf32, #tpu.memory_space<vmem>> -> memref<80x64xf32, #tpu.memory_space<vmem>>
    %dma_wait3A_418 = arith.constant 0 : i32
    %dma_wait3A_419 = tpu.memref_slice %arg6[%dma_wait3A_413, %dma_wait3A_418] : memref<6x80xi32, #tpu.memory_space<vmem>> -> memref<1x80xi32, #tpu.memory_space<vmem>>
    %dma_wait3A_420 = tpu.memref_squeeze %dma_wait3A_419 : memref<1x80xi32, #tpu.memory_space<vmem>> -> memref<80xi32, #tpu.memory_space<vmem>>
    %dma_wait3A_421 = arith.constant 0 : i32
    %dma_wait3A_422 = arith.constant 0 : i32
    %dma_wait3A_423 = tpu.memref_slice %arg12[%dma_wait3A_421, %dma_wait3A_422] : memref<10240x64xf32, #tpu.memory_space<vmem_shared>> -> memref<10240x64xf32, #tpu.memory_space<vmem_shared>>
    tpu.wait_indirect_dma semaphore(%arg11 : memref<!tpu.dma_semaphore, #tpu.memory_space<semaphore_mem>>) src(%dma_wait3A_417 : memref<80x64xf32, #tpu.memory_space<vmem>>) dst(%dma_wait3A_423 : memref<10240x64xf32, #tpu.memory_space<vmem_shared>>)
    %dma_wait3A_424 = arith.constant 0 : i32
    %dma_wait3A_425 = arith.constant 0 : i32
    %dma_wait3A_426 = arith.constant 0 : i32
    %dma_wait3A_427 = arith.constant 0 : i32
    %dma_wait3A_428 = tpu.memref_slice %arg5[%dma_wait3A_426, %dma_wait3A_427] : memref<6x80xi32, #tpu.memory_space<vmem>> -> memref<1x80xi32, #tpu.memory_space<vmem>>
    %dma_wait3A_429 = tpu.memref_squeeze %dma_wait3A_428 : memref<1x80xi32, #tpu.memory_space<vmem>> -> memref<80xi32, #tpu.memory_space<vmem>>
    %dma_wait3A_430 = arith.constant 0 : i32
    %dma_wait3A_431 = tpu.memref_slice %arg2[%dma_wait3A_424, %dma_wait3A_425, %dma_wait3A_430] : memref<64x125x80xi32, #tpu.memory_space<hbm>> -> memref<1x1x80xi32, #tpu.memory_space<hbm>>
    %dma_wait3A_432 = tpu.memref_squeeze %dma_wait3A_431 : memref<1x1x80xi32, #tpu.memory_space<hbm>> -> memref<80xi32, #tpu.memory_space<hbm>>
    %dma_wait3A_433 = arith.constant 0 : i32
    %dma_wait3A_434 = tpu.memref_slice %arg5[%dma_wait3A_426, %dma_wait3A_433] : memref<6x80xi32, #tpu.memory_space<vmem>> -> memref<1x80xi32, #tpu.memory_space<vmem>>
    %dma_wait3A_435 = tpu.memref_squeeze %dma_wait3A_434 : memref<1x80xi32, #tpu.memory_space<vmem>> -> memref<80xi32, #tpu.memory_space<vmem>>
    %dma_wait3A_436 = arith.constant 0 : i32
    %dma_wait3A_437 = tpu.memref_slice %arg2[%dma_wait3A_424, %dma_wait3A_425, %dma_wait3A_436] : memref<64x125x80xi32, #tpu.memory_space<hbm>> -> memref<1x1x80xi32, #tpu.memory_space<hbm>>
    %dma_wait3A_438 = tpu.memref_squeeze %dma_wait3A_437 : memref<1x1x80xi32, #tpu.memory_space<hbm>> -> memref<80xi32, #tpu.memory_space<hbm>>
    tpu.wait_dma2 semaphore(%arg9 : memref<!tpu.dma_semaphore, #tpu.memory_space<semaphore_mem>>) src(%dma_wait3A_438 : memref<80xi32, #tpu.memory_space<hbm>>) dst(%dma_wait3A_435 : memref<80xi32, #tpu.memory_space<vmem>>)
    %dma_wait3A_439 = arith.constant 0 : i32
    %dma_wait3A_440 = arith.constant 0 : i32
    %dma_wait3A_441 = arith.constant 0 : i32
    %dma_wait3A_442 = arith.constant 0 : i32
    %dma_wait3A_443 = tpu.memref_slice %arg6[%dma_wait3A_441, %dma_wait3A_442] : memref<6x80xi32, #tpu.memory_space<vmem>> -> memref<1x80xi32, #tpu.memory_space<vmem>>
    %dma_wait3A_444 = tpu.memref_squeeze %dma_wait3A_443 : memref<1x80xi32, #tpu.memory_space<vmem>> -> memref<80xi32, #tpu.memory_space<vmem>>
    %dma_wait3A_445 = arith.constant 0 : i32
    %dma_wait3A_446 = tpu.memref_slice %arg2[%dma_wait3A_439, %dma_wait3A_440, %dma_wait3A_445] : memref<64x125x80xi32, #tpu.memory_space<hbm>> -> memref<1x1x80xi32, #tpu.memory_space<hbm>>
    %dma_wait3A_447 = tpu.memref_squeeze %dma_wait3A_446 : memref<1x1x80xi32, #tpu.memory_space<hbm>> -> memref<80xi32, #tpu.memory_space<hbm>>
    %dma_wait3A_448 = arith.constant 0 : i32
    %dma_wait3A_449 = tpu.memref_slice %arg6[%dma_wait3A_441, %dma_wait3A_448] : memref<6x80xi32, #tpu.memory_space<vmem>> -> memref<1x80xi32, #tpu.memory_space<vmem>>
    %dma_wait3A_450 = tpu.memref_squeeze %dma_wait3A_449 : memref<1x80xi32, #tpu.memory_space<vmem>> -> memref<80xi32, #tpu.memory_space<vmem>>
    %dma_wait3A_451 = arith.constant 0 : i32
    %dma_wait3A_452 = tpu.memref_slice %arg2[%dma_wait3A_439, %dma_wait3A_440, %dma_wait3A_451] : memref<64x125x80xi32, #tpu.memory_space<hbm>> -> memref<1x1x80xi32, #tpu.memory_space<hbm>>
    %dma_wait3A_453 = tpu.memref_squeeze %dma_wait3A_452 : memref<1x1x80xi32, #tpu.memory_space<hbm>> -> memref<80xi32, #tpu.memory_space<hbm>>
    tpu.wait_dma2 semaphore(%arg9 : memref<!tpu.dma_semaphore, #tpu.memory_space<semaphore_mem>>) src(%dma_wait3A_453 : memref<80xi32, #tpu.memory_space<hbm>>) dst(%dma_wait3A_450 : memref<80xi32, #tpu.memory_space<vmem>>)
    %dma_start3A_454 = arith.constant 3 : i32
    %dma_start3A_455 = arith.constant 3 : i32
    %dma_start3A_456 = arith.constant 0 : i32
    %dma_start3A_457 = arith.constant 0 : i32
    %dma_start3A_458 = tpu.memref_slice %arg7[%dma_start3A_455, %dma_start3A_456, %dma_start3A_457] : memref<4x80x64xf32, #tpu.memory_space<vmem>> -> memref<1x80x64xf32, #tpu.memory_space<vmem>>
    %dma_start3A_459 = tpu.memref_squeeze %dma_start3A_458 : memref<1x80x64xf32, #tpu.memory_space<vmem>> -> memref<80x64xf32, #tpu.memory_space<vmem>>
    %dma_start3A_460 = arith.constant 0 : i32
    %dma_start3A_461 = tpu.memref_slice %arg5[%dma_start3A_454, %dma_start3A_460] : memref<6x80xi32, #tpu.memory_space<vmem>> -> memref<1x80xi32, #tpu.memory_space<vmem>>
    %dma_start3A_462 = tpu.memref_squeeze %dma_start3A_461 : memref<1x80xi32, #tpu.memory_space<vmem>> -> memref<80xi32, #tpu.memory_space<vmem>>
    %dma_start3A_463 = arith.constant 0 : i32
    %dma_start3A_464 = arith.constant 0 : i32
    %dma_start3A_465 = tpu.memref_slice %arg3[%dma_start3A_463, %dma_start3A_464] : memref<10000x64xf32, #tpu.memory_space<hbm>> -> memref<10000x64xf32, #tpu.memory_space<hbm>>
    tpu.enqueue_indirect_dma source(%dma_start3A_465 : memref<10000x64xf32, #tpu.memory_space<hbm>>) target(%dma_start3A_459 : memref<80x64xf32, #tpu.memory_space<vmem>>) offsets(%dma_start3A_462 : memref<80xi32, #tpu.memory_space<vmem>>) semaphore(%arg10 : memref<!tpu.dma_semaphore, #tpu.memory_space<semaphore_mem>>)
    %dma_wait3A_466 = arith.constant 0 : i32
    %dma_wait3A_467 = arith.constant 0 : i32
    %dma_wait3A_468 = arith.constant 0 : i32
    %dma_wait3A_469 = arith.constant 0 : i32
    %dma_wait3A_470 = tpu.memref_slice %arg7[%dma_wait3A_467, %dma_wait3A_468, %dma_wait3A_469] : memref<4x80x64xf32, #tpu.memory_space<vmem>> -> memref<1x80x64xf32, #tpu.memory_space<vmem>>
    %dma_wait3A_471 = tpu.memref_squeeze %dma_wait3A_470 : memref<1x80x64xf32, #tpu.memory_space<vmem>> -> memref<80x64xf32, #tpu.memory_space<vmem>>
    %dma_wait3A_472 = arith.constant 0 : i32
    %dma_wait3A_473 = tpu.memref_slice %arg5[%dma_wait3A_466, %dma_wait3A_472] : memref<6x80xi32, #tpu.memory_space<vmem>> -> memref<1x80xi32, #tpu.memory_space<vmem>>
    %dma_wait3A_474 = tpu.memref_squeeze %dma_wait3A_473 : memref<1x80xi32, #tpu.memory_space<vmem>> -> memref<80xi32, #tpu.memory_space<vmem>>
    %dma_wait3A_475 = arith.constant 0 : i32
    %dma_wait3A_476 = arith.constant 0 : i32
    %dma_wait3A_477 = tpu.memref_slice %arg3[%dma_wait3A_475, %dma_wait3A_476] : memref<10000x64xf32, #tpu.memory_space<hbm>> -> memref<10000x64xf32, #tpu.memory_space<hbm>>
    tpu.wait_indirect_dma semaphore(%arg10 : memref<!tpu.dma_semaphore, #tpu.memory_space<semaphore_mem>>) src(%dma_wait3A_477 : memref<10000x64xf32, #tpu.memory_space<hbm>>) dst(%dma_wait3A_471 : memref<80x64xf32, #tpu.memory_space<vmem>>)
    %dma_start3A_478 = arith.constant 1 : i32
    %dma_start3A_479 = arith.constant 1 : i32
    %dma_start3A_480 = arith.constant 0 : i32
    %dma_start3A_481 = arith.constant 0 : i32
    %dma_start3A_482 = tpu.memref_slice %arg7[%dma_start3A_478, %dma_start3A_480, %dma_start3A_481] : memref<4x80x64xf32, #tpu.memory_space<vmem>> -> memref<1x80x64xf32, #tpu.memory_space<vmem>>
    %dma_start3A_483 = tpu.memref_squeeze %dma_start3A_482 : memref<1x80x64xf32, #tpu.memory_space<vmem>> -> memref<80x64xf32, #tpu.memory_space<vmem>>
    %dma_start3A_484 = arith.constant 0 : i32
    %dma_start3A_485 = tpu.memref_slice %arg6[%dma_start3A_479, %dma_start3A_484] : memref<6x80xi32, #tpu.memory_space<vmem>> -> memref<1x80xi32, #tpu.memory_space<vmem>>
    %dma_start3A_486 = tpu.memref_squeeze %dma_start3A_485 : memref<1x80xi32, #tpu.memory_space<vmem>> -> memref<80xi32, #tpu.memory_space<vmem>>
    %dma_start3A_487 = arith.constant 0 : i32
    %dma_start3A_488 = arith.constant 0 : i32
    %dma_start3A_489 = tpu.memref_slice %arg12[%dma_start3A_487, %dma_start3A_488] : memref<10240x64xf32, #tpu.memory_space<vmem_shared>> -> memref<10240x64xf32, #tpu.memory_space<vmem_shared>>
    tpu.enqueue_indirect_dma source(%dma_start3A_483 : memref<80x64xf32, #tpu.memory_space<vmem>>) target(%dma_start3A_489 : memref<10240x64xf32, #tpu.memory_space<vmem_shared>>) offsets(%dma_start3A_486 : memref<80xi32, #tpu.memory_space<vmem>>) semaphore(%arg11 : memref<!tpu.dma_semaphore, #tpu.memory_space<semaphore_mem>>) {add = true}
    %dma_wait3A_490 = arith.constant 0 : i32
    %dma_wait3A_491 = arith.constant 0 : i32
    %dma_wait3A_492 = arith.constant 0 : i32
    %dma_wait3A_493 = arith.constant 0 : i32
    %dma_wait3A_494 = tpu.memref_slice %arg7[%dma_wait3A_490, %dma_wait3A_492, %dma_wait3A_493] : memref<4x80x64xf32, #tpu.memory_space<vmem>> -> memref<1x80x64xf32, #tpu.memory_space<vmem>>
    %dma_wait3A_495 = tpu.memref_squeeze %dma_wait3A_494 : memref<1x80x64xf32, #tpu.memory_space<vmem>> -> memref<80x64xf32, #tpu.memory_space<vmem>>
    %dma_wait3A_496 = arith.constant 0 : i32
    %dma_wait3A_497 = tpu.memref_slice %arg6[%dma_wait3A_491, %dma_wait3A_496] : memref<6x80xi32, #tpu.memory_space<vmem>> -> memref<1x80xi32, #tpu.memory_space<vmem>>
    %dma_wait3A_498 = tpu.memref_squeeze %dma_wait3A_497 : memref<1x80xi32, #tpu.memory_space<vmem>> -> memref<80xi32, #tpu.memory_space<vmem>>
    %dma_wait3A_499 = arith.constant 0 : i32
    %dma_wait3A_500 = arith.constant 0 : i32
    %dma_wait3A_501 = tpu.memref_slice %arg12[%dma_wait3A_499, %dma_wait3A_500] : memref<10240x64xf32, #tpu.memory_space<vmem_shared>> -> memref<10240x64xf32, #tpu.memory_space<vmem_shared>>
    tpu.wait_indirect_dma semaphore(%arg11 : memref<!tpu.dma_semaphore, #tpu.memory_space<semaphore_mem>>) src(%dma_wait3A_495 : memref<80x64xf32, #tpu.memory_space<vmem>>) dst(%dma_wait3A_501 : memref<10240x64xf32, #tpu.memory_space<vmem_shared>>)
    %dma_wait3A_502 = arith.constant 0 : i32
    %dma_wait3A_503 = arith.constant 0 : i32
    %dma_wait3A_504 = arith.constant 0 : i32
    %dma_wait3A_505 = arith.constant 0 : i32
    %dma_wait3A_506 = tpu.memref_slice %arg5[%dma_wait3A_504, %dma_wait3A_505] : memref<6x80xi32, #tpu.memory_space<vmem>> -> memref<1x80xi32, #tpu.memory_space<vmem>>
    %dma_wait3A_507 = tpu.memref_squeeze %dma_wait3A_506 : memref<1x80xi32, #tpu.memory_space<vmem>> -> memref<80xi32, #tpu.memory_space<vmem>>
    %dma_wait3A_508 = arith.constant 0 : i32
    %dma_wait3A_509 = tpu.memref_slice %arg2[%dma_wait3A_502, %dma_wait3A_503, %dma_wait3A_508] : memref<64x125x80xi32, #tpu.memory_space<hbm>> -> memref<1x1x80xi32, #tpu.memory_space<hbm>>
    %dma_wait3A_510 = tpu.memref_squeeze %dma_wait3A_509 : memref<1x1x80xi32, #tpu.memory_space<hbm>> -> memref<80xi32, #tpu.memory_space<hbm>>
    %dma_wait3A_511 = arith.constant 0 : i32
    %dma_wait3A_512 = tpu.memref_slice %arg5[%dma_wait3A_504, %dma_wait3A_511] : memref<6x80xi32, #tpu.memory_space<vmem>> -> memref<1x80xi32, #tpu.memory_space<vmem>>
    %dma_wait3A_513 = tpu.memref_squeeze %dma_wait3A_512 : memref<1x80xi32, #tpu.memory_space<vmem>> -> memref<80xi32, #tpu.memory_space<vmem>>
    %dma_wait3A_514 = arith.constant 0 : i32
    %dma_wait3A_515 = tpu.memref_slice %arg2[%dma_wait3A_502, %dma_wait3A_503, %dma_wait3A_514] : memref<64x125x80xi32, #tpu.memory_space<hbm>> -> memref<1x1x80xi32, #tpu.memory_space<hbm>>
    %dma_wait3A_516 = tpu.memref_squeeze %dma_wait3A_515 : memref<1x1x80xi32, #tpu.memory_space<hbm>> -> memref<80xi32, #tpu.memory_space<hbm>>
    tpu.wait_dma2 semaphore(%arg9 : memref<!tpu.dma_semaphore, #tpu.memory_space<semaphore_mem>>) src(%dma_wait3A_516 : memref<80xi32, #tpu.memory_space<hbm>>) dst(%dma_wait3A_513 : memref<80xi32, #tpu.memory_space<vmem>>)
    %dma_wait3A_517 = arith.constant 0 : i32
    %dma_wait3A_518 = arith.constant 0 : i32
    %dma_wait3A_519 = arith.constant 0 : i32
    %dma_wait3A_520 = arith.constant 0 : i32
    %dma_wait3A_521 = tpu.memref_slice %arg6[%dma_wait3A_519, %dma_wait3A_520] : memref<6x80xi32, #tpu.memory_space<vmem>> -> memref<1x80xi32, #tpu.memory_space<vmem>>
    %dma_wait3A_522 = tpu.memref_squeeze %dma_wait3A_521 : memref<1x80xi32, #tpu.memory_space<vmem>> -> memref<80xi32, #tpu.memory_space<vmem>>
    %dma_wait3A_523 = arith.constant 0 : i32
    %dma_wait3A_524 = tpu.memref_slice %arg2[%dma_wait3A_517, %dma_wait3A_518, %dma_wait3A_523] : memref<64x125x80xi32, #tpu.memory_space<hbm>> -> memref<1x1x80xi32, #tpu.memory_space<hbm>>
    %dma_wait3A_525 = tpu.memref_squeeze %dma_wait3A_524 : memref<1x1x80xi32, #tpu.memory_space<hbm>> -> memref<80xi32, #tpu.memory_space<hbm>>
    %dma_wait3A_526 = arith.constant 0 : i32
    %dma_wait3A_527 = tpu.memref_slice %arg6[%dma_wait3A_519, %dma_wait3A_526] : memref<6x80xi32, #tpu.memory_space<vmem>> -> memref<1x80xi32, #tpu.memory_space<vmem>>
    %dma_wait3A_528 = tpu.memref_squeeze %dma_wait3A_527 : memref<1x80xi32, #tpu.memory_space<vmem>> -> memref<80xi32, #tpu.memory_space<vmem>>
    %dma_wait3A_529 = arith.constant 0 : i32
    %dma_wait3A_530 = tpu.memref_slice %arg2[%dma_wait3A_517, %dma_wait3A_518, %dma_wait3A_529] : memref<64x125x80xi32, #tpu.memory_space<hbm>> -> memref<1x1x80xi32, #tpu.memory_space<hbm>>
    %dma_wait3A_531 = tpu.memref_squeeze %dma_wait3A_530 : memref<1x1x80xi32, #tpu.memory_space<hbm>> -> memref<80xi32, #tpu.memory_space<hbm>>
    tpu.wait_dma2 semaphore(%arg9 : memref<!tpu.dma_semaphore, #tpu.memory_space<semaphore_mem>>) src(%dma_wait3A_531 : memref<80xi32, #tpu.memory_space<hbm>>) dst(%dma_wait3A_528 : memref<80xi32, #tpu.memory_space<vmem>>)
    %dma_start3A_532 = arith.constant 4 : i32
    %dma_start3A_533 = arith.constant 0 : i32
    %dma_start3A_534 = arith.constant 0 : i32
    %dma_start3A_535 = arith.constant 0 : i32
    %dma_start3A_536 = tpu.memref_slice %arg7[%dma_start3A_533, %dma_start3A_534, %dma_start3A_535] : memref<4x80x64xf32, #tpu.memory_space<vmem>> -> memref<1x80x64xf32, #tpu.memory_space<vmem>>
    %dma_start3A_537 = tpu.memref_squeeze %dma_start3A_536 : memref<1x80x64xf32, #tpu.memory_space<vmem>> -> memref<80x64xf32, #tpu.memory_space<vmem>>
    %dma_start3A_538 = arith.constant 0 : i32
    %dma_start3A_539 = tpu.memref_slice %arg5[%dma_start3A_532, %dma_start3A_538] : memref<6x80xi32, #tpu.memory_space<vmem>> -> memref<1x80xi32, #tpu.memory_space<vmem>>
    %dma_start3A_540 = tpu.memref_squeeze %dma_start3A_539 : memref<1x80xi32, #tpu.memory_space<vmem>> -> memref<80xi32, #tpu.memory_space<vmem>>
    %dma_start3A_541 = arith.constant 0 : i32
    %dma_start3A_542 = arith.constant 0 : i32
    %dma_start3A_543 = tpu.memref_slice %arg3[%dma_start3A_541, %dma_start3A_542] : memref<10000x64xf32, #tpu.memory_space<hbm>> -> memref<10000x64xf32, #tpu.memory_space<hbm>>
    tpu.enqueue_indirect_dma source(%dma_start3A_543 : memref<10000x64xf32, #tpu.memory_space<hbm>>) target(%dma_start3A_537 : memref<80x64xf32, #tpu.memory_space<vmem>>) offsets(%dma_start3A_540 : memref<80xi32, #tpu.memory_space<vmem>>) semaphore(%arg10 : memref<!tpu.dma_semaphore, #tpu.memory_space<semaphore_mem>>)
    %dma_wait3A_544 = arith.constant 0 : i32
    %dma_wait3A_545 = arith.constant 0 : i32
    %dma_wait3A_546 = arith.constant 0 : i32
    %dma_wait3A_547 = arith.constant 0 : i32
    %dma_wait3A_548 = tpu.memref_slice %arg7[%dma_wait3A_545, %dma_wait3A_546, %dma_wait3A_547] : memref<4x80x64xf32, #tpu.memory_space<vmem>> -> memref<1x80x64xf32, #tpu.memory_space<vmem>>
    %dma_wait3A_549 = tpu.memref_squeeze %dma_wait3A_548 : memref<1x80x64xf32, #tpu.memory_space<vmem>> -> memref<80x64xf32, #tpu.memory_space<vmem>>
    %dma_wait3A_550 = arith.constant 0 : i32
    %dma_wait3A_551 = tpu.memref_slice %arg5[%dma_wait3A_544, %dma_wait3A_550] : memref<6x80xi32, #tpu.memory_space<vmem>> -> memref<1x80xi32, #tpu.memory_space<vmem>>
    %dma_wait3A_552 = tpu.memref_squeeze %dma_wait3A_551 : memref<1x80xi32, #tpu.memory_space<vmem>> -> memref<80xi32, #tpu.memory_space<vmem>>
    %dma_wait3A_553 = arith.constant 0 : i32
    %dma_wait3A_554 = arith.constant 0 : i32
    %dma_wait3A_555 = tpu.memref_slice %arg3[%dma_wait3A_553, %dma_wait3A_554] : memref<10000x64xf32, #tpu.memory_space<hbm>> -> memref<10000x64xf32, #tpu.memory_space<hbm>>
    tpu.wait_indirect_dma semaphore(%arg10 : memref<!tpu.dma_semaphore, #tpu.memory_space<semaphore_mem>>) src(%dma_wait3A_555 : memref<10000x64xf32, #tpu.memory_space<hbm>>) dst(%dma_wait3A_549 : memref<80x64xf32, #tpu.memory_space<vmem>>)
    %dma_start3A_556 = arith.constant 2 : i32
    %dma_start3A_557 = arith.constant 2 : i32
    %dma_start3A_558 = arith.constant 0 : i32
    %dma_start3A_559 = arith.constant 0 : i32
    %dma_start3A_560 = tpu.memref_slice %arg7[%dma_start3A_556, %dma_start3A_558, %dma_start3A_559] : memref<4x80x64xf32, #tpu.memory_space<vmem>> -> memref<1x80x64xf32, #tpu.memory_space<vmem>>
    %dma_start3A_561 = tpu.memref_squeeze %dma_start3A_560 : memref<1x80x64xf32, #tpu.memory_space<vmem>> -> memref<80x64xf32, #tpu.memory_space<vmem>>
    %dma_start3A_562 = arith.constant 0 : i32
    %dma_start3A_563 = tpu.memref_slice %arg6[%dma_start3A_557, %dma_start3A_562] : memref<6x80xi32, #tpu.memory_space<vmem>> -> memref<1x80xi32, #tpu.memory_space<vmem>>
    %dma_start3A_564 = tpu.memref_squeeze %dma_start3A_563 : memref<1x80xi32, #tpu.memory_space<vmem>> -> memref<80xi32, #tpu.memory_space<vmem>>
    %dma_start3A_565 = arith.constant 0 : i32
    %dma_start3A_566 = arith.constant 0 : i32
    %dma_start3A_567 = tpu.memref_slice %arg12[%dma_start3A_565, %dma_start3A_566] : memref<10240x64xf32, #tpu.memory_space<vmem_shared>> -> memref<10240x64xf32, #tpu.memory_space<vmem_shared>>
    tpu.enqueue_indirect_dma source(%dma_start3A_561 : memref<80x64xf32, #tpu.memory_space<vmem>>) target(%dma_start3A_567 : memref<10240x64xf32, #tpu.memory_space<vmem_shared>>) offsets(%dma_start3A_564 : memref<80xi32, #tpu.memory_space<vmem>>) semaphore(%arg11 : memref<!tpu.dma_semaphore, #tpu.memory_space<semaphore_mem>>) {add = true}
    %dma_wait3A_568 = arith.constant 0 : i32
    %dma_wait3A_569 = arith.constant 0 : i32
    %dma_wait3A_570 = arith.constant 0 : i32
    %dma_wait3A_571 = arith.constant 0 : i32
    %dma_wait3A_572 = tpu.memref_slice %arg7[%dma_wait3A_568, %dma_wait3A_570, %dma_wait3A_571] : memref<4x80x64xf32, #tpu.memory_space<vmem>> -> memref<1x80x64xf32, #tpu.memory_space<vmem>>
    %dma_wait3A_573 = tpu.memref_squeeze %dma_wait3A_572 : memref<1x80x64xf32, #tpu.memory_space<vmem>> -> memref<80x64xf32, #tpu.memory_space<vmem>>
    %dma_wait3A_574 = arith.constant 0 : i32
    %dma_wait3A_575 = tpu.memref_slice %arg6[%dma_wait3A_569, %dma_wait3A_574] : memref<6x80xi32, #tpu.memory_space<vmem>> -> memref<1x80xi32, #tpu.memory_space<vmem>>
    %dma_wait3A_576 = tpu.memref_squeeze %dma_wait3A_575 : memref<1x80xi32, #tpu.memory_space<vmem>> -> memref<80xi32, #tpu.memory_space<vmem>>
    %dma_wait3A_577 = arith.constant 0 : i32
    %dma_wait3A_578 = arith.constant 0 : i32
    %dma_wait3A_579 = tpu.memref_slice %arg12[%dma_wait3A_577, %dma_wait3A_578] : memref<10240x64xf32, #tpu.memory_space<vmem_shared>> -> memref<10240x64xf32, #tpu.memory_space<vmem_shared>>
    tpu.wait_indirect_dma semaphore(%arg11 : memref<!tpu.dma_semaphore, #tpu.memory_space<semaphore_mem>>) src(%dma_wait3A_573 : memref<80x64xf32, #tpu.memory_space<vmem>>) dst(%dma_wait3A_579 : memref<10240x64xf32, #tpu.memory_space<vmem_shared>>)
    %dma_wait3A_580 = arith.constant 0 : i32
    %dma_wait3A_581 = arith.constant 0 : i32
    %dma_wait3A_582 = arith.constant 0 : i32
    %dma_wait3A_583 = arith.constant 0 : i32
    %dma_wait3A_584 = tpu.memref_slice %arg7[%dma_wait3A_581, %dma_wait3A_582, %dma_wait3A_583] : memref<4x80x64xf32, #tpu.memory_space<vmem>> -> memref<1x80x64xf32, #tpu.memory_space<vmem>>
    %dma_wait3A_585 = tpu.memref_squeeze %dma_wait3A_584 : memref<1x80x64xf32, #tpu.memory_space<vmem>> -> memref<80x64xf32, #tpu.memory_space<vmem>>
    %dma_wait3A_586 = arith.constant 0 : i32
    %dma_wait3A_587 = tpu.memref_slice %arg5[%dma_wait3A_580, %dma_wait3A_586] : memref<6x80xi32, #tpu.memory_space<vmem>> -> memref<1x80xi32, #tpu.memory_space<vmem>>
    %dma_wait3A_588 = tpu.memref_squeeze %dma_wait3A_587 : memref<1x80xi32, #tpu.memory_space<vmem>> -> memref<80xi32, #tpu.memory_space<vmem>>
    %dma_wait3A_589 = arith.constant 0 : i32
    %dma_wait3A_590 = arith.constant 0 : i32
    %dma_wait3A_591 = tpu.memref_slice %arg3[%dma_wait3A_589, %dma_wait3A_590] : memref<10000x64xf32, #tpu.memory_space<hbm>> -> memref<10000x64xf32, #tpu.memory_space<hbm>>
    tpu.wait_indirect_dma semaphore(%arg10 : memref<!tpu.dma_semaphore, #tpu.memory_space<semaphore_mem>>) src(%dma_wait3A_591 : memref<10000x64xf32, #tpu.memory_space<hbm>>) dst(%dma_wait3A_585 : memref<80x64xf32, #tpu.memory_space<vmem>>)
    %dma_start3A_592 = arith.constant 3 : i32
    %dma_start3A_593 = arith.constant 3 : i32
    %dma_start3A_594 = arith.constant 0 : i32
    %dma_start3A_595 = arith.constant 0 : i32
    %dma_start3A_596 = tpu.memref_slice %arg7[%dma_start3A_592, %dma_start3A_594, %dma_start3A_595] : memref<4x80x64xf32, #tpu.memory_space<vmem>> -> memref<1x80x64xf32, #tpu.memory_space<vmem>>
    %dma_start3A_597 = tpu.memref_squeeze %dma_start3A_596 : memref<1x80x64xf32, #tpu.memory_space<vmem>> -> memref<80x64xf32, #tpu.memory_space<vmem>>
    %dma_start3A_598 = arith.constant 0 : i32
    %dma_start3A_599 = tpu.memref_slice %arg6[%dma_start3A_593, %dma_start3A_598] : memref<6x80xi32, #tpu.memory_space<vmem>> -> memref<1x80xi32, #tpu.memory_space<vmem>>
    %dma_start3A_600 = tpu.memref_squeeze %dma_start3A_599 : memref<1x80xi32, #tpu.memory_space<vmem>> -> memref<80xi32, #tpu.memory_space<vmem>>
    %dma_start3A_601 = arith.constant 0 : i32
    %dma_start3A_602 = arith.constant 0 : i32
    %dma_start3A_603 = tpu.memref_slice %arg12[%dma_start3A_601, %dma_start3A_602] : memref<10240x64xf32, #tpu.memory_space<vmem_shared>> -> memref<10240x64xf32, #tpu.memory_space<vmem_shared>>
    tpu.enqueue_indirect_dma source(%dma_start3A_597 : memref<80x64xf32, #tpu.memory_space<vmem>>) target(%dma_start3A_603 : memref<10240x64xf32, #tpu.memory_space<vmem_shared>>) offsets(%dma_start3A_600 : memref<80xi32, #tpu.memory_space<vmem>>) semaphore(%arg11 : memref<!tpu.dma_semaphore, #tpu.memory_space<semaphore_mem>>) {add = true}
    %dma_wait3A_604 = arith.constant 0 : i32
    %dma_wait3A_605 = arith.constant 0 : i32
    %dma_wait3A_606 = arith.constant 0 : i32
    %dma_wait3A_607 = arith.constant 0 : i32
    %dma_wait3A_608 = tpu.memref_slice %arg7[%dma_wait3A_604, %dma_wait3A_606, %dma_wait3A_607] : memref<4x80x64xf32, #tpu.memory_space<vmem>> -> memref<1x80x64xf32, #tpu.memory_space<vmem>>
    %dma_wait3A_609 = tpu.memref_squeeze %dma_wait3A_608 : memref<1x80x64xf32, #tpu.memory_space<vmem>> -> memref<80x64xf32, #tpu.memory_space<vmem>>
    %dma_wait3A_610 = arith.constant 0 : i32
    %dma_wait3A_611 = tpu.memref_slice %arg6[%dma_wait3A_605, %dma_wait3A_610] : memref<6x80xi32, #tpu.memory_space<vmem>> -> memref<1x80xi32, #tpu.memory_space<vmem>>
    %dma_wait3A_612 = tpu.memref_squeeze %dma_wait3A_611 : memref<1x80xi32, #tpu.memory_space<vmem>> -> memref<80xi32, #tpu.memory_space<vmem>>
    %dma_wait3A_613 = arith.constant 0 : i32
    %dma_wait3A_614 = arith.constant 0 : i32
    %dma_wait3A_615 = tpu.memref_slice %arg12[%dma_wait3A_613, %dma_wait3A_614] : memref<10240x64xf32, #tpu.memory_space<vmem_shared>> -> memref<10240x64xf32, #tpu.memory_space<vmem_shared>>
    tpu.wait_indirect_dma semaphore(%arg11 : memref<!tpu.dma_semaphore, #tpu.memory_space<semaphore_mem>>) src(%dma_wait3A_609 : memref<80x64xf32, #tpu.memory_space<vmem>>) dst(%dma_wait3A_615 : memref<10240x64xf32, #tpu.memory_space<vmem_shared>>)
    %dma_wait3A_616 = arith.constant 0 : i32
    %dma_wait3A_617 = arith.constant 0 : i32
    %dma_wait3A_618 = arith.constant 0 : i32
    %dma_wait3A_619 = arith.constant 0 : i32
    %dma_wait3A_620 = tpu.memref_slice %arg7[%dma_wait3A_617, %dma_wait3A_618, %dma_wait3A_619] : memref<4x80x64xf32, #tpu.memory_space<vmem>> -> memref<1x80x64xf32, #tpu.memory_space<vmem>>
    %dma_wait3A_621 = tpu.memref_squeeze %dma_wait3A_620 : memref<1x80x64xf32, #tpu.memory_space<vmem>> -> memref<80x64xf32, #tpu.memory_space<vmem>>
    %dma_wait3A_622 = arith.constant 0 : i32
    %dma_wait3A_623 = tpu.memref_slice %arg5[%dma_wait3A_616, %dma_wait3A_622] : memref<6x80xi32, #tpu.memory_space<vmem>> -> memref<1x80xi32, #tpu.memory_space<vmem>>
    %dma_wait3A_624 = tpu.memref_squeeze %dma_wait3A_623 : memref<1x80xi32, #tpu.memory_space<vmem>> -> memref<80xi32, #tpu.memory_space<vmem>>
    %dma_wait3A_625 = arith.constant 0 : i32
    %dma_wait3A_626 = arith.constant 0 : i32
    %dma_wait3A_627 = tpu.memref_slice %arg3[%dma_wait3A_625, %dma_wait3A_626] : memref<10000x64xf32, #tpu.memory_space<hbm>> -> memref<10000x64xf32, #tpu.memory_space<hbm>>
    tpu.wait_indirect_dma semaphore(%arg10 : memref<!tpu.dma_semaphore, #tpu.memory_space<semaphore_mem>>) src(%dma_wait3A_627 : memref<10000x64xf32, #tpu.memory_space<hbm>>) dst(%dma_wait3A_621 : memref<80x64xf32, #tpu.memory_space<vmem>>)
    %dma_start3A_628 = arith.constant 0 : i32
    %dma_start3A_629 = arith.constant 4 : i32
    %dma_start3A_630 = arith.constant 0 : i32
    %dma_start3A_631 = arith.constant 0 : i32
    %dma_start3A_632 = tpu.memref_slice %arg7[%dma_start3A_628, %dma_start3A_630, %dma_start3A_631] : memref<4x80x64xf32, #tpu.memory_space<vmem>> -> memref<1x80x64xf32, #tpu.memory_space<vmem>>
    %dma_start3A_633 = tpu.memref_squeeze %dma_start3A_632 : memref<1x80x64xf32, #tpu.memory_space<vmem>> -> memref<80x64xf32, #tpu.memory_space<vmem>>
    %dma_start3A_634 = arith.constant 0 : i32
    %dma_start3A_635 = tpu.memref_slice %arg6[%dma_start3A_629, %dma_start3A_634] : memref<6x80xi32, #tpu.memory_space<vmem>> -> memref<1x80xi32, #tpu.memory_space<vmem>>
    %dma_start3A_636 = tpu.memref_squeeze %dma_start3A_635 : memref<1x80xi32, #tpu.memory_space<vmem>> -> memref<80xi32, #tpu.memory_space<vmem>>
    %dma_start3A_637 = arith.constant 0 : i32
    %dma_start3A_638 = arith.constant 0 : i32
    %dma_start3A_639 = tpu.memref_slice %arg12[%dma_start3A_637, %dma_start3A_638] : memref<10240x64xf32, #tpu.memory_space<vmem_shared>> -> memref<10240x64xf32, #tpu.memory_space<vmem_shared>>
    tpu.enqueue_indirect_dma source(%dma_start3A_633 : memref<80x64xf32, #tpu.memory_space<vmem>>) target(%dma_start3A_639 : memref<10240x64xf32, #tpu.memory_space<vmem_shared>>) offsets(%dma_start3A_636 : memref<80xi32, #tpu.memory_space<vmem>>) semaphore(%arg11 : memref<!tpu.dma_semaphore, #tpu.memory_space<semaphore_mem>>) {add = true}
    %dma_wait3A_640 = arith.constant 0 : i32
    %dma_wait3A_641 = arith.constant 0 : i32
    %dma_wait3A_642 = arith.constant 0 : i32
    %dma_wait3A_643 = arith.constant 0 : i32
    %dma_wait3A_644 = tpu.memref_slice %arg7[%dma_wait3A_640, %dma_wait3A_642, %dma_wait3A_643] : memref<4x80x64xf32, #tpu.memory_space<vmem>> -> memref<1x80x64xf32, #tpu.memory_space<vmem>>
    %dma_wait3A_645 = tpu.memref_squeeze %dma_wait3A_644 : memref<1x80x64xf32, #tpu.memory_space<vmem>> -> memref<80x64xf32, #tpu.memory_space<vmem>>
    %dma_wait3A_646 = arith.constant 0 : i32
    %dma_wait3A_647 = tpu.memref_slice %arg6[%dma_wait3A_641, %dma_wait3A_646] : memref<6x80xi32, #tpu.memory_space<vmem>> -> memref<1x80xi32, #tpu.memory_space<vmem>>
    %dma_wait3A_648 = tpu.memref_squeeze %dma_wait3A_647 : memref<1x80xi32, #tpu.memory_space<vmem>> -> memref<80xi32, #tpu.memory_space<vmem>>
    %dma_wait3A_649 = arith.constant 0 : i32
    %dma_wait3A_650 = arith.constant 0 : i32
    %dma_wait3A_651 = tpu.memref_slice %arg12[%dma_wait3A_649, %dma_wait3A_650] : memref<10240x64xf32, #tpu.memory_space<vmem_shared>> -> memref<10240x64xf32, #tpu.memory_space<vmem_shared>>
    tpu.wait_indirect_dma semaphore(%arg11 : memref<!tpu.dma_semaphore, #tpu.memory_space<semaphore_mem>>) src(%dma_wait3A_645 : memref<80x64xf32, #tpu.memory_space<vmem>>) dst(%dma_wait3A_651 : memref<10240x64xf32, #tpu.memory_space<vmem_shared>>)
    %dma_wait3A_652 = arith.constant 0 : i32
    %dma_wait3A_653 = arith.constant 0 : i32
    %dma_wait3A_654 = arith.constant 0 : i32
    %dma_wait3A_655 = arith.constant 0 : i32
    %dma_wait3A_656 = tpu.memref_slice %arg7[%dma_wait3A_652, %dma_wait3A_654, %dma_wait3A_655] : memref<4x80x64xf32, #tpu.memory_space<vmem>> -> memref<1x80x64xf32, #tpu.memory_space<vmem>>
    %dma_wait3A_657 = tpu.memref_squeeze %dma_wait3A_656 : memref<1x80x64xf32, #tpu.memory_space<vmem>> -> memref<80x64xf32, #tpu.memory_space<vmem>>
    %dma_wait3A_658 = arith.constant 0 : i32
    %dma_wait3A_659 = tpu.memref_slice %arg6[%dma_wait3A_653, %dma_wait3A_658] : memref<6x80xi32, #tpu.memory_space<vmem>> -> memref<1x80xi32, #tpu.memory_space<vmem>>
    %dma_wait3A_660 = tpu.memref_squeeze %dma_wait3A_659 : memref<1x80xi32, #tpu.memory_space<vmem>> -> memref<80xi32, #tpu.memory_space<vmem>>
    %dma_wait3A_661 = arith.constant 0 : i32
    %dma_wait3A_662 = arith.constant 0 : i32
    %dma_wait3A_663 = tpu.memref_slice %arg12[%dma_wait3A_661, %dma_wait3A_662] : memref<10240x64xf32, #tpu.memory_space<vmem_shared>> -> memref<10240x64xf32, #tpu.memory_space<vmem_shared>>
    tpu.wait_indirect_dma semaphore(%arg11 : memref<!tpu.dma_semaphore, #tpu.memory_space<semaphore_mem>>) src(%dma_wait3A_657 : memref<80x64xf32, #tpu.memory_space<vmem>>) dst(%dma_wait3A_663 : memref<10240x64xf32, #tpu.memory_space<vmem_shared>>)
    %barrier3A_664 = arith.constant 0 : index
    tpu.barrier barrier_id(%barrier3A_664)
    %mul3A_665 = arith.constant 640 : i32
    %mul3A_666 = arith.muli %arg1, %mul3A_665 : i32
    %mul3A_667 = arith.constant 10240 : i32
    %mul3A_668 = arith.muli %arg0, %mul3A_667 : i32
    %mul3A_669 = arith.constant 640 : i32
    %mul3A_670 = arith.muli %arg1, %mul3A_669 : i32
    %add3A_671 = arith.addi %mul3A_668, %mul3A_670 : i32
    "tpu.region"() ({
      %run_scoped3A = tpu.sem_alloc : memref<!tpu.dma_semaphore, #tpu.memory_space<semaphore_mem>>
      %dma_start3A_672 = arith.constant 0 : i32
      %dma_start3A_673 = tpu.memref_slice %arg4[%add3A_671, %dma_start3A_672] : memref<20480x64xf32, #tpu.memory_space<hbm>> -> memref<640x64xf32, #tpu.memory_space<hbm>>
      %dma_start3A_674 = arith.constant 0 : i32
      %dma_start3A_675 = tpu.memref_slice %arg12[%mul3A_666, %dma_start3A_674] : memref<10240x64xf32, #tpu.memory_space<vmem_shared>> -> memref<640x64xf32, #tpu.memory_space<vmem_shared>>
      tpu.enqueue_dma source(%dma_start3A_675 : memref<640x64xf32, #tpu.memory_space<vmem_shared>>) target(%dma_start3A_673 : memref<640x64xf32, #tpu.memory_space<hbm>>) target_semaphore(%run_scoped3A : memref<!tpu.dma_semaphore, #tpu.memory_space<semaphore_mem>>)
      %dma_wait3A_676 = arith.constant 0 : i32
      %dma_wait3A_677 = tpu.memref_slice %arg4[%add3A_671, %dma_wait3A_676] : memref<20480x64xf32, #tpu.memory_space<hbm>> -> memref<640x64xf32, #tpu.memory_space<hbm>>
      %dma_wait3A_678 = arith.constant 0 : i32
      %dma_wait3A_679 = tpu.memref_slice %arg12[%mul3A_666, %dma_wait3A_678] : memref<10240x64xf32, #tpu.memory_space<vmem_shared>> -> memref<640x64xf32, #tpu.memory_space<vmem_shared>>
      tpu.wait_dma2 semaphore(%run_scoped3A : memref<!tpu.dma_semaphore, #tpu.memory_space<semaphore_mem>>) src(%dma_wait3A_679 : memref<640x64xf32, #tpu.memory_space<vmem_shared>>) dst(%dma_wait3A_677 : memref<640x64xf32, #tpu.memory_space<hbm>>)
      tpu.yield
    }) : () -> ()
    return
  }
}

module attributes {stable_mosaic.version = 14 : i64} {
  func.func @_norm_body(%arg0: i32, %arg1: memref<2000x128xf32, #tpu.memory_space<vmem>>, %arg2: memref<2000x1xf32, #tpu.memory_space<vmem>>, %arg3: memref<2000x1xf32, #tpu.memory_space<vmem>>, %arg4: memref<2000x128xf32, #tpu.memory_space<vmem>>, %arg5: memref<2000x1xf32, #tpu.memory_space<vmem>>, %arg6: memref<2000x1xf32, #tpu.memory_space<vmem>>) attributes {dimension_semantics = [#tpu.dimension_semantics<arbitrary>], iteration_bounds = array<i64: 5>, scalar_prefetch = 0 : i64, scratch_operands = 0 : i64, tpu.core_type = #tpu.core_type<tc>, window_params = [{transform_indices = @transform_0, window_bounds = array<i64: 2000, 128>}, {transform_indices = @transform_1, window_bounds = array<i64: 2000, 1>}, {transform_indices = @transform_2, window_bounds = array<i64: 2000, 1>}, {transform_indices = @transform_3, window_bounds = array<i64: 2000, 128>}, {transform_indices = @transform_4, window_bounds = array<i64: 2000, 1>}, {transform_indices = @transform_5, window_bounds = array<i64: 2000, 1>}]} {
    %get3A = arith.constant 0 : index
    %get3A_0 = arith.constant 0 : index
    %get3A_1 = vector.load %arg2[%get3A, %get3A_0] : memref<2000x1xf32, #tpu.memory_space<vmem>>, vector<2000x1xf32>
    %add3A = arith.constant 1.000000e+00 : f32
    %add3A_2 = vector.broadcast %add3A : f32 to vector<2000x1xf32>
    %add3A_3 = arith.addf %get3A_1, %add3A_2 : vector<2000x1xf32>
    %rsqrt3A = math.rsqrt %add3A_3 : vector<2000x1xf32>
    %get3A_4 = arith.constant 0 : index
    %get3A_5 = arith.constant 0 : index
    %get3A_6 = vector.load %arg3[%get3A_4, %get3A_5] : memref<2000x1xf32, #tpu.memory_space<vmem>>, vector<2000x1xf32>
    %add3A_7 = arith.constant 1.000000e+00 : f32
    %add3A_8 = vector.broadcast %add3A_7 : f32 to vector<2000x1xf32>
    %add3A_9 = arith.addf %get3A_6, %add3A_8 : vector<2000x1xf32>
    %rsqrt3A_10 = math.rsqrt %add3A_9 : vector<2000x1xf32>
    %get3A_11 = arith.constant 0 : index
    %get3A_12 = arith.constant 0 : index
    %get3A_13 = vector.load %arg1[%get3A_11, %get3A_12] : memref<2000x128xf32, #tpu.memory_space<vmem>>, vector<2000x128xf32>
    %mul3A = vector.broadcast %rsqrt3A : vector<2000x1xf32> to vector<2000x128xf32>
    %mul3A_14 = arith.mulf %get3A_13, %mul3A : vector<2000x128xf32>
    %swap3A = arith.constant 0 : index
    %swap3A_15 = arith.constant 0 : index
    %swap3A_16 = vector.load %arg4[%swap3A, %swap3A_15] : memref<2000x128xf32, #tpu.memory_space<vmem>>, vector<2000x128xf32>
    tpu.vector_store %arg4[%swap3A, %swap3A_15], %mul3A_14 {strides = array<i32>} : memref<2000x128xf32, #tpu.memory_space<vmem>>, vector<2000x128xf32>,
    %swap3A_17 = arith.constant 0 : index
    %swap3A_18 = arith.constant 0 : index
    %swap3A_19 = vector.load %arg5[%swap3A_17, %swap3A_18] : memref<2000x1xf32, #tpu.memory_space<vmem>>, vector<2000x1xf32>
    tpu.vector_store %arg5[%swap3A_17, %swap3A_18], %rsqrt3A {strides = array<i32>} : memref<2000x1xf32, #tpu.memory_space<vmem>>, vector<2000x1xf32>,
    %swap3A_20 = arith.constant 0 : index
    %swap3A_21 = arith.constant 0 : index
    %swap3A_22 = vector.load %arg6[%swap3A_20, %swap3A_21] : memref<2000x1xf32, #tpu.memory_space<vmem>>, vector<2000x1xf32>
    tpu.vector_store %arg6[%swap3A_20, %swap3A_21], %rsqrt3A_10 {strides = array<i32>} : memref<2000x1xf32, #tpu.memory_space<vmem>>, vector<2000x1xf32>,
    return
  }
  func.func @transform_0(%arg0: i32) -> (i32, i32) {
    %c0_i32 = arith.constant 0 : i32
    %c0_i32_0 = arith.constant 0 : i32
    return %arg0, %c0_i32 : i32, i32
  }
  func.func @transform_1(%arg0: i32) -> (i32, i32) {
    %c0_i32 = arith.constant 0 : i32
    %c0_i32_0 = arith.constant 0 : i32
    return %arg0, %c0_i32 : i32, i32
  }
  func.func @transform_2(%arg0: i32) -> (i32, i32) {
    %c0_i32 = arith.constant 0 : i32
    %c0_i32_0 = arith.constant 0 : i32
    return %arg0, %c0_i32 : i32, i32
  }
  func.func @transform_3(%arg0: i32) -> (i32, i32) {
    %c0_i32 = arith.constant 0 : i32
    %c0_i32_0 = arith.constant 0 : i32
    return %arg0, %c0_i32 : i32, i32
  }
  func.func @transform_4(%arg0: i32) -> (i32, i32) {
    %c0_i32 = arith.constant 0 : i32
    %c0_i32_0 = arith.constant 0 : i32
    return %arg0, %c0_i32 : i32, i32
  }
  func.func @transform_5(%arg0: i32) -> (i32, i32) {
    %c0_i32 = arith.constant 0 : i32
    %c0_i32_0 = arith.constant 0 : i32
    return %arg0, %c0_i32 : i32, i32
  }
}

module attributes {stable_mosaic.version = 14 : i64} {
  func.func @_mm_body(%arg0: i32, %arg1: memref<2000x128xf32, #tpu.memory_space<vmem>>, %arg2: memref<2000x128xf32, #tpu.memory_space<vmem>>, %arg3: memref<2000x128xf32, #tpu.memory_space<vmem>>, %arg4: memref<2000x1xf32, #tpu.memory_space<vmem>>, %arg5: memref<2000x1xf32, #tpu.memory_space<vmem>>, %arg6: memref<128x128xf32, #tpu.memory_space<vmem>>, %arg7: memref<1x128xf32, #tpu.memory_space<vmem>>, %arg8: memref<128x64xf32, #tpu.memory_space<vmem>>, %arg9: memref<2000x64xf32, #tpu.memory_space<vmem>>) attributes {dimension_semantics = [#tpu.dimension_semantics<arbitrary>], iteration_bounds = array<i64: 5>, scalar_prefetch = 0 : i64, scratch_operands = 0 : i64, tpu.core_type = #tpu.core_type<tc>, window_params = [{transform_indices = @transform_0, window_bounds = array<i64: 2000, 128>}, {transform_indices = @transform_1, window_bounds = array<i64: 2000, 128>}, {transform_indices = @transform_2, window_bounds = array<i64: 2000, 128>}, {transform_indices = @transform_3, window_bounds = array<i64: 2000, 1>}, {transform_indices = @transform_4, window_bounds = array<i64: 2000, 1>}, {pipeline_mode = #tpu.pipeline_mode<synchronous>, transform_indices = @transform_5, window_bounds = array<i64: 128, 128>}, {pipeline_mode = #tpu.pipeline_mode<synchronous>, transform_indices = @transform_6, window_bounds = array<i64: 1, 128>}, {pipeline_mode = #tpu.pipeline_mode<synchronous>, transform_indices = @transform_7, window_bounds = array<i64: 128, 64>}, {transform_indices = @transform_8, window_bounds = array<i64: 2000, 64>}]} {
    %get3A = arith.constant 0 : index
    %get3A_0 = arith.constant 0 : index
    %get3A_1 = vector.load %arg1[%get3A, %get3A_0] : memref<2000x128xf32, #tpu.memory_space<vmem>>, vector<2000x128xf32>
    %get3A_2 = arith.constant 0 : index
    %get3A_3 = arith.constant 0 : index
    %get3A_4 = vector.load %arg2[%get3A_2, %get3A_3] : memref<2000x128xf32, #tpu.memory_space<vmem>>, vector<2000x128xf32>
    %add3A = arith.addf %get3A_1, %get3A_4 : vector<2000x128xf32>
    %get3A_5 = arith.constant 0 : index
    %get3A_6 = arith.constant 0 : index
    %get3A_7 = vector.load %arg3[%get3A_5, %get3A_6] : memref<2000x128xf32, #tpu.memory_space<vmem>>, vector<2000x128xf32>
    %add3A_8 = arith.addf %add3A, %get3A_7 : vector<2000x128xf32>
    %get3A_9 = arith.constant 0 : index
    %get3A_10 = arith.constant 0 : index
    %get3A_11 = vector.load %arg4[%get3A_9, %get3A_10] : memref<2000x1xf32, #tpu.memory_space<vmem>>, vector<2000x1xf32>
    %mul3A = vector.broadcast %get3A_11 : vector<2000x1xf32> to vector<2000x128xf32>
    %mul3A_12 = arith.mulf %add3A_8, %mul3A : vector<2000x128xf32>
    %get3A_13 = arith.constant 0 : index
    %get3A_14 = arith.constant 0 : index
    %get3A_15 = vector.load %arg6[%get3A_13, %get3A_14] : memref<128x128xf32, #tpu.memory_space<vmem>>, vector<128x128xf32>
    %dot_general3A = arith.constant dense<0.000000e+00> : vector<2000x128xf32>
    %dot_general3A_16 = tpu.matmul %mul3A_12, %get3A_15, %dot_general3A {dimension_numbers = #tpu.dot_dimension_numbers<[1], [0], [0], [1], [0, 0, 1, 1], [], []>, precision = #tpu.contract_precision<fp32>, transpose_lhs_hint = false} : vector<2000x128xf32>, vector<128x128xf32>, vector<2000x128xf32> -> vector<2000x128xf32>
    %get3A_17 = arith.constant 0 : index
    %get3A_18 = arith.constant 0 : index
    %get3A_19 = vector.load %arg7[%get3A_17, %get3A_18] : memref<1x128xf32, #tpu.memory_space<vmem>>, vector<1x128xf32>
    %add3A_20 = vector.broadcast %get3A_19 : vector<1x128xf32> to vector<2000x128xf32>
    %add3A_21 = arith.addf %dot_general3A_16, %add3A_20 : vector<2000x128xf32>
    %get3A_22 = arith.constant 0 : index
    %get3A_23 = arith.constant 0 : index
    %get3A_24 = vector.load %arg5[%get3A_22, %get3A_23] : memref<2000x1xf32, #tpu.memory_space<vmem>>, vector<2000x1xf32>
    %mul3A_25 = vector.broadcast %get3A_24 : vector<2000x1xf32> to vector<2000x128xf32>
    %mul3A_26 = arith.mulf %add3A_21, %mul3A_25 : vector<2000x128xf32>
    %get3A_27 = arith.constant 0 : index
    %get3A_28 = arith.constant 0 : index
    %get3A_29 = vector.load %arg8[%get3A_27, %get3A_28] : memref<128x64xf32, #tpu.memory_space<vmem>>, vector<128x64xf32>
    %dot_general3A_30 = arith.constant dense<0.000000e+00> : vector<2000x64xf32>
    %dot_general3A_31 = tpu.matmul %mul3A_26, %get3A_29, %dot_general3A_30 {dimension_numbers = #tpu.dot_dimension_numbers<[1], [0], [0], [1], [0, 0, 1, 1], [], []>, precision = #tpu.contract_precision<fp32>, transpose_lhs_hint = false} : vector<2000x128xf32>, vector<128x64xf32>, vector<2000x64xf32> -> vector<2000x64xf32>
    %swap3A = arith.constant 0 : index
    %swap3A_32 = arith.constant 0 : index
    %swap3A_33 = vector.load %arg9[%swap3A, %swap3A_32] : memref<2000x64xf32, #tpu.memory_space<vmem>>, vector<2000x64xf32>
    tpu.vector_store %arg9[%swap3A, %swap3A_32], %dot_general3A_31 {strides = array<i32>} : memref<2000x64xf32, #tpu.memory_space<vmem>>, vector<2000x64xf32>,
    return
  }
  func.func @transform_0(%arg0: i32) -> (i32, i32) {
    %c0_i32 = arith.constant 0 : i32
    %c0_i32_0 = arith.constant 0 : i32
    return %arg0, %c0_i32 : i32, i32
  }
  func.func @transform_1(%arg0: i32) -> (i32, i32) {
    %c0_i32 = arith.constant 0 : i32
    %c0_i32_0 = arith.constant 0 : i32
    return %arg0, %c0_i32 : i32, i32
  }
  func.func @transform_2(%arg0: i32) -> (i32, i32) {
    %c0_i32 = arith.constant 0 : i32
    %c0_i32_0 = arith.constant 0 : i32
    return %arg0, %c0_i32 : i32, i32
  }
  func.func @transform_3(%arg0: i32) -> (i32, i32) {
    %c0_i32 = arith.constant 0 : i32
    %c0_i32_0 = arith.constant 0 : i32
    return %arg0, %c0_i32 : i32, i32
  }
  func.func @transform_4(%arg0: i32) -> (i32, i32) {
    %c0_i32 = arith.constant 0 : i32
    %c0_i32_0 = arith.constant 0 : i32
    return %arg0, %c0_i32 : i32, i32
  }
  func.func @transform_5(%arg0: i32) -> (i32, i32) {
    %c0_i32 = arith.constant 0 : i32
    %c0_i32_0 = arith.constant 0 : i32
    %c0_i32_1 = arith.constant 0 : i32
    return %c0_i32, %c0_i32_0 : i32, i32
  }
  func.func @transform_6(%arg0: i32) -> (i32, i32) {
    %c0_i32 = arith.constant 0 : i32
    %c0_i32_0 = arith.constant 0 : i32
    %c0_i32_1 = arith.constant 0 : i32
    return %c0_i32, %c0_i32_0 : i32, i32
  }
  func.func @transform_7(%arg0: i32) -> (i32, i32) {
    %c0_i32 = arith.constant 0 : i32
    %c0_i32_0 = arith.constant 0 : i32
    %c0_i32_1 = arith.constant 0 : i32
    return %c0_i32, %c0_i32_0 : i32, i32
  }
  func.func @transform_8(%arg0: i32) -> (i32, i32) {
    %c0_i32 = arith.constant 0 : i32
    %c0_i32_0 = arith.constant 0 : i32
    return %arg0, %c0_i32 : i32, i32
  }
}

module attributes {stable_mosaic.version = 14 : i64} {
  func.func @_final_body(%arg0: i32, %arg1: memref<1000x128xf32, #tpu.memory_space<vmem>>, %arg2: memref<1000x128xf32, #tpu.memory_space<vmem>>, %arg3: memref<1000x128xf32, #tpu.memory_space<vmem>>, %arg4: memref<1000x128xf32, #tpu.memory_space<vmem>>, %arg5: memref<1x128xf32, #tpu.memory_space<vmem>>, %arg6: memref<1000x128xf32, #tpu.memory_space<vmem>>) attributes {dimension_semantics = [#tpu.dimension_semantics<arbitrary>], iteration_bounds = array<i64: 5>, scalar_prefetch = 0 : i64, scratch_operands = 0 : i64, tpu.core_type = #tpu.core_type<tc>, window_params = [{transform_indices = @transform_0, window_bounds = array<i64: 1000, 128>}, {transform_indices = @transform_1, window_bounds = array<i64: 1000, 128>}, {transform_indices = @transform_2, window_bounds = array<i64: 1000, 128>}, {transform_indices = @transform_3, window_bounds = array<i64: 1000, 128>}, {pipeline_mode = #tpu.pipeline_mode<synchronous>, transform_indices = @transform_4, window_bounds = array<i64: 1, 128>}, {transform_indices = @transform_5, window_bounds = array<i64: 1000, 128>}]} {
    %get3A = arith.constant 0 : index
    %get3A_0 = arith.constant 0 : index
    %get3A_1 = vector.load %arg1[%get3A, %get3A_0] : memref<1000x128xf32, #tpu.memory_space<vmem>>, vector<1000x128xf32>
    %get3A_2 = arith.constant 0 : index
    %get3A_3 = arith.constant 0 : index
    %get3A_4 = vector.load %arg2[%get3A_2, %get3A_3] : memref<1000x128xf32, #tpu.memory_space<vmem>>, vector<1000x128xf32>
    %add3A = arith.addf %get3A_1, %get3A_4 : vector<1000x128xf32>
    %get3A_5 = arith.constant 0 : index
    %get3A_6 = arith.constant 0 : index
    %get3A_7 = vector.load %arg3[%get3A_5, %get3A_6] : memref<1000x128xf32, #tpu.memory_space<vmem>>, vector<1000x128xf32>
    %add3A_8 = arith.addf %add3A, %get3A_7 : vector<1000x128xf32>
    %get3A_9 = arith.constant 0 : index
    %get3A_10 = arith.constant 0 : index
    %get3A_11 = vector.load %arg4[%get3A_9, %get3A_10] : memref<1000x128xf32, #tpu.memory_space<vmem>>, vector<1000x128xf32>
    %mul3A = arith.mulf %add3A_8, %get3A_11 : vector<1000x128xf32>
    %get3A_12 = arith.constant 0 : index
    %get3A_13 = arith.constant 0 : index
    %get3A_14 = vector.load %arg5[%get3A_12, %get3A_13] : memref<1x128xf32, #tpu.memory_space<vmem>>, vector<1x128xf32>
    %add3A_15 = vector.broadcast %get3A_14 : vector<1x128xf32> to vector<1000x128xf32>
    %add3A_16 = arith.addf %mul3A, %add3A_15 : vector<1000x128xf32>
    %swap3A = arith.constant 0 : index
    %swap3A_17 = arith.constant 0 : index
    %swap3A_18 = vector.load %arg6[%swap3A, %swap3A_17] : memref<1000x128xf32, #tpu.memory_space<vmem>>, vector<1000x128xf32>
    tpu.vector_store %arg6[%swap3A, %swap3A_17], %add3A_16 {strides = array<i32>} : memref<1000x128xf32, #tpu.memory_space<vmem>>, vector<1000x128xf32>,
    return
  }
  func.func @transform_0(%arg0: i32) -> (i32, i32) {
    %c0_i32 = arith.constant 0 : i32
    %c0_i32_0 = arith.constant 0 : i32
    return %arg0, %c0_i32 : i32, i32
  }
  func.func @transform_1(%arg0: i32) -> (i32, i32) {
    %c0_i32 = arith.constant 0 : i32
    %c0_i32_0 = arith.constant 0 : i32
    return %arg0, %c0_i32 : i32, i32
  }
  func.func @transform_2(%arg0: i32) -> (i32, i32) {
    %c0_i32 = arith.constant 0 : i32
    %c0_i32_0 = arith.constant 0 : i32
    return %arg0, %c0_i32 : i32, i32
  }
  func.func @transform_3(%arg0: i32) -> (i32, i32) {
    %c0_i32 = arith.constant 0 : i32
    %c0_i32_0 = arith.constant 0 : i32
    return %arg0, %c0_i32 : i32, i32
  }
  func.func @transform_4(%arg0: i32) -> (i32, i32) {
    %c0_i32 = arith.constant 0 : i32
    %c0_i32_0 = arith.constant 0 : i32
    %c0_i32_1 = arith.constant 0 : i32
    return %c0_i32, %c0_i32_0 : i32, i32
  }
  func.func @transform_5(%arg0: i32) -> (i32, i32) {
    %c0_i32 = arith.constant 0 : i32
    %c0_i32_0 = arith.constant 0 : i32
    return %arg0, %c0_i32 : i32, i32
  }
}

</mosaic_0001>

<sc_bundles>
// kernel: kernel.11.cloned.1.call-start
scs
__scs_entry_jumppad:
0x0: {  	(pc) =	sbr.rel $0x88, $3  }
0x1: {  	(tag) =	ssettag $0x0;
	lr =	simm.s32 $0x1  }
0x2: {  	[smem:$0x3F9B] =	sst lr;
	_ =	strace $0xD0000000  }
0x3: {  	_ = 	snop  }
0x4: {  	_ = 	snop  }
0x5: {  	_ = 	snop  }
0x6: {  	_ = 	snop  }
0x7: {  	_ = 	snop  }
__scs_overlays_trampoline_lowered:
0x8: {  	[smem:$0x3FAA] =	sst s0  }
0x9: {  	[smem:$0x3FAB] =	sst s1  }
0xa: {  	[smem:$0x3FAC] =	sst s2  }
0xb: {  	[smem:$0x3FAD] =	sst s3  }
0xc: {  	[smem:$0x3FAE] =	sst s4  }
0xd: {  	[smem:$0x3FAF] =	sst s5  }
0xe: {  	[smem:$0x3FB0] =	sst s6  }
0xf: {  	[smem:$0x3FB1] =	sst s7  }
0x10: {  	[smem:$0x3FB2] =	sst s8  }
0x11: {  	[smem:$0x3FB3] =	sst s9;
	s0 =	simm.s32 @!p0 $0x0  }
0x12: {  	s1 =	sld [smem:$0x3F99];
	s0 =	simm.s32 @p0 $0x1  }
0x13: {  	[smem:$0x3FB4] =	sst s0;
	s0 =	simm.s32 @!p1 $0x0  }
0x14: {  	s2 =	sld [smem:$0x3F98];
	s0 =	simm.s32 @p1 $0x1  }
0x15: {  	[smem:$0x3FB5] =	sst s0;
	s0 =	simm.s32 @!p2 $0x0  }
0x16: {  	s3 =	sld [smem:$0x3FDB];
	s0 =	simm.s32 @p2 $0x1  }
0x17: {  	s4 =	simm.s32 $0x1BF5;
	[smem:$0x3FB7] =	sst s0  }
0x18: {  	s0 =	sld [smem:$0x3F9A];
	_ =	swait.ge [sflag:s4], $0x0  }
0x19: {  	s7 =	sld [smem:$0x3F9B]  }
0x1a: {  	s8 =	sadd.s32 $0xFFFFE003, lr  }
0x1b: {  	s9 =	sadd.s32 $0xFFFFFEF7, lr;
	s5 =	simm.s32 $0xFFFFFFFF;
	p2 =	slt.u32 s8, $0xFFFFF086  }
0x1c: {  	p1 =	slt.u32 s9, $0xF7A;
	s5 =	simm.s32 @!p2 $0x0  }
0x1d: {  	s5 =	simm.s32 @p1 $0x1;
	p0 =	seq.s32 s7, s2  }
0x1e: {  	s7 =	smul.u32 @!p0 $0xF7A, s2;
	p2 =	seq.s32 @!p0 s5, $0x0  }
0x1f: {  	s9 =	smul.u32 $0xF7A, s1;
	s8 =	simm.s32 @!p0 $0x1BF5;
	p2 =	por !p2, p0  }
0x20: {  	[sflag:s8] =	ssyncset.s32 @!p0 $0xFFFFF086;
	s6 =	sadd.s32 @!p0 s3, s7;
	s7 =	simm.s32 @!p0 $0x108  }
0x21: {  	s3 =	sadd.s32 s3, s9;
	s6 =	sadd.s32 @!p0 $0x88, s6;
	s7 =	simm.s32 @p2 $0x1082  }
0x22: {  	[simem:s7], [sflag:s8] =	dma.local @!p0 [hbm:s6], $0xF7A  }
0x23: {  	s9 =	sor.u32 $0xD0000000, s2;
	s6 =	simm.s32 $0x108;
	_ =	swait.ge @!p0 [sflag:s8], $0x0  }
0x24: {  	s3 =	sadd.s32 $0x88, s3;
	s6 =	simm.s32 @!p1 $0x1082;
	[sflag:s4] =	ssyncset.s32 $0xFFFFF086  }
0x25: {  	[simem:s6], [sflag:s4] =	dma.local [hbm:s3], $0xF7A  }
0x26: {  	[smem:$0x3F9B] =	sst s1;
	(tag) =	ssettag s2;
	_ =	strace s9  }
0x27: {  	s1 =	sld [smem:$0x3FAB]  }
0x28: {  	s2 =	sld [smem:$0x3FAC]  }
0x29: {  	s4 =	sld [smem:$0x3FAE]  }
0x2a: {  	p0 =	seq.s32 s5, $0x0;
	s5 =	sld [smem:$0x3FAF]  }
0x2b: {  	s6 =	sld [smem:$0x3FB0]  }
0x2c: {  	s7 =	sld [smem:$0x3FB1]  }
0x2d: {  	s3 =	simm.s32 $0x108;
	s8 =	sld [smem:$0x3FB2]  }
0x2e: {  	s3 =	simm.s32 @!p0 $0x1082;
	s9 =	sld [smem:$0x3FB3]  }
0x2f: {  	lr =	sadd.s32 s0, s3;
	s0 =	sld [smem:$0x3FAA]  }
0x30: {  	s3 =	sld [smem:$0x3FAD]  }
0x31: {  	[smem:$0x3FB6] =	sst s10  }
0x32: {  	s10 =	sld [smem:$0x3FB4];
	_ =	sdelay $0x3  }
0x33: {  	p0 =	seq.s32 s10, $0x1;
	s10 =	sld [smem:$0x3FB6];
	_ =	sdelay $0x3  }
0x34: {  	[smem:$0x3FB6] =	sst s10  }
0x35: {  	s10 =	sld [smem:$0x3FB5];
	_ =	sdelay $0x3  }
0x36: {  	p1 =	seq.s32 s10, $0x1;
	s10 =	sld [smem:$0x3FB6];
	_ =	sdelay $0x3  }
0x37: {  	[smem:$0x3FB6] =	sst s10  }
0x38: {  	s10 =	sld [smem:$0x3FB7]  }
0x39: {  	_ = 	snop;
	(pc) =	sbr.ind lr, $3  }
0x3a: {  	_ = 	snop  }
0x3b: {  	_ = 	snop  }
0x3c: {  	p2 =	seq.s32 s10, $0x1;
	s10 =	sld [smem:$0x3FB6]  }
0x3d: {  	_ =	shalt  }
0x3e: {  	_ =	shalt  }
0x3f: {  	_ =	shalt  }
0x40: {  	_ =	shalt  }
0x41: {  	_ =	shalt  }
0x42: {  	_ =	shalt  }
0x43: {  	_ =	shalt  }
0x44: {  	_ =	shalt  }
0x45: {  	_ =	shalt  }
0x46: {  	_ =	shalt  }
0x47: {  	_ =	shalt  }
0x48: {  	_ =	shalt  }
0x49: {  	_ =	shalt  }
0x4a: {  	_ =	shalt  }
0x4b: {  	_ =	shalt  }
0x4c: {  	_ =	shalt  }
0x4d: {  	_ =	shalt  }
0x4e: {  	_ =	shalt  }
0x4f: {  	_ =	shalt  }
0x50: {  	_ =	shalt  }
0x51: {  	_ =	shalt  }
0x52: {  	_ =	shalt  }
0x53: {  	_ =	shalt  }
0x54: {  	_ =	shalt  }
0x55: {  	_ =	shalt  }
0x56: {  	_ =	shalt  }
0x57: {  	_ =	shalt  }
0x58: {  	_ =	shalt  }
0x59: {  	_ =	shalt  }
0x5a: {  	_ =	shalt  }
0x5b: {  	_ =	shalt  }
0x5c: {  	_ =	shalt  }
0x5d: {  	_ =	shalt  }
0x5e: {  	_ =	shalt  }
0x5f: {  	_ =	shalt  }
0x60: {  	_ =	shalt  }
0x61: {  	_ =	shalt  }
0x62: {  	_ =	shalt  }
0x63: {  	_ =	shalt  }
0x64: {  	_ =	shalt  }
0x65: {  	_ =	shalt  }
0x66: {  	_ =	shalt  }
0x67: {  	_ =	shalt  }
0x68: {  	_ =	shalt  }
0x69: {  	_ =	shalt  }
0x6a: {  	_ =	shalt  }
0x6b: {  	_ =	shalt  }
0x6c: {  	_ =	shalt  }
0x6d: {  	_ =	shalt  }
0x6e: {  	_ =	shalt  }
0x6f: {  	_ =	shalt  }
0x70: {  	_ =	shalt  }
0x71: {  	_ =	shalt  }
0x72: {  	_ =	shalt  }
0x73: {  	_ =	shalt  }
0x74: {  	_ =	shalt  }
0x75: {  	_ =	shalt  }
0x76: {  	_ =	shalt  }
0x77: {  	_ =	shalt  }
0x78: {  	_ =	shalt  }
0x79: {  	_ =	shalt  }
0x7a: {  	_ =	shalt  }
0x7b: {  	_ =	shalt  }
0x7c: {  	_ =	shalt  }
0x7d: {  	_ =	shalt  }
0x7e: {  	_ =	shalt  }
0x7f: {  	_ =	shalt  }
0x80: {  	_ =	shalt  }
0x81: {  	_ =	shalt  }
0x82: {  	_ =	shalt  }
0x83: {  	_ =	shalt  }
0x84: {  	_ =	shalt  }
0x85: {  	_ =	shalt  }
0x86: {  	_ =	shalt  }
0x87: {  	_ =	shalt  }
.Lfunc_end0:
.L_simem_size_0:
called_computation.1_lowered:
.L_overlay_start_0:
0x88: {  	s2 =	sld [smem:$0x3FD9]  }
0x89: {  	s3 =	sld [smem:$0x3FFE];
	_ =	sdelay $0x1  }
0x8a: {  	s1 =	srdreg.scid  }
0x8b: {  	s0 =	sand.u32 $0x1, s1  }
0x8c: {  	s16 =	sshll.u32 s0, $0xA;
	s2 =	sadd.s32 s3, s2  }
0x8d: {  	s2 =	sadd.s32 s2, s16  }
0x8e: {  	[smem:$0x3FC2] =	sst s2  }
0x8f: {  	_ = 	snop  }
0x90: {  	(tm) =	ssettm $0x1  }
0x91: {  	s17 =	sld [smem:$0x3FFB];
	_ =	sdelay $0x3  }
0x92: {  	_ =	strace s17  }
0x93: {  	s2 =	sld [smem:$0x3FFC];
	_ =	sdelay $0x3  }
0x94: {  	_ =	strace s2  }
0x95: {  	s2 =	sld [smem:$0x3FFD];
	_ =	sdelay $0x3  }
0x96: {  	_ =	strace s2  }
0x97: {  	_ =	strace $0x8FFFFFFF  }
0x98: {  	s18 =	sld [smem:$0x3FDB];
	_ =	sdelay $0x1  }
0x99: {  	s19 =	simm.s32 $_scs_section_size  }
0x9a: {  	s4 =	simm.s32 $_size__tile_overlayer_lowered;
	s5 =	simm.s32 $_tile_overlayer_lowered  }
0x9b: {  	s22 =	simm.s32 $0x1BFF;
	s21 =	sshll.u32 s5, $0x1;
	s2 =	sadd.s32 s19, s18  }
0x9c: {  	s6 =	simm.s32 $0x0;
	s20 =	sshll.u32 s4, $0x1;
	s4 =	sadd.s32 s21, s2  }
0x9d: {  	[timem:s6], [sflag:s22] =	dma.local [hbm:s4], s20  }
0x9e: {  	_ =	swait.ge [sflag:s22], s20  }
0x9f: {  	s3 =	ssub.s32 $0x0, s20;
	[sflag:s22] =	ssyncset.done $0x0  }
0xa0: {  	[sflag:s22] =	ssyncadd.s32 s3;
	_ =	sdelay $0x1  }
0xa1: {  	s23 =	simm.s32 $0x1B8B  }
0xa2: {  	_ =	swait.ge [sflag:s23], $0x1  }
0xa3: {  	[sflag:s23] =	ssyncset.done $0x0  }
0xa4: {  	s25 =	simm.s32 $0x1B8E;
	s24 =	sld [smem:$0x3FFE];
	[sflag:s23] =	ssyncadd.s32 $0xFFFFFFFF  }
0xa5: {  	s26 =	simm.s32 $execute0_lowered;
	[smem:$0x3FD2] =	sst s25  }
0xa6: {  	s4 =	sshll.u32 s26, $0x1;
	_ =	strace $0x80000049;
	[dreg:$0x1] =	wrdreg $0xFFFFFFFF  }
0xa7: {  	s28 =	simm.s32 $_size_execute0_lowered;
	s2 =	sadd.s32 s2, s4;
	[dreg:$0x0] =	wrdreg $0x0  }
0xa8: {  	s4 =	sshll.u32 s28, $0x1;
	[dreg:$0x2] =	wrdreg s2  }
0xa9: {  	[dreg:$0x3] =	wrdreg s4  }
0xaa: {  	[dreg:$0x4] =	wrdreg $0xC0  }
0xab: {  	_ =	task [dreg:s6], $0x5FFFF  }
0xac: {  	[dreg:$0x1] =	wrdreg $0xFFFFFFFF  }
0xad: {  	[dreg:$0x0] =	wrdreg $0x60  }
0xae: {  	[dreg:$0x2] =	wrdreg s24  }
0xaf: {  	[dreg:$0x3] =	wrdreg $0x88000  }
0xb0: {  	[dreg:$0x4] =	wrdreg $0x9  }
0xb1: {  	_ =	task.clear_ibuf [dreg:s6], $0x5FFFF;
	_ =	strace $0x90000049  }
0xb2: {  	s29 =	simm.s32 $0x9;
	_ =	strace $0x8000004B  }
0xb3: {  	_ =	swait.ge [sflag:s29], $0x1  }
0xb4: {  	[sflag:s29] =	ssyncadd.s32 $0xFFFFFFFF  }
0xb5: {  	_ =	strace $0x9000004B  }
0xb6: {  	_ =	sfence  }
0xb7: {  	s30 =	sld [smem:$0x0];
	_ =	sdelay $0x2  }
0xb8: {  	s31 =	sshll.u32 s1, $0xD;
	s1 =	sshrl.u32 s1, $0x2  }
0xb9: {  	s3 =	sand.u32 $0x4000, s31;
	s1 =	sadd.s32 s1, s30  }
0xba: {  	s0 =	sor.u32 s3, s0;
	s1 =	sshll.u32 s1, $0x11  }
0xbb: {  	s0 =	sor.u32 s1, s0  }
0xbc: {  	s0 =	sadd.s32 $0x8F2B, s0  }
0xbd: {  	[sflag:s0] =	ssyncadd.remote.s32 $0x1  }
0xbe: {  	_ =	sfence.sel $0xFFFF  }
0xbf: {  	[dreg:$0x0] =	wrdreg $0xFFFFFFFF;
	(pc) =	sbr.abs _section_cstart, $3  }
0xc0: {  	[dreg:$0x1] =	wrdreg $0xFFFFFFFF  }
0xc1: {  	_ =	task.clear_ibuf [dreg:s6], $0x2FFFF;
	_ =	strace $0x9FFFFFFF  }
0xc2: {  	(tm) =	ssettm $0x7FFFFFFF  }
0xc3: {  	_ =	shalt  }
tec
execute0_lowered:
.L_overlay_start_1:
0x0: {  	(tag) =	ssettag $0x1  }
0x1: {  	s0 =	rddreg [dreg:$0x0]  }
0x2: {  	s1 =	rddreg [dreg:$0x1];
	s2 =	srdreg.scid;
	s3 =	simm.s32 $0x0  }
0x3: {  	s9 =	stileid.u32;
	s28 =	simm.s32 $0x200;
	s11 =	simm.s32 $0x800  }
0x4: {  	s12 =	simm.s32 $0x3000;
	s13 =	simm.s32 $0x2;
	s2 =	sand.u32 $0x1, s2  }
0x5: {  	[smem:$0x7FF] =	sst s3;
	s7 =	smul.u32 $0x2800, s9;
	s4 =	sadd.s32 $0x3800, s0  }
0x6: {  	s5 =	sadd.s32 $0x23800, s0;
	s6 =	smul.u32 $0x28000, s2;
	s18 =	ssub.s32 $0x2, s2  }
0x7: {  	_ =	strace $0x8000004A;
	s2 =	sshll.u32 s2, $0x4;
	s8 =	sshrl.u32 s18, $0x1  }
0x8: {  	s2 =	sor.u32 s9, s2;
	s9 =	smul.u32 $0x50000, s9;
	s6 =	sadd.s32 s7, s6  }
0x9: {  	s10 =	ssub.s32 s18, s8;
	s0 =	sadd.s32 s6, s0;
	s6 =	sshll.u32 s2, $0xE  }
0xa: {  	s19 =	sshrl.u32 s9, $0x2;
	s2 =	sshll.u32 s2, $0xB;
	s31 =	smax.u32 s10, $0x1  }
0xb: {  	s9 =	sadd.s32 s4, s2;
	s0 =	sadd.s32 $0x98E00, s0;
	[dreg:$0xd] =	wrdreg s31  }
0xc: {  	s14 =	simm.s32 $0x5800;
	s21 =	sadd.s32 $0x10, s9;
	[dreg:$0xc] =	wrdreg s0  }
0xd: {  	s15 =	simm.s32 $0x3;
	s22 =	sadd.s32 $0x10010, s9;
	[dreg:$0x4] =	wrdreg s21  }
0xe: {  	s16 =	simm.s32 $0x0;
	s23 =	sadd.s32 $0x20, s9;
	[dreg:$0x5] =	wrdreg s22  }
0xf: {  	s10 =	simm.s32 $0x50;
	s24 =	sadd.s32 $0x10020, s9;
	[dreg:$0x6] =	wrdreg s23  }
0x10: {  	s7 =	sor.u32 $0x80000, s6;
	s25 =	sadd.s32 $0x30, s9;
	[dreg:$0x7] =	wrdreg s24  }
0x11: {  	s8 =	sadd.s32 s19, s1;
	s26 =	sadd.s32 $0x10030, s9;
	[dreg:$0x8] =	wrdreg s25  }
0x12: {  	s20 =	sshrl.u32 s7, $0x3;
	s29 =	sadd.s32 $0x40, s9;
	[dreg:$0x9] =	wrdreg s26  }
0x13: {  	s30 =	sadd.s32 $0x10040, s9;
	s0 =	simm.s32 $0x600;
	[dreg:$0xa] =	wrdreg s29  }
0x14: {  	s2 =	sadd.s32 s4, s20;
	[dreg:$0xb] =	wrdreg s30;
	s21 =	simm.s32 $0x8000  }
0x15: {  	s22 =	simm.s32 $0x4;
	s24 =	simm.s32 $0x500;
	s25 =	simm.s32 $0x180  }
0x16: {  	v0 =	vimm.f32 $0.0e+00;
	s26 =	simm.s32 $0x580;
	[dreg:$0x3] =	wrdreg s2;
	s2 =	simm.s32 $0x1  }
.LBB2_1:
0x17: {  	s17 =	simm.s32 $0x0;
	s18 =	simm.s32 $0x0  }
.LBB2_2:
0x18: {  	p0 =	sne.s32 s18, $0x1FC0  }
.Ltmp0:
0x19: {  	_ = 	snop;
	(pc) =	sbr.rel @p0 .LBB2_2-.Ltmp0, $4  }
0x1a: {  	s19 =	sand.u32 $0x1E00, s18  }
0x1b: {  	s20 =	sand.u32 $0x70, s17;
	s19 =	sshrl.u32 s19, $0x2  }
0x1c: {  	s19 =	sor.u32 s20, s19  }
0x1d: {  	s17 =	sadd.s32 $0x10, s17;
	s18 =	sadd.s32 $0x40, s18;
	[tilespmem:s19+$0x8000] =	vst v0  }
0x1e: {  	s17 =	sadd.s32 $0x0, s8  }
0x1f: {  	[spmem:s17] =	stream.linear.scatter [tilespmem:s21], [sflag:$0x4], $0x800, $0x38;
	[tilespmem:$0x1C800] =	vst v63  }
0x20: {  	s17 =	simm.s32 $0x2000;
	_ =	swait.ge [sflag:s22], $0x800  }
.LBB2_4:
0x21: {  	s18 =	sshra.s32 s17, $0x2;
	[sflag:s22] =	ssyncset.done $0x0;
	p0 =	sne.s32 s17, $0x4E000  }
.Ltmp1:
0x22: {  	s18 =	sadd.s32 s18, s8;
	[sflag:s22] =	ssyncadd.s32 $0xFFFFF800;
	(pc) =	sbr.rel @p0 .LBB2_4-.Ltmp1, $3  }
0x23: {  	[spmem:s18] =	stream.linear.scatter [tilespmem:s21], [sflag:$0x4], $0x800, $0x38;
	[tilespmem:$0x1C800] =	vst v63  }
0x24: {  	s17 =	sadd.s32 $0x2000, s17;
	_ =	sdelay $0x1  }
0x25: {  	_ =	swait.ge [sflag:s22], $0x800  }
0x26: {  	[sflag:s22] =	ssyncset.done $0x0  }
0x27: {  	[sflag:s22] =	ssyncadd.s32 $0xFFFFF800  }
0x28: {  	[bflag:$0x0] =	sbarrier.arrive $0xFFFF  }
0x29: {  	[tilespmem:s3], [sflag:$0x1] =	stream.linear.gather [hbm4b:s9+s3], $0x80, $0x38;
	[tilespmem:$0x1C800] =	vst v63  }
0x2a: {  	s18 =	simm.s32 $0x400;
	s17 =	rddreg [dreg:$0x3]  }
0x2b: {  	[tilespmem:s18], [sflag:$0x1] =	stream.linear.gather [hbm4b:s17+s3], $0x80, $0x38;
	[tilespmem:$0x1C800] =	vst v63  }
0x2c: {  	s19 =	simm.s32 $0x80;
	s23 =	rddreg [dreg:$0x4]  }
0x2d: {  	[tilespmem:s19], [sflag:$0x1] =	stream.linear.gather [hbm4b:s23+s3], $0x80, $0x38;
	[tilespmem:$0x1C800] =	vst v63  }
0x2e: {  	s20 =	simm.s32 $0x480;
	s29 =	rddreg [dreg:$0x5]  }
0x2f: {  	[tilespmem:s20], [sflag:$0x1] =	stream.linear.gather [hbm4b:s29+s3], $0x80, $0x38;
	[tilespmem:$0x1C800] =	vst v63  }
0x30: {  	s30 =	rddreg [dreg:$0x6];
	s23 =	simm.s32 $0x100  }
0x31: {  	[tilespmem:s23], [sflag:$0x1] =	stream.linear.gather [hbm4b:s30+s3], $0x80, $0x38;
	[tilespmem:$0x1C800] =	vst v63  }
0x32: {  	s31 =	rddreg [dreg:$0x7]  }
0x33: {  	[tilespmem:s24], [sflag:$0x1] =	stream.linear.gather [hbm4b:s31+s3], $0x80, $0x38;
	[tilespmem:$0x1C800] =	vst v63  }
0x34: {  	s24 =	rddreg [dreg:$0x8]  }
0x35: {  	[tilespmem:s25], [sflag:$0x1] =	stream.linear.gather [hbm4b:s24+s3], $0x80, $0x38;
	[tilespmem:$0x1C800] =	vst v63  }
0x36: {  	s29 =	rddreg [dreg:$0x9]  }
0x37: {  	[tilespmem:s26], [sflag:$0x1] =	stream.linear.gather [hbm4b:s29+s3], $0x80, $0x38;
	[tilespmem:$0x1C800] =	vst v63  }
0x38: {  	s30 =	rddreg [dreg:$0xa]  }
0x39: {  	[tilespmem:s28], [sflag:$0x1] =	stream.linear.gather [hbm4b:s30+s3], $0x80, $0x38;
	[tilespmem:$0x1C800] =	vst v63  }
0x3a: {  	s31 =	rddreg [dreg:$0xb]  }
0x3b: {  	[tilespmem:s0], [sflag:$0x1] =	stream.linear.gather [hbm4b:s31+s3], $0x80, $0x38;
	[tilespmem:$0x1C800] =	vst v63  }
0x3c: {  	_ =	swait.ge [sflag:s2], $0x80  }
0x3d: {  	[sflag:s2] =	ssyncset.done $0x0  }
0x3e: {  	[sflag:s2] =	ssyncadd.s32 $0xFFFFFF80  }
0x3f: {  	_ =	swait.ge [sflag:s2], $0x80  }
0x40: {  	[sflag:s2] =	ssyncset.done $0x0  }
0x41: {  	[sflag:s2] =	ssyncadd.s32 $0xFFFFFF80  }
0x42: {  	[tilespmem:s11], [sflag:$0x2] =	stream.indirect.gather [hbm4b:s5+s10], $0x80, s3, s10, $0xb8;
	[tilespmem:$0x1C800] =	vst v63  }
0x43: {  	_ =	swait.ge [sflag:s2], $0x80  }
0x44: {  	[sflag:s2] =	ssyncset.done $0x0  }
0x45: {  	[sflag:s2] =	ssyncadd.s32 $0xFFFFFF80  }
0x46: {  	_ =	swait.ge [sflag:s2], $0x80  }
0x47: {  	[sflag:s2] =	ssyncset.done $0x0  }
0x48: {  	[sflag:s2] =	ssyncadd.s32 $0xFFFFFF80  }
0x49: {  	[tilespmem:s12], [sflag:$0x2] =	stream.indirect.gather [hbm4b:s5+s10], $0x80, s19, s10, $0xb8;
	[tilespmem:$0x1C800] =	vst v63  }
0x4a: {  	s25 =	simm.s32 $0x280;
	_ =	swait.ge [sflag:s13], $0x2800  }
0x4b: {  	s17 =	simm.s32 $0x5;
	s26 =	sand.u32 $0x7C00, s25;
	[sflag:s13] =	ssyncset.done $0x0  }
0x4c: {  	s19 =	sand.u32 $0x380, s25;
	s25 =	smul.u32 $0xAB, s17;
	[sflag:s13] =	ssyncadd.s32 $0xFFFFD800  }
0x4d: {  	[spmem:s1] =	stream.indirect.scatter.add.f32 [tilespmem:s11], [sflag:$0x3], $0x80, s18, s10, $0xb8;
	[tilespmem:$0x1C800] =	vst v63  }
0x4e: {  	s24 =	sand.u32 $0xFF, s17;
	s28 =	sadd.s32 s6, s26;
	_ =	swait.ge [sflag:s2], $0x80  }
0x4f: {  	s30 =	sadd.s32 $0xFFFFFEAA, s25;
	s25 =	sadd.s32 $0xFFFFFDFF, s25;
	[sflag:s2] =	ssyncset.done $0x0  }
0x50: {  	s25 =	sshrl.u32 s25, $0x9;
	s18 =	smul.u32 $0xCD, s24;
	[sflag:s2] =	ssyncadd.s32 $0xFFFFFF80  }
0x51: {  	s24 =	smul.u32 $0xCD, s17;
	s25 =	sand.u32 $0x7F, s25;
	_ =	swait.ge [sflag:s2], $0x80  }
0x52: {  	s25 =	smul.u32 $0x3, s25;
	s18 =	sshrl.u32 s18, $0xA;
	[sflag:s2] =	ssyncset.done $0x0  }
0x53: {  	s31 =	sshrl.u32 s30, $0x9;
	s18 =	smul.u32 $0x5, s18;
	[sflag:s2] =	ssyncadd.s32 $0xFFFFFF80  }
0x54: {  	[tilespmem:s14], [sflag:$0x2] =	stream.indirect.gather [hbm4b:s5+s10], $0x80, s23, s10, $0xb8;
	[tilespmem:$0x1C800] =	vst v63  }
0x55: {  	s29 =	sadd.s32 $0xFFFFFE66, s24;
	s18 =	ssub.s32 $0x5, s18;
	_ =	swait.ge [sflag:s13], $0x2800  }
0x56: {  	s24 =	sadd.s32 $0xFFFFFD99, s24;
	s18 =	sand.u32 $0xFF, s18;
	[sflag:s13] =	ssyncset.done $0x0  }
0x57: {  	s23 =	sor.u32 s19, s28;
	s18 =	sshll.u32 s18, $0x7;
	[sflag:s13] =	ssyncadd.s32 $0xFFFFD800  }
0x58: {  	[spmem:s1] =	stream.indirect.scatter.add.f32 [tilespmem:s12], [sflag:$0x3], $0x80, s20, s10, $0xb8;
	[tilespmem:$0x1C800] =	vst v63  }
0x59: {  	s28 =	sshrl.u32 s29, $0xA;
	s20 =	sadd.s32 s7, s26;
	_ =	swait.ge [sflag:s15], $0x2800  }
0x5a: {  	s23 =	sshrl.u32 s23, $0x3;
	s19 =	sor.u32 s19, s20;
	[sflag:s15] =	ssyncset.done $0x0  }
0x5b: {  	s23 =	sadd.s32 s4, s23;
	s19 =	sshrl.u32 s19, $0x3;
	[sflag:s15] =	ssyncadd.s32 $0xFFFFD800  }
0x5c: {  	[tilespmem:s18], [sflag:$0x1] =	stream.linear.gather [hbm4b:s23+s3], $0x80, $0x38;
	[tilespmem:$0x1C800] =	vst v63  }
0x5d: {  	s29 =	sand.u32 $0x7F, s31;
	s19 =	sadd.s32 s4, s19;
	s18 =	sor.u32 $0x400, s18  }
0x5e: {  	[tilespmem:s18], [sflag:$0x1] =	stream.linear.gather [hbm4b:s19+s3], $0x80, $0x38;
	[tilespmem:$0x1C800] =	vst v63  }
0x5f: {  	s24 =	sshrl.u32 s24, $0xA;
	s19 =	smul.u32 $0x3, s29  }
0x60: {  	s30 =	sand.u32 $0x3F, s24;
	s31 =	ssub.s32 $0x2, s25;
	s20 =	sand.u32 $0x3F, s28  }
0x61: {  	s25 =	sand.u32 $0xFF, s31;
	s20 =	smul.u32 $0x5, s20;
	s19 =	ssub.s32 $0x3, s19  }
0x62: {  	s25 =	smul.u32 $0xA000, s25;
	_ =	swait.ge [sflag:s2], $0x80;
	s19 =	sand.u32 $0xFF, s19  }
0x63: {  	s20 =	ssub.s32 $0x3, s20;
	[sflag:s2] =	ssyncset.done $0x0;
	s19 =	smul.u32 $0xA000, s19  }
0x64: {  	s23 =	simm.s32 $0x300;
	s20 =	sand.u32 $0xFF, s20;
	[sflag:s2] =	ssyncadd.s32 $0xFFFFFF80  }
0x65: {  	s18 =	simm.s32 $0x2;
	_ =	swait.ge [sflag:s2], $0x80;
	s19 =	sshrl.u32 s19, $0x2  }
0x66: {  	s24 =	sadd.s32 $0x800, s19;
	s19 =	sshll.u32 s20, $0x7;
	s20 =	smul.u32 $0x5, s30  }
.LBB2_6:
0x67: {  	[sflag:s2] =	ssyncset.done $0x0;
	s25 =	sshrl.u32 s25, $0x2;
	s17 =	sadd.s32 $0x1, s17  }
0x68: {  	p0 =	sne.s32 s23, $0x3E00;
	[sflag:s2] =	ssyncadd.s32 $0xFFFFFF80;
	s18 =	ssub.s32 s18, s20  }
0x69: {  	s20 =	smov.u32 s23;
	s23 =	sadd.s32 $0x80, s23;
	s18 =	sand.u32 $0xF7, s18  }
0x6a: {  	[tilespmem:s24], [sflag:$0x2] =	stream.indirect.gather [hbm4b:s5+s10], $0x80, s19, s10, $0xb8;
	[tilespmem:$0x1C800] =	vst v63  }
0x6b: {  	s18 =	sshll.u32 s18, $0x7;
	_ =	swait.ge [sflag:s13], $0x2800  }
0x6c: {  	s19 =	sadd.s32 $0x800, s25;
	s18 =	sor.u32 $0x400, s18;
	[sflag:s13] =	ssyncset.done $0x0  }
0x6d: {  	s24 =	sand.u32 $0xFF, s17;
	[sflag:s13] =	ssyncadd.s32 $0xFFFFD800  }
0x6e: {  	[spmem:s1] =	stream.indirect.scatter.add.f32 [tilespmem:s19], [sflag:$0x3], $0x80, s18, s10, $0xb8;
	[tilespmem:$0x1C800] =	vst v63  }
0x6f: {  	s19 =	smul.u32 $0xCD, s24  }
0x70: {  	s25 =	sadd.s32 $0xFFFFFFFE, s17;
	s18 =	sadd.s32 $0xFFFFFFFD, s17;
	s24 =	smul.u32 $0xCD, s17  }
0x71: {  	s26 =	smul.u32 $0xAB, s17;
	s19 =	sshrl.u32 s19, $0xA;
	_ =	swait.ge [sflag:s15], $0x2800  }
0x72: {  	s28 =	sand.u32 $0x7C00, s20;
	s29 =	sadd.s32 $0xFFFFFE66, s24;
	s19 =	smul.u32 $0x5, s19  }
0x73: {  	s20 =	sand.u32 $0x380, s20;
	s30 =	sadd.s32 s6, s28;
	s29 =	sshrl.u32 s29, $0xA  }
0x74: {  	s30 =	sor.u32 s20, s30;
	s29 =	sand.u32 $0x3F, s29;
	s19 =	ssub.s32 s17, s19  }
0x75: {  	s31 =	sadd.s32 $0xFFFFFEAA, s26;
	s30 =	sshrl.u32 s30, $0x3;
	s19 =	sand.u32 $0xFF, s19  }
0x76: {  	s30 =	sadd.s32 s4, s30;
	s19 =	sshll.u32 s19, $0x7;
	[sflag:s15] =	ssyncset.done $0x0  }
0x77: {  	s28 =	sadd.s32 s7, s28;
	s31 =	sshrl.u32 s31, $0x9;
	[sflag:s15] =	ssyncadd.s32 $0xFFFFD800  }
0x78: {  	s26 =	sadd.s32 $0xFFFFFDFF, s26;
	s20 =	sor.u32 s20, s28;
	s28 =	sand.u32 $0x7F, s31  }
0x79: {  	[tilespmem:s19], [sflag:$0x1] =	stream.linear.gather [hbm4b:s30+s3], $0x80, $0x38;
	[tilespmem:$0x1C800] =	vst v63  }
0x7a: {  	s20 =	sshrl.u32 s20, $0x3;
	s28 =	smul.u32 $0x3, s28;
	s19 =	sor.u32 $0x400, s19  }
0x7b: {  	s26 =	sshrl.u32 s26, $0x9;
	s20 =	sadd.s32 s4, s20;
	s29 =	smul.u32 $0x5, s29  }
0x7c: {  	s26 =	sand.u32 $0x7F, s26;
	s28 =	ssub.s32 s25, s28;
	s24 =	sadd.s32 $0xFFFFFD99, s24  }
0x7d: {  	s26 =	smul.u32 $0x3, s26;
	s28 =	sand.u32 $0xFF, s28;
	s24 =	sshrl.u32 s24, $0xA  }
0x7e: {  	s28 =	smul.u32 $0xA000, s28;
	s25 =	ssub.s32 s25, s29;
	s29 =	sand.u32 $0x3F, s24  }
0x7f: {  	[tilespmem:s19], [sflag:$0x1] =	stream.linear.gather [hbm4b:s20+s3], $0x80, $0x38;
	[tilespmem:$0x1C800] =	vst v63  }
.Ltmp2:
0x80: {  	_ = 	snop;
	(pc) =	sbr.rel @p0 .LBB2_6-.Ltmp2, $4  }
0x81: {  	s19 =	sand.u32 $0xFF, s25;
	s20 =	ssub.s32 s18, s26;
	_ =	swait.ge [sflag:s2], $0x80  }
0x82: {  	s24 =	sshrl.u32 s28, $0x2;
	s20 =	sand.u32 $0xFF, s20;
	[sflag:s2] =	ssyncset.done $0x0  }
0x83: {  	s24 =	sadd.s32 $0x800, s24;
	s25 =	smul.u32 $0xA000, s20;
	[sflag:s2] =	ssyncadd.s32 $0xFFFFFF80  }
0x84: {  	s19 =	sshll.u32 s19, $0x7;
	s20 =	smul.u32 $0x5, s29;
	_ =	swait.ge [sflag:s2], $0x80  }
0x85: {  	[sflag:s2] =	ssyncset.done $0x0  }
0x86: {  	[sflag:s2] =	ssyncadd.s32 $0xFFFFFF80;
	s17 =	ssub.s32 s18, s20  }
0x87: {  	[tilespmem:s24], [sflag:$0x2] =	stream.indirect.gather [hbm4b:s5+s10], $0x80, s19, s10, $0xb8;
	[tilespmem:$0x1C800] =	vst v63  }
0x88: {  	s17 =	sand.u32 $0xF7, s17;
	_ =	swait.ge [sflag:s13], $0x2800  }
0x89: {  	s20 =	sshrl.u32 s25, $0x2;
	s17 =	sshll.u32 s17, $0x7;
	[sflag:s13] =	ssyncset.done $0x0  }
0x8a: {  	s18 =	sadd.s32 $0x800, s20;
	s17 =	sor.u32 $0x400, s17;
	[sflag:s13] =	ssyncadd.s32 $0xFFFFD800  }
0x8b: {  	[spmem:s1] =	stream.indirect.scatter.add.f32 [tilespmem:s18], [sflag:$0x3], $0x80, s17, s10, $0xb8;
	[tilespmem:$0x1C800] =	vst v63  }
0x8c: {  	_ =	swait.ge [sflag:s15], $0x2800  }
0x8d: {  	[sflag:s15] =	ssyncset.done $0x0  }
0x8e: {  	[sflag:s15] =	ssyncadd.s32 $0xFFFFD800  }
0x8f: {  	_ =	swait.ge [sflag:s2], $0x80  }
0x90: {  	[sflag:s2] =	ssyncset.done $0x0  }
0x91: {  	[sflag:s2] =	ssyncadd.s32 $0xFFFFFF80  }
0x92: {  	_ =	swait.ge [sflag:s2], $0x80  }
0x93: {  	[sflag:s2] =	ssyncset.done $0x0  }
0x94: {  	s25 =	simm.s32 $0x180;
	[sflag:s2] =	ssyncadd.s32 $0xFFFFFF80  }
0x95: {  	[tilespmem:s11], [sflag:$0x2] =	stream.indirect.gather [hbm4b:s5+s10], $0x80, s25, s10, $0xb8;
	[tilespmem:$0x1C800] =	vst v63  }
0x96: {  	_ =	swait.ge [sflag:s13], $0x2800  }
0x97: {  	[sflag:s13] =	ssyncset.done $0x0  }
0x98: {  	s24 =	simm.s32 $0x500;
	[sflag:s13] =	ssyncadd.s32 $0xFFFFD800  }
0x99: {  	[spmem:s1] =	stream.indirect.scatter.add.f32 [tilespmem:s14], [sflag:$0x3], $0x80, s24, s10, $0xb8;
	[tilespmem:$0x1C800] =	vst v63  }
0x9a: {  	_ =	swait.ge [sflag:s15], $0x2800  }
0x9b: {  	[sflag:s15] =	ssyncset.done $0x0  }
0x9c: {  	[sflag:s15] =	ssyncadd.s32 $0xFFFFD800  }
0x9d: {  	_ =	swait.ge [sflag:s2], $0x80  }
0x9e: {  	[sflag:s2] =	ssyncset.done $0x0  }
0x9f: {  	[sflag:s2] =	ssyncadd.s32 $0xFFFFFF80  }
0xa0: {  	_ =	swait.ge [sflag:s2], $0x80  }
0xa1: {  	[sflag:s2] =	ssyncset.done $0x0  }
0xa2: {  	s28 =	simm.s32 $0x200;
	[sflag:s2] =	ssyncadd.s32 $0xFFFFFF80  }
0xa3: {  	[tilespmem:s12], [sflag:$0x2] =	stream.indirect.gather [hbm4b:s5+s10], $0x80, s28, s10, $0xb8;
	[tilespmem:$0x1C800] =	vst v63  }
0xa4: {  	_ =	swait.ge [sflag:s13], $0x2800  }
0xa5: {  	[sflag:s13] =	ssyncset.done $0x0  }
0xa6: {  	s26 =	simm.s32 $0x580;
	[sflag:s13] =	ssyncadd.s32 $0xFFFFD800  }
0xa7: {  	[spmem:s1] =	stream.indirect.scatter.add.f32 [tilespmem:s11], [sflag:$0x3], $0x80, s26, s10, $0xb8;
	[tilespmem:$0x1C800] =	vst v63  }
0xa8: {  	_ =	swait.ge [sflag:s15], $0x2800  }
0xa9: {  	[sflag:s15] =	ssyncset.done $0x0  }
0xaa: {  	[sflag:s15] =	ssyncadd.s32 $0xFFFFD800  }
0xab: {  	_ =	swait.ge [sflag:s13], $0x2800  }
0xac: {  	[sflag:s13] =	ssyncset.done $0x0  }
0xad: {  	[sflag:s13] =	ssyncadd.s32 $0xFFFFD800  }
0xae: {  	[spmem:s1] =	stream.indirect.scatter.add.f32 [tilespmem:s12], [sflag:$0x3], $0x80, s0, s10, $0xb8;
	[tilespmem:$0x1C800] =	vst v63  }
0xaf: {  	_ =	swait.ge [sflag:s15], $0x2800  }
0xb0: {  	[sflag:s15] =	ssyncset.done $0x0  }
0xb1: {  	[sflag:s15] =	ssyncadd.s32 $0xFFFFD800  }
0xb2: {  	_ =	swait.ge [sflag:s15], $0x2800  }
0xb3: {  	[sflag:s15] =	ssyncset.done $0x0  }
0xb4: {  	s23 =	stileid.u32;
	[sflag:s15] =	ssyncadd.s32 $0xFFFFD800  }
0xb5: {  	s17 =	sshll.u32 s23, $0x6;
	[bflag:$0x0] =	sbarrier.arrive $0xFFFF  }
0xb6: {  	s29 =	sshrl.u32 s8, $0x3;
	s17 =	sor.u32 $0x1C04, s17;
	s30 =	rddreg [dreg:$0xc]  }
0xb7: {  	[hbm:s30], [sflag:s17] =	dma.local [spmem:s29], $0x2800  }
0xb8: {  	_ =	swait.ge [sflag:s22], $0x2800  }
0xb9: {  	s16 =	sadd.s32 $0x1, s16;
	s31 =	rddreg [dreg:$0xd]  }
0xba: {  	p0 =	sne.s32 s16, s31  }
.Ltmp3:
0xbb: {  	_ = 	snop;
	(pc) =	sbr.rel @p0 .LBB2_1-.Ltmp3, $3  }
0xbc: {  	_ =	sdelay $0x1  }
0xbd: {  	[sflag:s22] =	ssyncset.done $0x0  }
0xbe: {  	[sflag:s22] =	ssyncadd.s32 $0xFFFFD800  }
0xbf: {  	_ =	sfence.sel $0x180000  }
0xc0: {  	[bflag:$0x0] =	sbarrier.arrive $0xFFFF  }
0xc1: {  	_ =	strace $0x9000004A  }
0xc2: {  	s0 =	stileid.u32;
	[bflag:$0x2] =	sbarrier.arrive $0xFFFF  }
0xc3: {  	p0 =	sne.s32 s0, $0x0;
	s0 =	rddreg [dreg:$0x2]  }
0xc4: {  	s0 =	sadd.s32 @!p0 $0x100000, s0  }
0xc5: {  	[sflag:s0] =	ssyncadd.tile.s32 @!p0 $0x1;
	_ =	shalt  }
.Lfunc_end2:
_tile_overlayer_lowered:
.L_overlay_start_2:
0xc6: {  	(tag) =	ssettag $0x2  }
0xc7: {  	s0 =	rddreg [dreg:$0x0];
	s2 =	stileid.u32  }
0xc8: {  	s1 =	rddreg [dreg:$0x1];
	p0 =	sne.s32 s2, $0x0  }
0xc9: {  	s3 =	rddreg [dreg:$0x2];
	[bflag:$0x3] =	sbarrier.arrive $0xFFFF;
	s2 =	simm.s32 @!p0 $0x1C04  }
0xca: {  	[timem:s3], [sflag:s2] =	dma.local @!p0 [hbm:s0], s1  }
0xcb: {  	s0 =	simm.s32 @!p0 $0x4  }
0xcc: {  	_ =	swait.ge @!p0 [sflag:s0], s1  }
0xcd: {  	s1 =	ssub.s32 @!p0 $0x0, s1;
	[sflag:s0] =	ssyncset.done @!p0 $0x0  }
0xce: {  	[sflag:s0] =	ssyncadd.s32 @!p0 s1  }
0xcf: {  	[bflag:$0x3] =	sbarrier.arrive $0xFFFF  }
0xd0: {  	_ =	shalt  }

// kernel: kernel.14.cloned.1.call-start
scs
__scs_entry_jumppad:
0x0: {  	(pc) =	sbr.rel $0x88, $3  }
0x1: {  	(tag) =	ssettag $0x0;
	lr =	simm.s32 $0x1  }
0x2: {  	[smem:$0x3F9B] =	sst lr;
	_ =	strace $0xD0000000  }
0x3: {  	_ = 	snop  }
0x4: {  	_ = 	snop  }
0x5: {  	_ = 	snop  }
0x6: {  	_ = 	snop  }
0x7: {  	_ = 	snop  }
__scs_overlays_trampoline_lowered:
0x8: {  	[smem:$0x3FAA] =	sst s0  }
0x9: {  	[smem:$0x3FAB] =	sst s1  }
0xa: {  	[smem:$0x3FAC] =	sst s2  }
0xb: {  	[smem:$0x3FAD] =	sst s3  }
0xc: {  	[smem:$0x3FAE] =	sst s4  }
0xd: {  	[smem:$0x3FAF] =	sst s5  }
0xe: {  	[smem:$0x3FB0] =	sst s6  }
0xf: {  	[smem:$0x3FB1] =	sst s7  }
0x10: {  	[smem:$0x3FB2] =	sst s8  }
0x11: {  	[smem:$0x3FB3] =	sst s9;
	s0 =	simm.s32 @!p0 $0x0  }
0x12: {  	s1 =	sld [smem:$0x3F99];
	s0 =	simm.s32 @p0 $0x1  }
0x13: {  	[smem:$0x3FB4] =	sst s0;
	s0 =	simm.s32 @!p1 $0x0  }
0x14: {  	s2 =	sld [smem:$0x3F98];
	s0 =	simm.s32 @p1 $0x1  }
0x15: {  	[smem:$0x3FB5] =	sst s0;
	s0 =	simm.s32 @!p2 $0x0  }
0x16: {  	s3 =	sld [smem:$0x3FDB];
	s0 =	simm.s32 @p2 $0x1  }
0x17: {  	s4 =	simm.s32 $0x1BF5;
	[smem:$0x3FB7] =	sst s0  }
0x18: {  	s0 =	sld [smem:$0x3F9A];
	_ =	swait.ge [sflag:s4], $0x0  }
0x19: {  	s7 =	sld [smem:$0x3F9B]  }
0x1a: {  	s8 =	sadd.s32 $0xFFFFE003, lr  }
0x1b: {  	s9 =	sadd.s32 $0xFFFFFEF7, lr;
	s5 =	simm.s32 $0xFFFFFFFF;
	p2 =	slt.u32 s8, $0xFFFFF086  }
0x1c: {  	p1 =	slt.u32 s9, $0xF7A;
	s5 =	simm.s32 @!p2 $0x0  }
0x1d: {  	s5 =	simm.s32 @p1 $0x1;
	p0 =	seq.s32 s7, s2  }
0x1e: {  	s7 =	smul.u32 @!p0 $0xF7A, s2;
	p2 =	seq.s32 @!p0 s5, $0x0  }
0x1f: {  	s9 =	smul.u32 $0xF7A, s1;
	s8 =	simm.s32 @!p0 $0x1BF5;
	p2 =	por !p2, p0  }
0x20: {  	[sflag:s8] =	ssyncset.s32 @!p0 $0xFFFFF086;
	s6 =	sadd.s32 @!p0 s3, s7;
	s7 =	simm.s32 @!p0 $0x108  }
0x21: {  	s3 =	sadd.s32 s3, s9;
	s6 =	sadd.s32 @!p0 $0x88, s6;
	s7 =	simm.s32 @p2 $0x1082  }
0x22: {  	[simem:s7], [sflag:s8] =	dma.local @!p0 [hbm:s6], $0xF7A  }
0x23: {  	s9 =	sor.u32 $0xD0000000, s2;
	s6 =	simm.s32 $0x108;
	_ =	swait.ge @!p0 [sflag:s8], $0x0  }
0x24: {  	s3 =	sadd.s32 $0x88, s3;
	s6 =	simm.s32 @!p1 $0x1082;
	[sflag:s4] =	ssyncset.s32 $0xFFFFF086  }
0x25: {  	[simem:s6], [sflag:s4] =	dma.local [hbm:s3], $0xF7A  }
0x26: {  	[smem:$0x3F9B] =	sst s1;
	(tag) =	ssettag s2;
	_ =	strace s9  }
0x27: {  	s1 =	sld [smem:$0x3FAB]  }
0x28: {  	s2 =	sld [smem:$0x3FAC]  }
0x29: {  	s4 =	sld [smem:$0x3FAE]  }
0x2a: {  	p0 =	seq.s32 s5, $0x0;
	s5 =	sld [smem:$0x3FAF]  }
0x2b: {  	s6 =	sld [smem:$0x3FB0]  }
0x2c: {  	s7 =	sld [smem:$0x3FB1]  }
0x2d: {  	s3 =	simm.s32 $0x108;
	s8 =	sld [smem:$0x3FB2]  }
0x2e: {  	s3 =	simm.s32 @!p0 $0x1082;
	s9 =	sld [smem:$0x3FB3]  }
0x2f: {  	lr =	sadd.s32 s0, s3;
	s0 =	sld [smem:$0x3FAA]  }
0x30: {  	s3 =	sld [smem:$0x3FAD]  }
0x31: {  	[smem:$0x3FB6] =	sst s10  }
0x32: {  	s10 =	sld [smem:$0x3FB4];
	_ =	sdelay $0x3  }
0x33: {  	p0 =	seq.s32 s10, $0x1;
	s10 =	sld [smem:$0x3FB6];
	_ =	sdelay $0x3  }
0x34: {  	[smem:$0x3FB6] =	sst s10  }
0x35: {  	s10 =	sld [smem:$0x3FB5];
	_ =	sdelay $0x3  }
0x36: {  	p1 =	seq.s32 s10, $0x1;
	s10 =	sld [smem:$0x3FB6];
	_ =	sdelay $0x3  }
0x37: {  	[smem:$0x3FB6] =	sst s10  }
0x38: {  	s10 =	sld [smem:$0x3FB7]  }
0x39: {  	_ = 	snop;
	(pc) =	sbr.ind lr, $3  }
0x3a: {  	_ = 	snop  }
0x3b: {  	_ = 	snop  }
0x3c: {  	p2 =	seq.s32 s10, $0x1;
	s10 =	sld [smem:$0x3FB6]  }
0x3d: {  	_ =	shalt  }
0x3e: {  	_ =	shalt  }
0x3f: {  	_ =	shalt  }
0x40: {  	_ =	shalt  }
0x41: {  	_ =	shalt  }
0x42: {  	_ =	shalt  }
0x43: {  	_ =	shalt  }
0x44: {  	_ =	shalt  }
0x45: {  	_ =	shalt  }
0x46: {  	_ =	shalt  }
0x47: {  	_ =	shalt  }
0x48: {  	_ =	shalt  }
0x49: {  	_ =	shalt  }
0x4a: {  	_ =	shalt  }
0x4b: {  	_ =	shalt  }
0x4c: {  	_ =	shalt  }
0x4d: {  	_ =	shalt  }
0x4e: {  	_ =	shalt  }
0x4f: {  	_ =	shalt  }
0x50: {  	_ =	shalt  }
0x51: {  	_ =	shalt  }
0x52: {  	_ =	shalt  }
0x53: {  	_ =	shalt  }
0x54: {  	_ =	shalt  }
0x55: {  	_ =	shalt  }
0x56: {  	_ =	shalt  }
0x57: {  	_ =	shalt  }
0x58: {  	_ =	shalt  }
0x59: {  	_ =	shalt  }
0x5a: {  	_ =	shalt  }
0x5b: {  	_ =	shalt  }
0x5c: {  	_ =	shalt  }
0x5d: {  	_ =	shalt  }
0x5e: {  	_ =	shalt  }
0x5f: {  	_ =	shalt  }
0x60: {  	_ =	shalt  }
0x61: {  	_ =	shalt  }
0x62: {  	_ =	shalt  }
0x63: {  	_ =	shalt  }
0x64: {  	_ =	shalt  }
0x65: {  	_ =	shalt  }
0x66: {  	_ =	shalt  }
0x67: {  	_ =	shalt  }
0x68: {  	_ =	shalt  }
0x69: {  	_ =	shalt  }
0x6a: {  	_ =	shalt  }
0x6b: {  	_ =	shalt  }
0x6c: {  	_ =	shalt  }
0x6d: {  	_ =	shalt  }
0x6e: {  	_ =	shalt  }
0x6f: {  	_ =	shalt  }
0x70: {  	_ =	shalt  }
0x71: {  	_ =	shalt  }
0x72: {  	_ =	shalt  }
0x73: {  	_ =	shalt  }
0x74: {  	_ =	shalt  }
0x75: {  	_ =	shalt  }
0x76: {  	_ =	shalt  }
0x77: {  	_ =	shalt  }
0x78: {  	_ =	shalt  }
0x79: {  	_ =	shalt  }
0x7a: {  	_ =	shalt  }
0x7b: {  	_ =	shalt  }
0x7c: {  	_ =	shalt  }
0x7d: {  	_ =	shalt  }
0x7e: {  	_ =	shalt  }
0x7f: {  	_ =	shalt  }
0x80: {  	_ =	shalt  }
0x81: {  	_ =	shalt  }
0x82: {  	_ =	shalt  }
0x83: {  	_ =	shalt  }
0x84: {  	_ =	shalt  }
0x85: {  	_ =	shalt  }
0x86: {  	_ =	shalt  }
0x87: {  	_ =	shalt  }
.Lfunc_end0:
.L_simem_size_0:
called_computation.2_lowered:
.L_overlay_start_0:
0x88: {  	s2 =	sld [smem:$0x3FD9]  }
0x89: {  	s3 =	sld [smem:$0x3FFE];
	_ =	sdelay $0x1  }
0x8a: {  	s1 =	srdreg.scid  }
0x8b: {  	s0 =	sand.u32 $0x1, s1  }
0x8c: {  	s16 =	sshll.u32 s0, $0xA;
	s2 =	sadd.s32 s3, s2  }
0x8d: {  	s2 =	sadd.s32 s2, s16  }
0x8e: {  	[smem:$0x3FC2] =	sst s2  }
0x8f: {  	_ = 	snop  }
0x90: {  	(tm) =	ssettm $0x1  }
0x91: {  	s17 =	sld [smem:$0x3FFB];
	_ =	sdelay $0x3  }
0x92: {  	_ =	strace s17  }
0x93: {  	s2 =	sld [smem:$0x3FFC];
	_ =	sdelay $0x3  }
0x94: {  	_ =	strace s2  }
0x95: {  	s2 =	sld [smem:$0x3FFD];
	_ =	sdelay $0x3  }
0x96: {  	_ =	strace s2  }
0x97: {  	_ =	strace $0x8FFFFFFF  }
0x98: {  	s18 =	sld [smem:$0x3FDB];
	_ =	sdelay $0x1  }
0x99: {  	s19 =	simm.s32 $_scs_section_size  }
0x9a: {  	s4 =	simm.s32 $_size__tile_overlayer_lowered;
	s5 =	simm.s32 $_tile_overlayer_lowered  }
0x9b: {  	s22 =	simm.s32 $0x1BFF;
	s21 =	sshll.u32 s5, $0x1;
	s2 =	sadd.s32 s19, s18  }
0x9c: {  	s6 =	simm.s32 $0x0;
	s20 =	sshll.u32 s4, $0x1;
	s4 =	sadd.s32 s21, s2  }
0x9d: {  	[timem:s6], [sflag:s22] =	dma.local [hbm:s4], s20  }
0x9e: {  	_ =	swait.ge [sflag:s22], s20  }
0x9f: {  	s3 =	ssub.s32 $0x0, s20;
	[sflag:s22] =	ssyncset.done $0x0  }
0xa0: {  	[sflag:s22] =	ssyncadd.s32 s3;
	_ =	sdelay $0x1  }
0xa1: {  	s23 =	simm.s32 $0x1B8B  }
0xa2: {  	_ =	swait.ge [sflag:s23], $0x1  }
0xa3: {  	[sflag:s23] =	ssyncset.done $0x0  }
0xa4: {  	s25 =	simm.s32 $0x1B8E;
	s24 =	sld [smem:$0x3FFE];
	[sflag:s23] =	ssyncadd.s32 $0xFFFFFFFF  }
0xa5: {  	s26 =	simm.s32 $execute0_lowered;
	[smem:$0x3FD2] =	sst s25  }
0xa6: {  	s4 =	sshll.u32 s26, $0x1;
	_ =	strace $0x8000004C;
	[dreg:$0x1] =	wrdreg $0xFFFFFFFF  }
0xa7: {  	s28 =	simm.s32 $_size_execute0_lowered;
	s2 =	sadd.s32 s2, s4;
	[dreg:$0x0] =	wrdreg $0x0  }
0xa8: {  	s4 =	sshll.u32 s28, $0x1;
	[dreg:$0x2] =	wrdreg s2  }
0xa9: {  	[dreg:$0x3] =	wrdreg s4  }
0xaa: {  	[dreg:$0x4] =	wrdreg $0xC0  }
0xab: {  	_ =	task [dreg:s6], $0x5FFFF  }
0xac: {  	[dreg:$0x1] =	wrdreg $0xFFFFFFFF  }
0xad: {  	[dreg:$0x0] =	wrdreg $0x60  }
0xae: {  	[dreg:$0x2] =	wrdreg s24  }
0xaf: {  	[dreg:$0x3] =	wrdreg $0x57C00  }
0xb0: {  	[dreg:$0x4] =	wrdreg $0x9  }
0xb1: {  	_ =	task.clear_ibuf [dreg:s6], $0x5FFFF;
	_ =	strace $0x9000004C  }
0xb2: {  	s29 =	simm.s32 $0x9;
	_ =	strace $0x8000004E  }
0xb3: {  	_ =	swait.ge [sflag:s29], $0x1  }
0xb4: {  	[sflag:s29] =	ssyncadd.s32 $0xFFFFFFFF  }
0xb5: {  	_ =	strace $0x9000004E  }
0xb6: {  	_ =	sfence  }
0xb7: {  	s30 =	sld [smem:$0x0];
	_ =	sdelay $0x2  }
0xb8: {  	s31 =	sshll.u32 s1, $0xD;
	s1 =	sshrl.u32 s1, $0x2  }
0xb9: {  	s3 =	sand.u32 $0x4000, s31;
	s1 =	sadd.s32 s1, s30  }
0xba: {  	s0 =	sor.u32 s3, s0;
	s1 =	sshll.u32 s1, $0x11  }
0xbb: {  	s0 =	sor.u32 s1, s0  }
0xbc: {  	s0 =	sadd.s32 $0x8F2B, s0  }
0xbd: {  	[sflag:s0] =	ssyncadd.remote.s32 $0x1  }
0xbe: {  	_ =	sfence.sel $0xFFFF  }
0xbf: {  	[dreg:$0x0] =	wrdreg $0xFFFFFFFF;
	(pc) =	sbr.abs _section_cstart, $3  }
0xc0: {  	[dreg:$0x1] =	wrdreg $0xFFFFFFFF  }
0xc1: {  	_ =	task.clear_ibuf [dreg:s6], $0x2FFFF;
	_ =	strace $0x9FFFFFFF  }
0xc2: {  	(tm) =	ssettm $0x7FFFFFFF  }
0xc3: {  	_ =	shalt  }
tec
execute0_lowered:
.L_overlay_start_1:
0x0: {  	(tag) =	ssettag $0x1  }
0x1: {  	s0 =	rddreg [dreg:$0x0]  }
0x2: {  	s1 =	rddreg [dreg:$0x1]  }
0x3: {  	s2 =	srdreg.scid;
	s3 =	simm.s32 $0x0;
	s10 =	stileid.u32  }
0x4: {  	s30 =	simm.s32 $0xF0;
	s28 =	simm.s32 $0x140;
	s6 =	smul.u32 $0x1400, s10  }
0x5: {  	s11 =	simm.s32 $0x2;
	s2 =	sand.u32 $0x1, s2;
	s12 =	smul.u32 $0x28000, s10  }
0x6: {  	[smem:$0x7FF] =	sst s3;
	s7 =	sadd.s32 $0xE8E00, s0;
	s20 =	smul.u32 $0x2710, s10  }
0x7: {  	s5 =	smul.u32 $0x14000, s2;
	s4 =	sshll.u32 s2, $0x4;
	_ =	strace $0x8000004D  }
0x8: {  	s9 =	ssub.s32 $0x2, s2;
	s2 =	smul.u32 $0x27100, s2;
	s4 =	sor.u32 s10, s4  }
0x9: {  	s14 =	sshrl.u32 s9, $0x1;
	s8 =	smul.u32 $0x2710, s4;
	s5 =	sadd.s32 s6, s5  }
0xa: {  	s10 =	simm.s32 $0x2BC0;
	s4 =	sadd.s32 $0x3800, s0;
	s0 =	sadd.s32 s5, s0  }
0xb: {  	s13 =	sshrl.u32 s8, $0x3;
	s8 =	ssub.s32 s9, s14;
	s0 =	sadd.s32 $0x17200, s0  }
0xc: {  	s5 =	sadd.s32 s7, s13;
	[dreg:$0xe] =	wrdreg s0;
	s8 =	smax.u32 s8, $0x1  }
0xd: {  	s6 =	sshrl.u32 s12, $0x2;
	s15 =	sadd.s32 $0x9C40, s5;
	[dreg:$0xf] =	wrdreg s8  }
0xe: {  	s2 =	sadd.s32 s20, s2;
	s16 =	sadd.s32 $0xA, s5;
	[dreg:$0x3] =	wrdreg s15  }
0xf: {  	s12 =	simm.s32 $0x3FC0;
	s17 =	sadd.s32 $0x9C4A, s5;
	[dreg:$0x4] =	wrdreg s16  }
0x10: {  	s6 =	sadd.s32 s6, s1;
	s18 =	sadd.s32 $0x14, s5;
	[dreg:$0x5] =	wrdreg s17  }
0x11: {  	s29 =	sadd.s32 $0x4E3E0, s2;
	s19 =	sadd.s32 $0x9C54, s5;
	[dreg:$0x6] =	wrdreg s18  }
0x12: {  	s2 =	sadd.s32 $0x1E0, s2;
	s21 =	sadd.s32 $0x1E, s5;
	[dreg:$0x7] =	wrdreg s19  }
0x13: {  	s31 =	sshrl.u32 s29, $0x3;
	s22 =	sadd.s32 $0x9C5E, s5;
	[dreg:$0x8] =	wrdreg s21  }
0x14: {  	s2 =	sshrl.u32 s2, $0x3;
	s23 =	sadd.s32 $0x28, s5;
	[dreg:$0x9] =	wrdreg s22  }
0x15: {  	s9 =	simm.s32 $0x17C0;
	s24 =	sadd.s32 $0x9C68, s5;
	[dreg:$0xa] =	wrdreg s23  }
0x16: {  	s14 =	simm.s32 $0x0;
	s25 =	sadd.s32 $0x32, s5;
	[dreg:$0xb] =	wrdreg s24  }
0x17: {  	s20 =	sadd.s32 s31, s7;
	s26 =	sadd.s32 $0x9C72, s5;
	[dreg:$0xc] =	wrdreg s25  }
0x18: {  	s13 =	simm.s32 $0x3;
	s8 =	simm.s32 $0x3C0;
	[dreg:$0xd] =	wrdreg s26  }
0x19: {  	s21 =	sadd.s32 s2, s7;
	s22 =	simm.s32 $0x53C0;
	s23 =	simm.s32 $0x4  }
0x1a: {  	s25 =	simm.s32 $0x50;
	s26 =	simm.s32 $0x230;
	s19 =	simm.s32 $0x280  }
0x1b: {  	v0 =	vimm.f32 $0.0e+00;
	s24 =	simm.s32 $0x2D0;
	s2 =	simm.s32 $0x320;
	s7 =	simm.s32 $0x1  }
.LBB2_1:
0x1c: {  	s15 =	simm.s32 $0x0;
	s16 =	simm.s32 $0x0  }
.LBB2_2:
0x1d: {  	p0 =	sne.s32 s16, $0xFC0  }
.Ltmp0:
0x1e: {  	_ = 	snop;
	(pc) =	sbr.rel @p0 .LBB2_2-.Ltmp0, $4  }
0x1f: {  	s17 =	sand.u32 $0xF00, s16  }
0x20: {  	s18 =	sand.u32 $0x30, s15;
	s17 =	sshrl.u32 s17, $0x2  }
0x21: {  	s17 =	sor.u32 s18, s17  }
0x22: {  	s15 =	sadd.s32 $0x10, s15;
	s16 =	sadd.s32 $0x40, s16;
	[tilespmem:s17+$0x53C0] =	vst v0  }
0x23: {  	s15 =	sadd.s32 $0x0, s6  }
0x24: {  	[spmem:s15] =	stream.linear.scatter [tilespmem:s22], [sflag:$0x4], $0x400, $0x38;
	[tilespmem:$0xF7C0] =	vst v63  }
0x25: {  	s15 =	simm.s32 $0x1000;
	_ =	swait.ge [sflag:s23], $0x400  }
.LBB2_4:
0x26: {  	s16 =	sshra.s32 s15, $0x2;
	[sflag:s23] =	ssyncset.done $0x0;
	p0 =	sne.s32 s15, $0x27000  }
.Ltmp1:
0x27: {  	s16 =	sadd.s32 s16, s6;
	[sflag:s23] =	ssyncadd.s32 $0xFFFFFC00;
	(pc) =	sbr.rel @p0 .LBB2_4-.Ltmp1, $3  }
0x28: {  	[spmem:s16] =	stream.linear.scatter [tilespmem:s22], [sflag:$0x4], $0x400, $0x38;
	[tilespmem:$0xF7C0] =	vst v63  }
0x29: {  	s15 =	sadd.s32 $0x1000, s15;
	_ =	sdelay $0x1  }
0x2a: {  	_ =	swait.ge [sflag:s23], $0x400  }
0x2b: {  	[sflag:s23] =	ssyncset.done $0x0  }
0x2c: {  	[sflag:s23] =	ssyncadd.s32 $0xFFFFFC00  }
0x2d: {  	[bflag:$0x0] =	sbarrier.arrive $0xFFFF  }
0x2e: {  	[tilespmem:s3], [sflag:$0x1] =	stream.linear.gather [hbm4b:s5+s3], $0x50, $0x38;
	[tilespmem:$0xF7C0] =	vst v63  }
0x2f: {  	s15 =	simm.s32 $0x1E0;
	s0 =	rddreg [dreg:$0x3]  }
0x30: {  	[tilespmem:s15], [sflag:$0x1] =	stream.linear.gather [hbm4b:s0+s3], $0x50, $0x38;
	[tilespmem:$0xF7C0] =	vst v63  }
0x31: {  	s16 =	rddreg [dreg:$0x4]  }
0x32: {  	[tilespmem:s25], [sflag:$0x1] =	stream.linear.gather [hbm4b:s16+s3], $0x50, $0x38;
	[tilespmem:$0xF7C0] =	vst v63  }
0x33: {  	s17 =	rddreg [dreg:$0x5]  }
0x34: {  	[tilespmem:s26], [sflag:$0x1] =	stream.linear.gather [hbm4b:s17+s3], $0x50, $0x38;
	[tilespmem:$0xF7C0] =	vst v63  }
0x35: {  	s18 =	rddreg [dreg:$0x6];
	s16 =	simm.s32 $0xA0  }
0x36: {  	[tilespmem:s16], [sflag:$0x1] =	stream.linear.gather [hbm4b:s18+s3], $0x50, $0x38;
	[tilespmem:$0xF7C0] =	vst v63  }
0x37: {  	s31 =	rddreg [dreg:$0x7]  }
0x38: {  	[tilespmem:s19], [sflag:$0x1] =	stream.linear.gather [hbm4b:s31+s3], $0x50, $0x38;
	[tilespmem:$0xF7C0] =	vst v63  }
0x39: {  	s17 =	rddreg [dreg:$0x8]  }
0x3a: {  	[tilespmem:s30], [sflag:$0x1] =	stream.linear.gather [hbm4b:s17+s3], $0x50, $0x38;
	[tilespmem:$0xF7C0] =	vst v63  }
0x3b: {  	s18 =	rddreg [dreg:$0x9]  }
0x3c: {  	[tilespmem:s24], [sflag:$0x1] =	stream.linear.gather [hbm4b:s18+s3], $0x50, $0x38;
	[tilespmem:$0xF7C0] =	vst v63  }
0x3d: {  	s19 =	rddreg [dreg:$0xa]  }
0x3e: {  	[tilespmem:s28], [sflag:$0x1] =	stream.linear.gather [hbm4b:s19+s3], $0x50, $0x38;
	[tilespmem:$0xF7C0] =	vst v63  }
0x3f: {  	s24 =	rddreg [dreg:$0xb]  }
0x40: {  	[tilespmem:s2], [sflag:$0x1] =	stream.linear.gather [hbm4b:s24+s3], $0x50, $0x38;
	[tilespmem:$0xF7C0] =	vst v63  }
0x41: {  	s31 =	rddreg [dreg:$0xc];
	s17 =	simm.s32 $0x190  }
0x42: {  	[tilespmem:s17], [sflag:$0x1] =	stream.linear.gather [hbm4b:s31+s3], $0x50, $0x38;
	[tilespmem:$0xF7C0] =	vst v63  }
0x43: {  	s18 =	simm.s32 $0x370;
	s17 =	rddreg [dreg:$0xd]  }
0x44: {  	[tilespmem:s18], [sflag:$0x1] =	stream.linear.gather [hbm4b:s17+s3], $0x50, $0x38;
	[tilespmem:$0xF7C0] =	vst v63  }
0x45: {  	_ =	swait.ge [sflag:s7], $0x50  }
0x46: {  	[sflag:s7] =	ssyncset.done $0x0  }
0x47: {  	[sflag:s7] =	ssyncadd.s32 $0xFFFFFFB0  }
0x48: {  	_ =	swait.ge [sflag:s7], $0x50  }
0x49: {  	[sflag:s7] =	ssyncset.done $0x0  }
0x4a: {  	[sflag:s7] =	ssyncadd.s32 $0xFFFFFFB0  }
0x4b: {  	[tilespmem:s8], [sflag:$0x2] =	stream.indirect.gather [hbm4b:s4+s25], $0x40, s3, s25, $0xb8;
	[tilespmem:$0xF7C0] =	vst v63  }
0x4c: {  	_ =	swait.ge [sflag:s7], $0x50  }
0x4d: {  	[sflag:s7] =	ssyncset.done $0x0  }
0x4e: {  	[sflag:s7] =	ssyncadd.s32 $0xFFFFFFB0  }
0x4f: {  	_ =	swait.ge [sflag:s7], $0x50  }
0x50: {  	[sflag:s7] =	ssyncset.done $0x0  }
0x51: {  	[sflag:s7] =	ssyncadd.s32 $0xFFFFFFB0  }
0x52: {  	[tilespmem:s9], [sflag:$0x2] =	stream.indirect.gather [hbm4b:s4+s25], $0x40, s25, s25, $0xb8;
	[tilespmem:$0xF7C0] =	vst v63  }
0x53: {  	_ =	swait.ge [sflag:s7], $0x50  }
0x54: {  	[sflag:s7] =	ssyncset.done $0x0  }
0x55: {  	[sflag:s7] =	ssyncadd.s32 $0xFFFFFFB0  }
0x56: {  	_ =	swait.ge [sflag:s7], $0x50  }
0x57: {  	[sflag:s7] =	ssyncset.done $0x0  }
0x58: {  	[sflag:s7] =	ssyncadd.s32 $0xFFFFFFB0  }
0x59: {  	[tilespmem:s10], [sflag:$0x2] =	stream.indirect.gather [hbm4b:s4+s25], $0x40, s16, s25, $0xb8;
	[tilespmem:$0xF7C0] =	vst v63  }
0x5a: {  	_ =	swait.ge [sflag:s11], $0x1400  }
0x5b: {  	[sflag:s11] =	ssyncset.done $0x0  }
0x5c: {  	[sflag:s11] =	ssyncadd.s32 $0xFFFFEC00  }
0x5d: {  	[spmem:s1] =	stream.indirect.scatter.add.f32 [tilespmem:s8], [sflag:$0x3], $0x40, s15, s25, $0xb8;
	[tilespmem:$0xF7C0] =	vst v63  }
0x5e: {  	_ =	swait.ge [sflag:s7], $0x50  }
0x5f: {  	s19 =	simm.s32 $0x6;
	[sflag:s7] =	ssyncset.done $0x0  }
0x60: {  	s15 =	smul.u32 $0xAB, s19;
	[sflag:s7] =	ssyncadd.s32 $0xFFFFFFB0  }
0x61: {  	s0 =	simm.s32 $0x4;
	s19 =	simm.s32 $0x2;
	_ =	swait.ge [sflag:s7], $0x50  }
0x62: {  	s19 =	sand.u32 $0x3, s19;
	s24 =	sshrl.u32 s15, $0xA;
	[sflag:s7] =	ssyncset.done $0x0  }
0x63: {  	s31 =	sadd.s32 $0xFFFFFEAA, s15;
	s16 =	sand.u32 $0x3F, s24;
	[sflag:s7] =	ssyncadd.s32 $0xFFFFFFB0  }
0x64: {  	[tilespmem:s12], [sflag:$0x2] =	stream.indirect.gather [hbm4b:s4+s25], $0x40, s30, s25, $0xb8;
	[tilespmem:$0xF7C0] =	vst v63  }
0x65: {  	s18 =	sadd.s32 $0xFFFFFD54, s15;
	s16 =	smul.u32 $0x6, s16;
	_ =	swait.ge [sflag:s11], $0x1400  }
0x66: {  	s15 =	simm.s32 $0x7;
	s19 =	smul.u32 $0x5000, s19;
	[sflag:s11] =	ssyncset.done $0x0  }
0x67: {  	s17 =	sshrl.u32 s31, $0xA;
	s16 =	ssub.s32 $0x6, s16;
	[sflag:s11] =	ssyncadd.s32 $0xFFFFEC00  }
0x68: {  	[spmem:s1] =	stream.indirect.scatter.add.f32 [tilespmem:s9], [sflag:$0x3], $0x40, s26, s25, $0xb8;
	[tilespmem:$0xF7C0] =	vst v63  }
0x69: {  	s18 =	sshrl.u32 s18, $0xA;
	s16 =	sand.u32 $0xFF, s16;
	_ =	swait.ge [sflag:s13], $0x1400  }
0x6a: {  	s17 =	sand.u32 $0x3F, s17;
	s16 =	smul.u32 $0x50, s16;
	[sflag:s13] =	ssyncset.done $0x0  }
0x6b: {  	s18 =	sand.u32 $0x3F, s18;
	s17 =	smul.u32 $0x6, s17;
	[sflag:s13] =	ssyncadd.s32 $0xFFFFEC00  }
0x6c: {  	[tilespmem:s16], [sflag:$0x1] =	stream.linear.gather [hbm4b:s21+s3], $0x50, $0x38;
	[tilespmem:$0xF7C0] =	vst v63  }
0x6d: {  	s24 =	sand.u32 $0x3, s0;
	s18 =	smul.u32 $0x6, s18;
	s16 =	sadd.s32 $0x1E0, s16  }
0x6e: {  	[tilespmem:s16], [sflag:$0x1] =	stream.linear.gather [hbm4b:s20+s3], $0x50, $0x38;
	[tilespmem:$0xF7C0] =	vst v63  }
0x6f: {  	s31 =	smul.u32 $0x5000, s24;
	s18 =	ssub.s32 $0x2, s18;
	_ =	swait.ge [sflag:s7], $0x50  }
0x70: {  	s17 =	ssub.s32 $0x4, s17;
	s18 =	sand.u32 $0xFF, s18;
	[sflag:s7] =	ssyncset.done $0x0  }
0x71: {  	s17 =	sand.u32 $0xFF, s17;
	s0 =	smul.u32 $0x140, s18;
	[sflag:s7] =	ssyncadd.s32 $0xFFFFFFB0  }
0x72: {  	s17 =	smul.u32 $0x140, s17;
	s18 =	simm.s32 $0x8;
	_ =	swait.ge [sflag:s7], $0x50  }
0x73: {  	s24 =	sshrl.u32 s0, $0x2;
	s16 =	sshrl.u32 s31, $0x2;
	[sflag:s7] =	ssyncset.done $0x0  }
0x74: {  	s17 =	sshrl.u32 s17, $0x2;
	s16 =	sor.u32 $0x3C0, s16;
	[sflag:s7] =	ssyncadd.s32 $0xFFFFFFB0  }
0x75: {  	[tilespmem:s16], [sflag:$0x2] =	stream.indirect.gather [hbm4b:s4+s25], $0x40, s17, s25, $0xb8;
	[tilespmem:$0xF7C0] =	vst v63  }
0x76: {  	s29 =	sadd.s32 $0x1E0, s24;
	s31 =	sshrl.u32 s19, $0x2;
	_ =	swait.ge [sflag:s11], $0x1400  }
0x77: {  	s19 =	smul.u32 $0xAB, s15;
	s28 =	sor.u32 $0x3C0, s31;
	[sflag:s11] =	ssyncset.done $0x0  }
0x78: {  	s16 =	sadd.s32 $0xA, s21;
	s17 =	sadd.s32 $0xA, s20;
	[sflag:s11] =	ssyncadd.s32 $0xFFFFEC00  }
.LBB2_6:
0x79: {  	[spmem:s1] =	stream.indirect.scatter.add.f32 [tilespmem:s28], [sflag:$0x3], $0x40, s29, s25, $0xb8;
	[tilespmem:$0xF7C0] =	vst v63  }
0x7a: {  	s28 =	smov.u32 s18  }
0x7b: {  	s24 =	sshrl.u32 s19, $0xA;
	s29 =	sadd.s32 $0xFFFFFEAA, s19;
	s19 =	sadd.s32 $0xFFFFFD54, s19  }
0x7c: {  	s24 =	sand.u32 $0x3F, s24;
	s29 =	sshrl.u32 s29, $0xA;
	s19 =	sshrl.u32 s19, $0xA  }
0x7d: {  	s31 =	smul.u32 $0x6, s24;
	s29 =	sand.u32 $0x3F, s29;
	s19 =	sand.u32 $0x3F, s19  }
0x7e: {  	s0 =	sadd.s32 $0xFFFFFFFC, s15;
	s24 =	sadd.s32 $0x1, s18;
	s29 =	smul.u32 $0x6, s29  }
0x7f: {  	s19 =	smul.u32 $0x6, s19;
	s31 =	ssub.s32 s15, s31;
	s15 =	sadd.s32 $0xFFFFFFFE, s15  }
0x80: {  	_ =	swait.ge [sflag:s13], $0x1400;
	s31 =	sand.u32 $0xFF, s31;
	s29 =	ssub.s32 s15, s29  }
0x81: {  	s19 =	ssub.s32 s0, s19;
	[sflag:s13] =	ssyncset.done $0x0;
	s31 =	smul.u32 $0x50, s31  }
0x82: {  	s15 =	sand.u32 $0x3, s15;
	s29 =	sand.u32 $0xFF, s29;
	[sflag:s13] =	ssyncadd.s32 $0xFFFFEC00  }
0x83: {  	[tilespmem:s31], [sflag:$0x1] =	stream.linear.gather [hbm4b:s16+s3], $0x50, $0x38;
	[tilespmem:$0xF7C0] =	vst v63  }
0x84: {  	s15 =	smul.u32 $0x5000, s15;
	s19 =	sand.u32 $0xFF, s19;
	s31 =	sadd.s32 $0x1E0, s31  }
0x85: {  	[tilespmem:s31], [sflag:$0x1] =	stream.linear.gather [hbm4b:s17+s3], $0x50, $0x38;
	[tilespmem:$0xF7C0] =	vst v63  }
0x86: {  	s0 =	sand.u32 $0x3, s0;
	s19 =	smul.u32 $0x140, s19;
	_ =	swait.ge [sflag:s7], $0x50  }
0x87: {  	p0 =	sne.s32 s18, $0x7C;
	s18 =	smul.u32 $0x140, s29;
	[sflag:s7] =	ssyncset.done $0x0  }
0x88: {  	s0 =	smul.u32 $0x5000, s0;
	s29 =	sshrl.u32 s19, $0x2;
	[sflag:s7] =	ssyncadd.s32 $0xFFFFFFB0  }
0x89: {  	s19 =	sshrl.u32 s15, $0x2;
	s15 =	smov.u32 s28;
	_ =	swait.ge [sflag:s7], $0x50  }
0x8a: {  	s0 =	sshrl.u32 s0, $0x2;
	s19 =	sor.u32 $0x3C0, s19;
	[sflag:s7] =	ssyncset.done $0x0  }
.Ltmp2:
0x8b: {  	s18 =	sshrl.u32 s18, $0x2;
	[sflag:s7] =	ssyncadd.s32 $0xFFFFFFB0;
	(pc) =	sbr.rel @p0 .LBB2_6-.Ltmp2, $4  }
0x8c: {  	[tilespmem:s19], [sflag:$0x2] =	stream.indirect.gather [hbm4b:s4+s25], $0x40, s18, s25, $0xb8;
	[tilespmem:$0xF7C0] =	vst v63  }
0x8d: {  	s16 =	sadd.s32 $0xA, s16;
	s28 =	sor.u32 $0x3C0, s0;
	_ =	swait.ge [sflag:s11], $0x1400  }
0x8e: {  	s17 =	sadd.s32 $0xA, s17;
	s29 =	sadd.s32 $0x1E0, s29;
	[sflag:s11] =	ssyncset.done $0x0  }
0x8f: {  	s19 =	smul.u32 $0xAB, s15;
	s18 =	smov.u32 s24;
	[sflag:s11] =	ssyncadd.s32 $0xFFFFEC00  }
0x90: {  	_ = 	snop  }
0x91: {  	s0 =	sshrl.u32 s19, $0xA  }
0x92: {  	s0 =	sand.u32 $0x3F, s0  }
0x93: {  	s0 =	smul.u32 $0x6, s0  }
0x94: {  	[spmem:s1] =	stream.indirect.scatter.add.f32 [tilespmem:s28], [sflag:$0x3], $0x40, s29, s25, $0xb8;
	[tilespmem:$0xF7C0] =	vst v63  }
0x95: {  	s0 =	ssub.s32 s15, s0  }
0x96: {  	_ =	swait.ge [sflag:s13], $0x1400;
	s0 =	sand.u32 $0xFF, s0  }
0x97: {  	[sflag:s13] =	ssyncset.done $0x0;
	s0 =	smul.u32 $0x50, s0  }
0x98: {  	[sflag:s13] =	ssyncadd.s32 $0xFFFFEC00  }
0x99: {  	[tilespmem:s0], [sflag:$0x1] =	stream.linear.gather [hbm4b:s16+s3], $0x50, $0x38;
	[tilespmem:$0xF7C0] =	vst v63  }
0x9a: {  	s24 =	sadd.s32 $0xFFFFFEAA, s19;
	s0 =	sadd.s32 $0x1E0, s0  }
0x9b: {  	[tilespmem:s0], [sflag:$0x1] =	stream.linear.gather [hbm4b:s17+s3], $0x50, $0x38;
	[tilespmem:$0xF7C0] =	vst v63  }
0x9c: {  	s0 =	sshrl.u32 s24, $0xA  }
0x9d: {  	s0 =	sand.u32 $0x3F, s0  }
0x9e: {  	s0 =	smul.u32 $0x6, s0  }
0x9f: {  	s29 =	sadd.s32 $0xFFFFFFFE, s15;
	_ =	swait.ge [sflag:s7], $0x50  }
0xa0: {  	s16 =	sand.u32 $0x3, s29;
	[sflag:s7] =	ssyncset.done $0x0;
	s0 =	ssub.s32 s29, s0  }
0xa1: {  	s16 =	smul.u32 $0x5000, s16;
	[sflag:s7] =	ssyncadd.s32 $0xFFFFFFB0;
	s0 =	sand.u32 $0xFF, s0  }
0xa2: {  	_ =	swait.ge [sflag:s7], $0x50;
	s0 =	smul.u32 $0x140, s0  }
0xa3: {  	s31 =	sadd.s32 $0xFFFFFD54, s19;
	s16 =	sshrl.u32 s16, $0x2;
	[sflag:s7] =	ssyncset.done $0x0  }
0xa4: {  	s16 =	sor.u32 $0x3C0, s16;
	[sflag:s7] =	ssyncadd.s32 $0xFFFFFFB0;
	s0 =	sshrl.u32 s0, $0x2  }
0xa5: {  	[tilespmem:s16], [sflag:$0x2] =	stream.indirect.gather [hbm4b:s4+s25], $0x40, s0, s25, $0xb8;
	[tilespmem:$0xF7C0] =	vst v63  }
0xa6: {  	s0 =	sshrl.u32 s31, $0xA  }
0xa7: {  	s0 =	sand.u32 $0x3F, s0  }
0xa8: {  	s0 =	smul.u32 $0x6, s0  }
0xa9: {  	s16 =	sadd.s32 $0xFFFFFFFC, s15  }
0xaa: {  	s15 =	sand.u32 $0x3, s16;
	s0 =	ssub.s32 s16, s0  }
0xab: {  	s15 =	smul.u32 $0x5000, s15;
	s0 =	sand.u32 $0xFF, s0  }
0xac: {  	s0 =	smul.u32 $0x140, s0  }
0xad: {  	_ =	swait.ge [sflag:s11], $0x1400  }
0xae: {  	[sflag:s11] =	ssyncset.done $0x0;
	s15 =	sshrl.u32 s15, $0x2;
	s0 =	sshrl.u32 s0, $0x2  }
0xaf: {  	[sflag:s11] =	ssyncadd.s32 $0xFFFFEC00;
	s15 =	sor.u32 $0x3C0, s15;
	s0 =	sadd.s32 $0x1E0, s0  }
0xb0: {  	[spmem:s1] =	stream.indirect.scatter.add.f32 [tilespmem:s15], [sflag:$0x3], $0x40, s0, s25, $0xb8;
	[tilespmem:$0xF7C0] =	vst v63  }
0xb1: {  	_ =	swait.ge [sflag:s13], $0x1400  }
0xb2: {  	[sflag:s13] =	ssyncset.done $0x0  }
0xb3: {  	[sflag:s13] =	ssyncadd.s32 $0xFFFFEC00  }
0xb4: {  	_ =	swait.ge [sflag:s7], $0x50  }
0xb5: {  	[sflag:s7] =	ssyncset.done $0x0  }
0xb6: {  	[sflag:s7] =	ssyncadd.s32 $0xFFFFFFB0  }
0xb7: {  	_ =	swait.ge [sflag:s7], $0x50  }
0xb8: {  	[sflag:s7] =	ssyncset.done $0x0  }
0xb9: {  	[sflag:s7] =	ssyncadd.s32 $0xFFFFFFB0  }
0xba: {  	[tilespmem:s12], [sflag:$0x2] =	stream.indirect.gather [hbm4b:s4+s25], $0x40, s30, s25, $0xb8;
	[tilespmem:$0xF7C0] =	vst v63  }
0xbb: {  	_ =	swait.ge [sflag:s11], $0x1400  }
0xbc: {  	[sflag:s11] =	ssyncset.done $0x0  }
0xbd: {  	[sflag:s11] =	ssyncadd.s32 $0xFFFFEC00  }
0xbe: {  	[spmem:s1] =	stream.indirect.scatter.add.f32 [tilespmem:s9], [sflag:$0x3], $0x40, s26, s25, $0xb8;
	[tilespmem:$0xF7C0] =	vst v63  }
0xbf: {  	_ =	swait.ge [sflag:s13], $0x1400  }
0xc0: {  	[sflag:s13] =	ssyncset.done $0x0  }
0xc1: {  	[sflag:s13] =	ssyncadd.s32 $0xFFFFEC00  }
0xc2: {  	_ =	swait.ge [sflag:s7], $0x50  }
0xc3: {  	[sflag:s7] =	ssyncset.done $0x0  }
0xc4: {  	[sflag:s7] =	ssyncadd.s32 $0xFFFFFFB0  }
0xc5: {  	_ =	swait.ge [sflag:s7], $0x50  }
0xc6: {  	[sflag:s7] =	ssyncset.done $0x0  }
0xc7: {  	s28 =	simm.s32 $0x140;
	[sflag:s7] =	ssyncadd.s32 $0xFFFFFFB0  }
0xc8: {  	[tilespmem:s8], [sflag:$0x2] =	stream.indirect.gather [hbm4b:s4+s25], $0x40, s28, s25, $0xb8;
	[tilespmem:$0xF7C0] =	vst v63  }
0xc9: {  	_ =	swait.ge [sflag:s11], $0x1400  }
0xca: {  	[sflag:s11] =	ssyncset.done $0x0  }
0xcb: {  	s19 =	simm.s32 $0x280;
	[sflag:s11] =	ssyncadd.s32 $0xFFFFEC00  }
0xcc: {  	[spmem:s1] =	stream.indirect.scatter.add.f32 [tilespmem:s10], [sflag:$0x3], $0x40, s19, s25, $0xb8;
	[tilespmem:$0xF7C0] =	vst v63  }
0xcd: {  	_ =	swait.ge [sflag:s13], $0x1400  }
0xce: {  	[sflag:s13] =	ssyncset.done $0x0  }
0xcf: {  	[sflag:s13] =	ssyncadd.s32 $0xFFFFEC00  }
0xd0: {  	_ =	swait.ge [sflag:s11], $0x1400  }
0xd1: {  	[sflag:s11] =	ssyncset.done $0x0  }
0xd2: {  	s24 =	simm.s32 $0x2D0;
	[sflag:s11] =	ssyncadd.s32 $0xFFFFEC00  }
0xd3: {  	[spmem:s1] =	stream.indirect.scatter.add.f32 [tilespmem:s12], [sflag:$0x3], $0x40, s24, s25, $0xb8;
	[tilespmem:$0xF7C0] =	vst v63  }
0xd4: {  	_ =	swait.ge [sflag:s13], $0x1400  }
0xd5: {  	[sflag:s13] =	ssyncset.done $0x0  }
0xd6: {  	[sflag:s13] =	ssyncadd.s32 $0xFFFFEC00  }
0xd7: {  	_ =	swait.ge [sflag:s11], $0x1400  }
0xd8: {  	[sflag:s11] =	ssyncset.done $0x0  }
0xd9: {  	[sflag:s11] =	ssyncadd.s32 $0xFFFFEC00  }
0xda: {  	[spmem:s1] =	stream.indirect.scatter.add.f32 [tilespmem:s8], [sflag:$0x3], $0x40, s2, s25, $0xb8;
	[tilespmem:$0xF7C0] =	vst v63  }
0xdb: {  	_ =	swait.ge [sflag:s13], $0x1400  }
0xdc: {  	[sflag:s13] =	ssyncset.done $0x0  }
0xdd: {  	[sflag:s13] =	ssyncadd.s32 $0xFFFFEC00  }
0xde: {  	_ =	swait.ge [sflag:s13], $0x1400  }
0xdf: {  	[sflag:s13] =	ssyncset.done $0x0  }
0xe0: {  	s17 =	stileid.u32;
	[sflag:s13] =	ssyncadd.s32 $0xFFFFEC00  }
0xe1: {  	s0 =	sshll.u32 s17, $0x6;
	[bflag:$0x0] =	sbarrier.arrive $0xFFFF  }
0xe2: {  	s18 =	sshrl.u32 s6, $0x3;
	s0 =	sor.u32 $0x1C04, s0;
	s29 =	rddreg [dreg:$0xe]  }
0xe3: {  	[hbm:s29], [sflag:s0] =	dma.local [spmem:s18], $0x1400  }
0xe4: {  	_ =	swait.ge [sflag:s23], $0x1400  }
0xe5: {  	s14 =	sadd.s32 $0x1, s14;
	s31 =	rddreg [dreg:$0xf]  }
0xe6: {  	p0 =	sne.s32 s14, s31  }
.Ltmp3:
0xe7: {  	_ = 	snop;
	(pc) =	sbr.rel @p0 .LBB2_1-.Ltmp3, $3  }
0xe8: {  	_ =	sdelay $0x1  }
0xe9: {  	[sflag:s23] =	ssyncset.done $0x0  }
0xea: {  	[sflag:s23] =	ssyncadd.s32 $0xFFFFEC00  }
0xeb: {  	_ =	sfence.sel $0x180000  }
0xec: {  	[bflag:$0x0] =	sbarrier.arrive $0xFFFF  }
0xed: {  	_ =	strace $0x9000004D  }
0xee: {  	s0 =	stileid.u32;
	[bflag:$0x2] =	sbarrier.arrive $0xFFFF  }
0xef: {  	p0 =	sne.s32 s0, $0x0;
	s0 =	rddreg [dreg:$0x2]  }
0xf0: {  	s0 =	sadd.s32 @!p0 $0x100000, s0  }
0xf1: {  	[sflag:s0] =	ssyncadd.tile.s32 @!p0 $0x1;
	_ =	shalt  }
.Lfunc_end2:
_tile_overlayer_lowered:
.L_overlay_start_2:
0xf2: {  	(tag) =	ssettag $0x2  }
0xf3: {  	s0 =	rddreg [dreg:$0x0];
	s2 =	stileid.u32  }
0xf4: {  	s1 =	rddreg [dreg:$0x1];
	p0 =	sne.s32 s2, $0x0  }
0xf5: {  	s3 =	rddreg [dreg:$0x2];
	[bflag:$0x3] =	sbarrier.arrive $0xFFFF;
	s2 =	simm.s32 @!p0 $0x1C04  }
0xf6: {  	[timem:s3], [sflag:s2] =	dma.local @!p0 [hbm:s0], s1  }
0xf7: {  	s0 =	simm.s32 @!p0 $0x4  }
0xf8: {  	_ =	swait.ge @!p0 [sflag:s0], s1  }
0xf9: {  	s1 =	ssub.s32 @!p0 $0x0, s1;
	[sflag:s0] =	ssyncset.done @!p0 $0x0  }
0xfa: {  	[sflag:s0] =	ssyncadd.s32 @!p0 s1  }
0xfb: {  	[bflag:$0x3] =	sbarrier.arrive $0xFFFF  }
0xfc: {  	_ =	shalt  }

// kernel: kernel.8.cloned.1.call-start
scs
__scs_entry_jumppad:
0x0: {  	(pc) =	sbr.rel $0x88, $3  }
0x1: {  	(tag) =	ssettag $0x0;
	lr =	simm.s32 $0x1  }
0x2: {  	[smem:$0x3F9B] =	sst lr;
	_ =	strace $0xD0000000  }
0x3: {  	_ = 	snop  }
0x4: {  	_ = 	snop  }
0x5: {  	_ = 	snop  }
0x6: {  	_ = 	snop  }
0x7: {  	_ = 	snop  }
__scs_overlays_trampoline_lowered:
0x8: {  	[smem:$0x3FAA] =	sst s0  }
0x9: {  	[smem:$0x3FAB] =	sst s1  }
0xa: {  	[smem:$0x3FAC] =	sst s2  }
0xb: {  	[smem:$0x3FAD] =	sst s3  }
0xc: {  	[smem:$0x3FAE] =	sst s4  }
0xd: {  	[smem:$0x3FAF] =	sst s5  }
0xe: {  	[smem:$0x3FB0] =	sst s6  }
0xf: {  	[smem:$0x3FB1] =	sst s7  }
0x10: {  	[smem:$0x3FB2] =	sst s8  }
0x11: {  	[smem:$0x3FB3] =	sst s9;
	s0 =	simm.s32 @!p0 $0x0  }
0x12: {  	s1 =	sld [smem:$0x3F99];
	s0 =	simm.s32 @p0 $0x1  }
0x13: {  	[smem:$0x3FB4] =	sst s0;
	s0 =	simm.s32 @!p1 $0x0  }
0x14: {  	s2 =	sld [smem:$0x3F98];
	s0 =	simm.s32 @p1 $0x1  }
0x15: {  	[smem:$0x3FB5] =	sst s0;
	s0 =	simm.s32 @!p2 $0x0  }
0x16: {  	s3 =	sld [smem:$0x3FDB];
	s0 =	simm.s32 @p2 $0x1  }
0x17: {  	s4 =	simm.s32 $0x1BF5;
	[smem:$0x3FB7] =	sst s0  }
0x18: {  	s0 =	sld [smem:$0x3F9A];
	_ =	swait.ge [sflag:s4], $0x0  }
0x19: {  	s7 =	sld [smem:$0x3F9B]  }
0x1a: {  	s8 =	sadd.s32 $0xFFFFE003, lr  }
0x1b: {  	s9 =	sadd.s32 $0xFFFFFEF7, lr;
	s5 =	simm.s32 $0xFFFFFFFF;
	p2 =	slt.u32 s8, $0xFFFFF086  }
0x1c: {  	p1 =	slt.u32 s9, $0xF7A;
	s5 =	simm.s32 @!p2 $0x0  }
0x1d: {  	s5 =	simm.s32 @p1 $0x1;
	p0 =	seq.s32 s7, s2  }
0x1e: {  	s7 =	smul.u32 @!p0 $0xF7A, s2;
	p2 =	seq.s32 @!p0 s5, $0x0  }
0x1f: {  	s9 =	smul.u32 $0xF7A, s1;
	s8 =	simm.s32 @!p0 $0x1BF5;
	p2 =	por !p2, p0  }
0x20: {  	[sflag:s8] =	ssyncset.s32 @!p0 $0xFFFFF086;
	s6 =	sadd.s32 @!p0 s3, s7;
	s7 =	simm.s32 @!p0 $0x108  }
0x21: {  	s3 =	sadd.s32 s3, s9;
	s6 =	sadd.s32 @!p0 $0x88, s6;
	s7 =	simm.s32 @p2 $0x1082  }
0x22: {  	[simem:s7], [sflag:s8] =	dma.local @!p0 [hbm:s6], $0xF7A  }
0x23: {  	s9 =	sor.u32 $0xD0000000, s2;
	s6 =	simm.s32 $0x108;
	_ =	swait.ge @!p0 [sflag:s8], $0x0  }
0x24: {  	s3 =	sadd.s32 $0x88, s3;
	s6 =	simm.s32 @!p1 $0x1082;
	[sflag:s4] =	ssyncset.s32 $0xFFFFF086  }
0x25: {  	[simem:s6], [sflag:s4] =	dma.local [hbm:s3], $0xF7A  }
0x26: {  	[smem:$0x3F9B] =	sst s1;
	(tag) =	ssettag s2;
	_ =	strace s9  }
0x27: {  	s1 =	sld [smem:$0x3FAB]  }
0x28: {  	s2 =	sld [smem:$0x3FAC]  }
0x29: {  	s4 =	sld [smem:$0x3FAE]  }
0x2a: {  	p0 =	seq.s32 s5, $0x0;
	s5 =	sld [smem:$0x3FAF]  }
0x2b: {  	s6 =	sld [smem:$0x3FB0]  }
0x2c: {  	s7 =	sld [smem:$0x3FB1]  }
0x2d: {  	s3 =	simm.s32 $0x108;
	s8 =	sld [smem:$0x3FB2]  }
0x2e: {  	s3 =	simm.s32 @!p0 $0x1082;
	s9 =	sld [smem:$0x3FB3]  }
0x2f: {  	lr =	sadd.s32 s0, s3;
	s0 =	sld [smem:$0x3FAA]  }
0x30: {  	s3 =	sld [smem:$0x3FAD]  }
0x31: {  	[smem:$0x3FB6] =	sst s10  }
0x32: {  	s10 =	sld [smem:$0x3FB4];
	_ =	sdelay $0x3  }
0x33: {  	p0 =	seq.s32 s10, $0x1;
	s10 =	sld [smem:$0x3FB6];
	_ =	sdelay $0x3  }
0x34: {  	[smem:$0x3FB6] =	sst s10  }
0x35: {  	s10 =	sld [smem:$0x3FB5];
	_ =	sdelay $0x3  }
0x36: {  	p1 =	seq.s32 s10, $0x1;
	s10 =	sld [smem:$0x3FB6];
	_ =	sdelay $0x3  }
0x37: {  	[smem:$0x3FB6] =	sst s10  }
0x38: {  	s10 =	sld [smem:$0x3FB7]  }
0x39: {  	_ = 	snop;
	(pc) =	sbr.ind lr, $3  }
0x3a: {  	_ = 	snop  }
0x3b: {  	_ = 	snop  }
0x3c: {  	p2 =	seq.s32 s10, $0x1;
	s10 =	sld [smem:$0x3FB6]  }
0x3d: {  	_ =	shalt  }
0x3e: {  	_ =	shalt  }
0x3f: {  	_ =	shalt  }
0x40: {  	_ =	shalt  }
0x41: {  	_ =	shalt  }
0x42: {  	_ =	shalt  }
0x43: {  	_ =	shalt  }
0x44: {  	_ =	shalt  }
0x45: {  	_ =	shalt  }
0x46: {  	_ =	shalt  }
0x47: {  	_ =	shalt  }
0x48: {  	_ =	shalt  }
0x49: {  	_ =	shalt  }
0x4a: {  	_ =	shalt  }
0x4b: {  	_ =	shalt  }
0x4c: {  	_ =	shalt  }
0x4d: {  	_ =	shalt  }
0x4e: {  	_ =	shalt  }
0x4f: {  	_ =	shalt  }
0x50: {  	_ =	shalt  }
0x51: {  	_ =	shalt  }
0x52: {  	_ =	shalt  }
0x53: {  	_ =	shalt  }
0x54: {  	_ =	shalt  }
0x55: {  	_ =	shalt  }
0x56: {  	_ =	shalt  }
0x57: {  	_ =	shalt  }
0x58: {  	_ =	shalt  }
0x59: {  	_ =	shalt  }
0x5a: {  	_ =	shalt  }
0x5b: {  	_ =	shalt  }
0x5c: {  	_ =	shalt  }
0x5d: {  	_ =	shalt  }
0x5e: {  	_ =	shalt  }
0x5f: {  	_ =	shalt  }
0x60: {  	_ =	shalt  }
0x61: {  	_ =	shalt  }
0x62: {  	_ =	shalt  }
0x63: {  	_ =	shalt  }
0x64: {  	_ =	shalt  }
0x65: {  	_ =	shalt  }
0x66: {  	_ =	shalt  }
0x67: {  	_ =	shalt  }
0x68: {  	_ =	shalt  }
0x69: {  	_ =	shalt  }
0x6a: {  	_ =	shalt  }
0x6b: {  	_ =	shalt  }
0x6c: {  	_ =	shalt  }
0x6d: {  	_ =	shalt  }
0x6e: {  	_ =	shalt  }
0x6f: {  	_ =	shalt  }
0x70: {  	_ =	shalt  }
0x71: {  	_ =	shalt  }
0x72: {  	_ =	shalt  }
0x73: {  	_ =	shalt  }
0x74: {  	_ =	shalt  }
0x75: {  	_ =	shalt  }
0x76: {  	_ =	shalt  }
0x77: {  	_ =	shalt  }
0x78: {  	_ =	shalt  }
0x79: {  	_ =	shalt  }
0x7a: {  	_ =	shalt  }
0x7b: {  	_ =	shalt  }
0x7c: {  	_ =	shalt  }
0x7d: {  	_ =	shalt  }
0x7e: {  	_ =	shalt  }
0x7f: {  	_ =	shalt  }
0x80: {  	_ =	shalt  }
0x81: {  	_ =	shalt  }
0x82: {  	_ =	shalt  }
0x83: {  	_ =	shalt  }
0x84: {  	_ =	shalt  }
0x85: {  	_ =	shalt  }
0x86: {  	_ =	shalt  }
0x87: {  	_ =	shalt  }
.Lfunc_end0:
.L_simem_size_0:
called_computation_lowered:
.L_overlay_start_0:
0x88: {  	s2 =	sld [smem:$0x3FD9]  }
0x89: {  	s3 =	sld [smem:$0x3FFE];
	_ =	sdelay $0x1  }
0x8a: {  	s1 =	srdreg.scid  }
0x8b: {  	s0 =	sand.u32 $0x1, s1  }
0x8c: {  	s17 =	sshll.u32 s0, $0xA;
	s2 =	sadd.s32 s3, s2  }
0x8d: {  	s2 =	sadd.s32 s2, s17  }
0x8e: {  	[smem:$0x3FC2] =	sst s2  }
0x8f: {  	_ = 	snop  }
0x90: {  	s2 =	sld [smem:$0x3FD0];
	(tm) =	ssettm $0x1  }
0x91: {  	s18 =	sld [smem:$0x3FFB];
	_ =	sdelay $0x3  }
0x92: {  	_ =	strace s18  }
0x93: {  	s3 =	sld [smem:$0x3FFC];
	_ =	sdelay $0x3  }
0x94: {  	_ =	strace s3  }
0x95: {  	s3 =	sld [smem:$0x3FFD];
	_ =	sdelay $0x3  }
0x96: {  	_ =	strace s3  }
0x97: {  	_ =	strace $0x8FFFFFFF  }
0x98: {  	s19 =	sld [smem:$0x3FDB];
	_ =	sdelay $0x1  }
0x99: {  	s4 =	simm.s32 $_scs_section_size  }
0x9a: {  	s5 =	simm.s32 $_size__tile_overlayer_lowered;
	s6 =	simm.s32 $_tile_overlayer_lowered  }
0x9b: {  	s22 =	simm.s32 $0x1BFF;
	s21 =	sshll.u32 s6, $0x1;
	s3 =	sadd.s32 s4, s19  }
0x9c: {  	s7 =	simm.s32 $0x0;
	s20 =	sshll.u32 s5, $0x1;
	s5 =	sadd.s32 s21, s3  }
0x9d: {  	[timem:s7], [sflag:s22] =	dma.local [hbm:s5], s20  }
0x9e: {  	_ =	swait.ge [sflag:s22], s20  }
0x9f: {  	s4 =	ssub.s32 $0x0, s20;
	[sflag:s22] =	ssyncset.done $0x0  }
0xa0: {  	[sflag:s22] =	ssyncadd.s32 s4;
	_ =	sdelay $0x1  }
0xa1: {  	s23 =	simm.s32 $0x1B8B  }
0xa2: {  	_ =	swait.ge [sflag:s23], $0x1  }
0xa3: {  	[sflag:s23] =	ssyncset.done $0x0  }
0xa4: {  	s25 =	simm.s32 $0x1B8E;
	s24 =	sld [smem:$0x3FFE];
	[sflag:s23] =	ssyncadd.s32 $0xFFFFFFFF  }
0xa5: {  	s26 =	simm.s32 $execute0_lowered;
	[smem:$0x3FD2] =	sst s25  }
0xa6: {  	s5 =	sshll.u32 s26, $0x1;
	_ =	strace $0x80000046;
	[dreg:$0x1] =	wrdreg $0xFFFFFFFF  }
0xa7: {  	s28 =	simm.s32 $_size_execute0_lowered;
	s3 =	sadd.s32 s3, s5;
	[dreg:$0x0] =	wrdreg $0x0  }
0xa8: {  	s5 =	sshll.u32 s28, $0x1;
	[dreg:$0x2] =	wrdreg s3  }
0xa9: {  	[dreg:$0x3] =	wrdreg s5  }
0xaa: {  	[dreg:$0x4] =	wrdreg $0xC0  }
0xab: {  	_ =	task [dreg:s7], $0x5FFFF  }
0xac: {  	[dreg:$0x1] =	wrdreg $0xFFFFFFFF  }
0xad: {  	[dreg:$0x0] =	wrdreg $0x60  }
0xae: {  	[dreg:$0x2] =	wrdreg s24  }
0xaf: {  	[dreg:$0x3] =	wrdreg s2  }
0xb0: {  	[dreg:$0x4] =	wrdreg $0x83000  }
0xb1: {  	[dreg:$0x5] =	wrdreg $0x9  }
0xb2: {  	_ =	task.clear_ibuf [dreg:s7], $0x6FFFF;
	_ =	strace $0x90000046  }
0xb3: {  	s29 =	simm.s32 $0x9;
	_ =	strace $0x80000048  }
0xb4: {  	_ =	swait.ge [sflag:s29], $0x1  }
0xb5: {  	[sflag:s29] =	ssyncadd.s32 $0xFFFFFFFF  }
0xb6: {  	_ =	strace $0x90000048  }
0xb7: {  	_ =	sfence  }
0xb8: {  	s30 =	sld [smem:$0x0];
	_ =	sdelay $0x2  }
0xb9: {  	s31 =	sshll.u32 s1, $0xD;
	s1 =	sshrl.u32 s1, $0x2  }
0xba: {  	s3 =	sand.u32 $0x4000, s31;
	s1 =	sadd.s32 s1, s30  }
0xbb: {  	s0 =	sor.u32 s3, s0;
	s1 =	sshll.u32 s1, $0x11  }
0xbc: {  	s0 =	sor.u32 s1, s0  }
0xbd: {  	s0 =	sadd.s32 $0x8F2B, s0  }
0xbe: {  	[sflag:s0] =	ssyncadd.remote.s32 $0x1  }
0xbf: {  	_ =	sfence.sel $0xFFFF  }
0xc0: {  	[dreg:$0x0] =	wrdreg $0xFFFFFFFF;
	(pc) =	sbr.abs _section_cstart, $3  }
0xc1: {  	[dreg:$0x1] =	wrdreg $0xFFFFFFFF  }
0xc2: {  	_ =	task.clear_ibuf [dreg:s7], $0x2FFFF;
	_ =	strace $0x9FFFFFFF  }
0xc3: {  	(tm) =	ssettm $0x7FFFFFFF  }
tec
execute0_lowered:
.L_overlay_start_1:
0x0: {  	(tag) =	ssettag $0x1  }
0x1: {  	s4 =	rddreg [dreg:$0x0]  }
0x2: {  	s7 =	rddreg [dreg:$0x1]  }
0x3: {  	s1 =	rddreg [dreg:$0x2]  }
0x4: {  	s0 =	rddreg [dreg:$0x3];
	s3 =	simm.s32 $0x0;
	s5 =	srdreg.scid  }
0x5: {  	s2 =	stileid.u32;
	s11 =	simm.s32 $0x8080;
	s12 =	simm.s32 $0x50  }
0x6: {  	s13 =	simm.s32 $0x8000;
	s14 =	simm.s32 $0x1;
	s17 =	simm.s32 $0x0  }
0x7: {  	[smem:$0x7FF] =	sst s3;
	s5 =	sand.u32 $0x1, s5;
	s8 =	sshll.u32 s2, $0xC  }
0x8: {  	s9 =	smul.u32 $0x280, s2;
	s15 =	sshll.u32 s2, $0x6;
	s6 =	sshll.u32 s5, $0x10  }
0x9: {  	s29 =	ssub.s32 $0x2, s5;
	s5 =	smul.u32 $0x2800, s5;
	_ =	strace $0x80000047  }
0xa: {  	s15 =	sor.u32 $0x1C02, s15;
	s6 =	sor.u32 s8, s6;
	s30 =	sshrl.u32 s29, $0x1  }
0xb: {  	s6 =	sadd.s32 s6, s4;
	s8 =	ssub.s32 s29, s30;
	s10 =	sadd.s32 s9, s5  }
0xc: {  	s4 =	sadd.s32 $0x3800, s6;
	s5 =	sadd.s32 $0x4000, s6;
	s6 =	sadd.s32 s9, s1  }
0xd: {  	s31 =	sshrl.u32 s10, $0x3;
	s8 =	smax.u32 s8, $0x1;
	s9 =	simm.s32 $0x2  }
0xe: {  	v0 =	vimm.f32 $0.0e+00;
	v1 =	vimm.f32 $1.000000000e+00;
	s10 =	simm.s32 $0x4000;
	s7 =	sadd.s32 s7, s31;
	s16 =	sshrl.u32 s6, $0x3  }
.LBB2_1:
0xf: {  	[tilespmem:$0x8080] =	vst v0  }
0x10: {  	[tilespmem:$0x8090] =	vst v0  }
0x11: {  	[tilespmem:$0x80A0] =	vst v0  }
0x12: {  	[tilespmem:$0x80B0] =	vst v0  }
0x13: {  	[tilespmem:$0x80C0] =	vst v0  }
0x14: {  	[tilespmem:$0x80D0] =	vst v0  }
0x15: {  	[tilespmem:$0x80E0] =	vst v0  }
0x16: {  	[tilespmem:$0x80F0] =	vst v0  }
0x17: {  	[tilespmem:$0x8100] =	vst v0  }
0x18: {  	[tilespmem:$0x8110] =	vst v0  }
0x19: {  	[tilespmem:$0x8120] =	vst v0  }
0x1a: {  	[tilespmem:$0x8130] =	vst v0  }
0x1b: {  	[tilespmem:$0x8140] =	vst v0  }
0x1c: {  	[tilespmem:$0x8150] =	vst v0  }
0x1d: {  	[tilespmem:$0x8160] =	vst v0  }
0x1e: {  	[tilespmem:$0x8170] =	vst v0  }
0x1f: {  	[tilespmem:$0x8180] =	vst v0  }
0x20: {  	[tilespmem:$0x8190] =	vst v0  }
0x21: {  	[tilespmem:$0x81A0] =	vst v0  }
0x22: {  	[tilespmem:$0x81B0] =	vst v0  }
0x23: {  	[tilespmem:$0x81C0] =	vst v0  }
0x24: {  	[tilespmem:$0x81D0] =	vst v0  }
0x25: {  	[tilespmem:$0x81E0] =	vst v0  }
0x26: {  	[tilespmem:$0x81F0] =	vst v0  }
0x27: {  	[tilespmem:$0x8200] =	vst v0  }
0x28: {  	[tilespmem:$0x8210] =	vst v0  }
0x29: {  	[tilespmem:$0x8220] =	vst v0  }
0x2a: {  	[tilespmem:$0x8230] =	vst v0  }
0x2b: {  	[tilespmem:$0x8240] =	vst v0  }
0x2c: {  	[tilespmem:$0x8250] =	vst v0  }
0x2d: {  	[tilespmem:$0x8260] =	vst v0  }
0x2e: {  	[tilespmem:$0x8270] =	vst v0  }
0x2f: {  	[tilespmem:$0x8280] =	vst v0  }
0x30: {  	[tilespmem:$0x8290] =	vst v0  }
0x31: {  	[tilespmem:$0x82A0] =	vst v0  }
0x32: {  	[tilespmem:$0x82B0] =	vst v0  }
0x33: {  	[tilespmem:$0x82C0] =	vst v0  }
0x34: {  	[tilespmem:$0x82D0] =	vst v0  }
0x35: {  	[tilespmem:$0x82E0] =	vst v0  }
0x36: {  	[tilespmem:$0x82F0] =	vst v0  }
0x37: {  	[tilespmem:$0x8000] =	vst v1  }
0x38: {  	[tilespmem:$0x8010] =	vst v1  }
0x39: {  	[tilespmem:$0x8020] =	vst v1  }
0x3a: {  	[tilespmem:$0x8030] =	vst v1  }
0x3b: {  	[tilespmem:$0x8040] =	vst v1  }
0x3c: {  	[tilespmem:s3], [sflag:$0x2] =	stream.linear.gather [hbm4b:s4+s3], $0x3E80, $0x38;
	[tilespmem:$0x8580] =	vst v63  }
0x3d: {  	_ =	swait.ge [sflag:s9], $0x3E80  }
0x3e: {  	[sflag:s9] =	ssyncset.done $0x0  }
0x3f: {  	[sflag:s9] =	ssyncadd.s32 $0xFFFFC180  }
0x40: {  	[tilespmem:s10], [sflag:$0x2] =	stream.linear.gather [hbm4b:s5+s3], $0x3E80, $0x38;
	[tilespmem:$0x8580] =	vst v63  }
0x41: {  	_ =	swait.ge [sflag:s9], $0x3E80  }
0x42: {  	[sflag:s9] =	ssyncset.done $0x0  }
0x43: {  	[sflag:s9] =	ssyncadd.s32 $0xFFFFC180  }
0x44: {  	[spmem:s6] =	stream.linear.scatter [tilespmem:s11], [sflag:$0x2], $0x280, $0x38;
	[tilespmem:$0x8580] =	vst v63  }
0x45: {  	_ =	swait.ge [sflag:s9], $0x280  }
0x46: {  	[sflag:s9] =	ssyncset.done $0x0  }
0x47: {  	[sflag:s9] =	ssyncadd.s32 $0xFFFFFD80  }
0x48: {  	s18 =	simm.s32 $0x0;
	[bflag:$0x0] =	sbarrier.arrive $0xFFFF  }
.LBB2_2:
0x49: {  	p0 =	sne.s32 s18, $0xF800  }
.Ltmp0:
0x4a: {  	_ = 	snop;
	(pc) =	sbr.rel @p0 .LBB2_2-.Ltmp0, $3  }
0x4b: {  	_ =	sdelay $0x1  }
0x4c: {  	s19 =	sshra.s32 s18, $0x2;
	s18 =	sadd.s32 $0x200, s18  }
0x4d: {  	[spmem:s1] =	stream.indirect.scatter.add.f32 [tilespmem:s13], [sflag:$0x1], $0x1, s19, s12, $0xb8;
	[tilespmem:$0x8580] =	vst v63  }
0x4e: {  	s18 =	simm.s32 $0x0  }
.LBB2_4:
0x4f: {  	p0 =	sne.s32 s18, $0xF800  }
.Ltmp1:
0x50: {  	_ = 	snop;
	(pc) =	sbr.rel @p0 .LBB2_4-.Ltmp1, $4  }
0x51: {  	_ = 	snop  }
0x52: {  	s19 =	sshra.s32 s18, $0x2  }
0x53: {  	s18 =	sadd.s32 $0x200, s18;
	s19 =	sadd.s32 $0x4000, s19  }
0x54: {  	[spmem:s1] =	stream.indirect.scatter.add.f32 [tilespmem:s13], [sflag:$0x1], $0x1, s19, s12, $0xb8;
	[tilespmem:$0x8580] =	vst v63  }
0x55: {  	_ =	swait.ge [sflag:s14], $0x50  }
0x56: {  	s18 =	simm.s32 $0xF9;
	[sflag:s14] =	ssyncset.done $0x0  }
.LBB2_6:
0x57: {  	p0 =	sne.s32 s18, $0x1;
	s18 =	sadd.s32 $0xFFFFFFFF, s18;
	[sflag:s14] =	ssyncadd.s32 $0xFFFFFFB0  }
.Ltmp2:
0x58: {  	(pc) =	sbr.rel @p0 .LBB2_6-.Ltmp2, $3  }
0x59: {  	_ =	sdelay $0x1  }
0x5a: {  	_ =	swait.ge [sflag:s14], $0x50  }
0x5b: {  	[sflag:s14] =	ssyncset.done $0x0  }
0x5c: {  	s17 =	sadd.s32 $0x1, s17  }
0x5d: {  	[sflag:s14] =	ssyncadd.s32 $0xFFFFFFB0;
	p0 =	sne.s32 s17, s8  }
.Ltmp3:
0x5e: {  	[bflag:$0x0] =	sbarrier.arrive $0xFFFF;
	(pc) =	sbr.rel @p0 .LBB2_1-.Ltmp3, $4  }
0x5f: {  	[hbm:s7], [sflag:s15] =	dma.local [spmem:s16], $0x50  }
0x60: {  	_ =	swait.ge [sflag:s9], $0x50  }
0x61: {  	[sflag:s9] =	ssyncset.done $0x0  }
0x62: {  	[sflag:s9] =	ssyncadd.s32 $0xFFFFFFB0  }
0x63: {  	_ =	sfence.sel $0x180000  }
0x64: {  	[bflag:$0x0] =	sbarrier.arrive $0xFFFF  }
0x65: {  	p0 =	sne.s32 s2, $0x0;
	_ =	strace $0x90000047  }
0x66: {  	s0 =	sadd.s32 @!p0 $0x100000, s0;
	[bflag:$0x2] =	sbarrier.arrive $0xFFFF  }
0x67: {  	[sflag:s0] =	ssyncadd.tile.s32 @!p0 $0x1;
	_ =	shalt  }
.Lfunc_end2:
_tile_overlayer_lowered:
.L_overlay_start_2:
0x68: {  	(tag) =	ssettag $0x2  }
0x69: {  	s0 =	rddreg [dreg:$0x0];
	s2 =	stileid.u32  }
0x6a: {  	s1 =	rddreg [dreg:$0x1];
	p0 =	sne.s32 s2, $0x0  }
0x6b: {  	s3 =	rddreg [dreg:$0x2];
	[bflag:$0x3] =	sbarrier.arrive $0xFFFF;
	s2 =	simm.s32 @!p0 $0x1C02  }
0x6c: {  	[timem:s3], [sflag:s2] =	dma.local @!p0 [hbm:s0], s1  }
0x6d: {  	s0 =	simm.s32 @!p0 $0x2  }
0x6e: {  	_ =	swait.ge @!p0 [sflag:s0], s1  }
0x6f: {  	s1 =	ssub.s32 @!p0 $0x0, s1;
	[sflag:s0] =	ssyncset.done @!p0 $0x0  }
0x70: {  	[sflag:s0] =	ssyncadd.s32 @!p0 s1  }
0x71: {  	[bflag:$0x3] =	sbarrier.arrive $0xFFFF  }
0x72: {  	_ =	shalt  }

</sc_bundles>
